<compile_context>
chip_gen: v7x
topology: tpu7x:2x2x1
jax: 0.10.2.dev20260603
libtpu: 0.0.44.dev20260713+nightly
codegen_flags: <defaults>
</compile_context>

<pallas_src>
import functools
import math

import jax
import jax.numpy as jnp
from jax import lax
from jax.experimental import pallas as pl
from jax.experimental.pallas import tpu as pltpu
from jax.experimental.pallas import tpu_sc as plsc

N_BINS = 100
BW = 1.5 / N_BINS
INV_BW = N_BINS / 1.5
C1 = math.exp(-2.0)
C2 = math.exp(-8.0)

EV = [1.0000000005495513, 0.4999999725452058, 0.04166688603182874,
      0.001388275939515883, 2.5499197512124858e-05]
OD = [1.0000000002742597, 0.1666666611856373, 0.008333363992309727,
      0.00019834275296320354, 2.8254136118362913e-06]
PB = [0.9999999998500073, -0.4999999852294344, 0.12499976213798546,
      -0.020831893152229372, 0.0025999953457805794, -0.0002541579152189521,
      1.693882112112576e-05]

V = 64 * 64 * 64
NC = 2
NS = 16
L = 16
NW = NC * NS
VPW = V // NS
UNROLL = 4
ITERS = VPW // (L * UNROLL)
HSTRIDE = 129
HWORDS = L * HSTRIDE
OUTW = 384


def _sc_body(p_hbm, t_hbm, c_hbm, out_hbm, dp, dt, sd, histp, histt, orow,
             semp, semt, sems):
    c = lax.axis_index("c")
    s = lax.axis_index("s")
    wid = c * NS + s
    zoff = s * 4

    cp_p = pltpu.async_copy(p_hbm.at[c, 0, pl.ds(zoff, 4)], dp, semp)
    cp_t = pltpu.async_copy(t_hbm.at[c, 0, pl.ds(zoff, 4)], dt, semt)
    cp_s = pltpu.async_copy(c_hbm.at[c, 1, pl.ds(zoff, 4)], sd, sems)

    zeros = jnp.zeros((L,), jnp.float32)

    def zero_body(j, _):
        histp[pl.ds(j * L, L)] = zeros
        histt[pl.ds(j * L, L)] = zeros
        return 0

    lax.fori_loop(0, HSTRIDE, zero_body, 0)

    def zero_orow(j, _):
        orow[pl.ds(j * L, L)] = zeros
        return 0

    lax.fori_loop(0, OUTW // L, zero_orow, 0)

    cp_p.wait()
    cp_t.wait()
    cp_s.wait()

    lane_base = lax.iota(jnp.int32, L) * HSTRIDE

    def process(d, mf, href):
        t = d * INV_BW
        k = t.astype(jnp.int32)
        k = jnp.minimum(k, 96)
        f1 = (t - k.astype(jnp.float32)) * 2.0 - 1.0
        base = jnp.exp(-0.5 * (f1 * f1))
        g = jnp.exp(f1 + f1)
        gi = 1.0 / g
        w1 = base * (g * C1)
        w2 = base * ((g * g) * C2)
        v1 = base * (gi * C1)
        v2 = base * ((gi * gi) * C2)
        m1 = k >= 1
        m2 = k >= 2
        z = jnp.float32(0.0)
        ssum = ((base + w1) + w2) + (jnp.where(m1, v1, z) + jnp.where(m2, v2, z))
        scale = mf / (ssum + 1e-8)
        bidx = lane_base + k
        plsc.addupdate_scatter(href, [bidx], base * scale)
        plsc.addupdate_scatter(href, [bidx + 1], w1 * scale)
        plsc.addupdate_scatter(href, [bidx + 2], w2 * scale)
        plsc.addupdate_scatter(href, [bidx - 1], v1 * scale, mask=m1)
        plsc.addupdate_scatter(href, [bidx - 2], v2 * scale, mask=m2)

    @plsc.parallel_loop(0, 256, step=1, unroll=2,
                        carry=jnp.zeros((L,), jnp.float32))
    def cnt(i, cnt):
        zp = lax.shift_right_logical(i, 6)
        row = i & 63
        for u in range(4):
            sl = pl.ds(u * L, L)
            mf = jnp.where(sd[zp, row, sl] < 0.0,
                           jnp.float32(1.0), jnp.float32(0.0))
            sd[zp, row, sl] = mf
            process(dp[zp, row, sl], mf, histp)
            cnt = cnt + mf
        return cnt

    @plsc.parallel_loop(0, 256, step=1, unroll=2)
    def _(i):
        zp = lax.shift_right_logical(i, 6)
        row = i & 63
        for u in range(4):
            sl = pl.ds(u * L, L)
            process(dt[zp, row, sl], sd[zp, row, sl], histt)

    for chunk in range(8):
        accp = histp[pl.ds(chunk * L, L)]
        acct = histt[pl.ds(chunk * L, L)]
        for lane in range(1, L):
            accp = accp + histp[pl.ds(lane * HSTRIDE + chunk * L, L)]
            acct = acct + histt[pl.ds(lane * HSTRIDE + chunk * L, L)]
        orow[pl.ds(chunk * L, L)] = accp
        orow[pl.ds(128 + chunk * L, L)] = acct
    orow[pl.ds(256, L)] = cnt

    pltpu.sync_copy(orow, out_hbm.at[wid])


def _tc_body(x_ref, out_ref):
    x = x_ref[...]
    rows = lax.broadcasted_iota(jnp.int32, x.shape, 0)
    cols = lax.broadcasted_iota(jnp.int32, x.shape, 1)

    ii = lax.broadcasted_iota(jnp.int32, (128, 128), 0)
    jj = lax.broadcasted_iota(jnp.int32, (128, 128), 1)
    tri = jnp.where(ii >= jj, jnp.float32(1.0), jnp.float32(0.0))

    centers = (lax.broadcasted_iota(jnp.int32, (1, 128), 1).astype(jnp.float32)
               + 0.5) * BW

    cntsel = (cols >= 256) & (cols < 272)
    d95 = []
    ns = []
    for b in range(2):
        rowsel = (rows >= NS * b) & (rows < NS * (b + 1))
        srow = jnp.sum(jnp.where(rowsel, x, 0.0), axis=0, keepdims=True)
        n = jnp.sum(jnp.where(rowsel & cntsel, x, 0.0))
        ns.append(n)
        for dose in range(2):
            hg = srow[:, 128 * dose:128 * (dose + 1)]
            suffix = lax.dot(hg, tri, precision=lax.Precision.HIGHEST)
            cdf = suffix / jnp.maximum(n, 1.0)
            wd = jnp.exp((cdf - 0.95) ** 2 * (-1.0 / (2.0 * 0.1 * 0.1)))
            val = jnp.sum(wd * centers) / (jnp.sum(wd) + 1e-8)
            d95.append(jnp.where(n >= 100.0, val, 0.0))

    deficit = (jnp.maximum(d95[1] - d95[0], 0.0)
               + jnp.maximum(d95[3] - d95[2], 0.0))
    loss = 10.0 * deficit * 0.5
    total = jnp.where(ns[0] + ns[1] > 0.0, loss, 0.0)
    out_ref[...] = jnp.full((1, 1), total, jnp.float32)


@jax.jit
def kernel(pred, target, condition):
    mesh = plsc.VectorSubcoreMesh(core_axis_name="c", subcore_axis_name="s")
    partials = pl.kernel(
        _sc_body,
        out_type=jax.ShapeDtypeStruct((NW, OUTW), jnp.float32),
        mesh=mesh,
        compiler_params=pltpu.CompilerParams(needs_layout_passes=False),
        scratch_types=[
            pltpu.VMEM((4, 64, 64), jnp.float32),
            pltpu.VMEM((4, 64, 64), jnp.float32),
            pltpu.VMEM((4, 64, 64), jnp.float32),
            pltpu.VMEM((HWORDS,), jnp.float32),
            pltpu.VMEM((HWORDS,), jnp.float32),
            pltpu.VMEM((OUTW,), jnp.float32),
            pltpu.SemaphoreType.DMA,
            pltpu.SemaphoreType.DMA,
            pltpu.SemaphoreType.DMA,
        ],
    )(pred, target, condition)

    out = pl.pallas_call(
        _tc_body,
        out_shape=jax.ShapeDtypeStruct((1, 1), jnp.float32),
    )(partials)
    return out[0, 0]

# --- scband reference (transcript-rebuilt; emitter-appended) ---
"""Pipeline reference for scband-dvhaware-loss-30210799960592 (READ-ONLY COPY).

The authoritative reference and input builder live on the scoring server;
editing this copy changes nothing except your own understanding.
"""

import jax, jax.numpy as jnp
import numpy as np

N_BINS = 100
D95_TEMPERATURE = 0.1
D95_WEIGHT = 10.0
MIN_VOXELS = 100


def setup_inputs(seed: int = 0) -> dict:
    key = jax.random.key(seed)
    k1, k2, k3 = jax.random.split(key, 3)
    pred = jax.random.uniform(k1, (2, 1, 64, 64, 64), dtype=jnp.float32)
    target = jax.random.uniform(k2, (2, 1, 64, 64, 64), dtype=jnp.float32)
    condition = jax.random.normal(k3, (2, 9, 64, 64, 64), dtype=jnp.float32)
    return {"pred": pred, "target": target, "condition": condition}


def _soft_d95_one(dose_flat, mask_flat, n_voxels, bin_centers, sigma, temperature):
    # Differentiable histogram-based soft D95 for one batch element.
    diff = dose_flat[:, None] - bin_centers[None, :]
    weights = jnp.exp(-0.5 * (diff / sigma) ** 2)
    weights = weights / (weights.sum(axis=1, keepdims=True) + 1e-08)
    histogram = (mask_flat[:, None] * weights).sum(axis=0)
    histogram_reversed = histogram[::-1]
    cdf_reversed = jnp.cumsum(histogram_reversed) / n_voxels
    bin_centers_reversed = bin_centers[::-1]
    target_fraction = 0.95
    weights_d95 = jnp.exp(-(cdf_reversed - target_fraction) ** 2 / (2 * temperature ** 2))
    weights_d95 = weights_d95 / (weights_d95.sum() + 1e-08)
    return (weights_d95 * bin_centers_reversed).sum()


def reference(pred, target, condition):
    B = pred.shape[0]
    # extract_masks: PTV70 mask is SDF channel 1 < 0
    ptv70_mask = condition[:, 1, :, :, :] < 0

    bin_edges = jnp.linspace(0.0, 1.5, N_BINS + 1)
    bin_centers = (bin_edges[:-1] + bin_edges[1:]) / 2
    bin_width = bin_edges[1] - bin_edges[0]
    sigma = bin_width / 2

    total_loss = jnp.asarray(0.0, dtype=pred.dtype)
    zero = jnp.asarray(0.0, dtype=pred.dtype)
    pred_d95 = []
    target_d95 = []
    for b in range(B):
        mask_flat = ptv70_mask[b].ravel().astype(pred.dtype)
        n_voxels = mask_flat.sum()
        valid = n_voxels >= MIN_VOXELS
        p_b = _soft_d95_one(pred[b, 0].ravel(), mask_flat, n_voxels, bin_centers, sigma, D95_TEMPERATURE)
        t_b = _soft_d95_one(target[b, 0].ravel(), mask_flat, n_voxels, bin_centers, sigma, D95_TEMPERATURE)
        pred_d95.append(jnp.where(valid, p_b, zero))
        target_d95.append(jnp.where(valid, t_b, zero))
    d95_deficit = jax.nn.relu(jnp.stack(target_d95) - jnp.stack(pred_d95))
    loss_d95_ptv70 = d95_deficit.mean()
    total_loss = jnp.where(ptv70_mask.any(), total_loss + D95_WEIGHT * loss_d95_ptv70, total_loss)
    return total_loss

if __name__ == "__main__":
    import jax
    _d = setup_inputs()
    print(jax.jit(kernel)(*tuple(_d.values())))

</pallas_src>

<mosaic_0001>
#map = affine_map<(d0, d1) -> (0, 0, 0, 0, 0)>
#map1 = affine_map<(d0, d1) -> (0, 0)>
module attributes {stable_mosaic.version = 14 : i64} {
  func.func @_sc_body(%arg0: i32, %arg1: i32, %arg2: memref<2x1x64x64x64xf32, #tpu.memory_space<hbm>>, %arg3: memref<2x1x64x64x64xf32, #tpu.memory_space<hbm>>, %arg4: memref<2x9x64x64x64xf32, #tpu.memory_space<hbm>>, %arg5: memref<32x384xf32, #tpu.memory_space<hbm>>, %arg6: memref<4x64x64xf32, #tpu.memory_space<vmem>>, %arg7: memref<4x64x64xf32, #tpu.memory_space<vmem>>, %arg8: memref<4x64x64xf32, #tpu.memory_space<vmem>>, %arg9: memref<2064xf32, #tpu.memory_space<vmem>>, %arg10: memref<2064xf32, #tpu.memory_space<vmem>>, %arg11: memref<384xf32, #tpu.memory_space<vmem>>, %arg12: memref<!tpu.dma_semaphore, #tpu.memory_space<semaphore_mem>>, %arg13: memref<!tpu.dma_semaphore, #tpu.memory_space<semaphore_mem>>, %arg14: memref<!tpu.dma_semaphore, #tpu.memory_space<semaphore_mem>>) attributes {dimension_semantics = [#tpu.dimension_semantics<core_parallel>, #tpu.dimension_semantics<subcore_parallel>], iteration_bounds = array<i64: 2, 16>, scalar_prefetch = 0 : i64, scratch_operands = 9 : i64, tpu.core_type = #tpu.core_type<sc_vector_subcore>, window_params = [{transform_indices = #map}, {transform_indices = #map}, {transform_indices = #map}, {transform_indices = #map1}]} {
    %mul3A = arith.constant 16 : i32
    %mul3A_0 = arith.muli %arg0, %mul3A : i32
    %add3A = arith.addi %mul3A_0, %arg1 : i32
    %mul3A_1 = arith.constant 4 : i32
    %mul3A_2 = arith.muli %arg1, %mul3A_1 : i32
    %dma_start3A = arith.constant 0 : i32
    %dma_start3A_3 = arith.constant 0 : i32
    %dma_start3A_4 = arith.constant 0 : i32
    %dma_start3A_5 = tpu.memref_slice %arg2[%arg0, %dma_start3A, %mul3A_2, %dma_start3A_3, %dma_start3A_4] : memref<2x1x64x64x64xf32, #tpu.memory_space<hbm>> -> memref<1x1x4x64x64xf32, #tpu.memory_space<hbm>>
    %dma_start3A_6 = tpu.memref_squeeze %dma_start3A_5 : memref<1x1x4x64x64xf32, #tpu.memory_space<hbm>> -> memref<4x64x64xf32, #tpu.memory_space<hbm>>
    %dma_start3A_7 = arith.constant 0 : i32
    %dma_start3A_8 = arith.constant 0 : i32
    %dma_start3A_9 = tpu.memref_slice %arg2[%arg0, %dma_start3A, %mul3A_2, %dma_start3A_7, %dma_start3A_8] : memref<2x1x64x64x64xf32, #tpu.memory_space<hbm>> -> memref<1x1x4x64x64xf32, #tpu.memory_space<hbm>>
    %dma_start3A_10 = tpu.memref_squeeze %dma_start3A_9 : memref<1x1x4x64x64xf32, #tpu.memory_space<hbm>> -> memref<4x64x64xf32, #tpu.memory_space<hbm>>
    tpu.enqueue_dma source(%dma_start3A_10 : memref<4x64x64xf32, #tpu.memory_space<hbm>>) target(%arg6 : memref<4x64x64xf32, #tpu.memory_space<vmem>>) target_semaphore(%arg12 : memref<!tpu.dma_semaphore, #tpu.memory_space<semaphore_mem>>)
    %dma_start3A_11 = arith.constant 0 : i32
    %dma_start3A_12 = arith.constant 0 : i32
    %dma_start3A_13 = arith.constant 0 : i32
    %dma_start3A_14 = tpu.memref_slice %arg3[%arg0, %dma_start3A_11, %mul3A_2, %dma_start3A_12, %dma_start3A_13] : memref<2x1x64x64x64xf32, #tpu.memory_space<hbm>> -> memref<1x1x4x64x64xf32, #tpu.memory_space<hbm>>
    %dma_start3A_15 = tpu.memref_squeeze %dma_start3A_14 : memref<1x1x4x64x64xf32, #tpu.memory_space<hbm>> -> memref<4x64x64xf32, #tpu.memory_space<hbm>>
    %dma_start3A_16 = arith.constant 0 : i32
    %dma_start3A_17 = arith.constant 0 : i32
    %dma_start3A_18 = tpu.memref_slice %arg3[%arg0, %dma_start3A_11, %mul3A_2, %dma_start3A_16, %dma_start3A_17] : memref<2x1x64x64x64xf32, #tpu.memory_space<hbm>> -> memref<1x1x4x64x64xf32, #tpu.memory_space<hbm>>
    %dma_start3A_19 = tpu.memref_squeeze %dma_start3A_18 : memref<1x1x4x64x64xf32, #tpu.memory_space<hbm>> -> memref<4x64x64xf32, #tpu.memory_space<hbm>>
    tpu.enqueue_dma source(%dma_start3A_19 : memref<4x64x64xf32, #tpu.memory_space<hbm>>) target(%arg7 : memref<4x64x64xf32, #tpu.memory_space<vmem>>) target_semaphore(%arg13 : memref<!tpu.dma_semaphore, #tpu.memory_space<semaphore_mem>>)
    %dma_start3A_20 = arith.constant 1 : i32
    %dma_start3A_21 = arith.constant 0 : i32
    %dma_start3A_22 = arith.constant 0 : i32
    %dma_start3A_23 = tpu.memref_slice %arg4[%arg0, %dma_start3A_20, %mul3A_2, %dma_start3A_21, %dma_start3A_22] : memref<2x9x64x64x64xf32, #tpu.memory_space<hbm>> -> memref<1x1x4x64x64xf32, #tpu.memory_space<hbm>>
    %dma_start3A_24 = tpu.memref_squeeze %dma_start3A_23 : memref<1x1x4x64x64xf32, #tpu.memory_space<hbm>> -> memref<4x64x64xf32, #tpu.memory_space<hbm>>
    %dma_start3A_25 = arith.constant 0 : i32
    %dma_start3A_26 = arith.constant 0 : i32
    %dma_start3A_27 = tpu.memref_slice %arg4[%arg0, %dma_start3A_20, %mul3A_2, %dma_start3A_25, %dma_start3A_26] : memref<2x9x64x64x64xf32, #tpu.memory_space<hbm>> -> memref<1x1x4x64x64xf32, #tpu.memory_space<hbm>>
    %dma_start3A_28 = tpu.memref_squeeze %dma_start3A_27 : memref<1x1x4x64x64xf32, #tpu.memory_space<hbm>> -> memref<4x64x64xf32, #tpu.memory_space<hbm>>
    tpu.enqueue_dma source(%dma_start3A_28 : memref<4x64x64xf32, #tpu.memory_space<hbm>>) target(%arg8 : memref<4x64x64xf32, #tpu.memory_space<vmem>>) target_semaphore(%arg14 : memref<!tpu.dma_semaphore, #tpu.memory_space<semaphore_mem>>)
    %broadcast_in_dim3A = arith.constant 0.000000e+00 : f32
    %broadcast_in_dim3A_29 = vector.broadcast %broadcast_in_dim3A : f32 to vector<16xf32>
    %scan3A = arith.constant 0 : i32
    %scan3A_30 = arith.constant 0 : i32
    %scan3A_31 = arith.constant 129 : i32
    %scan3A_32 = arith.addi %scan3A_30, %scan3A_31 : i32
    %scan3A_33 = arith.constant 1 : i32
    %scan3A_34 = scf.for %scan3A_864 = %scan3A_30 to %scan3A_32 step %scan3A_33 iter_args(%scan3A_865 = %scan3A) -> (i32)  : i32 {
      %mul3A_866 = arith.constant 16 : i32
      %mul3A_867 = arith.muli %scan3A_864, %mul3A_866 : i32
      %swap3A_868 = arith.index_cast %mul3A_867 : i32 to index
      %swap3A_869 = tpu.vector_load %arg9[%swap3A_868] {strides = array<i32>} : memref<2064xf32, #tpu.memory_space<vmem>>, vector<16xf32>,
      tpu.vector_store %arg9[%swap3A_868], %broadcast_in_dim3A_29 {strides = array<i32>} : memref<2064xf32, #tpu.memory_space<vmem>>, vector<16xf32>,
      %mul3A_870 = arith.constant 16 : i32
      %mul3A_871 = arith.muli %scan3A_864, %mul3A_870 : i32
      %swap3A_872 = arith.index_cast %mul3A_871 : i32 to index
      %swap3A_873 = tpu.vector_load %arg10[%swap3A_872] {strides = array<i32>} : memref<2064xf32, #tpu.memory_space<vmem>>, vector<16xf32>,
      tpu.vector_store %arg10[%swap3A_872], %broadcast_in_dim3A_29 {strides = array<i32>} : memref<2064xf32, #tpu.memory_space<vmem>>, vector<16xf32>,
      %scan3A_874 = arith.constant 0 : i32
      scf.yield %scan3A_874 : i32
    }
    %scan3A_35 = arith.constant 129 : i32
    %scan3A_36 = arith.constant 0 : i32
    %scan3A_37 = arith.constant 0 : i32
    %scan3A_38 = arith.constant 24 : i32
    %scan3A_39 = arith.addi %scan3A_37, %scan3A_38 : i32
    %scan3A_40 = arith.constant 1 : i32
    %scan3A_41 = scf.for %scan3A_864 = %scan3A_37 to %scan3A_39 step %scan3A_40 iter_args(%scan3A_865 = %scan3A_36) -> (i32)  : i32 {
      %mul3A_866 = arith.constant 16 : i32
      %mul3A_867 = arith.muli %scan3A_864, %mul3A_866 : i32
      %swap3A_868 = arith.index_cast %mul3A_867 : i32 to index
      %swap3A_869 = tpu.vector_load %arg11[%swap3A_868] {strides = array<i32>} : memref<384xf32, #tpu.memory_space<vmem>>, vector<16xf32>,
      tpu.vector_store %arg11[%swap3A_868], %broadcast_in_dim3A_29 {strides = array<i32>} : memref<384xf32, #tpu.memory_space<vmem>>, vector<16xf32>,
      %scan3A_870 = arith.constant 0 : i32
      scf.yield %scan3A_870 : i32
    }
    %scan3A_42 = arith.constant 24 : i32
    %dma_wait3A = arith.constant 0 : i32
    %dma_wait3A_43 = arith.constant 0 : i32
    %dma_wait3A_44 = arith.constant 0 : i32
    %dma_wait3A_45 = tpu.memref_slice %arg2[%arg0, %dma_wait3A, %mul3A_2, %dma_wait3A_43, %dma_wait3A_44] : memref<2x1x64x64x64xf32, #tpu.memory_space<hbm>> -> memref<1x1x4x64x64xf32, #tpu.memory_space<hbm>>
    %dma_wait3A_46 = tpu.memref_squeeze %dma_wait3A_45 : memref<1x1x4x64x64xf32, #tpu.memory_space<hbm>> -> memref<4x64x64xf32, #tpu.memory_space<hbm>>
    %dma_wait3A_47 = arith.constant 0 : i32
    %dma_wait3A_48 = arith.constant 0 : i32
    %dma_wait3A_49 = tpu.memref_slice %arg2[%arg0, %dma_wait3A, %mul3A_2, %dma_wait3A_47, %dma_wait3A_48] : memref<2x1x64x64x64xf32, #tpu.memory_space<hbm>> -> memref<1x1x4x64x64xf32, #tpu.memory_space<hbm>>
    %dma_wait3A_50 = tpu.memref_squeeze %dma_wait3A_49 : memref<1x1x4x64x64xf32, #tpu.memory_space<hbm>> -> memref<4x64x64xf32, #tpu.memory_space<hbm>>
    tpu.wait_dma2 semaphore(%arg12 : memref<!tpu.dma_semaphore, #tpu.memory_space<semaphore_mem>>) src(%dma_wait3A_50 : memref<4x64x64xf32, #tpu.memory_space<hbm>>) dst(%arg6 : memref<4x64x64xf32, #tpu.memory_space<vmem>>)
    %dma_wait3A_51 = arith.constant 0 : i32
    %dma_wait3A_52 = arith.constant 0 : i32
    %dma_wait3A_53 = arith.constant 0 : i32
    %dma_wait3A_54 = tpu.memref_slice %arg3[%arg0, %dma_wait3A_51, %mul3A_2, %dma_wait3A_52, %dma_wait3A_53] : memref<2x1x64x64x64xf32, #tpu.memory_space<hbm>> -> memref<1x1x4x64x64xf32, #tpu.memory_space<hbm>>
    %dma_wait3A_55 = tpu.memref_squeeze %dma_wait3A_54 : memref<1x1x4x64x64xf32, #tpu.memory_space<hbm>> -> memref<4x64x64xf32, #tpu.memory_space<hbm>>
    %dma_wait3A_56 = arith.constant 0 : i32
    %dma_wait3A_57 = arith.constant 0 : i32
    %dma_wait3A_58 = tpu.memref_slice %arg3[%arg0, %dma_wait3A_51, %mul3A_2, %dma_wait3A_56, %dma_wait3A_57] : memref<2x1x64x64x64xf32, #tpu.memory_space<hbm>> -> memref<1x1x4x64x64xf32, #tpu.memory_space<hbm>>
    %dma_wait3A_59 = tpu.memref_squeeze %dma_wait3A_58 : memref<1x1x4x64x64xf32, #tpu.memory_space<hbm>> -> memref<4x64x64xf32, #tpu.memory_space<hbm>>
    tpu.wait_dma2 semaphore(%arg13 : memref<!tpu.dma_semaphore, #tpu.memory_space<semaphore_mem>>) src(%dma_wait3A_59 : memref<4x64x64xf32, #tpu.memory_space<hbm>>) dst(%arg7 : memref<4x64x64xf32, #tpu.memory_space<vmem>>)
    %dma_wait3A_60 = arith.constant 1 : i32
    %dma_wait3A_61 = arith.constant 0 : i32
    %dma_wait3A_62 = arith.constant 0 : i32
    %dma_wait3A_63 = tpu.memref_slice %arg4[%arg0, %dma_wait3A_60, %mul3A_2, %dma_wait3A_61, %dma_wait3A_62] : memref<2x9x64x64x64xf32, #tpu.memory_space<hbm>> -> memref<1x1x4x64x64xf32, #tpu.memory_space<hbm>>
    %dma_wait3A_64 = tpu.memref_squeeze %dma_wait3A_63 : memref<1x1x4x64x64xf32, #tpu.memory_space<hbm>> -> memref<4x64x64xf32, #tpu.memory_space<hbm>>
    %dma_wait3A_65 = arith.constant 0 : i32
    %dma_wait3A_66 = arith.constant 0 : i32
    %dma_wait3A_67 = tpu.memref_slice %arg4[%arg0, %dma_wait3A_60, %mul3A_2, %dma_wait3A_65, %dma_wait3A_66] : memref<2x9x64x64x64xf32, #tpu.memory_space<hbm>> -> memref<1x1x4x64x64xf32, #tpu.memory_space<hbm>>
    %dma_wait3A_68 = tpu.memref_squeeze %dma_wait3A_67 : memref<1x1x4x64x64xf32, #tpu.memory_space<hbm>> -> memref<4x64x64xf32, #tpu.memory_space<hbm>>
    tpu.wait_dma2 semaphore(%arg14 : memref<!tpu.dma_semaphore, #tpu.memory_space<semaphore_mem>>) src(%dma_wait3A_68 : memref<4x64x64xf32, #tpu.memory_space<hbm>>) dst(%arg8 : memref<4x64x64xf32, #tpu.memory_space<vmem>>)
    %iota3A = tpu.iota {dimensions = array<i32: 0>} : vector<16xi32>
    %mul3A_69 = arith.constant 129 : i32
    %mul3A_70 = vector.broadcast %mul3A_69 : i32 to vector<16xi32>
    %mul3A_71 = arith.muli %iota3A, %mul3A_70 : vector<16xi32>
    %broadcast_in_dim3A_72 = arith.constant 0.000000e+00 : f32
    %broadcast_in_dim3A_73 = vector.broadcast %broadcast_in_dim3A_72 : f32 to vector<16xf32>
    %parallel_loop3A = arith.constant 0 : i32
    %parallel_loop3A_74 = arith.constant 256 : i32
    %parallel_loop3A_75 = arith.constant 1 : i32
    %parallel_loop3A_76 = scf.for %parallel_loop3A_864 = %parallel_loop3A to %parallel_loop3A_74 step %parallel_loop3A_75 iter_args(%parallel_loop3A_865 = %broadcast_in_dim3A_73) -> (vector<16xf32>)  : i32 {
      %parallel_loop3A_866 = arith.constant 6 : i32
      %parallel_loop3A_867 = arith.shrui %parallel_loop3A_864, %parallel_loop3A_866 : i32
      %parallel_loop3A_868 = arith.constant 63 : i32
      %parallel_loop3A_869 = arith.andi %parallel_loop3A_864, %parallel_loop3A_868 : i32
      %parallel_loop3A_870 = arith.index_cast %parallel_loop3A_867 : i32 to index
      %parallel_loop3A_871 = arith.index_cast %parallel_loop3A_869 : i32 to index
      %parallel_loop3A_872 = arith.constant 0 : index
      %parallel_loop3A_873 = tpu.vector_load %arg8[%parallel_loop3A_870, %parallel_loop3A_871, %parallel_loop3A_872] {strides = array<i32>} : memref<4x64x64xf32, #tpu.memory_space<vmem>>, vector<16xf32>,
      %parallel_loop3A_874 = arith.constant 0.000000e+00 : f32
      %parallel_loop3A_875 = vector.broadcast %parallel_loop3A_874 : f32 to vector<16xf32>
      %parallel_loop3A_876 = arith.cmpf olt, %parallel_loop3A_873, %parallel_loop3A_875 : vector<16xf32>
      %parallel_loop3A_877 = arith.constant 1.000000e+00 : f32
      %parallel_loop3A_878 = arith.constant 0.000000e+00 : f32
      %parallel_loop3A_879 = vector.broadcast %parallel_loop3A_877 : f32 to vector<16xf32>
      %parallel_loop3A_880 = vector.broadcast %parallel_loop3A_878 : f32 to vector<16xf32>
      %parallel_loop3A_881 = arith.select %parallel_loop3A_876, %parallel_loop3A_879, %parallel_loop3A_880 : vector<16xi1>, vector<16xf32>
      %parallel_loop3A_882 = arith.index_cast %parallel_loop3A_867 : i32 to index
      %parallel_loop3A_883 = arith.index_cast %parallel_loop3A_869 : i32 to index
      %parallel_loop3A_884 = arith.constant 0 : index
      %parallel_loop3A_885 = tpu.vector_load %arg8[%parallel_loop3A_882, %parallel_loop3A_883, %parallel_loop3A_884] {strides = array<i32>} : memref<4x64x64xf32, #tpu.memory_space<vmem>>, vector<16xf32>,
      tpu.vector_store %arg8[%parallel_loop3A_882, %parallel_loop3A_883, %parallel_loop3A_884], %parallel_loop3A_881 {strides = array<i32>} : memref<4x64x64xf32, #tpu.memory_space<vmem>>, vector<16xf32>,
      %parallel_loop3A_886 = arith.index_cast %parallel_loop3A_867 : i32 to index
      %parallel_loop3A_887 = arith.index_cast %parallel_loop3A_869 : i32 to index
      %parallel_loop3A_888 = arith.constant 0 : index
      %parallel_loop3A_889 = tpu.vector_load %arg6[%parallel_loop3A_886, %parallel_loop3A_887, %parallel_loop3A_888] {strides = array<i32>} : memref<4x64x64xf32, #tpu.memory_space<vmem>>, vector<16xf32>,
      %parallel_loop3A_890 = arith.constant 66.6666641 : f32
      %parallel_loop3A_891 = vector.broadcast %parallel_loop3A_890 : f32 to vector<16xf32>
      %parallel_loop3A_892 = arith.mulf %parallel_loop3A_889, %parallel_loop3A_891 : vector<16xf32>
      %parallel_loop3A_893 = arith.fptosi %parallel_loop3A_892 : vector<16xf32> to vector<16xi32>
      %parallel_loop3A_894 = arith.constant 96 : i32
      %parallel_loop3A_895 = vector.broadcast %parallel_loop3A_894 : i32 to vector<16xi32>
      %parallel_loop3A_896 = arith.minsi %parallel_loop3A_893, %parallel_loop3A_895 : vector<16xi32>
      %parallel_loop3A_897 = arith.sitofp %parallel_loop3A_896 : vector<16xi32> to vector<16xf32>
      %parallel_loop3A_898 = arith.subf %parallel_loop3A_892, %parallel_loop3A_897 : vector<16xf32>
      %parallel_loop3A_899 = arith.constant 2.000000e+00 : f32
      %parallel_loop3A_900 = vector.broadcast %parallel_loop3A_899 : f32 to vector<16xf32>
      %parallel_loop3A_901 = arith.mulf %parallel_loop3A_898, %parallel_loop3A_900 : vector<16xf32>
      %parallel_loop3A_902 = arith.constant 1.000000e+00 : f32
      %parallel_loop3A_903 = vector.broadcast %parallel_loop3A_902 : f32 to vector<16xf32>
      %parallel_loop3A_904 = arith.subf %parallel_loop3A_901, %parallel_loop3A_903 : vector<16xf32>
      %parallel_loop3A_905 = arith.mulf %parallel_loop3A_904, %parallel_loop3A_904 : vector<16xf32>
      %parallel_loop3A_906 = arith.constant -5.000000e-01 : f32
      %parallel_loop3A_907 = vector.broadcast %parallel_loop3A_906 : f32 to vector<16xf32>
      %parallel_loop3A_908 = arith.mulf %parallel_loop3A_907, %parallel_loop3A_905 : vector<16xf32>
      %parallel_loop3A_909 = math.exp %parallel_loop3A_908 : vector<16xf32>
      %parallel_loop3A_910 = arith.addf %parallel_loop3A_904, %parallel_loop3A_904 : vector<16xf32>
      %parallel_loop3A_911 = math.exp %parallel_loop3A_910 : vector<16xf32>
      %parallel_loop3A_912 = arith.constant 1.000000e+00 : f32
      %parallel_loop3A_913 = vector.broadcast %parallel_loop3A_912 : f32 to vector<16xf32>
      %parallel_loop3A_914 = arith.divf %parallel_loop3A_913, %parallel_loop3A_911 : vector<16xf32>
      %parallel_loop3A_915 = arith.constant 0.135335281 : f32
      %parallel_loop3A_916 = vector.broadcast %parallel_loop3A_915 : f32 to vector<16xf32>
      %parallel_loop3A_917 = arith.mulf %parallel_loop3A_911, %parallel_loop3A_916 : vector<16xf32>
      %parallel_loop3A_918 = arith.mulf %parallel_loop3A_909, %parallel_loop3A_917 : vector<16xf32>
      %parallel_loop3A_919 = arith.mulf %parallel_loop3A_911, %parallel_loop3A_911 : vector<16xf32>
      %parallel_loop3A_920 = arith.constant 3.35462624E-4 : f32
      %parallel_loop3A_921 = vector.broadcast %parallel_loop3A_920 : f32 to vector<16xf32>
      %parallel_loop3A_922 = arith.mulf %parallel_loop3A_919, %parallel_loop3A_921 : vector<16xf32>
      %parallel_loop3A_923 = arith.mulf %parallel_loop3A_909, %parallel_loop3A_922 : vector<16xf32>
      %parallel_loop3A_924 = arith.constant 0.135335281 : f32
      %parallel_loop3A_925 = vector.broadcast %parallel_loop3A_924 : f32 to vector<16xf32>
      %parallel_loop3A_926 = arith.mulf %parallel_loop3A_914, %parallel_loop3A_925 : vector<16xf32>
      %parallel_loop3A_927 = arith.mulf %parallel_loop3A_909, %parallel_loop3A_926 : vector<16xf32>
      %parallel_loop3A_928 = arith.mulf %parallel_loop3A_914, %parallel_loop3A_914 : vector<16xf32>
      %parallel_loop3A_929 = arith.constant 3.35462624E-4 : f32
      %parallel_loop3A_930 = vector.broadcast %parallel_loop3A_929 : f32 to vector<16xf32>
      %parallel_loop3A_931 = arith.mulf %parallel_loop3A_928, %parallel_loop3A_930 : vector<16xf32>
      %parallel_loop3A_932 = arith.mulf %parallel_loop3A_909, %parallel_loop3A_931 : vector<16xf32>
      %parallel_loop3A_933 = arith.constant 1 : i32
      %parallel_loop3A_934 = vector.broadcast %parallel_loop3A_933 : i32 to vector<16xi32>
      %parallel_loop3A_935 = arith.cmpi sge, %parallel_loop3A_896, %parallel_loop3A_934 : vector<16xi32>
      %parallel_loop3A_936 = arith.constant 2 : i32
      %parallel_loop3A_937 = vector.broadcast %parallel_loop3A_936 : i32 to vector<16xi32>
      %parallel_loop3A_938 = arith.cmpi sge, %parallel_loop3A_896, %parallel_loop3A_937 : vector<16xi32>
      %parallel_loop3A_939 = arith.addf %parallel_loop3A_909, %parallel_loop3A_918 : vector<16xf32>
      %parallel_loop3A_940 = arith.addf %parallel_loop3A_939, %parallel_loop3A_923 : vector<16xf32>
      %parallel_loop3A_941 = arith.constant 0.000000e+00 : f32
      %parallel_loop3A_942 = vector.broadcast %parallel_loop3A_941 : f32 to vector<16xf32>
      %parallel_loop3A_943 = arith.select %parallel_loop3A_935, %parallel_loop3A_927, %parallel_loop3A_942 : vector<16xi1>, vector<16xf32>
      %parallel_loop3A_944 = arith.constant 0.000000e+00 : f32
      %parallel_loop3A_945 = vector.broadcast %parallel_loop3A_944 : f32 to vector<16xf32>
      %parallel_loop3A_946 = arith.select %parallel_loop3A_938, %parallel_loop3A_932, %parallel_loop3A_945 : vector<16xi1>, vector<16xf32>
      %parallel_loop3A_947 = arith.addf %parallel_loop3A_943, %parallel_loop3A_946 : vector<16xf32>
      %parallel_loop3A_948 = arith.addf %parallel_loop3A_940, %parallel_loop3A_947 : vector<16xf32>
      %parallel_loop3A_949 = arith.constant 9.99999993E-9 : f32
      %parallel_loop3A_950 = vector.broadcast %parallel_loop3A_949 : f32 to vector<16xf32>
      %parallel_loop3A_951 = arith.addf %parallel_loop3A_948, %parallel_loop3A_950 : vector<16xf32>
      %parallel_loop3A_952 = arith.divf %parallel_loop3A_881, %parallel_loop3A_951 : vector<16xf32>
      %parallel_loop3A_953 = arith.addi %mul3A_71, %parallel_loop3A_896 : vector<16xi32>
      %parallel_loop3A_954 = arith.mulf %parallel_loop3A_909, %parallel_loop3A_952 : vector<16xf32>
      tpu.vector_store_idx %arg9[%parallel_loop3A_953], %parallel_loop3A_954 {add = true} : memref<2064xf32, #tpu.memory_space<vmem>>[vector<16xi32>], vector<16xf32>,
      %parallel_loop3A_955 = arith.constant 1 : i32
      %parallel_loop3A_956 = vector.broadcast %parallel_loop3A_955 : i32 to vector<16xi32>
      %parallel_loop3A_957 = arith.addi %parallel_loop3A_953, %parallel_loop3A_956 : vector<16xi32>
      %parallel_loop3A_958 = arith.mulf %parallel_loop3A_918, %parallel_loop3A_952 : vector<16xf32>
      tpu.vector_store_idx %arg9[%parallel_loop3A_957], %parallel_loop3A_958 {add = true} : memref<2064xf32, #tpu.memory_space<vmem>>[vector<16xi32>], vector<16xf32>,
      %parallel_loop3A_959 = arith.constant 2 : i32
      %parallel_loop3A_960 = vector.broadcast %parallel_loop3A_959 : i32 to vector<16xi32>
      %parallel_loop3A_961 = arith.addi %parallel_loop3A_953, %parallel_loop3A_960 : vector<16xi32>
      %parallel_loop3A_962 = arith.mulf %parallel_loop3A_923, %parallel_loop3A_952 : vector<16xf32>
      tpu.vector_store_idx %arg9[%parallel_loop3A_961], %parallel_loop3A_962 {add = true} : memref<2064xf32, #tpu.memory_space<vmem>>[vector<16xi32>], vector<16xf32>,
      %parallel_loop3A_963 = arith.constant 1 : i32
      %parallel_loop3A_964 = vector.broadcast %parallel_loop3A_963 : i32 to vector<16xi32>
      %parallel_loop3A_965 = arith.subi %parallel_loop3A_953, %parallel_loop3A_964 : vector<16xi32>
      %parallel_loop3A_966 = arith.mulf %parallel_loop3A_927, %parallel_loop3A_952 : vector<16xf32>
      tpu.vector_store_idx %arg9[%parallel_loop3A_965], %parallel_loop3A_966 masked %parallel_loop3A_935 {add = true} : memref<2064xf32, #tpu.memory_space<vmem>>[vector<16xi32>], vector<16xf32>, vector<16xi1>
      %parallel_loop3A_967 = arith.constant 2 : i32
      %parallel_loop3A_968 = vector.broadcast %parallel_loop3A_967 : i32 to vector<16xi32>
      %parallel_loop3A_969 = arith.subi %parallel_loop3A_953, %parallel_loop3A_968 : vector<16xi32>
      %parallel_loop3A_970 = arith.mulf %parallel_loop3A_932, %parallel_loop3A_952 : vector<16xf32>
      tpu.vector_store_idx %arg9[%parallel_loop3A_969], %parallel_loop3A_970 masked %parallel_loop3A_938 {add = true} : memref<2064xf32, #tpu.memory_space<vmem>>[vector<16xi32>], vector<16xf32>, vector<16xi1>
      %parallel_loop3A_971 = arith.addf %parallel_loop3A_865, %parallel_loop3A_881 : vector<16xf32>
      %parallel_loop3A_972 = arith.index_cast %parallel_loop3A_867 : i32 to index
      %parallel_loop3A_973 = arith.index_cast %parallel_loop3A_869 : i32 to index
      %parallel_loop3A_974 = arith.constant 16 : index
      %parallel_loop3A_975 = tpu.vector_load %arg8[%parallel_loop3A_972, %parallel_loop3A_973, %parallel_loop3A_974] {strides = array<i32>} : memref<4x64x64xf32, #tpu.memory_space<vmem>>, vector<16xf32>,
      %parallel_loop3A_976 = arith.constant 0.000000e+00 : f32
      %parallel_loop3A_977 = vector.broadcast %parallel_loop3A_976 : f32 to vector<16xf32>
      %parallel_loop3A_978 = arith.cmpf olt, %parallel_loop3A_975, %parallel_loop3A_977 : vector<16xf32>
      %parallel_loop3A_979 = arith.constant 1.000000e+00 : f32
      %parallel_loop3A_980 = arith.constant 0.000000e+00 : f32
      %parallel_loop3A_981 = vector.broadcast %parallel_loop3A_979 : f32 to vector<16xf32>
      %parallel_loop3A_982 = vector.broadcast %parallel_loop3A_980 : f32 to vector<16xf32>
      %parallel_loop3A_983 = arith.select %parallel_loop3A_978, %parallel_loop3A_981, %parallel_loop3A_982 : vector<16xi1>, vector<16xf32>
      %parallel_loop3A_984 = arith.index_cast %parallel_loop3A_867 : i32 to index
      %parallel_loop3A_985 = arith.index_cast %parallel_loop3A_869 : i32 to index
      %parallel_loop3A_986 = arith.constant 16 : index
      %parallel_loop3A_987 = tpu.vector_load %arg8[%parallel_loop3A_984, %parallel_loop3A_985, %parallel_loop3A_986] {strides = array<i32>} : memref<4x64x64xf32, #tpu.memory_space<vmem>>, vector<16xf32>,
      tpu.vector_store %arg8[%parallel_loop3A_984, %parallel_loop3A_985, %parallel_loop3A_986], %parallel_loop3A_983 {strides = array<i32>} : memref<4x64x64xf32, #tpu.memory_space<vmem>>, vector<16xf32>,
      %parallel_loop3A_988 = arith.index_cast %parallel_loop3A_867 : i32 to index
      %parallel_loop3A_989 = arith.index_cast %parallel_loop3A_869 : i32 to index
      %parallel_loop3A_990 = arith.constant 16 : index
      %parallel_loop3A_991 = tpu.vector_load %arg6[%parallel_loop3A_988, %parallel_loop3A_989, %parallel_loop3A_990] {strides = array<i32>} : memref<4x64x64xf32, #tpu.memory_space<vmem>>, vector<16xf32>,
      %parallel_loop3A_992 = arith.constant 66.6666641 : f32
      %parallel_loop3A_993 = vector.broadcast %parallel_loop3A_992 : f32 to vector<16xf32>
      %parallel_loop3A_994 = arith.mulf %parallel_loop3A_991, %parallel_loop3A_993 : vector<16xf32>
      %parallel_loop3A_995 = arith.fptosi %parallel_loop3A_994 : vector<16xf32> to vector<16xi32>
      %parallel_loop3A_996 = arith.constant 96 : i32
      %parallel_loop3A_997 = vector.broadcast %parallel_loop3A_996 : i32 to vector<16xi32>
      %parallel_loop3A_998 = arith.minsi %parallel_loop3A_995, %parallel_loop3A_997 : vector<16xi32>
      %parallel_loop3A_999 = arith.sitofp %parallel_loop3A_998 : vector<16xi32> to vector<16xf32>
      %parallel_loop3A_1000 = arith.subf %parallel_loop3A_994, %parallel_loop3A_999 : vector<16xf32>
      %parallel_loop3A_1001 = arith.constant 2.000000e+00 : f32
      %parallel_loop3A_1002 = vector.broadcast %parallel_loop3A_1001 : f32 to vector<16xf32>
      %parallel_loop3A_1003 = arith.mulf %parallel_loop3A_1000, %parallel_loop3A_1002 : vector<16xf32>
      %parallel_loop3A_1004 = arith.constant 1.000000e+00 : f32
      %parallel_loop3A_1005 = vector.broadcast %parallel_loop3A_1004 : f32 to vector<16xf32>
      %parallel_loop3A_1006 = arith.subf %parallel_loop3A_1003, %parallel_loop3A_1005 : vector<16xf32>
      %parallel_loop3A_1007 = arith.mulf %parallel_loop3A_1006, %parallel_loop3A_1006 : vector<16xf32>
      %parallel_loop3A_1008 = arith.constant -5.000000e-01 : f32
      %parallel_loop3A_1009 = vector.broadcast %parallel_loop3A_1008 : f32 to vector<16xf32>
      %parallel_loop3A_1010 = arith.mulf %parallel_loop3A_1009, %parallel_loop3A_1007 : vector<16xf32>
      %parallel_loop3A_1011 = math.exp %parallel_loop3A_1010 : vector<16xf32>
      %parallel_loop3A_1012 = arith.addf %parallel_loop3A_1006, %parallel_loop3A_1006 : vector<16xf32>
      %parallel_loop3A_1013 = math.exp %parallel_loop3A_1012 : vector<16xf32>
      %parallel_loop3A_1014 = arith.constant 1.000000e+00 : f32
      %parallel_loop3A_1015 = vector.broadcast %parallel_loop3A_1014 : f32 to vector<16xf32>
      %parallel_loop3A_1016 = arith.divf %parallel_loop3A_1015, %parallel_loop3A_1013 : vector<16xf32>
      %parallel_loop3A_1017 = arith.constant 0.135335281 : f32
      %parallel_loop3A_1018 = vector.broadcast %parallel_loop3A_1017 : f32 to vector<16xf32>
      %parallel_loop3A_1019 = arith.mulf %parallel_loop3A_1013, %parallel_loop3A_1018 : vector<16xf32>
      %parallel_loop3A_1020 = arith.mulf %parallel_loop3A_1011, %parallel_loop3A_1019 : vector<16xf32>
      %parallel_loop3A_1021 = arith.mulf %parallel_loop3A_1013, %parallel_loop3A_1013 : vector<16xf32>
      %parallel_loop3A_1022 = arith.constant 3.35462624E-4 : f32
      %parallel_loop3A_1023 = vector.broadcast %parallel_loop3A_1022 : f32 to vector<16xf32>
      %parallel_loop3A_1024 = arith.mulf %parallel_loop3A_1021, %parallel_loop3A_1023 : vector<16xf32>
      %parallel_loop3A_1025 = arith.mulf %parallel_loop3A_1011, %parallel_loop3A_1024 : vector<16xf32>
      %parallel_loop3A_1026 = arith.constant 0.135335281 : f32
      %parallel_loop3A_1027 = vector.broadcast %parallel_loop3A_1026 : f32 to vector<16xf32>
      %parallel_loop3A_1028 = arith.mulf %parallel_loop3A_1016, %parallel_loop3A_1027 : vector<16xf32>
      %parallel_loop3A_1029 = arith.mulf %parallel_loop3A_1011, %parallel_loop3A_1028 : vector<16xf32>
      %parallel_loop3A_1030 = arith.mulf %parallel_loop3A_1016, %parallel_loop3A_1016 : vector<16xf32>
      %parallel_loop3A_1031 = arith.constant 3.35462624E-4 : f32
      %parallel_loop3A_1032 = vector.broadcast %parallel_loop3A_1031 : f32 to vector<16xf32>
      %parallel_loop3A_1033 = arith.mulf %parallel_loop3A_1030, %parallel_loop3A_1032 : vector<16xf32>
      %parallel_loop3A_1034 = arith.mulf %parallel_loop3A_1011, %parallel_loop3A_1033 : vector<16xf32>
      %parallel_loop3A_1035 = arith.constant 1 : i32
      %parallel_loop3A_1036 = vector.broadcast %parallel_loop3A_1035 : i32 to vector<16xi32>
      %parallel_loop3A_1037 = arith.cmpi sge, %parallel_loop3A_998, %parallel_loop3A_1036 : vector<16xi32>
      %parallel_loop3A_1038 = arith.constant 2 : i32
      %parallel_loop3A_1039 = vector.broadcast %parallel_loop3A_1038 : i32 to vector<16xi32>
      %parallel_loop3A_1040 = arith.cmpi sge, %parallel_loop3A_998, %parallel_loop3A_1039 : vector<16xi32>
      %parallel_loop3A_1041 = arith.addf %parallel_loop3A_1011, %parallel_loop3A_1020 : vector<16xf32>
      %parallel_loop3A_1042 = arith.addf %parallel_loop3A_1041, %parallel_loop3A_1025 : vector<16xf32>
      %parallel_loop3A_1043 = arith.constant 0.000000e+00 : f32
      %parallel_loop3A_1044 = vector.broadcast %parallel_loop3A_1043 : f32 to vector<16xf32>
      %parallel_loop3A_1045 = arith.select %parallel_loop3A_1037, %parallel_loop3A_1029, %parallel_loop3A_1044 : vector<16xi1>, vector<16xf32>
      %parallel_loop3A_1046 = arith.constant 0.000000e+00 : f32
      %parallel_loop3A_1047 = vector.broadcast %parallel_loop3A_1046 : f32 to vector<16xf32>
      %parallel_loop3A_1048 = arith.select %parallel_loop3A_1040, %parallel_loop3A_1034, %parallel_loop3A_1047 : vector<16xi1>, vector<16xf32>
      %parallel_loop3A_1049 = arith.addf %parallel_loop3A_1045, %parallel_loop3A_1048 : vector<16xf32>
      %parallel_loop3A_1050 = arith.addf %parallel_loop3A_1042, %parallel_loop3A_1049 : vector<16xf32>
      %parallel_loop3A_1051 = arith.constant 9.99999993E-9 : f32
      %parallel_loop3A_1052 = vector.broadcast %parallel_loop3A_1051 : f32 to vector<16xf32>
      %parallel_loop3A_1053 = arith.addf %parallel_loop3A_1050, %parallel_loop3A_1052 : vector<16xf32>
      %parallel_loop3A_1054 = arith.divf %parallel_loop3A_983, %parallel_loop3A_1053 : vector<16xf32>
      %parallel_loop3A_1055 = arith.addi %mul3A_71, %parallel_loop3A_998 : vector<16xi32>
      %parallel_loop3A_1056 = arith.mulf %parallel_loop3A_1011, %parallel_loop3A_1054 : vector<16xf32>
      tpu.vector_store_idx %arg9[%parallel_loop3A_1055], %parallel_loop3A_1056 {add = true} : memref<2064xf32, #tpu.memory_space<vmem>>[vector<16xi32>], vector<16xf32>,
      %parallel_loop3A_1057 = arith.constant 1 : i32
      %parallel_loop3A_1058 = vector.broadcast %parallel_loop3A_1057 : i32 to vector<16xi32>
      %parallel_loop3A_1059 = arith.addi %parallel_loop3A_1055, %parallel_loop3A_1058 : vector<16xi32>
      %parallel_loop3A_1060 = arith.mulf %parallel_loop3A_1020, %parallel_loop3A_1054 : vector<16xf32>
      tpu.vector_store_idx %arg9[%parallel_loop3A_1059], %parallel_loop3A_1060 {add = true} : memref<2064xf32, #tpu.memory_space<vmem>>[vector<16xi32>], vector<16xf32>,
      %parallel_loop3A_1061 = arith.constant 2 : i32
      %parallel_loop3A_1062 = vector.broadcast %parallel_loop3A_1061 : i32 to vector<16xi32>
      %parallel_loop3A_1063 = arith.addi %parallel_loop3A_1055, %parallel_loop3A_1062 : vector<16xi32>
      %parallel_loop3A_1064 = arith.mulf %parallel_loop3A_1025, %parallel_loop3A_1054 : vector<16xf32>
      tpu.vector_store_idx %arg9[%parallel_loop3A_1063], %parallel_loop3A_1064 {add = true} : memref<2064xf32, #tpu.memory_space<vmem>>[vector<16xi32>], vector<16xf32>,
      %parallel_loop3A_1065 = arith.constant 1 : i32
      %parallel_loop3A_1066 = vector.broadcast %parallel_loop3A_1065 : i32 to vector<16xi32>
      %parallel_loop3A_1067 = arith.subi %parallel_loop3A_1055, %parallel_loop3A_1066 : vector<16xi32>
      %parallel_loop3A_1068 = arith.mulf %parallel_loop3A_1029, %parallel_loop3A_1054 : vector<16xf32>
      tpu.vector_store_idx %arg9[%parallel_loop3A_1067], %parallel_loop3A_1068 masked %parallel_loop3A_1037 {add = true} : memref<2064xf32, #tpu.memory_space<vmem>>[vector<16xi32>], vector<16xf32>, vector<16xi1>
      %parallel_loop3A_1069 = arith.constant 2 : i32
      %parallel_loop3A_1070 = vector.broadcast %parallel_loop3A_1069 : i32 to vector<16xi32>
      %parallel_loop3A_1071 = arith.subi %parallel_loop3A_1055, %parallel_loop3A_1070 : vector<16xi32>
      %parallel_loop3A_1072 = arith.mulf %parallel_loop3A_1034, %parallel_loop3A_1054 : vector<16xf32>
      tpu.vector_store_idx %arg9[%parallel_loop3A_1071], %parallel_loop3A_1072 masked %parallel_loop3A_1040 {add = true} : memref<2064xf32, #tpu.memory_space<vmem>>[vector<16xi32>], vector<16xf32>, vector<16xi1>
      %parallel_loop3A_1073 = arith.addf %parallel_loop3A_971, %parallel_loop3A_983 : vector<16xf32>
      %parallel_loop3A_1074 = arith.index_cast %parallel_loop3A_867 : i32 to index
      %parallel_loop3A_1075 = arith.index_cast %parallel_loop3A_869 : i32 to index
      %parallel_loop3A_1076 = arith.constant 32 : index
      %parallel_loop3A_1077 = tpu.vector_load %arg8[%parallel_loop3A_1074, %parallel_loop3A_1075, %parallel_loop3A_1076] {strides = array<i32>} : memref<4x64x64xf32, #tpu.memory_space<vmem>>, vector<16xf32>,
      %parallel_loop3A_1078 = arith.constant 0.000000e+00 : f32
      %parallel_loop3A_1079 = vector.broadcast %parallel_loop3A_1078 : f32 to vector<16xf32>
      %parallel_loop3A_1080 = arith.cmpf olt, %parallel_loop3A_1077, %parallel_loop3A_1079 : vector<16xf32>
      %parallel_loop3A_1081 = arith.constant 1.000000e+00 : f32
      %parallel_loop3A_1082 = arith.constant 0.000000e+00 : f32
      %parallel_loop3A_1083 = vector.broadcast %parallel_loop3A_1081 : f32 to vector<16xf32>
      %parallel_loop3A_1084 = vector.broadcast %parallel_loop3A_1082 : f32 to vector<16xf32>
      %parallel_loop3A_1085 = arith.select %parallel_loop3A_1080, %parallel_loop3A_1083, %parallel_loop3A_1084 : vector<16xi1>, vector<16xf32>
      %parallel_loop3A_1086 = arith.index_cast %parallel_loop3A_867 : i32 to index
      %parallel_loop3A_1087 = arith.index_cast %parallel_loop3A_869 : i32 to index
      %parallel_loop3A_1088 = arith.constant 32 : index
      %parallel_loop3A_1089 = tpu.vector_load %arg8[%parallel_loop3A_1086, %parallel_loop3A_1087, %parallel_loop3A_1088] {strides = array<i32>} : memref<4x64x64xf32, #tpu.memory_space<vmem>>, vector<16xf32>,
      tpu.vector_store %arg8[%parallel_loop3A_1086, %parallel_loop3A_1087, %parallel_loop3A_1088], %parallel_loop3A_1085 {strides = array<i32>} : memref<4x64x64xf32, #tpu.memory_space<vmem>>, vector<16xf32>,
      %parallel_loop3A_1090 = arith.index_cast %parallel_loop3A_867 : i32 to index
      %parallel_loop3A_1091 = arith.index_cast %parallel_loop3A_869 : i32 to index
      %parallel_loop3A_1092 = arith.constant 32 : index
      %parallel_loop3A_1093 = tpu.vector_load %arg6[%parallel_loop3A_1090, %parallel_loop3A_1091, %parallel_loop3A_1092] {strides = array<i32>} : memref<4x64x64xf32, #tpu.memory_space<vmem>>, vector<16xf32>,
      %parallel_loop3A_1094 = arith.constant 66.6666641 : f32
      %parallel_loop3A_1095 = vector.broadcast %parallel_loop3A_1094 : f32 to vector<16xf32>
      %parallel_loop3A_1096 = arith.mulf %parallel_loop3A_1093, %parallel_loop3A_1095 : vector<16xf32>
      %parallel_loop3A_1097 = arith.fptosi %parallel_loop3A_1096 : vector<16xf32> to vector<16xi32>
      %parallel_loop3A_1098 = arith.constant 96 : i32
      %parallel_loop3A_1099 = vector.broadcast %parallel_loop3A_1098 : i32 to vector<16xi32>
      %parallel_loop3A_1100 = arith.minsi %parallel_loop3A_1097, %parallel_loop3A_1099 : vector<16xi32>
      %parallel_loop3A_1101 = arith.sitofp %parallel_loop3A_1100 : vector<16xi32> to vector<16xf32>
      %parallel_loop3A_1102 = arith.subf %parallel_loop3A_1096, %parallel_loop3A_1101 : vector<16xf32>
      %parallel_loop3A_1103 = arith.constant 2.000000e+00 : f32
      %parallel_loop3A_1104 = vector.broadcast %parallel_loop3A_1103 : f32 to vector<16xf32>
      %parallel_loop3A_1105 = arith.mulf %parallel_loop3A_1102, %parallel_loop3A_1104 : vector<16xf32>
      %parallel_loop3A_1106 = arith.constant 1.000000e+00 : f32
      %parallel_loop3A_1107 = vector.broadcast %parallel_loop3A_1106 : f32 to vector<16xf32>
      %parallel_loop3A_1108 = arith.subf %parallel_loop3A_1105, %parallel_loop3A_1107 : vector<16xf32>
      %parallel_loop3A_1109 = arith.mulf %parallel_loop3A_1108, %parallel_loop3A_1108 : vector<16xf32>
      %parallel_loop3A_1110 = arith.constant -5.000000e-01 : f32
      %parallel_loop3A_1111 = vector.broadcast %parallel_loop3A_1110 : f32 to vector<16xf32>
      %parallel_loop3A_1112 = arith.mulf %parallel_loop3A_1111, %parallel_loop3A_1109 : vector<16xf32>
      %parallel_loop3A_1113 = math.exp %parallel_loop3A_1112 : vector<16xf32>
      %parallel_loop3A_1114 = arith.addf %parallel_loop3A_1108, %parallel_loop3A_1108 : vector<16xf32>
      %parallel_loop3A_1115 = math.exp %parallel_loop3A_1114 : vector<16xf32>
      %parallel_loop3A_1116 = arith.constant 1.000000e+00 : f32
      %parallel_loop3A_1117 = vector.broadcast %parallel_loop3A_1116 : f32 to vector<16xf32>
      %parallel_loop3A_1118 = arith.divf %parallel_loop3A_1117, %parallel_loop3A_1115 : vector<16xf32>
      %parallel_loop3A_1119 = arith.constant 0.135335281 : f32
      %parallel_loop3A_1120 = vector.broadcast %parallel_loop3A_1119 : f32 to vector<16xf32>
      %parallel_loop3A_1121 = arith.mulf %parallel_loop3A_1115, %parallel_loop3A_1120 : vector<16xf32>
      %parallel_loop3A_1122 = arith.mulf %parallel_loop3A_1113, %parallel_loop3A_1121 : vector<16xf32>
      %parallel_loop3A_1123 = arith.mulf %parallel_loop3A_1115, %parallel_loop3A_1115 : vector<16xf32>
      %parallel_loop3A_1124 = arith.constant 3.35462624E-4 : f32
      %parallel_loop3A_1125 = vector.broadcast %parallel_loop3A_1124 : f32 to vector<16xf32>
      %parallel_loop3A_1126 = arith.mulf %parallel_loop3A_1123, %parallel_loop3A_1125 : vector<16xf32>
      %parallel_loop3A_1127 = arith.mulf %parallel_loop3A_1113, %parallel_loop3A_1126 : vector<16xf32>
      %parallel_loop3A_1128 = arith.constant 0.135335281 : f32
      %parallel_loop3A_1129 = vector.broadcast %parallel_loop3A_1128 : f32 to vector<16xf32>
      %parallel_loop3A_1130 = arith.mulf %parallel_loop3A_1118, %parallel_loop3A_1129 : vector<16xf32>
      %parallel_loop3A_1131 = arith.mulf %parallel_loop3A_1113, %parallel_loop3A_1130 : vector<16xf32>
      %parallel_loop3A_1132 = arith.mulf %parallel_loop3A_1118, %parallel_loop3A_1118 : vector<16xf32>
      %parallel_loop3A_1133 = arith.constant 3.35462624E-4 : f32
      %parallel_loop3A_1134 = vector.broadcast %parallel_loop3A_1133 : f32 to vector<16xf32>
      %parallel_loop3A_1135 = arith.mulf %parallel_loop3A_1132, %parallel_loop3A_1134 : vector<16xf32>
      %parallel_loop3A_1136 = arith.mulf %parallel_loop3A_1113, %parallel_loop3A_1135 : vector<16xf32>
      %parallel_loop3A_1137 = arith.constant 1 : i32
      %parallel_loop3A_1138 = vector.broadcast %parallel_loop3A_1137 : i32 to vector<16xi32>
      %parallel_loop3A_1139 = arith.cmpi sge, %parallel_loop3A_1100, %parallel_loop3A_1138 : vector<16xi32>
      %parallel_loop3A_1140 = arith.constant 2 : i32
      %parallel_loop3A_1141 = vector.broadcast %parallel_loop3A_1140 : i32 to vector<16xi32>
      %parallel_loop3A_1142 = arith.cmpi sge, %parallel_loop3A_1100, %parallel_loop3A_1141 : vector<16xi32>
      %parallel_loop3A_1143 = arith.addf %parallel_loop3A_1113, %parallel_loop3A_1122 : vector<16xf32>
      %parallel_loop3A_1144 = arith.addf %parallel_loop3A_1143, %parallel_loop3A_1127 : vector<16xf32>
      %parallel_loop3A_1145 = arith.constant 0.000000e+00 : f32
      %parallel_loop3A_1146 = vector.broadcast %parallel_loop3A_1145 : f32 to vector<16xf32>
      %parallel_loop3A_1147 = arith.select %parallel_loop3A_1139, %parallel_loop3A_1131, %parallel_loop3A_1146 : vector<16xi1>, vector<16xf32>
      %parallel_loop3A_1148 = arith.constant 0.000000e+00 : f32
      %parallel_loop3A_1149 = vector.broadcast %parallel_loop3A_1148 : f32 to vector<16xf32>
      %parallel_loop3A_1150 = arith.select %parallel_loop3A_1142, %parallel_loop3A_1136, %parallel_loop3A_1149 : vector<16xi1>, vector<16xf32>
      %parallel_loop3A_1151 = arith.addf %parallel_loop3A_1147, %parallel_loop3A_1150 : vector<16xf32>
      %parallel_loop3A_1152 = arith.addf %parallel_loop3A_1144, %parallel_loop3A_1151 : vector<16xf32>
      %parallel_loop3A_1153 = arith.constant 9.99999993E-9 : f32
      %parallel_loop3A_1154 = vector.broadcast %parallel_loop3A_1153 : f32 to vector<16xf32>
      %parallel_loop3A_1155 = arith.addf %parallel_loop3A_1152, %parallel_loop3A_1154 : vector<16xf32>
      %parallel_loop3A_1156 = arith.divf %parallel_loop3A_1085, %parallel_loop3A_1155 : vector<16xf32>
      %parallel_loop3A_1157 = arith.addi %mul3A_71, %parallel_loop3A_1100 : vector<16xi32>
      %parallel_loop3A_1158 = arith.mulf %parallel_loop3A_1113, %parallel_loop3A_1156 : vector<16xf32>
      tpu.vector_store_idx %arg9[%parallel_loop3A_1157], %parallel_loop3A_1158 {add = true} : memref<2064xf32, #tpu.memory_space<vmem>>[vector<16xi32>], vector<16xf32>,
      %parallel_loop3A_1159 = arith.constant 1 : i32
      %parallel_loop3A_1160 = vector.broadcast %parallel_loop3A_1159 : i32 to vector<16xi32>
      %parallel_loop3A_1161 = arith.addi %parallel_loop3A_1157, %parallel_loop3A_1160 : vector<16xi32>
      %parallel_loop3A_1162 = arith.mulf %parallel_loop3A_1122, %parallel_loop3A_1156 : vector<16xf32>
      tpu.vector_store_idx %arg9[%parallel_loop3A_1161], %parallel_loop3A_1162 {add = true} : memref<2064xf32, #tpu.memory_space<vmem>>[vector<16xi32>], vector<16xf32>,
      %parallel_loop3A_1163 = arith.constant 2 : i32
      %parallel_loop3A_1164 = vector.broadcast %parallel_loop3A_1163 : i32 to vector<16xi32>
      %parallel_loop3A_1165 = arith.addi %parallel_loop3A_1157, %parallel_loop3A_1164 : vector<16xi32>
      %parallel_loop3A_1166 = arith.mulf %parallel_loop3A_1127, %parallel_loop3A_1156 : vector<16xf32>
      tpu.vector_store_idx %arg9[%parallel_loop3A_1165], %parallel_loop3A_1166 {add = true} : memref<2064xf32, #tpu.memory_space<vmem>>[vector<16xi32>], vector<16xf32>,
      %parallel_loop3A_1167 = arith.constant 1 : i32
      %parallel_loop3A_1168 = vector.broadcast %parallel_loop3A_1167 : i32 to vector<16xi32>
      %parallel_loop3A_1169 = arith.subi %parallel_loop3A_1157, %parallel_loop3A_1168 : vector<16xi32>
      %parallel_loop3A_1170 = arith.mulf %parallel_loop3A_1131, %parallel_loop3A_1156 : vector<16xf32>
      tpu.vector_store_idx %arg9[%parallel_loop3A_1169], %parallel_loop3A_1170 masked %parallel_loop3A_1139 {add = true} : memref<2064xf32, #tpu.memory_space<vmem>>[vector<16xi32>], vector<16xf32>, vector<16xi1>
      %parallel_loop3A_1171 = arith.constant 2 : i32
      %parallel_loop3A_1172 = vector.broadcast %parallel_loop3A_1171 : i32 to vector<16xi32>
      %parallel_loop3A_1173 = arith.subi %parallel_loop3A_1157, %parallel_loop3A_1172 : vector<16xi32>
      %parallel_loop3A_1174 = arith.mulf %parallel_loop3A_1136, %parallel_loop3A_1156 : vector<16xf32>
      tpu.vector_store_idx %arg9[%parallel_loop3A_1173], %parallel_loop3A_1174 masked %parallel_loop3A_1142 {add = true} : memref<2064xf32, #tpu.memory_space<vmem>>[vector<16xi32>], vector<16xf32>, vector<16xi1>
      %parallel_loop3A_1175 = arith.addf %parallel_loop3A_1073, %parallel_loop3A_1085 : vector<16xf32>
      %parallel_loop3A_1176 = arith.index_cast %parallel_loop3A_867 : i32 to index
      %parallel_loop3A_1177 = arith.index_cast %parallel_loop3A_869 : i32 to index
      %parallel_loop3A_1178 = arith.constant 48 : index
      %parallel_loop3A_1179 = tpu.vector_load %arg8[%parallel_loop3A_1176, %parallel_loop3A_1177, %parallel_loop3A_1178] {strides = array<i32>} : memref<4x64x64xf32, #tpu.memory_space<vmem>>, vector<16xf32>,
      %parallel_loop3A_1180 = arith.constant 0.000000e+00 : f32
      %parallel_loop3A_1181 = vector.broadcast %parallel_loop3A_1180 : f32 to vector<16xf32>
      %parallel_loop3A_1182 = arith.cmpf olt, %parallel_loop3A_1179, %parallel_loop3A_1181 : vector<16xf32>
      %parallel_loop3A_1183 = arith.constant 1.000000e+00 : f32
      %parallel_loop3A_1184 = arith.constant 0.000000e+00 : f32
      %parallel_loop3A_1185 = vector.broadcast %parallel_loop3A_1183 : f32 to vector<16xf32>
      %parallel_loop3A_1186 = vector.broadcast %parallel_loop3A_1184 : f32 to vector<16xf32>
      %parallel_loop3A_1187 = arith.select %parallel_loop3A_1182, %parallel_loop3A_1185, %parallel_loop3A_1186 : vector<16xi1>, vector<16xf32>
      %parallel_loop3A_1188 = arith.index_cast %parallel_loop3A_867 : i32 to index
      %parallel_loop3A_1189 = arith.index_cast %parallel_loop3A_869 : i32 to index
      %parallel_loop3A_1190 = arith.constant 48 : index
      %parallel_loop3A_1191 = tpu.vector_load %arg8[%parallel_loop3A_1188, %parallel_loop3A_1189, %parallel_loop3A_1190] {strides = array<i32>} : memref<4x64x64xf32, #tpu.memory_space<vmem>>, vector<16xf32>,
      tpu.vector_store %arg8[%parallel_loop3A_1188, %parallel_loop3A_1189, %parallel_loop3A_1190], %parallel_loop3A_1187 {strides = array<i32>} : memref<4x64x64xf32, #tpu.memory_space<vmem>>, vector<16xf32>,
      %parallel_loop3A_1192 = arith.index_cast %parallel_loop3A_867 : i32 to index
      %parallel_loop3A_1193 = arith.index_cast %parallel_loop3A_869 : i32 to index
      %parallel_loop3A_1194 = arith.constant 48 : index
      %parallel_loop3A_1195 = tpu.vector_load %arg6[%parallel_loop3A_1192, %parallel_loop3A_1193, %parallel_loop3A_1194] {strides = array<i32>} : memref<4x64x64xf32, #tpu.memory_space<vmem>>, vector<16xf32>,
      %parallel_loop3A_1196 = arith.constant 66.6666641 : f32
      %parallel_loop3A_1197 = vector.broadcast %parallel_loop3A_1196 : f32 to vector<16xf32>
      %parallel_loop3A_1198 = arith.mulf %parallel_loop3A_1195, %parallel_loop3A_1197 : vector<16xf32>
      %parallel_loop3A_1199 = arith.fptosi %parallel_loop3A_1198 : vector<16xf32> to vector<16xi32>
      %parallel_loop3A_1200 = arith.constant 96 : i32
      %parallel_loop3A_1201 = vector.broadcast %parallel_loop3A_1200 : i32 to vector<16xi32>
      %parallel_loop3A_1202 = arith.minsi %parallel_loop3A_1199, %parallel_loop3A_1201 : vector<16xi32>
      %parallel_loop3A_1203 = arith.sitofp %parallel_loop3A_1202 : vector<16xi32> to vector<16xf32>
      %parallel_loop3A_1204 = arith.subf %parallel_loop3A_1198, %parallel_loop3A_1203 : vector<16xf32>
      %parallel_loop3A_1205 = arith.constant 2.000000e+00 : f32
      %parallel_loop3A_1206 = vector.broadcast %parallel_loop3A_1205 : f32 to vector<16xf32>
      %parallel_loop3A_1207 = arith.mulf %parallel_loop3A_1204, %parallel_loop3A_1206 : vector<16xf32>
      %parallel_loop3A_1208 = arith.constant 1.000000e+00 : f32
      %parallel_loop3A_1209 = vector.broadcast %parallel_loop3A_1208 : f32 to vector<16xf32>
      %parallel_loop3A_1210 = arith.subf %parallel_loop3A_1207, %parallel_loop3A_1209 : vector<16xf32>
      %parallel_loop3A_1211 = arith.mulf %parallel_loop3A_1210, %parallel_loop3A_1210 : vector<16xf32>
      %parallel_loop3A_1212 = arith.constant -5.000000e-01 : f32
      %parallel_loop3A_1213 = vector.broadcast %parallel_loop3A_1212 : f32 to vector<16xf32>
      %parallel_loop3A_1214 = arith.mulf %parallel_loop3A_1213, %parallel_loop3A_1211 : vector<16xf32>
      %parallel_loop3A_1215 = math.exp %parallel_loop3A_1214 : vector<16xf32>
      %parallel_loop3A_1216 = arith.addf %parallel_loop3A_1210, %parallel_loop3A_1210 : vector<16xf32>
      %parallel_loop3A_1217 = math.exp %parallel_loop3A_1216 : vector<16xf32>
      %parallel_loop3A_1218 = arith.constant 1.000000e+00 : f32
      %parallel_loop3A_1219 = vector.broadcast %parallel_loop3A_1218 : f32 to vector<16xf32>
      %parallel_loop3A_1220 = arith.divf %parallel_loop3A_1219, %parallel_loop3A_1217 : vector<16xf32>
      %parallel_loop3A_1221 = arith.constant 0.135335281 : f32
      %parallel_loop3A_1222 = vector.broadcast %parallel_loop3A_1221 : f32 to vector<16xf32>
      %parallel_loop3A_1223 = arith.mulf %parallel_loop3A_1217, %parallel_loop3A_1222 : vector<16xf32>
      %parallel_loop3A_1224 = arith.mulf %parallel_loop3A_1215, %parallel_loop3A_1223 : vector<16xf32>
      %parallel_loop3A_1225 = arith.mulf %parallel_loop3A_1217, %parallel_loop3A_1217 : vector<16xf32>
      %parallel_loop3A_1226 = arith.constant 3.35462624E-4 : f32
      %parallel_loop3A_1227 = vector.broadcast %parallel_loop3A_1226 : f32 to vector<16xf32>
      %parallel_loop3A_1228 = arith.mulf %parallel_loop3A_1225, %parallel_loop3A_1227 : vector<16xf32>
      %parallel_loop3A_1229 = arith.mulf %parallel_loop3A_1215, %parallel_loop3A_1228 : vector<16xf32>
      %parallel_loop3A_1230 = arith.constant 0.135335281 : f32
      %parallel_loop3A_1231 = vector.broadcast %parallel_loop3A_1230 : f32 to vector<16xf32>
      %parallel_loop3A_1232 = arith.mulf %parallel_loop3A_1220, %parallel_loop3A_1231 : vector<16xf32>
      %parallel_loop3A_1233 = arith.mulf %parallel_loop3A_1215, %parallel_loop3A_1232 : vector<16xf32>
      %parallel_loop3A_1234 = arith.mulf %parallel_loop3A_1220, %parallel_loop3A_1220 : vector<16xf32>
      %parallel_loop3A_1235 = arith.constant 3.35462624E-4 : f32
      %parallel_loop3A_1236 = vector.broadcast %parallel_loop3A_1235 : f32 to vector<16xf32>
      %parallel_loop3A_1237 = arith.mulf %parallel_loop3A_1234, %parallel_loop3A_1236 : vector<16xf32>
      %parallel_loop3A_1238 = arith.mulf %parallel_loop3A_1215, %parallel_loop3A_1237 : vector<16xf32>
      %parallel_loop3A_1239 = arith.constant 1 : i32
      %parallel_loop3A_1240 = vector.broadcast %parallel_loop3A_1239 : i32 to vector<16xi32>
      %parallel_loop3A_1241 = arith.cmpi sge, %parallel_loop3A_1202, %parallel_loop3A_1240 : vector<16xi32>
      %parallel_loop3A_1242 = arith.constant 2 : i32
      %parallel_loop3A_1243 = vector.broadcast %parallel_loop3A_1242 : i32 to vector<16xi32>
      %parallel_loop3A_1244 = arith.cmpi sge, %parallel_loop3A_1202, %parallel_loop3A_1243 : vector<16xi32>
      %parallel_loop3A_1245 = arith.addf %parallel_loop3A_1215, %parallel_loop3A_1224 : vector<16xf32>
      %parallel_loop3A_1246 = arith.addf %parallel_loop3A_1245, %parallel_loop3A_1229 : vector<16xf32>
      %parallel_loop3A_1247 = arith.constant 0.000000e+00 : f32
      %parallel_loop3A_1248 = vector.broadcast %parallel_loop3A_1247 : f32 to vector<16xf32>
      %parallel_loop3A_1249 = arith.select %parallel_loop3A_1241, %parallel_loop3A_1233, %parallel_loop3A_1248 : vector<16xi1>, vector<16xf32>
      %parallel_loop3A_1250 = arith.constant 0.000000e+00 : f32
      %parallel_loop3A_1251 = vector.broadcast %parallel_loop3A_1250 : f32 to vector<16xf32>
      %parallel_loop3A_1252 = arith.select %parallel_loop3A_1244, %parallel_loop3A_1238, %parallel_loop3A_1251 : vector<16xi1>, vector<16xf32>
      %parallel_loop3A_1253 = arith.addf %parallel_loop3A_1249, %parallel_loop3A_1252 : vector<16xf32>
      %parallel_loop3A_1254 = arith.addf %parallel_loop3A_1246, %parallel_loop3A_1253 : vector<16xf32>
      %parallel_loop3A_1255 = arith.constant 9.99999993E-9 : f32
      %parallel_loop3A_1256 = vector.broadcast %parallel_loop3A_1255 : f32 to vector<16xf32>
      %parallel_loop3A_1257 = arith.addf %parallel_loop3A_1254, %parallel_loop3A_1256 : vector<16xf32>
      %parallel_loop3A_1258 = arith.divf %parallel_loop3A_1187, %parallel_loop3A_1257 : vector<16xf32>
      %parallel_loop3A_1259 = arith.addi %mul3A_71, %parallel_loop3A_1202 : vector<16xi32>
      %parallel_loop3A_1260 = arith.mulf %parallel_loop3A_1215, %parallel_loop3A_1258 : vector<16xf32>
      tpu.vector_store_idx %arg9[%parallel_loop3A_1259], %parallel_loop3A_1260 {add = true} : memref<2064xf32, #tpu.memory_space<vmem>>[vector<16xi32>], vector<16xf32>,
      %parallel_loop3A_1261 = arith.constant 1 : i32
      %parallel_loop3A_1262 = vector.broadcast %parallel_loop3A_1261 : i32 to vector<16xi32>
      %parallel_loop3A_1263 = arith.addi %parallel_loop3A_1259, %parallel_loop3A_1262 : vector<16xi32>
      %parallel_loop3A_1264 = arith.mulf %parallel_loop3A_1224, %parallel_loop3A_1258 : vector<16xf32>
      tpu.vector_store_idx %arg9[%parallel_loop3A_1263], %parallel_loop3A_1264 {add = true} : memref<2064xf32, #tpu.memory_space<vmem>>[vector<16xi32>], vector<16xf32>,
      %parallel_loop3A_1265 = arith.constant 2 : i32
      %parallel_loop3A_1266 = vector.broadcast %parallel_loop3A_1265 : i32 to vector<16xi32>
      %parallel_loop3A_1267 = arith.addi %parallel_loop3A_1259, %parallel_loop3A_1266 : vector<16xi32>
      %parallel_loop3A_1268 = arith.mulf %parallel_loop3A_1229, %parallel_loop3A_1258 : vector<16xf32>
      tpu.vector_store_idx %arg9[%parallel_loop3A_1267], %parallel_loop3A_1268 {add = true} : memref<2064xf32, #tpu.memory_space<vmem>>[vector<16xi32>], vector<16xf32>,
      %parallel_loop3A_1269 = arith.constant 1 : i32
      %parallel_loop3A_1270 = vector.broadcast %parallel_loop3A_1269 : i32 to vector<16xi32>
      %parallel_loop3A_1271 = arith.subi %parallel_loop3A_1259, %parallel_loop3A_1270 : vector<16xi32>
      %parallel_loop3A_1272 = arith.mulf %parallel_loop3A_1233, %parallel_loop3A_1258 : vector<16xf32>
      tpu.vector_store_idx %arg9[%parallel_loop3A_1271], %parallel_loop3A_1272 masked %parallel_loop3A_1241 {add = true} : memref<2064xf32, #tpu.memory_space<vmem>>[vector<16xi32>], vector<16xf32>, vector<16xi1>
      %parallel_loop3A_1273 = arith.constant 2 : i32
      %parallel_loop3A_1274 = vector.broadcast %parallel_loop3A_1273 : i32 to vector<16xi32>
      %parallel_loop3A_1275 = arith.subi %parallel_loop3A_1259, %parallel_loop3A_1274 : vector<16xi32>
      %parallel_loop3A_1276 = arith.mulf %parallel_loop3A_1238, %parallel_loop3A_1258 : vector<16xf32>
      tpu.vector_store_idx %arg9[%parallel_loop3A_1275], %parallel_loop3A_1276 masked %parallel_loop3A_1244 {add = true} : memref<2064xf32, #tpu.memory_space<vmem>>[vector<16xi32>], vector<16xf32>, vector<16xi1>
      %parallel_loop3A_1277 = arith.addf %parallel_loop3A_1175, %parallel_loop3A_1187 : vector<16xf32>
      scf.yield %parallel_loop3A_1277 : vector<16xf32>
    } {sc.loop_unroll_factor = 2 : i64, sc.parallel_access}
    %parallel_loop3A_77 = arith.constant 0 : i32
    %parallel_loop3A_78 = arith.constant 256 : i32
    %parallel_loop3A_79 = arith.constant 1 : i32
    scf.for %parallel_loop3A_864 = %parallel_loop3A_77 to %parallel_loop3A_78 step %parallel_loop3A_79  : i32 {
      %parallel_loop3A_865 = arith.constant 6 : i32
      %parallel_loop3A_866 = arith.shrui %parallel_loop3A_864, %parallel_loop3A_865 : i32
      %parallel_loop3A_867 = arith.constant 63 : i32
      %parallel_loop3A_868 = arith.andi %parallel_loop3A_864, %parallel_loop3A_867 : i32
      %parallel_loop3A_869 = arith.index_cast %parallel_loop3A_866 : i32 to index
      %parallel_loop3A_870 = arith.index_cast %parallel_loop3A_868 : i32 to index
      %parallel_loop3A_871 = arith.constant 0 : index
      %parallel_loop3A_872 = tpu.vector_load %arg7[%parallel_loop3A_869, %parallel_loop3A_870, %parallel_loop3A_871] {strides = array<i32>} : memref<4x64x64xf32, #tpu.memory_space<vmem>>, vector<16xf32>,
      %parallel_loop3A_873 = arith.index_cast %parallel_loop3A_866 : i32 to index
      %parallel_loop3A_874 = arith.index_cast %parallel_loop3A_868 : i32 to index
      %parallel_loop3A_875 = arith.constant 0 : index
      %parallel_loop3A_876 = tpu.vector_load %arg8[%parallel_loop3A_873, %parallel_loop3A_874, %parallel_loop3A_875] {strides = array<i32>} : memref<4x64x64xf32, #tpu.memory_space<vmem>>, vector<16xf32>,
      %parallel_loop3A_877 = arith.constant 66.6666641 : f32
      %parallel_loop3A_878 = vector.broadcast %parallel_loop3A_877 : f32 to vector<16xf32>
      %parallel_loop3A_879 = arith.mulf %parallel_loop3A_872, %parallel_loop3A_878 : vector<16xf32>
      %parallel_loop3A_880 = arith.fptosi %parallel_loop3A_879 : vector<16xf32> to vector<16xi32>
      %parallel_loop3A_881 = arith.constant 96 : i32
      %parallel_loop3A_882 = vector.broadcast %parallel_loop3A_881 : i32 to vector<16xi32>
      %parallel_loop3A_883 = arith.minsi %parallel_loop3A_880, %parallel_loop3A_882 : vector<16xi32>
      %parallel_loop3A_884 = arith.sitofp %parallel_loop3A_883 : vector<16xi32> to vector<16xf32>
      %parallel_loop3A_885 = arith.subf %parallel_loop3A_879, %parallel_loop3A_884 : vector<16xf32>
      %parallel_loop3A_886 = arith.constant 2.000000e+00 : f32
      %parallel_loop3A_887 = vector.broadcast %parallel_loop3A_886 : f32 to vector<16xf32>
      %parallel_loop3A_888 = arith.mulf %parallel_loop3A_885, %parallel_loop3A_887 : vector<16xf32>
      %parallel_loop3A_889 = arith.constant 1.000000e+00 : f32
      %parallel_loop3A_890 = vector.broadcast %parallel_loop3A_889 : f32 to vector<16xf32>
      %parallel_loop3A_891 = arith.subf %parallel_loop3A_888, %parallel_loop3A_890 : vector<16xf32>
      %parallel_loop3A_892 = arith.mulf %parallel_loop3A_891, %parallel_loop3A_891 : vector<16xf32>
      %parallel_loop3A_893 = arith.constant -5.000000e-01 : f32
      %parallel_loop3A_894 = vector.broadcast %parallel_loop3A_893 : f32 to vector<16xf32>
      %parallel_loop3A_895 = arith.mulf %parallel_loop3A_894, %parallel_loop3A_892 : vector<16xf32>
      %parallel_loop3A_896 = math.exp %parallel_loop3A_895 : vector<16xf32>
      %parallel_loop3A_897 = arith.addf %parallel_loop3A_891, %parallel_loop3A_891 : vector<16xf32>
      %parallel_loop3A_898 = math.exp %parallel_loop3A_897 : vector<16xf32>
      %parallel_loop3A_899 = arith.constant 1.000000e+00 : f32
      %parallel_loop3A_900 = vector.broadcast %parallel_loop3A_899 : f32 to vector<16xf32>
      %parallel_loop3A_901 = arith.divf %parallel_loop3A_900, %parallel_loop3A_898 : vector<16xf32>
      %parallel_loop3A_902 = arith.constant 0.135335281 : f32
      %parallel_loop3A_903 = vector.broadcast %parallel_loop3A_902 : f32 to vector<16xf32>
      %parallel_loop3A_904 = arith.mulf %parallel_loop3A_898, %parallel_loop3A_903 : vector<16xf32>
      %parallel_loop3A_905 = arith.mulf %parallel_loop3A_896, %parallel_loop3A_904 : vector<16xf32>
      %parallel_loop3A_906 = arith.mulf %parallel_loop3A_898, %parallel_loop3A_898 : vector<16xf32>
      %parallel_loop3A_907 = arith.constant 3.35462624E-4 : f32
      %parallel_loop3A_908 = vector.broadcast %parallel_loop3A_907 : f32 to vector<16xf32>
      %parallel_loop3A_909 = arith.mulf %parallel_loop3A_906, %parallel_loop3A_908 : vector<16xf32>
      %parallel_loop3A_910 = arith.mulf %parallel_loop3A_896, %parallel_loop3A_909 : vector<16xf32>
      %parallel_loop3A_911 = arith.constant 0.135335281 : f32
      %parallel_loop3A_912 = vector.broadcast %parallel_loop3A_911 : f32 to vector<16xf32>
      %parallel_loop3A_913 = arith.mulf %parallel_loop3A_901, %parallel_loop3A_912 : vector<16xf32>
      %parallel_loop3A_914 = arith.mulf %parallel_loop3A_896, %parallel_loop3A_913 : vector<16xf32>
      %parallel_loop3A_915 = arith.mulf %parallel_loop3A_901, %parallel_loop3A_901 : vector<16xf32>
      %parallel_loop3A_916 = arith.constant 3.35462624E-4 : f32
      %parallel_loop3A_917 = vector.broadcast %parallel_loop3A_916 : f32 to vector<16xf32>
      %parallel_loop3A_918 = arith.mulf %parallel_loop3A_915, %parallel_loop3A_917 : vector<16xf32>
      %parallel_loop3A_919 = arith.mulf %parallel_loop3A_896, %parallel_loop3A_918 : vector<16xf32>
      %parallel_loop3A_920 = arith.constant 1 : i32
      %parallel_loop3A_921 = vector.broadcast %parallel_loop3A_920 : i32 to vector<16xi32>
      %parallel_loop3A_922 = arith.cmpi sge, %parallel_loop3A_883, %parallel_loop3A_921 : vector<16xi32>
      %parallel_loop3A_923 = arith.constant 2 : i32
      %parallel_loop3A_924 = vector.broadcast %parallel_loop3A_923 : i32 to vector<16xi32>
      %parallel_loop3A_925 = arith.cmpi sge, %parallel_loop3A_883, %parallel_loop3A_924 : vector<16xi32>
      %parallel_loop3A_926 = arith.addf %parallel_loop3A_896, %parallel_loop3A_905 : vector<16xf32>
      %parallel_loop3A_927 = arith.addf %parallel_loop3A_926, %parallel_loop3A_910 : vector<16xf32>
      %parallel_loop3A_928 = arith.constant 0.000000e+00 : f32
      %parallel_loop3A_929 = vector.broadcast %parallel_loop3A_928 : f32 to vector<16xf32>
      %parallel_loop3A_930 = arith.select %parallel_loop3A_922, %parallel_loop3A_914, %parallel_loop3A_929 : vector<16xi1>, vector<16xf32>
      %parallel_loop3A_931 = arith.constant 0.000000e+00 : f32
      %parallel_loop3A_932 = vector.broadcast %parallel_loop3A_931 : f32 to vector<16xf32>
      %parallel_loop3A_933 = arith.select %parallel_loop3A_925, %parallel_loop3A_919, %parallel_loop3A_932 : vector<16xi1>, vector<16xf32>
      %parallel_loop3A_934 = arith.addf %parallel_loop3A_930, %parallel_loop3A_933 : vector<16xf32>
      %parallel_loop3A_935 = arith.addf %parallel_loop3A_927, %parallel_loop3A_934 : vector<16xf32>
      %parallel_loop3A_936 = arith.constant 9.99999993E-9 : f32
      %parallel_loop3A_937 = vector.broadcast %parallel_loop3A_936 : f32 to vector<16xf32>
      %parallel_loop3A_938 = arith.addf %parallel_loop3A_935, %parallel_loop3A_937 : vector<16xf32>
      %parallel_loop3A_939 = arith.divf %parallel_loop3A_876, %parallel_loop3A_938 : vector<16xf32>
      %parallel_loop3A_940 = arith.addi %mul3A_71, %parallel_loop3A_883 : vector<16xi32>
      %parallel_loop3A_941 = arith.mulf %parallel_loop3A_896, %parallel_loop3A_939 : vector<16xf32>
      tpu.vector_store_idx %arg10[%parallel_loop3A_940], %parallel_loop3A_941 {add = true} : memref<2064xf32, #tpu.memory_space<vmem>>[vector<16xi32>], vector<16xf32>,
      %parallel_loop3A_942 = arith.constant 1 : i32
      %parallel_loop3A_943 = vector.broadcast %parallel_loop3A_942 : i32 to vector<16xi32>
      %parallel_loop3A_944 = arith.addi %parallel_loop3A_940, %parallel_loop3A_943 : vector<16xi32>
      %parallel_loop3A_945 = arith.mulf %parallel_loop3A_905, %parallel_loop3A_939 : vector<16xf32>
      tpu.vector_store_idx %arg10[%parallel_loop3A_944], %parallel_loop3A_945 {add = true} : memref<2064xf32, #tpu.memory_space<vmem>>[vector<16xi32>], vector<16xf32>,
      %parallel_loop3A_946 = arith.constant 2 : i32
      %parallel_loop3A_947 = vector.broadcast %parallel_loop3A_946 : i32 to vector<16xi32>
      %parallel_loop3A_948 = arith.addi %parallel_loop3A_940, %parallel_loop3A_947 : vector<16xi32>
      %parallel_loop3A_949 = arith.mulf %parallel_loop3A_910, %parallel_loop3A_939 : vector<16xf32>
      tpu.vector_store_idx %arg10[%parallel_loop3A_948], %parallel_loop3A_949 {add = true} : memref<2064xf32, #tpu.memory_space<vmem>>[vector<16xi32>], vector<16xf32>,
      %parallel_loop3A_950 = arith.constant 1 : i32
      %parallel_loop3A_951 = vector.broadcast %parallel_loop3A_950 : i32 to vector<16xi32>
      %parallel_loop3A_952 = arith.subi %parallel_loop3A_940, %parallel_loop3A_951 : vector<16xi32>
      %parallel_loop3A_953 = arith.mulf %parallel_loop3A_914, %parallel_loop3A_939 : vector<16xf32>
      tpu.vector_store_idx %arg10[%parallel_loop3A_952], %parallel_loop3A_953 masked %parallel_loop3A_922 {add = true} : memref<2064xf32, #tpu.memory_space<vmem>>[vector<16xi32>], vector<16xf32>, vector<16xi1>
      %parallel_loop3A_954 = arith.constant 2 : i32
      %parallel_loop3A_955 = vector.broadcast %parallel_loop3A_954 : i32 to vector<16xi32>
      %parallel_loop3A_956 = arith.subi %parallel_loop3A_940, %parallel_loop3A_955 : vector<16xi32>
      %parallel_loop3A_957 = arith.mulf %parallel_loop3A_919, %parallel_loop3A_939 : vector<16xf32>
      tpu.vector_store_idx %arg10[%parallel_loop3A_956], %parallel_loop3A_957 masked %parallel_loop3A_925 {add = true} : memref<2064xf32, #tpu.memory_space<vmem>>[vector<16xi32>], vector<16xf32>, vector<16xi1>
      %parallel_loop3A_958 = arith.index_cast %parallel_loop3A_866 : i32 to index
      %parallel_loop3A_959 = arith.index_cast %parallel_loop3A_868 : i32 to index
      %parallel_loop3A_960 = arith.constant 16 : index
      %parallel_loop3A_961 = tpu.vector_load %arg7[%parallel_loop3A_958, %parallel_loop3A_959, %parallel_loop3A_960] {strides = array<i32>} : memref<4x64x64xf32, #tpu.memory_space<vmem>>, vector<16xf32>,
      %parallel_loop3A_962 = arith.index_cast %parallel_loop3A_866 : i32 to index
      %parallel_loop3A_963 = arith.index_cast %parallel_loop3A_868 : i32 to index
      %parallel_loop3A_964 = arith.constant 16 : index
      %parallel_loop3A_965 = tpu.vector_load %arg8[%parallel_loop3A_962, %parallel_loop3A_963, %parallel_loop3A_964] {strides = array<i32>} : memref<4x64x64xf32, #tpu.memory_space<vmem>>, vector<16xf32>,
      %parallel_loop3A_966 = arith.constant 66.6666641 : f32
      %parallel_loop3A_967 = vector.broadcast %parallel_loop3A_966 : f32 to vector<16xf32>
      %parallel_loop3A_968 = arith.mulf %parallel_loop3A_961, %parallel_loop3A_967 : vector<16xf32>
      %parallel_loop3A_969 = arith.fptosi %parallel_loop3A_968 : vector<16xf32> to vector<16xi32>
      %parallel_loop3A_970 = arith.constant 96 : i32
      %parallel_loop3A_971 = vector.broadcast %parallel_loop3A_970 : i32 to vector<16xi32>
      %parallel_loop3A_972 = arith.minsi %parallel_loop3A_969, %parallel_loop3A_971 : vector<16xi32>
      %parallel_loop3A_973 = arith.sitofp %parallel_loop3A_972 : vector<16xi32> to vector<16xf32>
      %parallel_loop3A_974 = arith.subf %parallel_loop3A_968, %parallel_loop3A_973 : vector<16xf32>
      %parallel_loop3A_975 = arith.constant 2.000000e+00 : f32
      %parallel_loop3A_976 = vector.broadcast %parallel_loop3A_975 : f32 to vector<16xf32>
      %parallel_loop3A_977 = arith.mulf %parallel_loop3A_974, %parallel_loop3A_976 : vector<16xf32>
      %parallel_loop3A_978 = arith.constant 1.000000e+00 : f32
      %parallel_loop3A_979 = vector.broadcast %parallel_loop3A_978 : f32 to vector<16xf32>
      %parallel_loop3A_980 = arith.subf %parallel_loop3A_977, %parallel_loop3A_979 : vector<16xf32>
      %parallel_loop3A_981 = arith.mulf %parallel_loop3A_980, %parallel_loop3A_980 : vector<16xf32>
      %parallel_loop3A_982 = arith.constant -5.000000e-01 : f32
      %parallel_loop3A_983 = vector.broadcast %parallel_loop3A_982 : f32 to vector<16xf32>
      %parallel_loop3A_984 = arith.mulf %parallel_loop3A_983, %parallel_loop3A_981 : vector<16xf32>
      %parallel_loop3A_985 = math.exp %parallel_loop3A_984 : vector<16xf32>
      %parallel_loop3A_986 = arith.addf %parallel_loop3A_980, %parallel_loop3A_980 : vector<16xf32>
      %parallel_loop3A_987 = math.exp %parallel_loop3A_986 : vector<16xf32>
      %parallel_loop3A_988 = arith.constant 1.000000e+00 : f32
      %parallel_loop3A_989 = vector.broadcast %parallel_loop3A_988 : f32 to vector<16xf32>
      %parallel_loop3A_990 = arith.divf %parallel_loop3A_989, %parallel_loop3A_987 : vector<16xf32>
      %parallel_loop3A_991 = arith.constant 0.135335281 : f32
      %parallel_loop3A_992 = vector.broadcast %parallel_loop3A_991 : f32 to vector<16xf32>
      %parallel_loop3A_993 = arith.mulf %parallel_loop3A_987, %parallel_loop3A_992 : vector<16xf32>
      %parallel_loop3A_994 = arith.mulf %parallel_loop3A_985, %parallel_loop3A_993 : vector<16xf32>
      %parallel_loop3A_995 = arith.mulf %parallel_loop3A_987, %parallel_loop3A_987 : vector<16xf32>
      %parallel_loop3A_996 = arith.constant 3.35462624E-4 : f32
      %parallel_loop3A_997 = vector.broadcast %parallel_loop3A_996 : f32 to vector<16xf32>
      %parallel_loop3A_998 = arith.mulf %parallel_loop3A_995, %parallel_loop3A_997 : vector<16xf32>
      %parallel_loop3A_999 = arith.mulf %parallel_loop3A_985, %parallel_loop3A_998 : vector<16xf32>
      %parallel_loop3A_1000 = arith.constant 0.135335281 : f32
      %parallel_loop3A_1001 = vector.broadcast %parallel_loop3A_1000 : f32 to vector<16xf32>
      %parallel_loop3A_1002 = arith.mulf %parallel_loop3A_990, %parallel_loop3A_1001 : vector<16xf32>
      %parallel_loop3A_1003 = arith.mulf %parallel_loop3A_985, %parallel_loop3A_1002 : vector<16xf32>
      %parallel_loop3A_1004 = arith.mulf %parallel_loop3A_990, %parallel_loop3A_990 : vector<16xf32>
      %parallel_loop3A_1005 = arith.constant 3.35462624E-4 : f32
      %parallel_loop3A_1006 = vector.broadcast %parallel_loop3A_1005 : f32 to vector<16xf32>
      %parallel_loop3A_1007 = arith.mulf %parallel_loop3A_1004, %parallel_loop3A_1006 : vector<16xf32>
      %parallel_loop3A_1008 = arith.mulf %parallel_loop3A_985, %parallel_loop3A_1007 : vector<16xf32>
      %parallel_loop3A_1009 = arith.constant 1 : i32
      %parallel_loop3A_1010 = vector.broadcast %parallel_loop3A_1009 : i32 to vector<16xi32>
      %parallel_loop3A_1011 = arith.cmpi sge, %parallel_loop3A_972, %parallel_loop3A_1010 : vector<16xi32>
      %parallel_loop3A_1012 = arith.constant 2 : i32
      %parallel_loop3A_1013 = vector.broadcast %parallel_loop3A_1012 : i32 to vector<16xi32>
      %parallel_loop3A_1014 = arith.cmpi sge, %parallel_loop3A_972, %parallel_loop3A_1013 : vector<16xi32>
      %parallel_loop3A_1015 = arith.addf %parallel_loop3A_985, %parallel_loop3A_994 : vector<16xf32>
      %parallel_loop3A_1016 = arith.addf %parallel_loop3A_1015, %parallel_loop3A_999 : vector<16xf32>
      %parallel_loop3A_1017 = arith.constant 0.000000e+00 : f32
      %parallel_loop3A_1018 = vector.broadcast %parallel_loop3A_1017 : f32 to vector<16xf32>
      %parallel_loop3A_1019 = arith.select %parallel_loop3A_1011, %parallel_loop3A_1003, %parallel_loop3A_1018 : vector<16xi1>, vector<16xf32>
      %parallel_loop3A_1020 = arith.constant 0.000000e+00 : f32
      %parallel_loop3A_1021 = vector.broadcast %parallel_loop3A_1020 : f32 to vector<16xf32>
      %parallel_loop3A_1022 = arith.select %parallel_loop3A_1014, %parallel_loop3A_1008, %parallel_loop3A_1021 : vector<16xi1>, vector<16xf32>
      %parallel_loop3A_1023 = arith.addf %parallel_loop3A_1019, %parallel_loop3A_1022 : vector<16xf32>
      %parallel_loop3A_1024 = arith.addf %parallel_loop3A_1016, %parallel_loop3A_1023 : vector<16xf32>
      %parallel_loop3A_1025 = arith.constant 9.99999993E-9 : f32
      %parallel_loop3A_1026 = vector.broadcast %parallel_loop3A_1025 : f32 to vector<16xf32>
      %parallel_loop3A_1027 = arith.addf %parallel_loop3A_1024, %parallel_loop3A_1026 : vector<16xf32>
      %parallel_loop3A_1028 = arith.divf %parallel_loop3A_965, %parallel_loop3A_1027 : vector<16xf32>
      %parallel_loop3A_1029 = arith.addi %mul3A_71, %parallel_loop3A_972 : vector<16xi32>
      %parallel_loop3A_1030 = arith.mulf %parallel_loop3A_985, %parallel_loop3A_1028 : vector<16xf32>
      tpu.vector_store_idx %arg10[%parallel_loop3A_1029], %parallel_loop3A_1030 {add = true} : memref<2064xf32, #tpu.memory_space<vmem>>[vector<16xi32>], vector<16xf32>,
      %parallel_loop3A_1031 = arith.constant 1 : i32
      %parallel_loop3A_1032 = vector.broadcast %parallel_loop3A_1031 : i32 to vector<16xi32>
      %parallel_loop3A_1033 = arith.addi %parallel_loop3A_1029, %parallel_loop3A_1032 : vector<16xi32>
      %parallel_loop3A_1034 = arith.mulf %parallel_loop3A_994, %parallel_loop3A_1028 : vector<16xf32>
      tpu.vector_store_idx %arg10[%parallel_loop3A_1033], %parallel_loop3A_1034 {add = true} : memref<2064xf32, #tpu.memory_space<vmem>>[vector<16xi32>], vector<16xf32>,
      %parallel_loop3A_1035 = arith.constant 2 : i32
      %parallel_loop3A_1036 = vector.broadcast %parallel_loop3A_1035 : i32 to vector<16xi32>
      %parallel_loop3A_1037 = arith.addi %parallel_loop3A_1029, %parallel_loop3A_1036 : vector<16xi32>
      %parallel_loop3A_1038 = arith.mulf %parallel_loop3A_999, %parallel_loop3A_1028 : vector<16xf32>
      tpu.vector_store_idx %arg10[%parallel_loop3A_1037], %parallel_loop3A_1038 {add = true} : memref<2064xf32, #tpu.memory_space<vmem>>[vector<16xi32>], vector<16xf32>,
      %parallel_loop3A_1039 = arith.constant 1 : i32
      %parallel_loop3A_1040 = vector.broadcast %parallel_loop3A_1039 : i32 to vector<16xi32>
      %parallel_loop3A_1041 = arith.subi %parallel_loop3A_1029, %parallel_loop3A_1040 : vector<16xi32>
      %parallel_loop3A_1042 = arith.mulf %parallel_loop3A_1003, %parallel_loop3A_1028 : vector<16xf32>
      tpu.vector_store_idx %arg10[%parallel_loop3A_1041], %parallel_loop3A_1042 masked %parallel_loop3A_1011 {add = true} : memref<2064xf32, #tpu.memory_space<vmem>>[vector<16xi32>], vector<16xf32>, vector<16xi1>
      %parallel_loop3A_1043 = arith.constant 2 : i32
      %parallel_loop3A_1044 = vector.broadcast %parallel_loop3A_1043 : i32 to vector<16xi32>
      %parallel_loop3A_1045 = arith.subi %parallel_loop3A_1029, %parallel_loop3A_1044 : vector<16xi32>
      %parallel_loop3A_1046 = arith.mulf %parallel_loop3A_1008, %parallel_loop3A_1028 : vector<16xf32>
      tpu.vector_store_idx %arg10[%parallel_loop3A_1045], %parallel_loop3A_1046 masked %parallel_loop3A_1014 {add = true} : memref<2064xf32, #tpu.memory_space<vmem>>[vector<16xi32>], vector<16xf32>, vector<16xi1>
      %parallel_loop3A_1047 = arith.index_cast %parallel_loop3A_866 : i32 to index
      %parallel_loop3A_1048 = arith.index_cast %parallel_loop3A_868 : i32 to index
      %parallel_loop3A_1049 = arith.constant 32 : index
      %parallel_loop3A_1050 = tpu.vector_load %arg7[%parallel_loop3A_1047, %parallel_loop3A_1048, %parallel_loop3A_1049] {strides = array<i32>} : memref<4x64x64xf32, #tpu.memory_space<vmem>>, vector<16xf32>,
      %parallel_loop3A_1051 = arith.index_cast %parallel_loop3A_866 : i32 to index
      %parallel_loop3A_1052 = arith.index_cast %parallel_loop3A_868 : i32 to index
      %parallel_loop3A_1053 = arith.constant 32 : index
      %parallel_loop3A_1054 = tpu.vector_load %arg8[%parallel_loop3A_1051, %parallel_loop3A_1052, %parallel_loop3A_1053] {strides = array<i32>} : memref<4x64x64xf32, #tpu.memory_space<vmem>>, vector<16xf32>,
      %parallel_loop3A_1055 = arith.constant 66.6666641 : f32
      %parallel_loop3A_1056 = vector.broadcast %parallel_loop3A_1055 : f32 to vector<16xf32>
      %parallel_loop3A_1057 = arith.mulf %parallel_loop3A_1050, %parallel_loop3A_1056 : vector<16xf32>
      %parallel_loop3A_1058 = arith.fptosi %parallel_loop3A_1057 : vector<16xf32> to vector<16xi32>
      %parallel_loop3A_1059 = arith.constant 96 : i32
      %parallel_loop3A_1060 = vector.broadcast %parallel_loop3A_1059 : i32 to vector<16xi32>
      %parallel_loop3A_1061 = arith.minsi %parallel_loop3A_1058, %parallel_loop3A_1060 : vector<16xi32>
      %parallel_loop3A_1062 = arith.sitofp %parallel_loop3A_1061 : vector<16xi32> to vector<16xf32>
      %parallel_loop3A_1063 = arith.subf %parallel_loop3A_1057, %parallel_loop3A_1062 : vector<16xf32>
      %parallel_loop3A_1064 = arith.constant 2.000000e+00 : f32
      %parallel_loop3A_1065 = vector.broadcast %parallel_loop3A_1064 : f32 to vector<16xf32>
      %parallel_loop3A_1066 = arith.mulf %parallel_loop3A_1063, %parallel_loop3A_1065 : vector<16xf32>
      %parallel_loop3A_1067 = arith.constant 1.000000e+00 : f32
      %parallel_loop3A_1068 = vector.broadcast %parallel_loop3A_1067 : f32 to vector<16xf32>
      %parallel_loop3A_1069 = arith.subf %parallel_loop3A_1066, %parallel_loop3A_1068 : vector<16xf32>
      %parallel_loop3A_1070 = arith.mulf %parallel_loop3A_1069, %parallel_loop3A_1069 : vector<16xf32>
      %parallel_loop3A_1071 = arith.constant -5.000000e-01 : f32
      %parallel_loop3A_1072 = vector.broadcast %parallel_loop3A_1071 : f32 to vector<16xf32>
      %parallel_loop3A_1073 = arith.mulf %parallel_loop3A_1072, %parallel_loop3A_1070 : vector<16xf32>
      %parallel_loop3A_1074 = math.exp %parallel_loop3A_1073 : vector<16xf32>
      %parallel_loop3A_1075 = arith.addf %parallel_loop3A_1069, %parallel_loop3A_1069 : vector<16xf32>
      %parallel_loop3A_1076 = math.exp %parallel_loop3A_1075 : vector<16xf32>
      %parallel_loop3A_1077 = arith.constant 1.000000e+00 : f32
      %parallel_loop3A_1078 = vector.broadcast %parallel_loop3A_1077 : f32 to vector<16xf32>
      %parallel_loop3A_1079 = arith.divf %parallel_loop3A_1078, %parallel_loop3A_1076 : vector<16xf32>
      %parallel_loop3A_1080 = arith.constant 0.135335281 : f32
      %parallel_loop3A_1081 = vector.broadcast %parallel_loop3A_1080 : f32 to vector<16xf32>
      %parallel_loop3A_1082 = arith.mulf %parallel_loop3A_1076, %parallel_loop3A_1081 : vector<16xf32>
      %parallel_loop3A_1083 = arith.mulf %parallel_loop3A_1074, %parallel_loop3A_1082 : vector<16xf32>
      %parallel_loop3A_1084 = arith.mulf %parallel_loop3A_1076, %parallel_loop3A_1076 : vector<16xf32>
      %parallel_loop3A_1085 = arith.constant 3.35462624E-4 : f32
      %parallel_loop3A_1086 = vector.broadcast %parallel_loop3A_1085 : f32 to vector<16xf32>
      %parallel_loop3A_1087 = arith.mulf %parallel_loop3A_1084, %parallel_loop3A_1086 : vector<16xf32>
      %parallel_loop3A_1088 = arith.mulf %parallel_loop3A_1074, %parallel_loop3A_1087 : vector<16xf32>
      %parallel_loop3A_1089 = arith.constant 0.135335281 : f32
      %parallel_loop3A_1090 = vector.broadcast %parallel_loop3A_1089 : f32 to vector<16xf32>
      %parallel_loop3A_1091 = arith.mulf %parallel_loop3A_1079, %parallel_loop3A_1090 : vector<16xf32>
      %parallel_loop3A_1092 = arith.mulf %parallel_loop3A_1074, %parallel_loop3A_1091 : vector<16xf32>
      %parallel_loop3A_1093 = arith.mulf %parallel_loop3A_1079, %parallel_loop3A_1079 : vector<16xf32>
      %parallel_loop3A_1094 = arith.constant 3.35462624E-4 : f32
      %parallel_loop3A_1095 = vector.broadcast %parallel_loop3A_1094 : f32 to vector<16xf32>
      %parallel_loop3A_1096 = arith.mulf %parallel_loop3A_1093, %parallel_loop3A_1095 : vector<16xf32>
      %parallel_loop3A_1097 = arith.mulf %parallel_loop3A_1074, %parallel_loop3A_1096 : vector<16xf32>
      %parallel_loop3A_1098 = arith.constant 1 : i32
      %parallel_loop3A_1099 = vector.broadcast %parallel_loop3A_1098 : i32 to vector<16xi32>
      %parallel_loop3A_1100 = arith.cmpi sge, %parallel_loop3A_1061, %parallel_loop3A_1099 : vector<16xi32>
      %parallel_loop3A_1101 = arith.constant 2 : i32
      %parallel_loop3A_1102 = vector.broadcast %parallel_loop3A_1101 : i32 to vector<16xi32>
      %parallel_loop3A_1103 = arith.cmpi sge, %parallel_loop3A_1061, %parallel_loop3A_1102 : vector<16xi32>
      %parallel_loop3A_1104 = arith.addf %parallel_loop3A_1074, %parallel_loop3A_1083 : vector<16xf32>
      %parallel_loop3A_1105 = arith.addf %parallel_loop3A_1104, %parallel_loop3A_1088 : vector<16xf32>
      %parallel_loop3A_1106 = arith.constant 0.000000e+00 : f32
      %parallel_loop3A_1107 = vector.broadcast %parallel_loop3A_1106 : f32 to vector<16xf32>
      %parallel_loop3A_1108 = arith.select %parallel_loop3A_1100, %parallel_loop3A_1092, %parallel_loop3A_1107 : vector<16xi1>, vector<16xf32>
      %parallel_loop3A_1109 = arith.constant 0.000000e+00 : f32
      %parallel_loop3A_1110 = vector.broadcast %parallel_loop3A_1109 : f32 to vector<16xf32>
      %parallel_loop3A_1111 = arith.select %parallel_loop3A_1103, %parallel_loop3A_1097, %parallel_loop3A_1110 : vector<16xi1>, vector<16xf32>
      %parallel_loop3A_1112 = arith.addf %parallel_loop3A_1108, %parallel_loop3A_1111 : vector<16xf32>
      %parallel_loop3A_1113 = arith.addf %parallel_loop3A_1105, %parallel_loop3A_1112 : vector<16xf32>
      %parallel_loop3A_1114 = arith.constant 9.99999993E-9 : f32
      %parallel_loop3A_1115 = vector.broadcast %parallel_loop3A_1114 : f32 to vector<16xf32>
      %parallel_loop3A_1116 = arith.addf %parallel_loop3A_1113, %parallel_loop3A_1115 : vector<16xf32>
      %parallel_loop3A_1117 = arith.divf %parallel_loop3A_1054, %parallel_loop3A_1116 : vector<16xf32>
      %parallel_loop3A_1118 = arith.addi %mul3A_71, %parallel_loop3A_1061 : vector<16xi32>
      %parallel_loop3A_1119 = arith.mulf %parallel_loop3A_1074, %parallel_loop3A_1117 : vector<16xf32>
      tpu.vector_store_idx %arg10[%parallel_loop3A_1118], %parallel_loop3A_1119 {add = true} : memref<2064xf32, #tpu.memory_space<vmem>>[vector<16xi32>], vector<16xf32>,
      %parallel_loop3A_1120 = arith.constant 1 : i32
      %parallel_loop3A_1121 = vector.broadcast %parallel_loop3A_1120 : i32 to vector<16xi32>
      %parallel_loop3A_1122 = arith.addi %parallel_loop3A_1118, %parallel_loop3A_1121 : vector<16xi32>
      %parallel_loop3A_1123 = arith.mulf %parallel_loop3A_1083, %parallel_loop3A_1117 : vector<16xf32>
      tpu.vector_store_idx %arg10[%parallel_loop3A_1122], %parallel_loop3A_1123 {add = true} : memref<2064xf32, #tpu.memory_space<vmem>>[vector<16xi32>], vector<16xf32>,
      %parallel_loop3A_1124 = arith.constant 2 : i32
      %parallel_loop3A_1125 = vector.broadcast %parallel_loop3A_1124 : i32 to vector<16xi32>
      %parallel_loop3A_1126 = arith.addi %parallel_loop3A_1118, %parallel_loop3A_1125 : vector<16xi32>
      %parallel_loop3A_1127 = arith.mulf %parallel_loop3A_1088, %parallel_loop3A_1117 : vector<16xf32>
      tpu.vector_store_idx %arg10[%parallel_loop3A_1126], %parallel_loop3A_1127 {add = true} : memref<2064xf32, #tpu.memory_space<vmem>>[vector<16xi32>], vector<16xf32>,
      %parallel_loop3A_1128 = arith.constant 1 : i32
      %parallel_loop3A_1129 = vector.broadcast %parallel_loop3A_1128 : i32 to vector<16xi32>
      %parallel_loop3A_1130 = arith.subi %parallel_loop3A_1118, %parallel_loop3A_1129 : vector<16xi32>
      %parallel_loop3A_1131 = arith.mulf %parallel_loop3A_1092, %parallel_loop3A_1117 : vector<16xf32>
      tpu.vector_store_idx %arg10[%parallel_loop3A_1130], %parallel_loop3A_1131 masked %parallel_loop3A_1100 {add = true} : memref<2064xf32, #tpu.memory_space<vmem>>[vector<16xi32>], vector<16xf32>, vector<16xi1>
      %parallel_loop3A_1132 = arith.constant 2 : i32
      %parallel_loop3A_1133 = vector.broadcast %parallel_loop3A_1132 : i32 to vector<16xi32>
      %parallel_loop3A_1134 = arith.subi %parallel_loop3A_1118, %parallel_loop3A_1133 : vector<16xi32>
      %parallel_loop3A_1135 = arith.mulf %parallel_loop3A_1097, %parallel_loop3A_1117 : vector<16xf32>
      tpu.vector_store_idx %arg10[%parallel_loop3A_1134], %parallel_loop3A_1135 masked %parallel_loop3A_1103 {add = true} : memref<2064xf32, #tpu.memory_space<vmem>>[vector<16xi32>], vector<16xf32>, vector<16xi1>
      %parallel_loop3A_1136 = arith.index_cast %parallel_loop3A_866 : i32 to index
      %parallel_loop3A_1137 = arith.index_cast %parallel_loop3A_868 : i32 to index
      %parallel_loop3A_1138 = arith.constant 48 : index
      %parallel_loop3A_1139 = tpu.vector_load %arg7[%parallel_loop3A_1136, %parallel_loop3A_1137, %parallel_loop3A_1138] {strides = array<i32>} : memref<4x64x64xf32, #tpu.memory_space<vmem>>, vector<16xf32>,
      %parallel_loop3A_1140 = arith.index_cast %parallel_loop3A_866 : i32 to index
      %parallel_loop3A_1141 = arith.index_cast %parallel_loop3A_868 : i32 to index
      %parallel_loop3A_1142 = arith.constant 48 : index
      %parallel_loop3A_1143 = tpu.vector_load %arg8[%parallel_loop3A_1140, %parallel_loop3A_1141, %parallel_loop3A_1142] {strides = array<i32>} : memref<4x64x64xf32, #tpu.memory_space<vmem>>, vector<16xf32>,
      %parallel_loop3A_1144 = arith.constant 66.6666641 : f32
      %parallel_loop3A_1145 = vector.broadcast %parallel_loop3A_1144 : f32 to vector<16xf32>
      %parallel_loop3A_1146 = arith.mulf %parallel_loop3A_1139, %parallel_loop3A_1145 : vector<16xf32>
      %parallel_loop3A_1147 = arith.fptosi %parallel_loop3A_1146 : vector<16xf32> to vector<16xi32>
      %parallel_loop3A_1148 = arith.constant 96 : i32
      %parallel_loop3A_1149 = vector.broadcast %parallel_loop3A_1148 : i32 to vector<16xi32>
      %parallel_loop3A_1150 = arith.minsi %parallel_loop3A_1147, %parallel_loop3A_1149 : vector<16xi32>
      %parallel_loop3A_1151 = arith.sitofp %parallel_loop3A_1150 : vector<16xi32> to vector<16xf32>
      %parallel_loop3A_1152 = arith.subf %parallel_loop3A_1146, %parallel_loop3A_1151 : vector<16xf32>
      %parallel_loop3A_1153 = arith.constant 2.000000e+00 : f32
      %parallel_loop3A_1154 = vector.broadcast %parallel_loop3A_1153 : f32 to vector<16xf32>
      %parallel_loop3A_1155 = arith.mulf %parallel_loop3A_1152, %parallel_loop3A_1154 : vector<16xf32>
      %parallel_loop3A_1156 = arith.constant 1.000000e+00 : f32
      %parallel_loop3A_1157 = vector.broadcast %parallel_loop3A_1156 : f32 to vector<16xf32>
      %parallel_loop3A_1158 = arith.subf %parallel_loop3A_1155, %parallel_loop3A_1157 : vector<16xf32>
      %parallel_loop3A_1159 = arith.mulf %parallel_loop3A_1158, %parallel_loop3A_1158 : vector<16xf32>
      %parallel_loop3A_1160 = arith.constant -5.000000e-01 : f32
      %parallel_loop3A_1161 = vector.broadcast %parallel_loop3A_1160 : f32 to vector<16xf32>
      %parallel_loop3A_1162 = arith.mulf %parallel_loop3A_1161, %parallel_loop3A_1159 : vector<16xf32>
      %parallel_loop3A_1163 = math.exp %parallel_loop3A_1162 : vector<16xf32>
      %parallel_loop3A_1164 = arith.addf %parallel_loop3A_1158, %parallel_loop3A_1158 : vector<16xf32>
      %parallel_loop3A_1165 = math.exp %parallel_loop3A_1164 : vector<16xf32>
      %parallel_loop3A_1166 = arith.constant 1.000000e+00 : f32
      %parallel_loop3A_1167 = vector.broadcast %parallel_loop3A_1166 : f32 to vector<16xf32>
      %parallel_loop3A_1168 = arith.divf %parallel_loop3A_1167, %parallel_loop3A_1165 : vector<16xf32>
      %parallel_loop3A_1169 = arith.constant 0.135335281 : f32
      %parallel_loop3A_1170 = vector.broadcast %parallel_loop3A_1169 : f32 to vector<16xf32>
      %parallel_loop3A_1171 = arith.mulf %parallel_loop3A_1165, %parallel_loop3A_1170 : vector<16xf32>
      %parallel_loop3A_1172 = arith.mulf %parallel_loop3A_1163, %parallel_loop3A_1171 : vector<16xf32>
      %parallel_loop3A_1173 = arith.mulf %parallel_loop3A_1165, %parallel_loop3A_1165 : vector<16xf32>
      %parallel_loop3A_1174 = arith.constant 3.35462624E-4 : f32
      %parallel_loop3A_1175 = vector.broadcast %parallel_loop3A_1174 : f32 to vector<16xf32>
      %parallel_loop3A_1176 = arith.mulf %parallel_loop3A_1173, %parallel_loop3A_1175 : vector<16xf32>
      %parallel_loop3A_1177 = arith.mulf %parallel_loop3A_1163, %parallel_loop3A_1176 : vector<16xf32>
      %parallel_loop3A_1178 = arith.constant 0.135335281 : f32
      %parallel_loop3A_1179 = vector.broadcast %parallel_loop3A_1178 : f32 to vector<16xf32>
      %parallel_loop3A_1180 = arith.mulf %parallel_loop3A_1168, %parallel_loop3A_1179 : vector<16xf32>
      %parallel_loop3A_1181 = arith.mulf %parallel_loop3A_1163, %parallel_loop3A_1180 : vector<16xf32>
      %parallel_loop3A_1182 = arith.mulf %parallel_loop3A_1168, %parallel_loop3A_1168 : vector<16xf32>
      %parallel_loop3A_1183 = arith.constant 3.35462624E-4 : f32
      %parallel_loop3A_1184 = vector.broadcast %parallel_loop3A_1183 : f32 to vector<16xf32>
      %parallel_loop3A_1185 = arith.mulf %parallel_loop3A_1182, %parallel_loop3A_1184 : vector<16xf32>
      %parallel_loop3A_1186 = arith.mulf %parallel_loop3A_1163, %parallel_loop3A_1185 : vector<16xf32>
      %parallel_loop3A_1187 = arith.constant 1 : i32
      %parallel_loop3A_1188 = vector.broadcast %parallel_loop3A_1187 : i32 to vector<16xi32>
      %parallel_loop3A_1189 = arith.cmpi sge, %parallel_loop3A_1150, %parallel_loop3A_1188 : vector<16xi32>
      %parallel_loop3A_1190 = arith.constant 2 : i32
      %parallel_loop3A_1191 = vector.broadcast %parallel_loop3A_1190 : i32 to vector<16xi32>
      %parallel_loop3A_1192 = arith.cmpi sge, %parallel_loop3A_1150, %parallel_loop3A_1191 : vector<16xi32>
      %parallel_loop3A_1193 = arith.addf %parallel_loop3A_1163, %parallel_loop3A_1172 : vector<16xf32>
      %parallel_loop3A_1194 = arith.addf %parallel_loop3A_1193, %parallel_loop3A_1177 : vector<16xf32>
      %parallel_loop3A_1195 = arith.constant 0.000000e+00 : f32
      %parallel_loop3A_1196 = vector.broadcast %parallel_loop3A_1195 : f32 to vector<16xf32>
      %parallel_loop3A_1197 = arith.select %parallel_loop3A_1189, %parallel_loop3A_1181, %parallel_loop3A_1196 : vector<16xi1>, vector<16xf32>
      %parallel_loop3A_1198 = arith.constant 0.000000e+00 : f32
      %parallel_loop3A_1199 = vector.broadcast %parallel_loop3A_1198 : f32 to vector<16xf32>
      %parallel_loop3A_1200 = arith.select %parallel_loop3A_1192, %parallel_loop3A_1186, %parallel_loop3A_1199 : vector<16xi1>, vector<16xf32>
      %parallel_loop3A_1201 = arith.addf %parallel_loop3A_1197, %parallel_loop3A_1200 : vector<16xf32>
      %parallel_loop3A_1202 = arith.addf %parallel_loop3A_1194, %parallel_loop3A_1201 : vector<16xf32>
      %parallel_loop3A_1203 = arith.constant 9.99999993E-9 : f32
      %parallel_loop3A_1204 = vector.broadcast %parallel_loop3A_1203 : f32 to vector<16xf32>
      %parallel_loop3A_1205 = arith.addf %parallel_loop3A_1202, %parallel_loop3A_1204 : vector<16xf32>
      %parallel_loop3A_1206 = arith.divf %parallel_loop3A_1143, %parallel_loop3A_1205 : vector<16xf32>
      %parallel_loop3A_1207 = arith.addi %mul3A_71, %parallel_loop3A_1150 : vector<16xi32>
      %parallel_loop3A_1208 = arith.mulf %parallel_loop3A_1163, %parallel_loop3A_1206 : vector<16xf32>
      tpu.vector_store_idx %arg10[%parallel_loop3A_1207], %parallel_loop3A_1208 {add = true} : memref<2064xf32, #tpu.memory_space<vmem>>[vector<16xi32>], vector<16xf32>,
      %parallel_loop3A_1209 = arith.constant 1 : i32
      %parallel_loop3A_1210 = vector.broadcast %parallel_loop3A_1209 : i32 to vector<16xi32>
      %parallel_loop3A_1211 = arith.addi %parallel_loop3A_1207, %parallel_loop3A_1210 : vector<16xi32>
      %parallel_loop3A_1212 = arith.mulf %parallel_loop3A_1172, %parallel_loop3A_1206 : vector<16xf32>
      tpu.vector_store_idx %arg10[%parallel_loop3A_1211], %parallel_loop3A_1212 {add = true} : memref<2064xf32, #tpu.memory_space<vmem>>[vector<16xi32>], vector<16xf32>,
      %parallel_loop3A_1213 = arith.constant 2 : i32
      %parallel_loop3A_1214 = vector.broadcast %parallel_loop3A_1213 : i32 to vector<16xi32>
      %parallel_loop3A_1215 = arith.addi %parallel_loop3A_1207, %parallel_loop3A_1214 : vector<16xi32>
      %parallel_loop3A_1216 = arith.mulf %parallel_loop3A_1177, %parallel_loop3A_1206 : vector<16xf32>
      tpu.vector_store_idx %arg10[%parallel_loop3A_1215], %parallel_loop3A_1216 {add = true} : memref<2064xf32, #tpu.memory_space<vmem>>[vector<16xi32>], vector<16xf32>,
      %parallel_loop3A_1217 = arith.constant 1 : i32
      %parallel_loop3A_1218 = vector.broadcast %parallel_loop3A_1217 : i32 to vector<16xi32>
      %parallel_loop3A_1219 = arith.subi %parallel_loop3A_1207, %parallel_loop3A_1218 : vector<16xi32>
      %parallel_loop3A_1220 = arith.mulf %parallel_loop3A_1181, %parallel_loop3A_1206 : vector<16xf32>
      tpu.vector_store_idx %arg10[%parallel_loop3A_1219], %parallel_loop3A_1220 masked %parallel_loop3A_1189 {add = true} : memref<2064xf32, #tpu.memory_space<vmem>>[vector<16xi32>], vector<16xf32>, vector<16xi1>
      %parallel_loop3A_1221 = arith.constant 2 : i32
      %parallel_loop3A_1222 = vector.broadcast %parallel_loop3A_1221 : i32 to vector<16xi32>
      %parallel_loop3A_1223 = arith.subi %parallel_loop3A_1207, %parallel_loop3A_1222 : vector<16xi32>
      %parallel_loop3A_1224 = arith.mulf %parallel_loop3A_1186, %parallel_loop3A_1206 : vector<16xf32>
      tpu.vector_store_idx %arg10[%parallel_loop3A_1223], %parallel_loop3A_1224 masked %parallel_loop3A_1192 {add = true} : memref<2064xf32, #tpu.memory_space<vmem>>[vector<16xi32>], vector<16xf32>, vector<16xi1>
    } {sc.loop_unroll_factor = 2 : i64, sc.parallel_access}
    %get3A = arith.constant 0 : index
    %get3A_80 = tpu.vector_load %arg9[%get3A] {strides = array<i32>} : memref<2064xf32, #tpu.memory_space<vmem>>, vector<16xf32>,
    %get3A_81 = arith.constant 0 : index
    %get3A_82 = tpu.vector_load %arg10[%get3A_81] {strides = array<i32>} : memref<2064xf32, #tpu.memory_space<vmem>>, vector<16xf32>,
    %get3A_83 = arith.constant 129 : index
    %get3A_84 = tpu.vector_load %arg9[%get3A_83] {strides = array<i32>} : memref<2064xf32, #tpu.memory_space<vmem>>, vector<16xf32>,
    %add3A_85 = arith.addf %get3A_80, %get3A_84 : vector<16xf32>
    %get3A_86 = arith.constant 129 : index
    %get3A_87 = tpu.vector_load %arg10[%get3A_86] {strides = array<i32>} : memref<2064xf32, #tpu.memory_space<vmem>>, vector<16xf32>,
    %add3A_88 = arith.addf %get3A_82, %get3A_87 : vector<16xf32>
    %get3A_89 = arith.constant 258 : index
    %get3A_90 = tpu.vector_load %arg9[%get3A_89] {strides = array<i32>} : memref<2064xf32, #tpu.memory_space<vmem>>, vector<16xf32>,
    %add3A_91 = arith.addf %add3A_85, %get3A_90 : vector<16xf32>
    %get3A_92 = arith.constant 258 : index
    %get3A_93 = tpu.vector_load %arg10[%get3A_92] {strides = array<i32>} : memref<2064xf32, #tpu.memory_space<vmem>>, vector<16xf32>,
    %add3A_94 = arith.addf %add3A_88, %get3A_93 : vector<16xf32>
    %get3A_95 = arith.constant 387 : index
    %get3A_96 = tpu.vector_load %arg9[%get3A_95] {strides = array<i32>} : memref<2064xf32, #tpu.memory_space<vmem>>, vector<16xf32>,
    %add3A_97 = arith.addf %add3A_91, %get3A_96 : vector<16xf32>
    %get3A_98 = arith.constant 387 : index
    %get3A_99 = tpu.vector_load %arg10[%get3A_98] {strides = array<i32>} : memref<2064xf32, #tpu.memory_space<vmem>>, vector<16xf32>,
    %add3A_100 = arith.addf %add3A_94, %get3A_99 : vector<16xf32>
    %get3A_101 = arith.constant 516 : index
    %get3A_102 = tpu.vector_load %arg9[%get3A_101] {strides = array<i32>} : memref<2064xf32, #tpu.memory_space<vmem>>, vector<16xf32>,
    %add3A_103 = arith.addf %add3A_97, %get3A_102 : vector<16xf32>
    %get3A_104 = arith.constant 516 : index
    %get3A_105 = tpu.vector_load %arg10[%get3A_104] {strides = array<i32>} : memref<2064xf32, #tpu.memory_space<vmem>>, vector<16xf32>,
    %add3A_106 = arith.addf %add3A_100, %get3A_105 : vector<16xf32>
    %get3A_107 = arith.constant 645 : index
    %get3A_108 = tpu.vector_load %arg9[%get3A_107] {strides = array<i32>} : memref<2064xf32, #tpu.memory_space<vmem>>, vector<16xf32>,
    %add3A_109 = arith.addf %add3A_103, %get3A_108 : vector<16xf32>
    %get3A_110 = arith.constant 645 : index
    %get3A_111 = tpu.vector_load %arg10[%get3A_110] {strides = array<i32>} : memref<2064xf32, #tpu.memory_space<vmem>>, vector<16xf32>,
    %add3A_112 = arith.addf %add3A_106, %get3A_111 : vector<16xf32>
    %get3A_113 = arith.constant 774 : index
    %get3A_114 = tpu.vector_load %arg9[%get3A_113] {strides = array<i32>} : memref<2064xf32, #tpu.memory_space<vmem>>, vector<16xf32>,
    %add3A_115 = arith.addf %add3A_109, %get3A_114 : vector<16xf32>
    %get3A_116 = arith.constant 774 : index
    %get3A_117 = tpu.vector_load %arg10[%get3A_116] {strides = array<i32>} : memref<2064xf32, #tpu.memory_space<vmem>>, vector<16xf32>,
    %add3A_118 = arith.addf %add3A_112, %get3A_117 : vector<16xf32>
    %get3A_119 = arith.constant 903 : index
    %get3A_120 = tpu.vector_load %arg9[%get3A_119] {strides = array<i32>} : memref<2064xf32, #tpu.memory_space<vmem>>, vector<16xf32>,
    %add3A_121 = arith.addf %add3A_115, %get3A_120 : vector<16xf32>
    %get3A_122 = arith.constant 903 : index
    %get3A_123 = tpu.vector_load %arg10[%get3A_122] {strides = array<i32>} : memref<2064xf32, #tpu.memory_space<vmem>>, vector<16xf32>,
    %add3A_124 = arith.addf %add3A_118, %get3A_123 : vector<16xf32>
    %get3A_125 = arith.constant 1032 : index
    %get3A_126 = tpu.vector_load %arg9[%get3A_125] {strides = array<i32>} : memref<2064xf32, #tpu.memory_space<vmem>>, vector<16xf32>,
    %add3A_127 = arith.addf %add3A_121, %get3A_126 : vector<16xf32>
    %get3A_128 = arith.constant 1032 : index
    %get3A_129 = tpu.vector_load %arg10[%get3A_128] {strides = array<i32>} : memref<2064xf32, #tpu.memory_space<vmem>>, vector<16xf32>,
    %add3A_130 = arith.addf %add3A_124, %get3A_129 : vector<16xf32>
    %get3A_131 = arith.constant 1161 : index
    %get3A_132 = tpu.vector_load %arg9[%get3A_131] {strides = array<i32>} : memref<2064xf32, #tpu.memory_space<vmem>>, vector<16xf32>,
    %add3A_133 = arith.addf %add3A_127, %get3A_132 : vector<16xf32>
    %get3A_134 = arith.constant 1161 : index
    %get3A_135 = tpu.vector_load %arg10[%get3A_134] {strides = array<i32>} : memref<2064xf32, #tpu.memory_space<vmem>>, vector<16xf32>,
    %add3A_136 = arith.addf %add3A_130, %get3A_135 : vector<16xf32>
    %get3A_137 = arith.constant 1290 : index
    %get3A_138 = tpu.vector_load %arg9[%get3A_137] {strides = array<i32>} : memref<2064xf32, #tpu.memory_space<vmem>>, vector<16xf32>,
    %add3A_139 = arith.addf %add3A_133, %get3A_138 : vector<16xf32>
    %get3A_140 = arith.constant 1290 : index
    %get3A_141 = tpu.vector_load %arg10[%get3A_140] {strides = array<i32>} : memref<2064xf32, #tpu.memory_space<vmem>>, vector<16xf32>,
    %add3A_142 = arith.addf %add3A_136, %get3A_141 : vector<16xf32>
    %get3A_143 = arith.constant 1419 : index
    %get3A_144 = tpu.vector_load %arg9[%get3A_143] {strides = array<i32>} : memref<2064xf32, #tpu.memory_space<vmem>>, vector<16xf32>,
    %add3A_145 = arith.addf %add3A_139, %get3A_144 : vector<16xf32>
    %get3A_146 = arith.constant 1419 : index
    %get3A_147 = tpu.vector_load %arg10[%get3A_146] {strides = array<i32>} : memref<2064xf32, #tpu.memory_space<vmem>>, vector<16xf32>,
    %add3A_148 = arith.addf %add3A_142, %get3A_147 : vector<16xf32>
    %get3A_149 = arith.constant 1548 : index
    %get3A_150 = tpu.vector_load %arg9[%get3A_149] {strides = array<i32>} : memref<2064xf32, #tpu.memory_space<vmem>>, vector<16xf32>,
    %add3A_151 = arith.addf %add3A_145, %get3A_150 : vector<16xf32>
    %get3A_152 = arith.constant 1548 : index
    %get3A_153 = tpu.vector_load %arg10[%get3A_152] {strides = array<i32>} : memref<2064xf32, #tpu.memory_space<vmem>>, vector<16xf32>,
    %add3A_154 = arith.addf %add3A_148, %get3A_153 : vector<16xf32>
    %get3A_155 = arith.constant 1677 : index
    %get3A_156 = tpu.vector_load %arg9[%get3A_155] {strides = array<i32>} : memref<2064xf32, #tpu.memory_space<vmem>>, vector<16xf32>,
    %add3A_157 = arith.addf %add3A_151, %get3A_156 : vector<16xf32>
    %get3A_158 = arith.constant 1677 : index
    %get3A_159 = tpu.vector_load %arg10[%get3A_158] {strides = array<i32>} : memref<2064xf32, #tpu.memory_space<vmem>>, vector<16xf32>,
    %add3A_160 = arith.addf %add3A_154, %get3A_159 : vector<16xf32>
    %get3A_161 = arith.constant 1806 : index
    %get3A_162 = tpu.vector_load %arg9[%get3A_161] {strides = array<i32>} : memref<2064xf32, #tpu.memory_space<vmem>>, vector<16xf32>,
    %add3A_163 = arith.addf %add3A_157, %get3A_162 : vector<16xf32>
    %get3A_164 = arith.constant 1806 : index
    %get3A_165 = tpu.vector_load %arg10[%get3A_164] {strides = array<i32>} : memref<2064xf32, #tpu.memory_space<vmem>>, vector<16xf32>,
    %add3A_166 = arith.addf %add3A_160, %get3A_165 : vector<16xf32>
    %get3A_167 = arith.constant 1935 : index
    %get3A_168 = tpu.vector_load %arg9[%get3A_167] {strides = array<i32>} : memref<2064xf32, #tpu.memory_space<vmem>>, vector<16xf32>,
    %add3A_169 = arith.addf %add3A_163, %get3A_168 : vector<16xf32>
    %get3A_170 = arith.constant 1935 : index
    %get3A_171 = tpu.vector_load %arg10[%get3A_170] {strides = array<i32>} : memref<2064xf32, #tpu.memory_space<vmem>>, vector<16xf32>,
    %add3A_172 = arith.addf %add3A_166, %get3A_171 : vector<16xf32>
    %swap3A = arith.constant 0 : index
    %swap3A_173 = tpu.vector_load %arg11[%swap3A] {strides = array<i32>} : memref<384xf32, #tpu.memory_space<vmem>>, vector<16xf32>,
    tpu.vector_store %arg11[%swap3A], %add3A_169 {strides = array<i32>} : memref<384xf32, #tpu.memory_space<vmem>>, vector<16xf32>,
    %swap3A_174 = arith.constant 128 : index
    %swap3A_175 = tpu.vector_load %arg11[%swap3A_174] {strides = array<i32>} : memref<384xf32, #tpu.memory_space<vmem>>, vector<16xf32>,
    tpu.vector_store %arg11[%swap3A_174], %add3A_172 {strides = array<i32>} : memref<384xf32, #tpu.memory_space<vmem>>, vector<16xf32>,
    %get3A_176 = arith.constant 16 : index
    %get3A_177 = tpu.vector_load %arg9[%get3A_176] {strides = array<i32>} : memref<2064xf32, #tpu.memory_space<vmem>>, vector<16xf32>,
    %get3A_178 = arith.constant 16 : index
    %get3A_179 = tpu.vector_load %arg10[%get3A_178] {strides = array<i32>} : memref<2064xf32, #tpu.memory_space<vmem>>, vector<16xf32>,
    %get3A_180 = arith.constant 145 : index
    %get3A_181 = tpu.vector_load %arg9[%get3A_180] {strides = array<i32>} : memref<2064xf32, #tpu.memory_space<vmem>>, vector<16xf32>,
    %add3A_182 = arith.addf %get3A_177, %get3A_181 : vector<16xf32>
    %get3A_183 = arith.constant 145 : index
    %get3A_184 = tpu.vector_load %arg10[%get3A_183] {strides = array<i32>} : memref<2064xf32, #tpu.memory_space<vmem>>, vector<16xf32>,
    %add3A_185 = arith.addf %get3A_179, %get3A_184 : vector<16xf32>
    %get3A_186 = arith.constant 274 : index
    %get3A_187 = tpu.vector_load %arg9[%get3A_186] {strides = array<i32>} : memref<2064xf32, #tpu.memory_space<vmem>>, vector<16xf32>,
    %add3A_188 = arith.addf %add3A_182, %get3A_187 : vector<16xf32>
    %get3A_189 = arith.constant 274 : index
    %get3A_190 = tpu.vector_load %arg10[%get3A_189] {strides = array<i32>} : memref<2064xf32, #tpu.memory_space<vmem>>, vector<16xf32>,
    %add3A_191 = arith.addf %add3A_185, %get3A_190 : vector<16xf32>
    %get3A_192 = arith.constant 403 : index
    %get3A_193 = tpu.vector_load %arg9[%get3A_192] {strides = array<i32>} : memref<2064xf32, #tpu.memory_space<vmem>>, vector<16xf32>,
    %add3A_194 = arith.addf %add3A_188, %get3A_193 : vector<16xf32>
    %get3A_195 = arith.constant 403 : index
    %get3A_196 = tpu.vector_load %arg10[%get3A_195] {strides = array<i32>} : memref<2064xf32, #tpu.memory_space<vmem>>, vector<16xf32>,
    %add3A_197 = arith.addf %add3A_191, %get3A_196 : vector<16xf32>
    %get3A_198 = arith.constant 532 : index
    %get3A_199 = tpu.vector_load %arg9[%get3A_198] {strides = array<i32>} : memref<2064xf32, #tpu.memory_space<vmem>>, vector<16xf32>,
    %add3A_200 = arith.addf %add3A_194, %get3A_199 : vector<16xf32>
    %get3A_201 = arith.constant 532 : index
    %get3A_202 = tpu.vector_load %arg10[%get3A_201] {strides = array<i32>} : memref<2064xf32, #tpu.memory_space<vmem>>, vector<16xf32>,
    %add3A_203 = arith.addf %add3A_197, %get3A_202 : vector<16xf32>
    %get3A_204 = arith.constant 661 : index
    %get3A_205 = tpu.vector_load %arg9[%get3A_204] {strides = array<i32>} : memref<2064xf32, #tpu.memory_space<vmem>>, vector<16xf32>,
    %add3A_206 = arith.addf %add3A_200, %get3A_205 : vector<16xf32>
    %get3A_207 = arith.constant 661 : index
    %get3A_208 = tpu.vector_load %arg10[%get3A_207] {strides = array<i32>} : memref<2064xf32, #tpu.memory_space<vmem>>, vector<16xf32>,
    %add3A_209 = arith.addf %add3A_203, %get3A_208 : vector<16xf32>
    %get3A_210 = arith.constant 790 : index
    %get3A_211 = tpu.vector_load %arg9[%get3A_210] {strides = array<i32>} : memref<2064xf32, #tpu.memory_space<vmem>>, vector<16xf32>,
    %add3A_212 = arith.addf %add3A_206, %get3A_211 : vector<16xf32>
    %get3A_213 = arith.constant 790 : index
    %get3A_214 = tpu.vector_load %arg10[%get3A_213] {strides = array<i32>} : memref<2064xf32, #tpu.memory_space<vmem>>, vector<16xf32>,
    %add3A_215 = arith.addf %add3A_209, %get3A_214 : vector<16xf32>
    %get3A_216 = arith.constant 919 : index
    %get3A_217 = tpu.vector_load %arg9[%get3A_216] {strides = array<i32>} : memref<2064xf32, #tpu.memory_space<vmem>>, vector<16xf32>,
    %add3A_218 = arith.addf %add3A_212, %get3A_217 : vector<16xf32>
    %get3A_219 = arith.constant 919 : index
    %get3A_220 = tpu.vector_load %arg10[%get3A_219] {strides = array<i32>} : memref<2064xf32, #tpu.memory_space<vmem>>, vector<16xf32>,
    %add3A_221 = arith.addf %add3A_215, %get3A_220 : vector<16xf32>
    %get3A_222 = arith.constant 1048 : index
    %get3A_223 = tpu.vector_load %arg9[%get3A_222] {strides = array<i32>} : memref<2064xf32, #tpu.memory_space<vmem>>, vector<16xf32>,
    %add3A_224 = arith.addf %add3A_218, %get3A_223 : vector<16xf32>
    %get3A_225 = arith.constant 1048 : index
    %get3A_226 = tpu.vector_load %arg10[%get3A_225] {strides = array<i32>} : memref<2064xf32, #tpu.memory_space<vmem>>, vector<16xf32>,
    %add3A_227 = arith.addf %add3A_221, %get3A_226 : vector<16xf32>
    %get3A_228 = arith.constant 1177 : index
    %get3A_229 = tpu.vector_load %arg9[%get3A_228] {strides = array<i32>} : memref<2064xf32, #tpu.memory_space<vmem>>, vector<16xf32>,
    %add3A_230 = arith.addf %add3A_224, %get3A_229 : vector<16xf32>
    %get3A_231 = arith.constant 1177 : index
    %get3A_232 = tpu.vector_load %arg10[%get3A_231] {strides = array<i32>} : memref<2064xf32, #tpu.memory_space<vmem>>, vector<16xf32>,
    %add3A_233 = arith.addf %add3A_227, %get3A_232 : vector<16xf32>
    %get3A_234 = arith.constant 1306 : index
    %get3A_235 = tpu.vector_load %arg9[%get3A_234] {strides = array<i32>} : memref<2064xf32, #tpu.memory_space<vmem>>, vector<16xf32>,
    %add3A_236 = arith.addf %add3A_230, %get3A_235 : vector<16xf32>
    %get3A_237 = arith.constant 1306 : index
    %get3A_238 = tpu.vector_load %arg10[%get3A_237] {strides = array<i32>} : memref<2064xf32, #tpu.memory_space<vmem>>, vector<16xf32>,
    %add3A_239 = arith.addf %add3A_233, %get3A_238 : vector<16xf32>
    %get3A_240 = arith.constant 1435 : index
    %get3A_241 = tpu.vector_load %arg9[%get3A_240] {strides = array<i32>} : memref<2064xf32, #tpu.memory_space<vmem>>, vector<16xf32>,
    %add3A_242 = arith.addf %add3A_236, %get3A_241 : vector<16xf32>
    %get3A_243 = arith.constant 1435 : index
    %get3A_244 = tpu.vector_load %arg10[%get3A_243] {strides = array<i32>} : memref<2064xf32, #tpu.memory_space<vmem>>, vector<16xf32>,
    %add3A_245 = arith.addf %add3A_239, %get3A_244 : vector<16xf32>
    %get3A_246 = arith.constant 1564 : index
    %get3A_247 = tpu.vector_load %arg9[%get3A_246] {strides = array<i32>} : memref<2064xf32, #tpu.memory_space<vmem>>, vector<16xf32>,
    %add3A_248 = arith.addf %add3A_242, %get3A_247 : vector<16xf32>
    %get3A_249 = arith.constant 1564 : index
    %get3A_250 = tpu.vector_load %arg10[%get3A_249] {strides = array<i32>} : memref<2064xf32, #tpu.memory_space<vmem>>, vector<16xf32>,
    %add3A_251 = arith.addf %add3A_245, %get3A_250 : vector<16xf32>
    %get3A_252 = arith.constant 1693 : index
    %get3A_253 = tpu.vector_load %arg9[%get3A_252] {strides = array<i32>} : memref<2064xf32, #tpu.memory_space<vmem>>, vector<16xf32>,
    %add3A_254 = arith.addf %add3A_248, %get3A_253 : vector<16xf32>
    %get3A_255 = arith.constant 1693 : index
    %get3A_256 = tpu.vector_load %arg10[%get3A_255] {strides = array<i32>} : memref<2064xf32, #tpu.memory_space<vmem>>, vector<16xf32>,
    %add3A_257 = arith.addf %add3A_251, %get3A_256 : vector<16xf32>
    %get3A_258 = arith.constant 1822 : index
    %get3A_259 = tpu.vector_load %arg9[%get3A_258] {strides = array<i32>} : memref<2064xf32, #tpu.memory_space<vmem>>, vector<16xf32>,
    %add3A_260 = arith.addf %add3A_254, %get3A_259 : vector<16xf32>
    %get3A_261 = arith.constant 1822 : index
    %get3A_262 = tpu.vector_load %arg10[%get3A_261] {strides = array<i32>} : memref<2064xf32, #tpu.memory_space<vmem>>, vector<16xf32>,
    %add3A_263 = arith.addf %add3A_257, %get3A_262 : vector<16xf32>
    %get3A_264 = arith.constant 1951 : index
    %get3A_265 = tpu.vector_load %arg9[%get3A_264] {strides = array<i32>} : memref<2064xf32, #tpu.memory_space<vmem>>, vector<16xf32>,
    %add3A_266 = arith.addf %add3A_260, %get3A_265 : vector<16xf32>
    %get3A_267 = arith.constant 1951 : index
    %get3A_268 = tpu.vector_load %arg10[%get3A_267] {strides = array<i32>} : memref<2064xf32, #tpu.memory_space<vmem>>, vector<16xf32>,
    %add3A_269 = arith.addf %add3A_263, %get3A_268 : vector<16xf32>
    %swap3A_270 = arith.constant 16 : index
    %swap3A_271 = tpu.vector_load %arg11[%swap3A_270] {strides = array<i32>} : memref<384xf32, #tpu.memory_space<vmem>>, vector<16xf32>,
    tpu.vector_store %arg11[%swap3A_270], %add3A_266 {strides = array<i32>} : memref<384xf32, #tpu.memory_space<vmem>>, vector<16xf32>,
    %swap3A_272 = arith.constant 144 : index
    %swap3A_273 = tpu.vector_load %arg11[%swap3A_272] {strides = array<i32>} : memref<384xf32, #tpu.memory_space<vmem>>, vector<16xf32>,
    tpu.vector_store %arg11[%swap3A_272], %add3A_269 {strides = array<i32>} : memref<384xf32, #tpu.memory_space<vmem>>, vector<16xf32>,
    %get3A_274 = arith.constant 32 : index
    %get3A_275 = tpu.vector_load %arg9[%get3A_274] {strides = array<i32>} : memref<2064xf32, #tpu.memory_space<vmem>>, vector<16xf32>,
    %get3A_276 = arith.constant 32 : index
    %get3A_277 = tpu.vector_load %arg10[%get3A_276] {strides = array<i32>} : memref<2064xf32, #tpu.memory_space<vmem>>, vector<16xf32>,
    %get3A_278 = arith.constant 161 : index
    %get3A_279 = tpu.vector_load %arg9[%get3A_278] {strides = array<i32>} : memref<2064xf32, #tpu.memory_space<vmem>>, vector<16xf32>,
    %add3A_280 = arith.addf %get3A_275, %get3A_279 : vector<16xf32>
    %get3A_281 = arith.constant 161 : index
    %get3A_282 = tpu.vector_load %arg10[%get3A_281] {strides = array<i32>} : memref<2064xf32, #tpu.memory_space<vmem>>, vector<16xf32>,
    %add3A_283 = arith.addf %get3A_277, %get3A_282 : vector<16xf32>
    %get3A_284 = arith.constant 290 : index
    %get3A_285 = tpu.vector_load %arg9[%get3A_284] {strides = array<i32>} : memref<2064xf32, #tpu.memory_space<vmem>>, vector<16xf32>,
    %add3A_286 = arith.addf %add3A_280, %get3A_285 : vector<16xf32>
    %get3A_287 = arith.constant 290 : index
    %get3A_288 = tpu.vector_load %arg10[%get3A_287] {strides = array<i32>} : memref<2064xf32, #tpu.memory_space<vmem>>, vector<16xf32>,
    %add3A_289 = arith.addf %add3A_283, %get3A_288 : vector<16xf32>
    %get3A_290 = arith.constant 419 : index
    %get3A_291 = tpu.vector_load %arg9[%get3A_290] {strides = array<i32>} : memref<2064xf32, #tpu.memory_space<vmem>>, vector<16xf32>,
    %add3A_292 = arith.addf %add3A_286, %get3A_291 : vector<16xf32>
    %get3A_293 = arith.constant 419 : index
    %get3A_294 = tpu.vector_load %arg10[%get3A_293] {strides = array<i32>} : memref<2064xf32, #tpu.memory_space<vmem>>, vector<16xf32>,
    %add3A_295 = arith.addf %add3A_289, %get3A_294 : vector<16xf32>
    %get3A_296 = arith.constant 548 : index
    %get3A_297 = tpu.vector_load %arg9[%get3A_296] {strides = array<i32>} : memref<2064xf32, #tpu.memory_space<vmem>>, vector<16xf32>,
    %add3A_298 = arith.addf %add3A_292, %get3A_297 : vector<16xf32>
    %get3A_299 = arith.constant 548 : index
    %get3A_300 = tpu.vector_load %arg10[%get3A_299] {strides = array<i32>} : memref<2064xf32, #tpu.memory_space<vmem>>, vector<16xf32>,
    %add3A_301 = arith.addf %add3A_295, %get3A_300 : vector<16xf32>
    %get3A_302 = arith.constant 677 : index
    %get3A_303 = tpu.vector_load %arg9[%get3A_302] {strides = array<i32>} : memref<2064xf32, #tpu.memory_space<vmem>>, vector<16xf32>,
    %add3A_304 = arith.addf %add3A_298, %get3A_303 : vector<16xf32>
    %get3A_305 = arith.constant 677 : index
    %get3A_306 = tpu.vector_load %arg10[%get3A_305] {strides = array<i32>} : memref<2064xf32, #tpu.memory_space<vmem>>, vector<16xf32>,
    %add3A_307 = arith.addf %add3A_301, %get3A_306 : vector<16xf32>
    %get3A_308 = arith.constant 806 : index
    %get3A_309 = tpu.vector_load %arg9[%get3A_308] {strides = array<i32>} : memref<2064xf32, #tpu.memory_space<vmem>>, vector<16xf32>,
    %add3A_310 = arith.addf %add3A_304, %get3A_309 : vector<16xf32>
    %get3A_311 = arith.constant 806 : index
    %get3A_312 = tpu.vector_load %arg10[%get3A_311] {strides = array<i32>} : memref<2064xf32, #tpu.memory_space<vmem>>, vector<16xf32>,
    %add3A_313 = arith.addf %add3A_307, %get3A_312 : vector<16xf32>
    %get3A_314 = arith.constant 935 : index
    %get3A_315 = tpu.vector_load %arg9[%get3A_314] {strides = array<i32>} : memref<2064xf32, #tpu.memory_space<vmem>>, vector<16xf32>,
    %add3A_316 = arith.addf %add3A_310, %get3A_315 : vector<16xf32>
    %get3A_317 = arith.constant 935 : index
    %get3A_318 = tpu.vector_load %arg10[%get3A_317] {strides = array<i32>} : memref<2064xf32, #tpu.memory_space<vmem>>, vector<16xf32>,
    %add3A_319 = arith.addf %add3A_313, %get3A_318 : vector<16xf32>
    %get3A_320 = arith.constant 1064 : index
    %get3A_321 = tpu.vector_load %arg9[%get3A_320] {strides = array<i32>} : memref<2064xf32, #tpu.memory_space<vmem>>, vector<16xf32>,
    %add3A_322 = arith.addf %add3A_316, %get3A_321 : vector<16xf32>
    %get3A_323 = arith.constant 1064 : index
    %get3A_324 = tpu.vector_load %arg10[%get3A_323] {strides = array<i32>} : memref<2064xf32, #tpu.memory_space<vmem>>, vector<16xf32>,
    %add3A_325 = arith.addf %add3A_319, %get3A_324 : vector<16xf32>
    %get3A_326 = arith.constant 1193 : index
    %get3A_327 = tpu.vector_load %arg9[%get3A_326] {strides = array<i32>} : memref<2064xf32, #tpu.memory_space<vmem>>, vector<16xf32>,
    %add3A_328 = arith.addf %add3A_322, %get3A_327 : vector<16xf32>
    %get3A_329 = arith.constant 1193 : index
    %get3A_330 = tpu.vector_load %arg10[%get3A_329] {strides = array<i32>} : memref<2064xf32, #tpu.memory_space<vmem>>, vector<16xf32>,
    %add3A_331 = arith.addf %add3A_325, %get3A_330 : vector<16xf32>
    %get3A_332 = arith.constant 1322 : index
    %get3A_333 = tpu.vector_load %arg9[%get3A_332] {strides = array<i32>} : memref<2064xf32, #tpu.memory_space<vmem>>, vector<16xf32>,
    %add3A_334 = arith.addf %add3A_328, %get3A_333 : vector<16xf32>
    %get3A_335 = arith.constant 1322 : index
    %get3A_336 = tpu.vector_load %arg10[%get3A_335] {strides = array<i32>} : memref<2064xf32, #tpu.memory_space<vmem>>, vector<16xf32>,
    %add3A_337 = arith.addf %add3A_331, %get3A_336 : vector<16xf32>
    %get3A_338 = arith.constant 1451 : index
    %get3A_339 = tpu.vector_load %arg9[%get3A_338] {strides = array<i32>} : memref<2064xf32, #tpu.memory_space<vmem>>, vector<16xf32>,
    %add3A_340 = arith.addf %add3A_334, %get3A_339 : vector<16xf32>
    %get3A_341 = arith.constant 1451 : index
    %get3A_342 = tpu.vector_load %arg10[%get3A_341] {strides = array<i32>} : memref<2064xf32, #tpu.memory_space<vmem>>, vector<16xf32>,
    %add3A_343 = arith.addf %add3A_337, %get3A_342 : vector<16xf32>
    %get3A_344 = arith.constant 1580 : index
    %get3A_345 = tpu.vector_load %arg9[%get3A_344] {strides = array<i32>} : memref<2064xf32, #tpu.memory_space<vmem>>, vector<16xf32>,
    %add3A_346 = arith.addf %add3A_340, %get3A_345 : vector<16xf32>
    %get3A_347 = arith.constant 1580 : index
    %get3A_348 = tpu.vector_load %arg10[%get3A_347] {strides = array<i32>} : memref<2064xf32, #tpu.memory_space<vmem>>, vector<16xf32>,
    %add3A_349 = arith.addf %add3A_343, %get3A_348 : vector<16xf32>
    %get3A_350 = arith.constant 1709 : index
    %get3A_351 = tpu.vector_load %arg9[%get3A_350] {strides = array<i32>} : memref<2064xf32, #tpu.memory_space<vmem>>, vector<16xf32>,
    %add3A_352 = arith.addf %add3A_346, %get3A_351 : vector<16xf32>
    %get3A_353 = arith.constant 1709 : index
    %get3A_354 = tpu.vector_load %arg10[%get3A_353] {strides = array<i32>} : memref<2064xf32, #tpu.memory_space<vmem>>, vector<16xf32>,
    %add3A_355 = arith.addf %add3A_349, %get3A_354 : vector<16xf32>
    %get3A_356 = arith.constant 1838 : index
    %get3A_357 = tpu.vector_load %arg9[%get3A_356] {strides = array<i32>} : memref<2064xf32, #tpu.memory_space<vmem>>, vector<16xf32>,
    %add3A_358 = arith.addf %add3A_352, %get3A_357 : vector<16xf32>
    %get3A_359 = arith.constant 1838 : index
    %get3A_360 = tpu.vector_load %arg10[%get3A_359] {strides = array<i32>} : memref<2064xf32, #tpu.memory_space<vmem>>, vector<16xf32>,
    %add3A_361 = arith.addf %add3A_355, %get3A_360 : vector<16xf32>
    %get3A_362 = arith.constant 1967 : index
    %get3A_363 = tpu.vector_load %arg9[%get3A_362] {strides = array<i32>} : memref<2064xf32, #tpu.memory_space<vmem>>, vector<16xf32>,
    %add3A_364 = arith.addf %add3A_358, %get3A_363 : vector<16xf32>
    %get3A_365 = arith.constant 1967 : index
    %get3A_366 = tpu.vector_load %arg10[%get3A_365] {strides = array<i32>} : memref<2064xf32, #tpu.memory_space<vmem>>, vector<16xf32>,
    %add3A_367 = arith.addf %add3A_361, %get3A_366 : vector<16xf32>
    %swap3A_368 = arith.constant 32 : index
    %swap3A_369 = tpu.vector_load %arg11[%swap3A_368] {strides = array<i32>} : memref<384xf32, #tpu.memory_space<vmem>>, vector<16xf32>,
    tpu.vector_store %arg11[%swap3A_368], %add3A_364 {strides = array<i32>} : memref<384xf32, #tpu.memory_space<vmem>>, vector<16xf32>,
    %swap3A_370 = arith.constant 160 : index
    %swap3A_371 = tpu.vector_load %arg11[%swap3A_370] {strides = array<i32>} : memref<384xf32, #tpu.memory_space<vmem>>, vector<16xf32>,
    tpu.vector_store %arg11[%swap3A_370], %add3A_367 {strides = array<i32>} : memref<384xf32, #tpu.memory_space<vmem>>, vector<16xf32>,
    %get3A_372 = arith.constant 48 : index
    %get3A_373 = tpu.vector_load %arg9[%get3A_372] {strides = array<i32>} : memref<2064xf32, #tpu.memory_space<vmem>>, vector<16xf32>,
    %get3A_374 = arith.constant 48 : index
    %get3A_375 = tpu.vector_load %arg10[%get3A_374] {strides = array<i32>} : memref<2064xf32, #tpu.memory_space<vmem>>, vector<16xf32>,
    %get3A_376 = arith.constant 177 : index
    %get3A_377 = tpu.vector_load %arg9[%get3A_376] {strides = array<i32>} : memref<2064xf32, #tpu.memory_space<vmem>>, vector<16xf32>,
    %add3A_378 = arith.addf %get3A_373, %get3A_377 : vector<16xf32>
    %get3A_379 = arith.constant 177 : index
    %get3A_380 = tpu.vector_load %arg10[%get3A_379] {strides = array<i32>} : memref<2064xf32, #tpu.memory_space<vmem>>, vector<16xf32>,
    %add3A_381 = arith.addf %get3A_375, %get3A_380 : vector<16xf32>
    %get3A_382 = arith.constant 306 : index
    %get3A_383 = tpu.vector_load %arg9[%get3A_382] {strides = array<i32>} : memref<2064xf32, #tpu.memory_space<vmem>>, vector<16xf32>,
    %add3A_384 = arith.addf %add3A_378, %get3A_383 : vector<16xf32>
    %get3A_385 = arith.constant 306 : index
    %get3A_386 = tpu.vector_load %arg10[%get3A_385] {strides = array<i32>} : memref<2064xf32, #tpu.memory_space<vmem>>, vector<16xf32>,
    %add3A_387 = arith.addf %add3A_381, %get3A_386 : vector<16xf32>
    %get3A_388 = arith.constant 435 : index
    %get3A_389 = tpu.vector_load %arg9[%get3A_388] {strides = array<i32>} : memref<2064xf32, #tpu.memory_space<vmem>>, vector<16xf32>,
    %add3A_390 = arith.addf %add3A_384, %get3A_389 : vector<16xf32>
    %get3A_391 = arith.constant 435 : index
    %get3A_392 = tpu.vector_load %arg10[%get3A_391] {strides = array<i32>} : memref<2064xf32, #tpu.memory_space<vmem>>, vector<16xf32>,
    %add3A_393 = arith.addf %add3A_387, %get3A_392 : vector<16xf32>
    %get3A_394 = arith.constant 564 : index
    %get3A_395 = tpu.vector_load %arg9[%get3A_394] {strides = array<i32>} : memref<2064xf32, #tpu.memory_space<vmem>>, vector<16xf32>,
    %add3A_396 = arith.addf %add3A_390, %get3A_395 : vector<16xf32>
    %get3A_397 = arith.constant 564 : index
    %get3A_398 = tpu.vector_load %arg10[%get3A_397] {strides = array<i32>} : memref<2064xf32, #tpu.memory_space<vmem>>, vector<16xf32>,
    %add3A_399 = arith.addf %add3A_393, %get3A_398 : vector<16xf32>
    %get3A_400 = arith.constant 693 : index
    %get3A_401 = tpu.vector_load %arg9[%get3A_400] {strides = array<i32>} : memref<2064xf32, #tpu.memory_space<vmem>>, vector<16xf32>,
    %add3A_402 = arith.addf %add3A_396, %get3A_401 : vector<16xf32>
    %get3A_403 = arith.constant 693 : index
    %get3A_404 = tpu.vector_load %arg10[%get3A_403] {strides = array<i32>} : memref<2064xf32, #tpu.memory_space<vmem>>, vector<16xf32>,
    %add3A_405 = arith.addf %add3A_399, %get3A_404 : vector<16xf32>
    %get3A_406 = arith.constant 822 : index
    %get3A_407 = tpu.vector_load %arg9[%get3A_406] {strides = array<i32>} : memref<2064xf32, #tpu.memory_space<vmem>>, vector<16xf32>,
    %add3A_408 = arith.addf %add3A_402, %get3A_407 : vector<16xf32>
    %get3A_409 = arith.constant 822 : index
    %get3A_410 = tpu.vector_load %arg10[%get3A_409] {strides = array<i32>} : memref<2064xf32, #tpu.memory_space<vmem>>, vector<16xf32>,
    %add3A_411 = arith.addf %add3A_405, %get3A_410 : vector<16xf32>
    %get3A_412 = arith.constant 951 : index
    %get3A_413 = tpu.vector_load %arg9[%get3A_412] {strides = array<i32>} : memref<2064xf32, #tpu.memory_space<vmem>>, vector<16xf32>,
    %add3A_414 = arith.addf %add3A_408, %get3A_413 : vector<16xf32>
    %get3A_415 = arith.constant 951 : index
    %get3A_416 = tpu.vector_load %arg10[%get3A_415] {strides = array<i32>} : memref<2064xf32, #tpu.memory_space<vmem>>, vector<16xf32>,
    %add3A_417 = arith.addf %add3A_411, %get3A_416 : vector<16xf32>
    %get3A_418 = arith.constant 1080 : index
    %get3A_419 = tpu.vector_load %arg9[%get3A_418] {strides = array<i32>} : memref<2064xf32, #tpu.memory_space<vmem>>, vector<16xf32>,
    %add3A_420 = arith.addf %add3A_414, %get3A_419 : vector<16xf32>
    %get3A_421 = arith.constant 1080 : index
    %get3A_422 = tpu.vector_load %arg10[%get3A_421] {strides = array<i32>} : memref<2064xf32, #tpu.memory_space<vmem>>, vector<16xf32>,
    %add3A_423 = arith.addf %add3A_417, %get3A_422 : vector<16xf32>
    %get3A_424 = arith.constant 1209 : index
    %get3A_425 = tpu.vector_load %arg9[%get3A_424] {strides = array<i32>} : memref<2064xf32, #tpu.memory_space<vmem>>, vector<16xf32>,
    %add3A_426 = arith.addf %add3A_420, %get3A_425 : vector<16xf32>
    %get3A_427 = arith.constant 1209 : index
    %get3A_428 = tpu.vector_load %arg10[%get3A_427] {strides = array<i32>} : memref<2064xf32, #tpu.memory_space<vmem>>, vector<16xf32>,
    %add3A_429 = arith.addf %add3A_423, %get3A_428 : vector<16xf32>
    %get3A_430 = arith.constant 1338 : index
    %get3A_431 = tpu.vector_load %arg9[%get3A_430] {strides = array<i32>} : memref<2064xf32, #tpu.memory_space<vmem>>, vector<16xf32>,
    %add3A_432 = arith.addf %add3A_426, %get3A_431 : vector<16xf32>
    %get3A_433 = arith.constant 1338 : index
    %get3A_434 = tpu.vector_load %arg10[%get3A_433] {strides = array<i32>} : memref<2064xf32, #tpu.memory_space<vmem>>, vector<16xf32>,
    %add3A_435 = arith.addf %add3A_429, %get3A_434 : vector<16xf32>
    %get3A_436 = arith.constant 1467 : index
    %get3A_437 = tpu.vector_load %arg9[%get3A_436] {strides = array<i32>} : memref<2064xf32, #tpu.memory_space<vmem>>, vector<16xf32>,
    %add3A_438 = arith.addf %add3A_432, %get3A_437 : vector<16xf32>
    %get3A_439 = arith.constant 1467 : index
    %get3A_440 = tpu.vector_load %arg10[%get3A_439] {strides = array<i32>} : memref<2064xf32, #tpu.memory_space<vmem>>, vector<16xf32>,
    %add3A_441 = arith.addf %add3A_435, %get3A_440 : vector<16xf32>
    %get3A_442 = arith.constant 1596 : index
    %get3A_443 = tpu.vector_load %arg9[%get3A_442] {strides = array<i32>} : memref<2064xf32, #tpu.memory_space<vmem>>, vector<16xf32>,
    %add3A_444 = arith.addf %add3A_438, %get3A_443 : vector<16xf32>
    %get3A_445 = arith.constant 1596 : index
    %get3A_446 = tpu.vector_load %arg10[%get3A_445] {strides = array<i32>} : memref<2064xf32, #tpu.memory_space<vmem>>, vector<16xf32>,
    %add3A_447 = arith.addf %add3A_441, %get3A_446 : vector<16xf32>
    %get3A_448 = arith.constant 1725 : index
    %get3A_449 = tpu.vector_load %arg9[%get3A_448] {strides = array<i32>} : memref<2064xf32, #tpu.memory_space<vmem>>, vector<16xf32>,
    %add3A_450 = arith.addf %add3A_444, %get3A_449 : vector<16xf32>
    %get3A_451 = arith.constant 1725 : index
    %get3A_452 = tpu.vector_load %arg10[%get3A_451] {strides = array<i32>} : memref<2064xf32, #tpu.memory_space<vmem>>, vector<16xf32>,
    %add3A_453 = arith.addf %add3A_447, %get3A_452 : vector<16xf32>
    %get3A_454 = arith.constant 1854 : index
    %get3A_455 = tpu.vector_load %arg9[%get3A_454] {strides = array<i32>} : memref<2064xf32, #tpu.memory_space<vmem>>, vector<16xf32>,
    %add3A_456 = arith.addf %add3A_450, %get3A_455 : vector<16xf32>
    %get3A_457 = arith.constant 1854 : index
    %get3A_458 = tpu.vector_load %arg10[%get3A_457] {strides = array<i32>} : memref<2064xf32, #tpu.memory_space<vmem>>, vector<16xf32>,
    %add3A_459 = arith.addf %add3A_453, %get3A_458 : vector<16xf32>
    %get3A_460 = arith.constant 1983 : index
    %get3A_461 = tpu.vector_load %arg9[%get3A_460] {strides = array<i32>} : memref<2064xf32, #tpu.memory_space<vmem>>, vector<16xf32>,
    %add3A_462 = arith.addf %add3A_456, %get3A_461 : vector<16xf32>
    %get3A_463 = arith.constant 1983 : index
    %get3A_464 = tpu.vector_load %arg10[%get3A_463] {strides = array<i32>} : memref<2064xf32, #tpu.memory_space<vmem>>, vector<16xf32>,
    %add3A_465 = arith.addf %add3A_459, %get3A_464 : vector<16xf32>
    %swap3A_466 = arith.constant 48 : index
    %swap3A_467 = tpu.vector_load %arg11[%swap3A_466] {strides = array<i32>} : memref<384xf32, #tpu.memory_space<vmem>>, vector<16xf32>,
    tpu.vector_store %arg11[%swap3A_466], %add3A_462 {strides = array<i32>} : memref<384xf32, #tpu.memory_space<vmem>>, vector<16xf32>,
    %swap3A_468 = arith.constant 176 : index
    %swap3A_469 = tpu.vector_load %arg11[%swap3A_468] {strides = array<i32>} : memref<384xf32, #tpu.memory_space<vmem>>, vector<16xf32>,
    tpu.vector_store %arg11[%swap3A_468], %add3A_465 {strides = array<i32>} : memref<384xf32, #tpu.memory_space<vmem>>, vector<16xf32>,
    %get3A_470 = arith.constant 64 : index
    %get3A_471 = tpu.vector_load %arg9[%get3A_470] {strides = array<i32>} : memref<2064xf32, #tpu.memory_space<vmem>>, vector<16xf32>,
    %get3A_472 = arith.constant 64 : index
    %get3A_473 = tpu.vector_load %arg10[%get3A_472] {strides = array<i32>} : memref<2064xf32, #tpu.memory_space<vmem>>, vector<16xf32>,
    %get3A_474 = arith.constant 193 : index
    %get3A_475 = tpu.vector_load %arg9[%get3A_474] {strides = array<i32>} : memref<2064xf32, #tpu.memory_space<vmem>>, vector<16xf32>,
    %add3A_476 = arith.addf %get3A_471, %get3A_475 : vector<16xf32>
    %get3A_477 = arith.constant 193 : index
    %get3A_478 = tpu.vector_load %arg10[%get3A_477] {strides = array<i32>} : memref<2064xf32, #tpu.memory_space<vmem>>, vector<16xf32>,
    %add3A_479 = arith.addf %get3A_473, %get3A_478 : vector<16xf32>
    %get3A_480 = arith.constant 322 : index
    %get3A_481 = tpu.vector_load %arg9[%get3A_480] {strides = array<i32>} : memref<2064xf32, #tpu.memory_space<vmem>>, vector<16xf32>,
    %add3A_482 = arith.addf %add3A_476, %get3A_481 : vector<16xf32>
    %get3A_483 = arith.constant 322 : index
    %get3A_484 = tpu.vector_load %arg10[%get3A_483] {strides = array<i32>} : memref<2064xf32, #tpu.memory_space<vmem>>, vector<16xf32>,
    %add3A_485 = arith.addf %add3A_479, %get3A_484 : vector<16xf32>
    %get3A_486 = arith.constant 451 : index
    %get3A_487 = tpu.vector_load %arg9[%get3A_486] {strides = array<i32>} : memref<2064xf32, #tpu.memory_space<vmem>>, vector<16xf32>,
    %add3A_488 = arith.addf %add3A_482, %get3A_487 : vector<16xf32>
    %get3A_489 = arith.constant 451 : index
    %get3A_490 = tpu.vector_load %arg10[%get3A_489] {strides = array<i32>} : memref<2064xf32, #tpu.memory_space<vmem>>, vector<16xf32>,
    %add3A_491 = arith.addf %add3A_485, %get3A_490 : vector<16xf32>
    %get3A_492 = arith.constant 580 : index
    %get3A_493 = tpu.vector_load %arg9[%get3A_492] {strides = array<i32>} : memref<2064xf32, #tpu.memory_space<vmem>>, vector<16xf32>,
    %add3A_494 = arith.addf %add3A_488, %get3A_493 : vector<16xf32>
    %get3A_495 = arith.constant 580 : index
    %get3A_496 = tpu.vector_load %arg10[%get3A_495] {strides = array<i32>} : memref<2064xf32, #tpu.memory_space<vmem>>, vector<16xf32>,
    %add3A_497 = arith.addf %add3A_491, %get3A_496 : vector<16xf32>
    %get3A_498 = arith.constant 709 : index
    %get3A_499 = tpu.vector_load %arg9[%get3A_498] {strides = array<i32>} : memref<2064xf32, #tpu.memory_space<vmem>>, vector<16xf32>,
    %add3A_500 = arith.addf %add3A_494, %get3A_499 : vector<16xf32>
    %get3A_501 = arith.constant 709 : index
    %get3A_502 = tpu.vector_load %arg10[%get3A_501] {strides = array<i32>} : memref<2064xf32, #tpu.memory_space<vmem>>, vector<16xf32>,
    %add3A_503 = arith.addf %add3A_497, %get3A_502 : vector<16xf32>
    %get3A_504 = arith.constant 838 : index
    %get3A_505 = tpu.vector_load %arg9[%get3A_504] {strides = array<i32>} : memref<2064xf32, #tpu.memory_space<vmem>>, vector<16xf32>,
    %add3A_506 = arith.addf %add3A_500, %get3A_505 : vector<16xf32>
    %get3A_507 = arith.constant 838 : index
    %get3A_508 = tpu.vector_load %arg10[%get3A_507] {strides = array<i32>} : memref<2064xf32, #tpu.memory_space<vmem>>, vector<16xf32>,
    %add3A_509 = arith.addf %add3A_503, %get3A_508 : vector<16xf32>
    %get3A_510 = arith.constant 967 : index
    %get3A_511 = tpu.vector_load %arg9[%get3A_510] {strides = array<i32>} : memref<2064xf32, #tpu.memory_space<vmem>>, vector<16xf32>,
    %add3A_512 = arith.addf %add3A_506, %get3A_511 : vector<16xf32>
    %get3A_513 = arith.constant 967 : index
    %get3A_514 = tpu.vector_load %arg10[%get3A_513] {strides = array<i32>} : memref<2064xf32, #tpu.memory_space<vmem>>, vector<16xf32>,
    %add3A_515 = arith.addf %add3A_509, %get3A_514 : vector<16xf32>
    %get3A_516 = arith.constant 1096 : index
    %get3A_517 = tpu.vector_load %arg9[%get3A_516] {strides = array<i32>} : memref<2064xf32, #tpu.memory_space<vmem>>, vector<16xf32>,
    %add3A_518 = arith.addf %add3A_512, %get3A_517 : vector<16xf32>
    %get3A_519 = arith.constant 1096 : index
    %get3A_520 = tpu.vector_load %arg10[%get3A_519] {strides = array<i32>} : memref<2064xf32, #tpu.memory_space<vmem>>, vector<16xf32>,
    %add3A_521 = arith.addf %add3A_515, %get3A_520 : vector<16xf32>
    %get3A_522 = arith.constant 1225 : index
    %get3A_523 = tpu.vector_load %arg9[%get3A_522] {strides = array<i32>} : memref<2064xf32, #tpu.memory_space<vmem>>, vector<16xf32>,
    %add3A_524 = arith.addf %add3A_518, %get3A_523 : vector<16xf32>
    %get3A_525 = arith.constant 1225 : index
    %get3A_526 = tpu.vector_load %arg10[%get3A_525] {strides = array<i32>} : memref<2064xf32, #tpu.memory_space<vmem>>, vector<16xf32>,
    %add3A_527 = arith.addf %add3A_521, %get3A_526 : vector<16xf32>
    %get3A_528 = arith.constant 1354 : index
    %get3A_529 = tpu.vector_load %arg9[%get3A_528] {strides = array<i32>} : memref<2064xf32, #tpu.memory_space<vmem>>, vector<16xf32>,
    %add3A_530 = arith.addf %add3A_524, %get3A_529 : vector<16xf32>
    %get3A_531 = arith.constant 1354 : index
    %get3A_532 = tpu.vector_load %arg10[%get3A_531] {strides = array<i32>} : memref<2064xf32, #tpu.memory_space<vmem>>, vector<16xf32>,
    %add3A_533 = arith.addf %add3A_527, %get3A_532 : vector<16xf32>
    %get3A_534 = arith.constant 1483 : index
    %get3A_535 = tpu.vector_load %arg9[%get3A_534] {strides = array<i32>} : memref<2064xf32, #tpu.memory_space<vmem>>, vector<16xf32>,
    %add3A_536 = arith.addf %add3A_530, %get3A_535 : vector<16xf32>
    %get3A_537 = arith.constant 1483 : index
    %get3A_538 = tpu.vector_load %arg10[%get3A_537] {strides = array<i32>} : memref<2064xf32, #tpu.memory_space<vmem>>, vector<16xf32>,
    %add3A_539 = arith.addf %add3A_533, %get3A_538 : vector<16xf32>
    %get3A_540 = arith.constant 1612 : index
    %get3A_541 = tpu.vector_load %arg9[%get3A_540] {strides = array<i32>} : memref<2064xf32, #tpu.memory_space<vmem>>, vector<16xf32>,
    %add3A_542 = arith.addf %add3A_536, %get3A_541 : vector<16xf32>
    %get3A_543 = arith.constant 1612 : index
    %get3A_544 = tpu.vector_load %arg10[%get3A_543] {strides = array<i32>} : memref<2064xf32, #tpu.memory_space<vmem>>, vector<16xf32>,
    %add3A_545 = arith.addf %add3A_539, %get3A_544 : vector<16xf32>
    %get3A_546 = arith.constant 1741 : index
    %get3A_547 = tpu.vector_load %arg9[%get3A_546] {strides = array<i32>} : memref<2064xf32, #tpu.memory_space<vmem>>, vector<16xf32>,
    %add3A_548 = arith.addf %add3A_542, %get3A_547 : vector<16xf32>
    %get3A_549 = arith.constant 1741 : index
    %get3A_550 = tpu.vector_load %arg10[%get3A_549] {strides = array<i32>} : memref<2064xf32, #tpu.memory_space<vmem>>, vector<16xf32>,
    %add3A_551 = arith.addf %add3A_545, %get3A_550 : vector<16xf32>
    %get3A_552 = arith.constant 1870 : index
    %get3A_553 = tpu.vector_load %arg9[%get3A_552] {strides = array<i32>} : memref<2064xf32, #tpu.memory_space<vmem>>, vector<16xf32>,
    %add3A_554 = arith.addf %add3A_548, %get3A_553 : vector<16xf32>
    %get3A_555 = arith.constant 1870 : index
    %get3A_556 = tpu.vector_load %arg10[%get3A_555] {strides = array<i32>} : memref<2064xf32, #tpu.memory_space<vmem>>, vector<16xf32>,
    %add3A_557 = arith.addf %add3A_551, %get3A_556 : vector<16xf32>
    %get3A_558 = arith.constant 1999 : index
    %get3A_559 = tpu.vector_load %arg9[%get3A_558] {strides = array<i32>} : memref<2064xf32, #tpu.memory_space<vmem>>, vector<16xf32>,
    %add3A_560 = arith.addf %add3A_554, %get3A_559 : vector<16xf32>
    %get3A_561 = arith.constant 1999 : index
    %get3A_562 = tpu.vector_load %arg10[%get3A_561] {strides = array<i32>} : memref<2064xf32, #tpu.memory_space<vmem>>, vector<16xf32>,
    %add3A_563 = arith.addf %add3A_557, %get3A_562 : vector<16xf32>
    %swap3A_564 = arith.constant 64 : index
    %swap3A_565 = tpu.vector_load %arg11[%swap3A_564] {strides = array<i32>} : memref<384xf32, #tpu.memory_space<vmem>>, vector<16xf32>,
    tpu.vector_store %arg11[%swap3A_564], %add3A_560 {strides = array<i32>} : memref<384xf32, #tpu.memory_space<vmem>>, vector<16xf32>,
    %swap3A_566 = arith.constant 192 : index
    %swap3A_567 = tpu.vector_load %arg11[%swap3A_566] {strides = array<i32>} : memref<384xf32, #tpu.memory_space<vmem>>, vector<16xf32>,
    tpu.vector_store %arg11[%swap3A_566], %add3A_563 {strides = array<i32>} : memref<384xf32, #tpu.memory_space<vmem>>, vector<16xf32>,
    %get3A_568 = arith.constant 80 : index
    %get3A_569 = tpu.vector_load %arg9[%get3A_568] {strides = array<i32>} : memref<2064xf32, #tpu.memory_space<vmem>>, vector<16xf32>,
    %get3A_570 = arith.constant 80 : index
    %get3A_571 = tpu.vector_load %arg10[%get3A_570] {strides = array<i32>} : memref<2064xf32, #tpu.memory_space<vmem>>, vector<16xf32>,
    %get3A_572 = arith.constant 209 : index
    %get3A_573 = tpu.vector_load %arg9[%get3A_572] {strides = array<i32>} : memref<2064xf32, #tpu.memory_space<vmem>>, vector<16xf32>,
    %add3A_574 = arith.addf %get3A_569, %get3A_573 : vector<16xf32>
    %get3A_575 = arith.constant 209 : index
    %get3A_576 = tpu.vector_load %arg10[%get3A_575] {strides = array<i32>} : memref<2064xf32, #tpu.memory_space<vmem>>, vector<16xf32>,
    %add3A_577 = arith.addf %get3A_571, %get3A_576 : vector<16xf32>
    %get3A_578 = arith.constant 338 : index
    %get3A_579 = tpu.vector_load %arg9[%get3A_578] {strides = array<i32>} : memref<2064xf32, #tpu.memory_space<vmem>>, vector<16xf32>,
    %add3A_580 = arith.addf %add3A_574, %get3A_579 : vector<16xf32>
    %get3A_581 = arith.constant 338 : index
    %get3A_582 = tpu.vector_load %arg10[%get3A_581] {strides = array<i32>} : memref<2064xf32, #tpu.memory_space<vmem>>, vector<16xf32>,
    %add3A_583 = arith.addf %add3A_577, %get3A_582 : vector<16xf32>
    %get3A_584 = arith.constant 467 : index
    %get3A_585 = tpu.vector_load %arg9[%get3A_584] {strides = array<i32>} : memref<2064xf32, #tpu.memory_space<vmem>>, vector<16xf32>,
    %add3A_586 = arith.addf %add3A_580, %get3A_585 : vector<16xf32>
    %get3A_587 = arith.constant 467 : index
    %get3A_588 = tpu.vector_load %arg10[%get3A_587] {strides = array<i32>} : memref<2064xf32, #tpu.memory_space<vmem>>, vector<16xf32>,
    %add3A_589 = arith.addf %add3A_583, %get3A_588 : vector<16xf32>
    %get3A_590 = arith.constant 596 : index
    %get3A_591 = tpu.vector_load %arg9[%get3A_590] {strides = array<i32>} : memref<2064xf32, #tpu.memory_space<vmem>>, vector<16xf32>,
    %add3A_592 = arith.addf %add3A_586, %get3A_591 : vector<16xf32>
    %get3A_593 = arith.constant 596 : index
    %get3A_594 = tpu.vector_load %arg10[%get3A_593] {strides = array<i32>} : memref<2064xf32, #tpu.memory_space<vmem>>, vector<16xf32>,
    %add3A_595 = arith.addf %add3A_589, %get3A_594 : vector<16xf32>
    %get3A_596 = arith.constant 725 : index
    %get3A_597 = tpu.vector_load %arg9[%get3A_596] {strides = array<i32>} : memref<2064xf32, #tpu.memory_space<vmem>>, vector<16xf32>,
    %add3A_598 = arith.addf %add3A_592, %get3A_597 : vector<16xf32>
    %get3A_599 = arith.constant 725 : index
    %get3A_600 = tpu.vector_load %arg10[%get3A_599] {strides = array<i32>} : memref<2064xf32, #tpu.memory_space<vmem>>, vector<16xf32>,
    %add3A_601 = arith.addf %add3A_595, %get3A_600 : vector<16xf32>
    %get3A_602 = arith.constant 854 : index
    %get3A_603 = tpu.vector_load %arg9[%get3A_602] {strides = array<i32>} : memref<2064xf32, #tpu.memory_space<vmem>>, vector<16xf32>,
    %add3A_604 = arith.addf %add3A_598, %get3A_603 : vector<16xf32>
    %get3A_605 = arith.constant 854 : index
    %get3A_606 = tpu.vector_load %arg10[%get3A_605] {strides = array<i32>} : memref<2064xf32, #tpu.memory_space<vmem>>, vector<16xf32>,
    %add3A_607 = arith.addf %add3A_601, %get3A_606 : vector<16xf32>
    %get3A_608 = arith.constant 983 : index
    %get3A_609 = tpu.vector_load %arg9[%get3A_608] {strides = array<i32>} : memref<2064xf32, #tpu.memory_space<vmem>>, vector<16xf32>,
    %add3A_610 = arith.addf %add3A_604, %get3A_609 : vector<16xf32>
    %get3A_611 = arith.constant 983 : index
    %get3A_612 = tpu.vector_load %arg10[%get3A_611] {strides = array<i32>} : memref<2064xf32, #tpu.memory_space<vmem>>, vector<16xf32>,
    %add3A_613 = arith.addf %add3A_607, %get3A_612 : vector<16xf32>
    %get3A_614 = arith.constant 1112 : index
    %get3A_615 = tpu.vector_load %arg9[%get3A_614] {strides = array<i32>} : memref<2064xf32, #tpu.memory_space<vmem>>, vector<16xf32>,
    %add3A_616 = arith.addf %add3A_610, %get3A_615 : vector<16xf32>
    %get3A_617 = arith.constant 1112 : index
    %get3A_618 = tpu.vector_load %arg10[%get3A_617] {strides = array<i32>} : memref<2064xf32, #tpu.memory_space<vmem>>, vector<16xf32>,
    %add3A_619 = arith.addf %add3A_613, %get3A_618 : vector<16xf32>
    %get3A_620 = arith.constant 1241 : index
    %get3A_621 = tpu.vector_load %arg9[%get3A_620] {strides = array<i32>} : memref<2064xf32, #tpu.memory_space<vmem>>, vector<16xf32>,
    %add3A_622 = arith.addf %add3A_616, %get3A_621 : vector<16xf32>
    %get3A_623 = arith.constant 1241 : index
    %get3A_624 = tpu.vector_load %arg10[%get3A_623] {strides = array<i32>} : memref<2064xf32, #tpu.memory_space<vmem>>, vector<16xf32>,
    %add3A_625 = arith.addf %add3A_619, %get3A_624 : vector<16xf32>
    %get3A_626 = arith.constant 1370 : index
    %get3A_627 = tpu.vector_load %arg9[%get3A_626] {strides = array<i32>} : memref<2064xf32, #tpu.memory_space<vmem>>, vector<16xf32>,
    %add3A_628 = arith.addf %add3A_622, %get3A_627 : vector<16xf32>
    %get3A_629 = arith.constant 1370 : index
    %get3A_630 = tpu.vector_load %arg10[%get3A_629] {strides = array<i32>} : memref<2064xf32, #tpu.memory_space<vmem>>, vector<16xf32>,
    %add3A_631 = arith.addf %add3A_625, %get3A_630 : vector<16xf32>
    %get3A_632 = arith.constant 1499 : index
    %get3A_633 = tpu.vector_load %arg9[%get3A_632] {strides = array<i32>} : memref<2064xf32, #tpu.memory_space<vmem>>, vector<16xf32>,
    %add3A_634 = arith.addf %add3A_628, %get3A_633 : vector<16xf32>
    %get3A_635 = arith.constant 1499 : index
    %get3A_636 = tpu.vector_load %arg10[%get3A_635] {strides = array<i32>} : memref<2064xf32, #tpu.memory_space<vmem>>, vector<16xf32>,
    %add3A_637 = arith.addf %add3A_631, %get3A_636 : vector<16xf32>
    %get3A_638 = arith.constant 1628 : index
    %get3A_639 = tpu.vector_load %arg9[%get3A_638] {strides = array<i32>} : memref<2064xf32, #tpu.memory_space<vmem>>, vector<16xf32>,
    %add3A_640 = arith.addf %add3A_634, %get3A_639 : vector<16xf32>
    %get3A_641 = arith.constant 1628 : index
    %get3A_642 = tpu.vector_load %arg10[%get3A_641] {strides = array<i32>} : memref<2064xf32, #tpu.memory_space<vmem>>, vector<16xf32>,
    %add3A_643 = arith.addf %add3A_637, %get3A_642 : vector<16xf32>
    %get3A_644 = arith.constant 1757 : index
    %get3A_645 = tpu.vector_load %arg9[%get3A_644] {strides = array<i32>} : memref<2064xf32, #tpu.memory_space<vmem>>, vector<16xf32>,
    %add3A_646 = arith.addf %add3A_640, %get3A_645 : vector<16xf32>
    %get3A_647 = arith.constant 1757 : index
    %get3A_648 = tpu.vector_load %arg10[%get3A_647] {strides = array<i32>} : memref<2064xf32, #tpu.memory_space<vmem>>, vector<16xf32>,
    %add3A_649 = arith.addf %add3A_643, %get3A_648 : vector<16xf32>
    %get3A_650 = arith.constant 1886 : index
    %get3A_651 = tpu.vector_load %arg9[%get3A_650] {strides = array<i32>} : memref<2064xf32, #tpu.memory_space<vmem>>, vector<16xf32>,
    %add3A_652 = arith.addf %add3A_646, %get3A_651 : vector<16xf32>
    %get3A_653 = arith.constant 1886 : index
    %get3A_654 = tpu.vector_load %arg10[%get3A_653] {strides = array<i32>} : memref<2064xf32, #tpu.memory_space<vmem>>, vector<16xf32>,
    %add3A_655 = arith.addf %add3A_649, %get3A_654 : vector<16xf32>
    %get3A_656 = arith.constant 2015 : index
    %get3A_657 = tpu.vector_load %arg9[%get3A_656] {strides = array<i32>} : memref<2064xf32, #tpu.memory_space<vmem>>, vector<16xf32>,
    %add3A_658 = arith.addf %add3A_652, %get3A_657 : vector<16xf32>
    %get3A_659 = arith.constant 2015 : index
    %get3A_660 = tpu.vector_load %arg10[%get3A_659] {strides = array<i32>} : memref<2064xf32, #tpu.memory_space<vmem>>, vector<16xf32>,
    %add3A_661 = arith.addf %add3A_655, %get3A_660 : vector<16xf32>
    %swap3A_662 = arith.constant 80 : index
    %swap3A_663 = tpu.vector_load %arg11[%swap3A_662] {strides = array<i32>} : memref<384xf32, #tpu.memory_space<vmem>>, vector<16xf32>,
    tpu.vector_store %arg11[%swap3A_662], %add3A_658 {strides = array<i32>} : memref<384xf32, #tpu.memory_space<vmem>>, vector<16xf32>,
    %swap3A_664 = arith.constant 208 : index
    %swap3A_665 = tpu.vector_load %arg11[%swap3A_664] {strides = array<i32>} : memref<384xf32, #tpu.memory_space<vmem>>, vector<16xf32>,
    tpu.vector_store %arg11[%swap3A_664], %add3A_661 {strides = array<i32>} : memref<384xf32, #tpu.memory_space<vmem>>, vector<16xf32>,
    %get3A_666 = arith.constant 96 : index
    %get3A_667 = tpu.vector_load %arg9[%get3A_666] {strides = array<i32>} : memref<2064xf32, #tpu.memory_space<vmem>>, vector<16xf32>,
    %get3A_668 = arith.constant 96 : index
    %get3A_669 = tpu.vector_load %arg10[%get3A_668] {strides = array<i32>} : memref<2064xf32, #tpu.memory_space<vmem>>, vector<16xf32>,
    %get3A_670 = arith.constant 225 : index
    %get3A_671 = tpu.vector_load %arg9[%get3A_670] {strides = array<i32>} : memref<2064xf32, #tpu.memory_space<vmem>>, vector<16xf32>,
    %add3A_672 = arith.addf %get3A_667, %get3A_671 : vector<16xf32>
    %get3A_673 = arith.constant 225 : index
    %get3A_674 = tpu.vector_load %arg10[%get3A_673] {strides = array<i32>} : memref<2064xf32, #tpu.memory_space<vmem>>, vector<16xf32>,
    %add3A_675 = arith.addf %get3A_669, %get3A_674 : vector<16xf32>
    %get3A_676 = arith.constant 354 : index
    %get3A_677 = tpu.vector_load %arg9[%get3A_676] {strides = array<i32>} : memref<2064xf32, #tpu.memory_space<vmem>>, vector<16xf32>,
    %add3A_678 = arith.addf %add3A_672, %get3A_677 : vector<16xf32>
    %get3A_679 = arith.constant 354 : index
    %get3A_680 = tpu.vector_load %arg10[%get3A_679] {strides = array<i32>} : memref<2064xf32, #tpu.memory_space<vmem>>, vector<16xf32>,
    %add3A_681 = arith.addf %add3A_675, %get3A_680 : vector<16xf32>
    %get3A_682 = arith.constant 483 : index
    %get3A_683 = tpu.vector_load %arg9[%get3A_682] {strides = array<i32>} : memref<2064xf32, #tpu.memory_space<vmem>>, vector<16xf32>,
    %add3A_684 = arith.addf %add3A_678, %get3A_683 : vector<16xf32>
    %get3A_685 = arith.constant 483 : index
    %get3A_686 = tpu.vector_load %arg10[%get3A_685] {strides = array<i32>} : memref<2064xf32, #tpu.memory_space<vmem>>, vector<16xf32>,
    %add3A_687 = arith.addf %add3A_681, %get3A_686 : vector<16xf32>
    %get3A_688 = arith.constant 612 : index
    %get3A_689 = tpu.vector_load %arg9[%get3A_688] {strides = array<i32>} : memref<2064xf32, #tpu.memory_space<vmem>>, vector<16xf32>,
    %add3A_690 = arith.addf %add3A_684, %get3A_689 : vector<16xf32>
    %get3A_691 = arith.constant 612 : index
    %get3A_692 = tpu.vector_load %arg10[%get3A_691] {strides = array<i32>} : memref<2064xf32, #tpu.memory_space<vmem>>, vector<16xf32>,
    %add3A_693 = arith.addf %add3A_687, %get3A_692 : vector<16xf32>
    %get3A_694 = arith.constant 741 : index
    %get3A_695 = tpu.vector_load %arg9[%get3A_694] {strides = array<i32>} : memref<2064xf32, #tpu.memory_space<vmem>>, vector<16xf32>,
    %add3A_696 = arith.addf %add3A_690, %get3A_695 : vector<16xf32>
    %get3A_697 = arith.constant 741 : index
    %get3A_698 = tpu.vector_load %arg10[%get3A_697] {strides = array<i32>} : memref<2064xf32, #tpu.memory_space<vmem>>, vector<16xf32>,
    %add3A_699 = arith.addf %add3A_693, %get3A_698 : vector<16xf32>
    %get3A_700 = arith.constant 870 : index
    %get3A_701 = tpu.vector_load %arg9[%get3A_700] {strides = array<i32>} : memref<2064xf32, #tpu.memory_space<vmem>>, vector<16xf32>,
    %add3A_702 = arith.addf %add3A_696, %get3A_701 : vector<16xf32>
    %get3A_703 = arith.constant 870 : index
    %get3A_704 = tpu.vector_load %arg10[%get3A_703] {strides = array<i32>} : memref<2064xf32, #tpu.memory_space<vmem>>, vector<16xf32>,
    %add3A_705 = arith.addf %add3A_699, %get3A_704 : vector<16xf32>
    %get3A_706 = arith.constant 999 : index
    %get3A_707 = tpu.vector_load %arg9[%get3A_706] {strides = array<i32>} : memref<2064xf32, #tpu.memory_space<vmem>>, vector<16xf32>,
    %add3A_708 = arith.addf %add3A_702, %get3A_707 : vector<16xf32>
    %get3A_709 = arith.constant 999 : index
    %get3A_710 = tpu.vector_load %arg10[%get3A_709] {strides = array<i32>} : memref<2064xf32, #tpu.memory_space<vmem>>, vector<16xf32>,
    %add3A_711 = arith.addf %add3A_705, %get3A_710 : vector<16xf32>
    %get3A_712 = arith.constant 1128 : index
    %get3A_713 = tpu.vector_load %arg9[%get3A_712] {strides = array<i32>} : memref<2064xf32, #tpu.memory_space<vmem>>, vector<16xf32>,
    %add3A_714 = arith.addf %add3A_708, %get3A_713 : vector<16xf32>
    %get3A_715 = arith.constant 1128 : index
    %get3A_716 = tpu.vector_load %arg10[%get3A_715] {strides = array<i32>} : memref<2064xf32, #tpu.memory_space<vmem>>, vector<16xf32>,
    %add3A_717 = arith.addf %add3A_711, %get3A_716 : vector<16xf32>
    %get3A_718 = arith.constant 1257 : index
    %get3A_719 = tpu.vector_load %arg9[%get3A_718] {strides = array<i32>} : memref<2064xf32, #tpu.memory_space<vmem>>, vector<16xf32>,
    %add3A_720 = arith.addf %add3A_714, %get3A_719 : vector<16xf32>
    %get3A_721 = arith.constant 1257 : index
    %get3A_722 = tpu.vector_load %arg10[%get3A_721] {strides = array<i32>} : memref<2064xf32, #tpu.memory_space<vmem>>, vector<16xf32>,
    %add3A_723 = arith.addf %add3A_717, %get3A_722 : vector<16xf32>
    %get3A_724 = arith.constant 1386 : index
    %get3A_725 = tpu.vector_load %arg9[%get3A_724] {strides = array<i32>} : memref<2064xf32, #tpu.memory_space<vmem>>, vector<16xf32>,
    %add3A_726 = arith.addf %add3A_720, %get3A_725 : vector<16xf32>
    %get3A_727 = arith.constant 1386 : index
    %get3A_728 = tpu.vector_load %arg10[%get3A_727] {strides = array<i32>} : memref<2064xf32, #tpu.memory_space<vmem>>, vector<16xf32>,
    %add3A_729 = arith.addf %add3A_723, %get3A_728 : vector<16xf32>
    %get3A_730 = arith.constant 1515 : index
    %get3A_731 = tpu.vector_load %arg9[%get3A_730] {strides = array<i32>} : memref<2064xf32, #tpu.memory_space<vmem>>, vector<16xf32>,
    %add3A_732 = arith.addf %add3A_726, %get3A_731 : vector<16xf32>
    %get3A_733 = arith.constant 1515 : index
    %get3A_734 = tpu.vector_load %arg10[%get3A_733] {strides = array<i32>} : memref<2064xf32, #tpu.memory_space<vmem>>, vector<16xf32>,
    %add3A_735 = arith.addf %add3A_729, %get3A_734 : vector<16xf32>
    %get3A_736 = arith.constant 1644 : index
    %get3A_737 = tpu.vector_load %arg9[%get3A_736] {strides = array<i32>} : memref<2064xf32, #tpu.memory_space<vmem>>, vector<16xf32>,
    %add3A_738 = arith.addf %add3A_732, %get3A_737 : vector<16xf32>
    %get3A_739 = arith.constant 1644 : index
    %get3A_740 = tpu.vector_load %arg10[%get3A_739] {strides = array<i32>} : memref<2064xf32, #tpu.memory_space<vmem>>, vector<16xf32>,
    %add3A_741 = arith.addf %add3A_735, %get3A_740 : vector<16xf32>
    %get3A_742 = arith.constant 1773 : index
    %get3A_743 = tpu.vector_load %arg9[%get3A_742] {strides = array<i32>} : memref<2064xf32, #tpu.memory_space<vmem>>, vector<16xf32>,
    %add3A_744 = arith.addf %add3A_738, %get3A_743 : vector<16xf32>
    %get3A_745 = arith.constant 1773 : index
    %get3A_746 = tpu.vector_load %arg10[%get3A_745] {strides = array<i32>} : memref<2064xf32, #tpu.memory_space<vmem>>, vector<16xf32>,
    %add3A_747 = arith.addf %add3A_741, %get3A_746 : vector<16xf32>
    %get3A_748 = arith.constant 1902 : index
    %get3A_749 = tpu.vector_load %arg9[%get3A_748] {strides = array<i32>} : memref<2064xf32, #tpu.memory_space<vmem>>, vector<16xf32>,
    %add3A_750 = arith.addf %add3A_744, %get3A_749 : vector<16xf32>
    %get3A_751 = arith.constant 1902 : index
    %get3A_752 = tpu.vector_load %arg10[%get3A_751] {strides = array<i32>} : memref<2064xf32, #tpu.memory_space<vmem>>, vector<16xf32>,
    %add3A_753 = arith.addf %add3A_747, %get3A_752 : vector<16xf32>
    %get3A_754 = arith.constant 2031 : index
    %get3A_755 = tpu.vector_load %arg9[%get3A_754] {strides = array<i32>} : memref<2064xf32, #tpu.memory_space<vmem>>, vector<16xf32>,
    %add3A_756 = arith.addf %add3A_750, %get3A_755 : vector<16xf32>
    %get3A_757 = arith.constant 2031 : index
    %get3A_758 = tpu.vector_load %arg10[%get3A_757] {strides = array<i32>} : memref<2064xf32, #tpu.memory_space<vmem>>, vector<16xf32>,
    %add3A_759 = arith.addf %add3A_753, %get3A_758 : vector<16xf32>
    %swap3A_760 = arith.constant 96 : index
    %swap3A_761 = tpu.vector_load %arg11[%swap3A_760] {strides = array<i32>} : memref<384xf32, #tpu.memory_space<vmem>>, vector<16xf32>,
    tpu.vector_store %arg11[%swap3A_760], %add3A_756 {strides = array<i32>} : memref<384xf32, #tpu.memory_space<vmem>>, vector<16xf32>,
    %swap3A_762 = arith.constant 224 : index
    %swap3A_763 = tpu.vector_load %arg11[%swap3A_762] {strides = array<i32>} : memref<384xf32, #tpu.memory_space<vmem>>, vector<16xf32>,
    tpu.vector_store %arg11[%swap3A_762], %add3A_759 {strides = array<i32>} : memref<384xf32, #tpu.memory_space<vmem>>, vector<16xf32>,
    %get3A_764 = arith.constant 112 : index
    %get3A_765 = tpu.vector_load %arg9[%get3A_764] {strides = array<i32>} : memref<2064xf32, #tpu.memory_space<vmem>>, vector<16xf32>,
    %get3A_766 = arith.constant 112 : index
    %get3A_767 = tpu.vector_load %arg10[%get3A_766] {strides = array<i32>} : memref<2064xf32, #tpu.memory_space<vmem>>, vector<16xf32>,
    %get3A_768 = arith.constant 241 : index
    %get3A_769 = tpu.vector_load %arg9[%get3A_768] {strides = array<i32>} : memref<2064xf32, #tpu.memory_space<vmem>>, vector<16xf32>,
    %add3A_770 = arith.addf %get3A_765, %get3A_769 : vector<16xf32>
    %get3A_771 = arith.constant 241 : index
    %get3A_772 = tpu.vector_load %arg10[%get3A_771] {strides = array<i32>} : memref<2064xf32, #tpu.memory_space<vmem>>, vector<16xf32>,
    %add3A_773 = arith.addf %get3A_767, %get3A_772 : vector<16xf32>
    %get3A_774 = arith.constant 370 : index
    %get3A_775 = tpu.vector_load %arg9[%get3A_774] {strides = array<i32>} : memref<2064xf32, #tpu.memory_space<vmem>>, vector<16xf32>,
    %add3A_776 = arith.addf %add3A_770, %get3A_775 : vector<16xf32>
    %get3A_777 = arith.constant 370 : index
    %get3A_778 = tpu.vector_load %arg10[%get3A_777] {strides = array<i32>} : memref<2064xf32, #tpu.memory_space<vmem>>, vector<16xf32>,
    %add3A_779 = arith.addf %add3A_773, %get3A_778 : vector<16xf32>
    %get3A_780 = arith.constant 499 : index
    %get3A_781 = tpu.vector_load %arg9[%get3A_780] {strides = array<i32>} : memref<2064xf32, #tpu.memory_space<vmem>>, vector<16xf32>,
    %add3A_782 = arith.addf %add3A_776, %get3A_781 : vector<16xf32>
    %get3A_783 = arith.constant 499 : index
    %get3A_784 = tpu.vector_load %arg10[%get3A_783] {strides = array<i32>} : memref<2064xf32, #tpu.memory_space<vmem>>, vector<16xf32>,
    %add3A_785 = arith.addf %add3A_779, %get3A_784 : vector<16xf32>
    %get3A_786 = arith.constant 628 : index
    %get3A_787 = tpu.vector_load %arg9[%get3A_786] {strides = array<i32>} : memref<2064xf32, #tpu.memory_space<vmem>>, vector<16xf32>,
    %add3A_788 = arith.addf %add3A_782, %get3A_787 : vector<16xf32>
    %get3A_789 = arith.constant 628 : index
    %get3A_790 = tpu.vector_load %arg10[%get3A_789] {strides = array<i32>} : memref<2064xf32, #tpu.memory_space<vmem>>, vector<16xf32>,
    %add3A_791 = arith.addf %add3A_785, %get3A_790 : vector<16xf32>
    %get3A_792 = arith.constant 757 : index
    %get3A_793 = tpu.vector_load %arg9[%get3A_792] {strides = array<i32>} : memref<2064xf32, #tpu.memory_space<vmem>>, vector<16xf32>,
    %add3A_794 = arith.addf %add3A_788, %get3A_793 : vector<16xf32>
    %get3A_795 = arith.constant 757 : index
    %get3A_796 = tpu.vector_load %arg10[%get3A_795] {strides = array<i32>} : memref<2064xf32, #tpu.memory_space<vmem>>, vector<16xf32>,
    %add3A_797 = arith.addf %add3A_791, %get3A_796 : vector<16xf32>
    %get3A_798 = arith.constant 886 : index
    %get3A_799 = tpu.vector_load %arg9[%get3A_798] {strides = array<i32>} : memref<2064xf32, #tpu.memory_space<vmem>>, vector<16xf32>,
    %add3A_800 = arith.addf %add3A_794, %get3A_799 : vector<16xf32>
    %get3A_801 = arith.constant 886 : index
    %get3A_802 = tpu.vector_load %arg10[%get3A_801] {strides = array<i32>} : memref<2064xf32, #tpu.memory_space<vmem>>, vector<16xf32>,
    %add3A_803 = arith.addf %add3A_797, %get3A_802 : vector<16xf32>
    %get3A_804 = arith.constant 1015 : index
    %get3A_805 = tpu.vector_load %arg9[%get3A_804] {strides = array<i32>} : memref<2064xf32, #tpu.memory_space<vmem>>, vector<16xf32>,
    %add3A_806 = arith.addf %add3A_800, %get3A_805 : vector<16xf32>
    %get3A_807 = arith.constant 1015 : index
    %get3A_808 = tpu.vector_load %arg10[%get3A_807] {strides = array<i32>} : memref<2064xf32, #tpu.memory_space<vmem>>, vector<16xf32>,
    %add3A_809 = arith.addf %add3A_803, %get3A_808 : vector<16xf32>
    %get3A_810 = arith.constant 1144 : index
    %get3A_811 = tpu.vector_load %arg9[%get3A_810] {strides = array<i32>} : memref<2064xf32, #tpu.memory_space<vmem>>, vector<16xf32>,
    %add3A_812 = arith.addf %add3A_806, %get3A_811 : vector<16xf32>
    %get3A_813 = arith.constant 1144 : index
    %get3A_814 = tpu.vector_load %arg10[%get3A_813] {strides = array<i32>} : memref<2064xf32, #tpu.memory_space<vmem>>, vector<16xf32>,
    %add3A_815 = arith.addf %add3A_809, %get3A_814 : vector<16xf32>
    %get3A_816 = arith.constant 1273 : index
    %get3A_817 = tpu.vector_load %arg9[%get3A_816] {strides = array<i32>} : memref<2064xf32, #tpu.memory_space<vmem>>, vector<16xf32>,
    %add3A_818 = arith.addf %add3A_812, %get3A_817 : vector<16xf32>
    %get3A_819 = arith.constant 1273 : index
    %get3A_820 = tpu.vector_load %arg10[%get3A_819] {strides = array<i32>} : memref<2064xf32, #tpu.memory_space<vmem>>, vector<16xf32>,
    %add3A_821 = arith.addf %add3A_815, %get3A_820 : vector<16xf32>
    %get3A_822 = arith.constant 1402 : index
    %get3A_823 = tpu.vector_load %arg9[%get3A_822] {strides = array<i32>} : memref<2064xf32, #tpu.memory_space<vmem>>, vector<16xf32>,
    %add3A_824 = arith.addf %add3A_818, %get3A_823 : vector<16xf32>
    %get3A_825 = arith.constant 1402 : index
    %get3A_826 = tpu.vector_load %arg10[%get3A_825] {strides = array<i32>} : memref<2064xf32, #tpu.memory_space<vmem>>, vector<16xf32>,
    %add3A_827 = arith.addf %add3A_821, %get3A_826 : vector<16xf32>
    %get3A_828 = arith.constant 1531 : index
    %get3A_829 = tpu.vector_load %arg9[%get3A_828] {strides = array<i32>} : memref<2064xf32, #tpu.memory_space<vmem>>, vector<16xf32>,
    %add3A_830 = arith.addf %add3A_824, %get3A_829 : vector<16xf32>
    %get3A_831 = arith.constant 1531 : index
    %get3A_832 = tpu.vector_load %arg10[%get3A_831] {strides = array<i32>} : memref<2064xf32, #tpu.memory_space<vmem>>, vector<16xf32>,
    %add3A_833 = arith.addf %add3A_827, %get3A_832 : vector<16xf32>
    %get3A_834 = arith.constant 1660 : index
    %get3A_835 = tpu.vector_load %arg9[%get3A_834] {strides = array<i32>} : memref<2064xf32, #tpu.memory_space<vmem>>, vector<16xf32>,
    %add3A_836 = arith.addf %add3A_830, %get3A_835 : vector<16xf32>
    %get3A_837 = arith.constant 1660 : index
    %get3A_838 = tpu.vector_load %arg10[%get3A_837] {strides = array<i32>} : memref<2064xf32, #tpu.memory_space<vmem>>, vector<16xf32>,
    %add3A_839 = arith.addf %add3A_833, %get3A_838 : vector<16xf32>
    %get3A_840 = arith.constant 1789 : index
    %get3A_841 = tpu.vector_load %arg9[%get3A_840] {strides = array<i32>} : memref<2064xf32, #tpu.memory_space<vmem>>, vector<16xf32>,
    %add3A_842 = arith.addf %add3A_836, %get3A_841 : vector<16xf32>
    %get3A_843 = arith.constant 1789 : index
    %get3A_844 = tpu.vector_load %arg10[%get3A_843] {strides = array<i32>} : memref<2064xf32, #tpu.memory_space<vmem>>, vector<16xf32>,
    %add3A_845 = arith.addf %add3A_839, %get3A_844 : vector<16xf32>
    %get3A_846 = arith.constant 1918 : index
    %get3A_847 = tpu.vector_load %arg9[%get3A_846] {strides = array<i32>} : memref<2064xf32, #tpu.memory_space<vmem>>, vector<16xf32>,
    %add3A_848 = arith.addf %add3A_842, %get3A_847 : vector<16xf32>
    %get3A_849 = arith.constant 1918 : index
    %get3A_850 = tpu.vector_load %arg10[%get3A_849] {strides = array<i32>} : memref<2064xf32, #tpu.memory_space<vmem>>, vector<16xf32>,
    %add3A_851 = arith.addf %add3A_845, %get3A_850 : vector<16xf32>
    %get3A_852 = arith.constant 2047 : index
    %get3A_853 = tpu.vector_load %arg9[%get3A_852] {strides = array<i32>} : memref<2064xf32, #tpu.memory_space<vmem>>, vector<16xf32>,
    %add3A_854 = arith.addf %add3A_848, %get3A_853 : vector<16xf32>
    %get3A_855 = arith.constant 2047 : index
    %get3A_856 = tpu.vector_load %arg10[%get3A_855] {strides = array<i32>} : memref<2064xf32, #tpu.memory_space<vmem>>, vector<16xf32>,
    %add3A_857 = arith.addf %add3A_851, %get3A_856 : vector<16xf32>
    %swap3A_858 = arith.constant 112 : index
    %swap3A_859 = tpu.vector_load %arg11[%swap3A_858] {strides = array<i32>} : memref<384xf32, #tpu.memory_space<vmem>>, vector<16xf32>,
    tpu.vector_store %arg11[%swap3A_858], %add3A_854 {strides = array<i32>} : memref<384xf32, #tpu.memory_space<vmem>>, vector<16xf32>,
    %swap3A_860 = arith.constant 240 : index
    %swap3A_861 = tpu.vector_load %arg11[%swap3A_860] {strides = array<i32>} : memref<384xf32, #tpu.memory_space<vmem>>, vector<16xf32>,
    tpu.vector_store %arg11[%swap3A_860], %add3A_857 {strides = array<i32>} : memref<384xf32, #tpu.memory_space<vmem>>, vector<16xf32>,
    %swap3A_862 = arith.constant 256 : index
    %swap3A_863 = tpu.vector_load %arg11[%swap3A_862] {strides = array<i32>} : memref<384xf32, #tpu.memory_space<vmem>>, vector<16xf32>,
    tpu.vector_store %arg11[%swap3A_862], %parallel_loop3A_76 {strides = array<i32>} : memref<384xf32, #tpu.memory_space<vmem>>, vector<16xf32>,
    "tpu.region"() ({
      %run_scoped3A = tpu.sem_alloc : memref<!tpu.dma_semaphore, #tpu.memory_space<semaphore_mem>>
      %dma_start3A_864 = arith.constant 0 : i32
      %dma_start3A_865 = tpu.memref_slice %arg5[%add3A, %dma_start3A_864] : memref<32x384xf32, #tpu.memory_space<hbm>> -> memref<1x384xf32, #tpu.memory_space<hbm>>
      %dma_start3A_866 = tpu.memref_squeeze %dma_start3A_865 : memref<1x384xf32, #tpu.memory_space<hbm>> -> memref<384xf32, #tpu.memory_space<hbm>>
      %dma_start3A_867 = arith.constant 0 : i32
      %dma_start3A_868 = tpu.memref_slice %arg5[%add3A, %dma_start3A_867] : memref<32x384xf32, #tpu.memory_space<hbm>> -> memref<1x384xf32, #tpu.memory_space<hbm>>
      %dma_start3A_869 = tpu.memref_squeeze %dma_start3A_868 : memref<1x384xf32, #tpu.memory_space<hbm>> -> memref<384xf32, #tpu.memory_space<hbm>>
      tpu.enqueue_dma source(%arg11 : memref<384xf32, #tpu.memory_space<vmem>>) target(%dma_start3A_869 : memref<384xf32, #tpu.memory_space<hbm>>) target_semaphore(%run_scoped3A : memref<!tpu.dma_semaphore, #tpu.memory_space<semaphore_mem>>)
      %dma_wait3A_870 = arith.constant 0 : i32
      %dma_wait3A_871 = tpu.memref_slice %arg5[%add3A, %dma_wait3A_870] : memref<32x384xf32, #tpu.memory_space<hbm>> -> memref<1x384xf32, #tpu.memory_space<hbm>>
      %dma_wait3A_872 = tpu.memref_squeeze %dma_wait3A_871 : memref<1x384xf32, #tpu.memory_space<hbm>> -> memref<384xf32, #tpu.memory_space<hbm>>
      %dma_wait3A_873 = arith.constant 0 : i32
      %dma_wait3A_874 = tpu.memref_slice %arg5[%add3A, %dma_wait3A_873] : memref<32x384xf32, #tpu.memory_space<hbm>> -> memref<1x384xf32, #tpu.memory_space<hbm>>
      %dma_wait3A_875 = tpu.memref_squeeze %dma_wait3A_874 : memref<1x384xf32, #tpu.memory_space<hbm>> -> memref<384xf32, #tpu.memory_space<hbm>>
      tpu.wait_dma2 semaphore(%run_scoped3A : memref<!tpu.dma_semaphore, #tpu.memory_space<semaphore_mem>>) src(%arg11 : memref<384xf32, #tpu.memory_space<vmem>>) dst(%dma_wait3A_875 : memref<384xf32, #tpu.memory_space<hbm>>)
      tpu.yield
    }) : () -> ()
    return
  }
}

module attributes {stable_mosaic.version = 14 : i64} {
  func.func @_tc_body(%arg0: memref<32x384xf32, #tpu.memory_space<vmem>>, %arg1: memref<1x1xf32, #tpu.memory_space<vmem>>) attributes {dimension_semantics = [], scalar_prefetch = 0 : i64, scratch_operands = 0 : i64, tpu.core_type = #tpu.core_type<tc>} {
    %get3A = arith.constant 0 : index
    %get3A_0 = arith.constant 0 : index
    %get3A_1 = vector.load %arg0[%get3A, %get3A_0] : memref<32x384xf32, #tpu.memory_space<vmem>>, vector<32x384xf32>
    %iota3A = tpu.iota {dimensions = array<i32: 0>} : vector<32x384xi32>
    %iota3A_2 = tpu.iota {dimensions = array<i32: 1>} : vector<32x384xi32>
    %iota3A_3 = tpu.iota {dimensions = array<i32: 0>} : vector<128x128xi32>
    %iota3A_4 = tpu.iota {dimensions = array<i32: 1>} : vector<128x128xi32>
    %ge3A = arith.cmpi sge, %iota3A_3, %iota3A_4 : vector<128x128xi32>
    %jit3A = arith.constant 1.000000e+00 : f32
    %jit3A_5 = arith.constant 0.000000e+00 : f32
    %broadcast_in_dim3A = vector.broadcast %jit3A : f32 to vector<128x128xf32>
    %broadcast_in_dim3A_6 = vector.broadcast %jit3A_5 : f32 to vector<128x128xf32>
    %select_n3A = arith.select %ge3A, %broadcast_in_dim3A, %broadcast_in_dim3A_6 : vector<128x128xi1>, vector<128x128xf32>
    %iota3A_7 = tpu.iota {dimensions = array<i32: 1>} : vector<1x128xi32>
    %convert_element_type3A = arith.sitofp %iota3A_7 : vector<1x128xi32> to vector<1x128xf32>
    %add3A = arith.constant 5.000000e-01 : f32
    %add3A_8 = vector.broadcast %add3A : f32 to vector<1x128xf32>
    %add3A_9 = arith.addf %convert_element_type3A, %add3A_8 : vector<1x128xf32>
    %mul3A = arith.constant 1.500000e-02 : f32
    %mul3A_10 = vector.broadcast %mul3A : f32 to vector<1x128xf32>
    %mul3A_11 = arith.mulf %add3A_9, %mul3A_10 : vector<1x128xf32>
    %ge3A_12 = arith.constant 256 : i32
    %ge3A_13 = vector.broadcast %ge3A_12 : i32 to vector<32x384xi32>
    %ge3A_14 = arith.cmpi sge, %iota3A_2, %ge3A_13 : vector<32x384xi32>
    %lt3A = arith.constant 272 : i32
    %lt3A_15 = vector.broadcast %lt3A : i32 to vector<32x384xi32>
    %lt3A_16 = arith.cmpi slt, %iota3A_2, %lt3A_15 : vector<32x384xi32>
    %and3A = arith.andi %ge3A_14, %lt3A_16 : vector<32x384xi1>
    %ge3A_17 = arith.constant 0 : i32
    %ge3A_18 = vector.broadcast %ge3A_17 : i32 to vector<32x384xi32>
    %ge3A_19 = arith.cmpi sge, %iota3A, %ge3A_18 : vector<32x384xi32>
    %lt3A_20 = arith.constant 16 : i32
    %lt3A_21 = vector.broadcast %lt3A_20 : i32 to vector<32x384xi32>
    %lt3A_22 = arith.cmpi slt, %iota3A, %lt3A_21 : vector<32x384xi32>
    %and3A_23 = arith.andi %ge3A_19, %lt3A_22 : vector<32x384xi1>
    %jit3A_24 = arith.constant 0.000000e+00 : f32
    %broadcast_in_dim3A_25 = vector.broadcast %jit3A_24 : f32 to vector<32x384xf32>
    %select_n3A_26 = arith.select %and3A_23, %get3A_1, %broadcast_in_dim3A_25 : vector<32x384xi1>, vector<32x384xf32>
    %reduce_sum3A = arith.constant dense<0.000000e+00> : vector<384xf32>
    %reduce_sum3A_27 = vector.multi_reduction <add>, %select_n3A_26, %reduce_sum3A [0] : vector<32x384xf32> to vector<384xf32>
    %broadcast_in_dim3A_28 = vector.shape_cast %reduce_sum3A_27 : vector<384xf32> to vector<1x384xf32>
    %and3A_29 = arith.andi %and3A_23, %and3A : vector<32x384xi1>
    %jit3A_30 = arith.constant 0.000000e+00 : f32
    %broadcast_in_dim3A_31 = vector.broadcast %jit3A_30 : f32 to vector<32x384xf32>
    %select_n3A_32 = arith.select %and3A_29, %get3A_1, %broadcast_in_dim3A_31 : vector<32x384xi1>, vector<32x384xf32>
    %reduce_sum3A_33 = vector.shape_cast %select_n3A_32 : vector<32x384xf32> to vector<1x32x384xf32>
    %reduce_sum3A_34 = arith.constant dense<0.000000e+00> : vector<1xf32>
    %reduce_sum3A_35 = vector.multi_reduction <add>, %reduce_sum3A_33, %reduce_sum3A_34 [1, 2] : vector<1x32x384xf32> to vector<1xf32>
    %reduce_sum3A_36 = vector.shape_cast %reduce_sum3A_35 : vector<1xf32> to vector<1x1x1xf32>
    %reduce_sum3A_37 = vector.extract %reduce_sum3A_36[0, 0, 0] : f32 from vector<1x1x1xf32>
    %slice3A = vector.extract_strided_slice %broadcast_in_dim3A_28 {offsets = [0, 0], sizes = [1, 128], strides = [1, 1]} : vector<1x384xf32> to vector<1x128xf32>
    %dot_general3A = arith.constant dense<0.000000e+00> : vector<1x128xf32>
    %dot_general3A_38 = tpu.matmul %slice3A, %select_n3A, %dot_general3A {dimension_numbers = #tpu.dot_dimension_numbers<[1], [0], [0], [1], [0, 0, 1, 1], [], []>, precision = #tpu.contract_precision<fp32>, transpose_lhs_hint = false} : vector<1x128xf32>, vector<128x128xf32>, vector<1x128xf32> -> vector<1x128xf32>
    %max3A = arith.constant 1.000000e+00 : f32
    %max3A_39 = arith.maximumf %reduce_sum3A_37, %max3A : f32
    %div3A = vector.broadcast %max3A_39 : f32 to vector<1x128xf32>
    %div3A_40 = arith.divf %dot_general3A_38, %div3A : vector<1x128xf32>
    %sub3A = arith.constant 0.949999988 : f32
    %sub3A_41 = vector.broadcast %sub3A : f32 to vector<1x128xf32>
    %sub3A_42 = arith.subf %div3A_40, %sub3A_41 : vector<1x128xf32>
    %integer_pow3A = arith.mulf %sub3A_42, %sub3A_42 : vector<1x128xf32>
    %mul3A_43 = arith.constant -5.000000e+01 : f32
    %mul3A_44 = vector.broadcast %mul3A_43 : f32 to vector<1x128xf32>
    %mul3A_45 = arith.mulf %integer_pow3A, %mul3A_44 : vector<1x128xf32>
    %exp3A = math.exp %mul3A_45 : vector<1x128xf32>
    %mul3A_46 = arith.mulf %exp3A, %mul3A_11 : vector<1x128xf32>
    %reduce_sum3A_47 = vector.shape_cast %mul3A_46 : vector<1x128xf32> to vector<1x1x128xf32>
    %reduce_sum3A_48 = arith.constant dense<0.000000e+00> : vector<1xf32>
    %reduce_sum3A_49 = vector.multi_reduction <add>, %reduce_sum3A_47, %reduce_sum3A_48 [1, 2] : vector<1x1x128xf32> to vector<1xf32>
    %reduce_sum3A_50 = vector.shape_cast %reduce_sum3A_49 : vector<1xf32> to vector<1x1x1xf32>
    %reduce_sum3A_51 = vector.extract %reduce_sum3A_50[0, 0, 0] : f32 from vector<1x1x1xf32>
    %reduce_sum3A_52 = vector.shape_cast %exp3A : vector<1x128xf32> to vector<1x1x128xf32>
    %reduce_sum3A_53 = arith.constant dense<0.000000e+00> : vector<1xf32>
    %reduce_sum3A_54 = vector.multi_reduction <add>, %reduce_sum3A_52, %reduce_sum3A_53 [1, 2] : vector<1x1x128xf32> to vector<1xf32>
    %reduce_sum3A_55 = vector.shape_cast %reduce_sum3A_54 : vector<1xf32> to vector<1x1x1xf32>
    %reduce_sum3A_56 = vector.extract %reduce_sum3A_55[0, 0, 0] : f32 from vector<1x1x1xf32>
    %add3A_57 = arith.constant 9.99999993E-9 : f32
    %add3A_58 = arith.addf %reduce_sum3A_56, %add3A_57 : f32
    %div3A_59 = arith.divf %reduce_sum3A_51, %add3A_58 : f32
    %ge3A_60 = arith.constant 1.000000e+02 : f32
    %ge3A_61 = arith.cmpf oge, %reduce_sum3A_37, %ge3A_60 : f32
    %jit3A_62 = arith.constant 0.000000e+00 : f32
    %select_n3A_63 = arith.select %ge3A_61, %div3A_59, %jit3A_62 : f32
    %slice3A_64 = vector.extract_strided_slice %broadcast_in_dim3A_28 {offsets = [0, 128], sizes = [1, 128], strides = [1, 1]} : vector<1x384xf32> to vector<1x128xf32>
    %dot_general3A_65 = arith.constant dense<0.000000e+00> : vector<1x128xf32>
    %dot_general3A_66 = tpu.matmul %slice3A_64, %select_n3A, %dot_general3A_65 {dimension_numbers = #tpu.dot_dimension_numbers<[1], [0], [0], [1], [0, 0, 1, 1], [], []>, precision = #tpu.contract_precision<fp32>, transpose_lhs_hint = false} : vector<1x128xf32>, vector<128x128xf32>, vector<1x128xf32> -> vector<1x128xf32>
    %max3A_67 = arith.constant 1.000000e+00 : f32
    %max3A_68 = arith.maximumf %reduce_sum3A_37, %max3A_67 : f32
    %div3A_69 = vector.broadcast %max3A_68 : f32 to vector<1x128xf32>
    %div3A_70 = arith.divf %dot_general3A_66, %div3A_69 : vector<1x128xf32>
    %sub3A_71 = arith.constant 0.949999988 : f32
    %sub3A_72 = vector.broadcast %sub3A_71 : f32 to vector<1x128xf32>
    %sub3A_73 = arith.subf %div3A_70, %sub3A_72 : vector<1x128xf32>
    %integer_pow3A_74 = arith.mulf %sub3A_73, %sub3A_73 : vector<1x128xf32>
    %mul3A_75 = arith.constant -5.000000e+01 : f32
    %mul3A_76 = vector.broadcast %mul3A_75 : f32 to vector<1x128xf32>
    %mul3A_77 = arith.mulf %integer_pow3A_74, %mul3A_76 : vector<1x128xf32>
    %exp3A_78 = math.exp %mul3A_77 : vector<1x128xf32>
    %mul3A_79 = arith.mulf %exp3A_78, %mul3A_11 : vector<1x128xf32>
    %reduce_sum3A_80 = vector.shape_cast %mul3A_79 : vector<1x128xf32> to vector<1x1x128xf32>
    %reduce_sum3A_81 = arith.constant dense<0.000000e+00> : vector<1xf32>
    %reduce_sum3A_82 = vector.multi_reduction <add>, %reduce_sum3A_80, %reduce_sum3A_81 [1, 2] : vector<1x1x128xf32> to vector<1xf32>
    %reduce_sum3A_83 = vector.shape_cast %reduce_sum3A_82 : vector<1xf32> to vector<1x1x1xf32>
    %reduce_sum3A_84 = vector.extract %reduce_sum3A_83[0, 0, 0] : f32 from vector<1x1x1xf32>
    %reduce_sum3A_85 = vector.shape_cast %exp3A_78 : vector<1x128xf32> to vector<1x1x128xf32>
    %reduce_sum3A_86 = arith.constant dense<0.000000e+00> : vector<1xf32>
    %reduce_sum3A_87 = vector.multi_reduction <add>, %reduce_sum3A_85, %reduce_sum3A_86 [1, 2] : vector<1x1x128xf32> to vector<1xf32>
    %reduce_sum3A_88 = vector.shape_cast %reduce_sum3A_87 : vector<1xf32> to vector<1x1x1xf32>
    %reduce_sum3A_89 = vector.extract %reduce_sum3A_88[0, 0, 0] : f32 from vector<1x1x1xf32>
    %add3A_90 = arith.constant 9.99999993E-9 : f32
    %add3A_91 = arith.addf %reduce_sum3A_89, %add3A_90 : f32
    %div3A_92 = arith.divf %reduce_sum3A_84, %add3A_91 : f32
    %ge3A_93 = arith.constant 1.000000e+02 : f32
    %ge3A_94 = arith.cmpf oge, %reduce_sum3A_37, %ge3A_93 : f32
    %jit3A_95 = arith.constant 0.000000e+00 : f32
    %select_n3A_96 = arith.select %ge3A_94, %div3A_92, %jit3A_95 : f32
    %ge3A_97 = arith.constant 16 : i32
    %ge3A_98 = vector.broadcast %ge3A_97 : i32 to vector<32x384xi32>
    %ge3A_99 = arith.cmpi sge, %iota3A, %ge3A_98 : vector<32x384xi32>
    %lt3A_100 = arith.constant 32 : i32
    %lt3A_101 = vector.broadcast %lt3A_100 : i32 to vector<32x384xi32>
    %lt3A_102 = arith.cmpi slt, %iota3A, %lt3A_101 : vector<32x384xi32>
    %and3A_103 = arith.andi %ge3A_99, %lt3A_102 : vector<32x384xi1>
    %jit3A_104 = arith.constant 0.000000e+00 : f32
    %broadcast_in_dim3A_105 = vector.broadcast %jit3A_104 : f32 to vector<32x384xf32>
    %select_n3A_106 = arith.select %and3A_103, %get3A_1, %broadcast_in_dim3A_105 : vector<32x384xi1>, vector<32x384xf32>
    %reduce_sum3A_107 = arith.constant dense<0.000000e+00> : vector<384xf32>
    %reduce_sum3A_108 = vector.multi_reduction <add>, %select_n3A_106, %reduce_sum3A_107 [0] : vector<32x384xf32> to vector<384xf32>
    %broadcast_in_dim3A_109 = vector.shape_cast %reduce_sum3A_108 : vector<384xf32> to vector<1x384xf32>
    %and3A_110 = arith.andi %and3A_103, %and3A : vector<32x384xi1>
    %jit3A_111 = arith.constant 0.000000e+00 : f32
    %broadcast_in_dim3A_112 = vector.broadcast %jit3A_111 : f32 to vector<32x384xf32>
    %select_n3A_113 = arith.select %and3A_110, %get3A_1, %broadcast_in_dim3A_112 : vector<32x384xi1>, vector<32x384xf32>
    %reduce_sum3A_114 = vector.shape_cast %select_n3A_113 : vector<32x384xf32> to vector<1x32x384xf32>
    %reduce_sum3A_115 = arith.constant dense<0.000000e+00> : vector<1xf32>
    %reduce_sum3A_116 = vector.multi_reduction <add>, %reduce_sum3A_114, %reduce_sum3A_115 [1, 2] : vector<1x32x384xf32> to vector<1xf32>
    %reduce_sum3A_117 = vector.shape_cast %reduce_sum3A_116 : vector<1xf32> to vector<1x1x1xf32>
    %reduce_sum3A_118 = vector.extract %reduce_sum3A_117[0, 0, 0] : f32 from vector<1x1x1xf32>
    %slice3A_119 = vector.extract_strided_slice %broadcast_in_dim3A_109 {offsets = [0, 0], sizes = [1, 128], strides = [1, 1]} : vector<1x384xf32> to vector<1x128xf32>
    %dot_general3A_120 = arith.constant dense<0.000000e+00> : vector<1x128xf32>
    %dot_general3A_121 = tpu.matmul %slice3A_119, %select_n3A, %dot_general3A_120 {dimension_numbers = #tpu.dot_dimension_numbers<[1], [0], [0], [1], [0, 0, 1, 1], [], []>, precision = #tpu.contract_precision<fp32>, transpose_lhs_hint = false} : vector<1x128xf32>, vector<128x128xf32>, vector<1x128xf32> -> vector<1x128xf32>
    %max3A_122 = arith.constant 1.000000e+00 : f32
    %max3A_123 = arith.maximumf %reduce_sum3A_118, %max3A_122 : f32
    %div3A_124 = vector.broadcast %max3A_123 : f32 to vector<1x128xf32>
    %div3A_125 = arith.divf %dot_general3A_121, %div3A_124 : vector<1x128xf32>
    %sub3A_126 = arith.constant 0.949999988 : f32
    %sub3A_127 = vector.broadcast %sub3A_126 : f32 to vector<1x128xf32>
    %sub3A_128 = arith.subf %div3A_125, %sub3A_127 : vector<1x128xf32>
    %integer_pow3A_129 = arith.mulf %sub3A_128, %sub3A_128 : vector<1x128xf32>
    %mul3A_130 = arith.constant -5.000000e+01 : f32
    %mul3A_131 = vector.broadcast %mul3A_130 : f32 to vector<1x128xf32>
    %mul3A_132 = arith.mulf %integer_pow3A_129, %mul3A_131 : vector<1x128xf32>
    %exp3A_133 = math.exp %mul3A_132 : vector<1x128xf32>
    %mul3A_134 = arith.mulf %exp3A_133, %mul3A_11 : vector<1x128xf32>
    %reduce_sum3A_135 = vector.shape_cast %mul3A_134 : vector<1x128xf32> to vector<1x1x128xf32>
    %reduce_sum3A_136 = arith.constant dense<0.000000e+00> : vector<1xf32>
    %reduce_sum3A_137 = vector.multi_reduction <add>, %reduce_sum3A_135, %reduce_sum3A_136 [1, 2] : vector<1x1x128xf32> to vector<1xf32>
    %reduce_sum3A_138 = vector.shape_cast %reduce_sum3A_137 : vector<1xf32> to vector<1x1x1xf32>
    %reduce_sum3A_139 = vector.extract %reduce_sum3A_138[0, 0, 0] : f32 from vector<1x1x1xf32>
    %reduce_sum3A_140 = vector.shape_cast %exp3A_133 : vector<1x128xf32> to vector<1x1x128xf32>
    %reduce_sum3A_141 = arith.constant dense<0.000000e+00> : vector<1xf32>
    %reduce_sum3A_142 = vector.multi_reduction <add>, %reduce_sum3A_140, %reduce_sum3A_141 [1, 2] : vector<1x1x128xf32> to vector<1xf32>
    %reduce_sum3A_143 = vector.shape_cast %reduce_sum3A_142 : vector<1xf32> to vector<1x1x1xf32>
    %reduce_sum3A_144 = vector.extract %reduce_sum3A_143[0, 0, 0] : f32 from vector<1x1x1xf32>
    %add3A_145 = arith.constant 9.99999993E-9 : f32
    %add3A_146 = arith.addf %reduce_sum3A_144, %add3A_145 : f32
    %div3A_147 = arith.divf %reduce_sum3A_139, %add3A_146 : f32
    %ge3A_148 = arith.constant 1.000000e+02 : f32
    %ge3A_149 = arith.cmpf oge, %reduce_sum3A_118, %ge3A_148 : f32
    %jit3A_150 = arith.constant 0.000000e+00 : f32
    %select_n3A_151 = arith.select %ge3A_149, %div3A_147, %jit3A_150 : f32
    %slice3A_152 = vector.extract_strided_slice %broadcast_in_dim3A_109 {offsets = [0, 128], sizes = [1, 128], strides = [1, 1]} : vector<1x384xf32> to vector<1x128xf32>
    %dot_general3A_153 = arith.constant dense<0.000000e+00> : vector<1x128xf32>
    %dot_general3A_154 = tpu.matmul %slice3A_152, %select_n3A, %dot_general3A_153 {dimension_numbers = #tpu.dot_dimension_numbers<[1], [0], [0], [1], [0, 0, 1, 1], [], []>, precision = #tpu.contract_precision<fp32>, transpose_lhs_hint = false} : vector<1x128xf32>, vector<128x128xf32>, vector<1x128xf32> -> vector<1x128xf32>
    %max3A_155 = arith.constant 1.000000e+00 : f32
    %max3A_156 = arith.maximumf %reduce_sum3A_118, %max3A_155 : f32
    %div3A_157 = vector.broadcast %max3A_156 : f32 to vector<1x128xf32>
    %div3A_158 = arith.divf %dot_general3A_154, %div3A_157 : vector<1x128xf32>
    %sub3A_159 = arith.constant 0.949999988 : f32
    %sub3A_160 = vector.broadcast %sub3A_159 : f32 to vector<1x128xf32>
    %sub3A_161 = arith.subf %div3A_158, %sub3A_160 : vector<1x128xf32>
    %integer_pow3A_162 = arith.mulf %sub3A_161, %sub3A_161 : vector<1x128xf32>
    %mul3A_163 = arith.constant -5.000000e+01 : f32
    %mul3A_164 = vector.broadcast %mul3A_163 : f32 to vector<1x128xf32>
    %mul3A_165 = arith.mulf %integer_pow3A_162, %mul3A_164 : vector<1x128xf32>
    %exp3A_166 = math.exp %mul3A_165 : vector<1x128xf32>
    %mul3A_167 = arith.mulf %exp3A_166, %mul3A_11 : vector<1x128xf32>
    %reduce_sum3A_168 = vector.shape_cast %mul3A_167 : vector<1x128xf32> to vector<1x1x128xf32>
    %reduce_sum3A_169 = arith.constant dense<0.000000e+00> : vector<1xf32>
    %reduce_sum3A_170 = vector.multi_reduction <add>, %reduce_sum3A_168, %reduce_sum3A_169 [1, 2] : vector<1x1x128xf32> to vector<1xf32>
    %reduce_sum3A_171 = vector.shape_cast %reduce_sum3A_170 : vector<1xf32> to vector<1x1x1xf32>
    %reduce_sum3A_172 = vector.extract %reduce_sum3A_171[0, 0, 0] : f32 from vector<1x1x1xf32>
    %reduce_sum3A_173 = vector.shape_cast %exp3A_166 : vector<1x128xf32> to vector<1x1x128xf32>
    %reduce_sum3A_174 = arith.constant dense<0.000000e+00> : vector<1xf32>
    %reduce_sum3A_175 = vector.multi_reduction <add>, %reduce_sum3A_173, %reduce_sum3A_174 [1, 2] : vector<1x1x128xf32> to vector<1xf32>
    %reduce_sum3A_176 = vector.shape_cast %reduce_sum3A_175 : vector<1xf32> to vector<1x1x1xf32>
    %reduce_sum3A_177 = vector.extract %reduce_sum3A_176[0, 0, 0] : f32 from vector<1x1x1xf32>
    %add3A_178 = arith.constant 9.99999993E-9 : f32
    %add3A_179 = arith.addf %reduce_sum3A_177, %add3A_178 : f32
    %div3A_180 = arith.divf %reduce_sum3A_172, %add3A_179 : f32
    %ge3A_181 = arith.constant 1.000000e+02 : f32
    %ge3A_182 = arith.cmpf oge, %reduce_sum3A_118, %ge3A_181 : f32
    %jit3A_183 = arith.constant 0.000000e+00 : f32
    %select_n3A_184 = arith.select %ge3A_182, %div3A_180, %jit3A_183 : f32
    %sub3A_185 = arith.subf %select_n3A_96, %select_n3A_63 : f32
    %max3A_186 = arith.constant 0.000000e+00 : f32
    %max3A_187 = arith.maximumf %sub3A_185, %max3A_186 : f32
    %sub3A_188 = arith.subf %select_n3A_184, %select_n3A_151 : f32
    %max3A_189 = arith.constant 0.000000e+00 : f32
    %max3A_190 = arith.maximumf %sub3A_188, %max3A_189 : f32
    %add3A_191 = arith.addf %max3A_187, %max3A_190 : f32
    %mul3A_192 = arith.constant 1.000000e+01 : f32
    %mul3A_193 = arith.mulf %mul3A_192, %add3A_191 : f32
    %mul3A_194 = arith.constant 5.000000e-01 : f32
    %mul3A_195 = arith.mulf %mul3A_193, %mul3A_194 : f32
    %add3A_196 = arith.addf %reduce_sum3A_37, %reduce_sum3A_118 : f32
    %gt3A = arith.constant 0.000000e+00 : f32
    %gt3A_197 = arith.cmpf ogt, %add3A_196, %gt3A : f32
    %jit3A_198 = arith.constant 0.000000e+00 : f32
    %select_n3A_199 = arith.select %gt3A_197, %mul3A_195, %jit3A_198 : f32
    %broadcast_in_dim3A_200 = vector.broadcast %select_n3A_199 : f32 to vector<1x1xf32>
    %swap3A = arith.constant 0 : index
    %swap3A_201 = arith.constant 0 : index
    %swap3A_202 = vector.load %arg1[%swap3A, %swap3A_201] : memref<1x1xf32, #tpu.memory_space<vmem>>, vector<1x1xf32>
    tpu.vector_store %arg1[%swap3A, %swap3A_201], %broadcast_in_dim3A_200 {strides = array<i32>} : memref<1x1xf32, #tpu.memory_space<vmem>>, vector<1x1xf32>,
    return
  }
}

</mosaic_0001>

<sc_bundles>
// kernel: kernel.4.cloned.1.call-start
scs
__scs_entry_jumppad:
0x0: {  	(pc) =	sbr.rel $0x88, $3  }
0x1: {  	(tag) =	ssettag $0x0;
	lr =	simm.s32 $0x1  }
0x2: {  	[smem:$0x3F9E] =	sst lr;
	_ =	strace $0xD0000000  }
0x3: {  	_ = 	snop  }
0x4: {  	_ = 	snop  }
0x5: {  	_ = 	snop  }
0x6: {  	_ = 	snop  }
0x7: {  	_ = 	snop  }
__scs_overlays_trampoline_lowered:
0x8: {  	[smem:$0x3FAD] =	sst s0  }
0x9: {  	[smem:$0x3FAE] =	sst s1  }
0xa: {  	[smem:$0x3FAF] =	sst s2  }
0xb: {  	[smem:$0x3FB0] =	sst s3  }
0xc: {  	[smem:$0x3FB1] =	sst s4  }
0xd: {  	[smem:$0x3FB2] =	sst s5  }
0xe: {  	[smem:$0x3FB3] =	sst s6  }
0xf: {  	[smem:$0x3FB4] =	sst s7  }
0x10: {  	[smem:$0x3FB5] =	sst s8  }
0x11: {  	[smem:$0x3FB6] =	sst s9;
	s0 =	simm.s32 @!p0 $0x0  }
0x12: {  	s1 =	sld [smem:$0x3F9C];
	s0 =	simm.s32 @p0 $0x1  }
0x13: {  	[smem:$0x3FB7] =	sst s0;
	s0 =	simm.s32 @!p1 $0x0  }
0x14: {  	s2 =	sld [smem:$0x3F9B];
	s0 =	simm.s32 @p1 $0x1  }
0x15: {  	[smem:$0x3FB8] =	sst s0;
	s0 =	simm.s32 @!p2 $0x0  }
0x16: {  	s3 =	sld [smem:$0x3FDB];
	s0 =	simm.s32 @p2 $0x1  }
0x17: {  	s4 =	simm.s32 $0x1BF5;
	[smem:$0x3FBA] =	sst s0  }
0x18: {  	s0 =	sld [smem:$0x3F9D];
	_ =	swait.ge [sflag:s4], $0x0  }
0x19: {  	s7 =	sld [smem:$0x3F9E]  }
0x1a: {  	s8 =	sadd.s32 $0xFFFFE003, lr  }
0x1b: {  	s9 =	sadd.s32 $0xFFFFFEF7, lr;
	s5 =	simm.s32 $0xFFFFFFFF;
	p2 =	slt.u32 s8, $0xFFFFF086  }
0x1c: {  	p1 =	slt.u32 s9, $0xF7A;
	s5 =	simm.s32 @!p2 $0x0  }
0x1d: {  	s5 =	simm.s32 @p1 $0x1;
	p0 =	seq.s32 s7, s2  }
0x1e: {  	s7 =	smul.u32 @!p0 $0xF7A, s2;
	p2 =	seq.s32 @!p0 s5, $0x0  }
0x1f: {  	s9 =	smul.u32 $0xF7A, s1;
	s8 =	simm.s32 @!p0 $0x1BF5;
	p2 =	por !p2, p0  }
0x20: {  	[sflag:s8] =	ssyncset.s32 @!p0 $0xFFFFF086;
	s6 =	sadd.s32 @!p0 s3, s7;
	s7 =	simm.s32 @!p0 $0x108  }
0x21: {  	s3 =	sadd.s32 s3, s9;
	s6 =	sadd.s32 @!p0 $0x88, s6;
	s7 =	simm.s32 @p2 $0x1082  }
0x22: {  	[simem:s7], [sflag:s8] =	dma.local @!p0 [hbm:s6], $0xF7A  }
0x23: {  	s9 =	sor.u32 $0xD0000000, s2;
	s6 =	simm.s32 $0x108;
	_ =	swait.ge @!p0 [sflag:s8], $0x0  }
0x24: {  	s3 =	sadd.s32 $0x88, s3;
	s6 =	simm.s32 @!p1 $0x1082;
	[sflag:s4] =	ssyncset.s32 $0xFFFFF086  }
0x25: {  	[simem:s6], [sflag:s4] =	dma.local [hbm:s3], $0xF7A  }
0x26: {  	[smem:$0x3F9E] =	sst s1;
	(tag) =	ssettag s2;
	_ =	strace s9  }
0x27: {  	s1 =	sld [smem:$0x3FAE]  }
0x28: {  	s2 =	sld [smem:$0x3FAF]  }
0x29: {  	s4 =	sld [smem:$0x3FB1]  }
0x2a: {  	p0 =	seq.s32 s5, $0x0;
	s5 =	sld [smem:$0x3FB2]  }
0x2b: {  	s6 =	sld [smem:$0x3FB3]  }
0x2c: {  	s7 =	sld [smem:$0x3FB4]  }
0x2d: {  	s3 =	simm.s32 $0x108;
	s8 =	sld [smem:$0x3FB5]  }
0x2e: {  	s3 =	simm.s32 @!p0 $0x1082;
	s9 =	sld [smem:$0x3FB6]  }
0x2f: {  	lr =	sadd.s32 s0, s3;
	s0 =	sld [smem:$0x3FAD]  }
0x30: {  	s3 =	sld [smem:$0x3FB0]  }
0x31: {  	[smem:$0x3FB9] =	sst s10  }
0x32: {  	s10 =	sld [smem:$0x3FB7];
	_ =	sdelay $0x3  }
0x33: {  	p0 =	seq.s32 s10, $0x1;
	s10 =	sld [smem:$0x3FB9];
	_ =	sdelay $0x3  }
0x34: {  	[smem:$0x3FB9] =	sst s10  }
0x35: {  	s10 =	sld [smem:$0x3FB8];
	_ =	sdelay $0x3  }
0x36: {  	p1 =	seq.s32 s10, $0x1;
	s10 =	sld [smem:$0x3FB9];
	_ =	sdelay $0x3  }
0x37: {  	[smem:$0x3FB9] =	sst s10  }
0x38: {  	s10 =	sld [smem:$0x3FBA]  }
0x39: {  	_ = 	snop;
	(pc) =	sbr.ind lr, $3  }
0x3a: {  	_ = 	snop  }
0x3b: {  	_ = 	snop  }
0x3c: {  	p2 =	seq.s32 s10, $0x1;
	s10 =	sld [smem:$0x3FB9]  }
0x3d: {  	_ =	shalt  }
0x3e: {  	_ =	shalt  }
0x3f: {  	_ =	shalt  }
0x40: {  	_ =	shalt  }
0x41: {  	_ =	shalt  }
0x42: {  	_ =	shalt  }
0x43: {  	_ =	shalt  }
0x44: {  	_ =	shalt  }
0x45: {  	_ =	shalt  }
0x46: {  	_ =	shalt  }
0x47: {  	_ =	shalt  }
0x48: {  	_ =	shalt  }
0x49: {  	_ =	shalt  }
0x4a: {  	_ =	shalt  }
0x4b: {  	_ =	shalt  }
0x4c: {  	_ =	shalt  }
0x4d: {  	_ =	shalt  }
0x4e: {  	_ =	shalt  }
0x4f: {  	_ =	shalt  }
0x50: {  	_ =	shalt  }
0x51: {  	_ =	shalt  }
0x52: {  	_ =	shalt  }
0x53: {  	_ =	shalt  }
0x54: {  	_ =	shalt  }
0x55: {  	_ =	shalt  }
0x56: {  	_ =	shalt  }
0x57: {  	_ =	shalt  }
0x58: {  	_ =	shalt  }
0x59: {  	_ =	shalt  }
0x5a: {  	_ =	shalt  }
0x5b: {  	_ =	shalt  }
0x5c: {  	_ =	shalt  }
0x5d: {  	_ =	shalt  }
0x5e: {  	_ =	shalt  }
0x5f: {  	_ =	shalt  }
0x60: {  	_ =	shalt  }
0x61: {  	_ =	shalt  }
0x62: {  	_ =	shalt  }
0x63: {  	_ =	shalt  }
0x64: {  	_ =	shalt  }
0x65: {  	_ =	shalt  }
0x66: {  	_ =	shalt  }
0x67: {  	_ =	shalt  }
0x68: {  	_ =	shalt  }
0x69: {  	_ =	shalt  }
0x6a: {  	_ =	shalt  }
0x6b: {  	_ =	shalt  }
0x6c: {  	_ =	shalt  }
0x6d: {  	_ =	shalt  }
0x6e: {  	_ =	shalt  }
0x6f: {  	_ =	shalt  }
0x70: {  	_ =	shalt  }
0x71: {  	_ =	shalt  }
0x72: {  	_ =	shalt  }
0x73: {  	_ =	shalt  }
0x74: {  	_ =	shalt  }
0x75: {  	_ =	shalt  }
0x76: {  	_ =	shalt  }
0x77: {  	_ =	shalt  }
0x78: {  	_ =	shalt  }
0x79: {  	_ =	shalt  }
0x7a: {  	_ =	shalt  }
0x7b: {  	_ =	shalt  }
0x7c: {  	_ =	shalt  }
0x7d: {  	_ =	shalt  }
0x7e: {  	_ =	shalt  }
0x7f: {  	_ =	shalt  }
0x80: {  	_ =	shalt  }
0x81: {  	_ =	shalt  }
0x82: {  	_ =	shalt  }
0x83: {  	_ =	shalt  }
0x84: {  	_ =	shalt  }
0x85: {  	_ =	shalt  }
0x86: {  	_ =	shalt  }
0x87: {  	_ =	shalt  }
.Lfunc_end0:
.L_simem_size_0:
called_computation_lowered:
.L_overlay_start_0:
0x88: {  	s2 =	sld [smem:$0x3FD9]  }
0x89: {  	s3 =	sld [smem:$0x3FFE];
	_ =	sdelay $0x1  }
0x8a: {  	s1 =	srdreg.scid  }
0x8b: {  	s0 =	sand.u32 $0x1, s1  }
0x8c: {  	s17 =	sshll.u32 s0, $0xA;
	s2 =	sadd.s32 s3, s2  }
0x8d: {  	s2 =	sadd.s32 s2, s17  }
0x8e: {  	[smem:$0x3FC5] =	sst s2  }
0x8f: {  	_ = 	snop  }
0x90: {  	s2 =	sld [smem:$0x3FC9]  }
0x91: {  	s18 =	sld [smem:$0x3FC8]  }
0x92: {  	s4 =	sld [smem:$0x3FC7];
	(tm) =	ssettm $0x1  }
0x93: {  	s5 =	sld [smem:$0x3FFB];
	_ =	sdelay $0x3  }
0x94: {  	_ =	strace s5  }
0x95: {  	s5 =	sld [smem:$0x3FFC];
	_ =	sdelay $0x3  }
0x96: {  	_ =	strace s5  }
0x97: {  	s5 =	sld [smem:$0x3FFD];
	_ =	sdelay $0x3  }
0x98: {  	_ =	strace s5  }
0x99: {  	_ =	strace $0x8FFFFFFF  }
0x9a: {  	s19 =	sld [smem:$0x3FDB];
	_ =	sdelay $0x1  }
0x9b: {  	s6 =	simm.s32 $_scs_section_size  }
0x9c: {  	s7 =	simm.s32 $_size__tile_overlayer_lowered;
	s8 =	simm.s32 $_tile_overlayer_lowered  }
0x9d: {  	s22 =	simm.s32 $0x1BFF;
	s21 =	sshll.u32 s8, $0x1;
	s5 =	sadd.s32 s6, s19  }
0x9e: {  	s9 =	simm.s32 $0x0;
	s20 =	sshll.u32 s7, $0x1;
	s7 =	sadd.s32 s21, s5  }
0x9f: {  	[timem:s9], [sflag:s22] =	dma.local [hbm:s7], s20  }
0xa0: {  	_ =	swait.ge [sflag:s22], s20  }
0xa1: {  	s6 =	ssub.s32 $0x0, s20;
	[sflag:s22] =	ssyncset.done $0x0  }
0xa2: {  	[sflag:s22] =	ssyncadd.s32 s6;
	_ =	sdelay $0x1  }
0xa3: {  	s23 =	simm.s32 $0x1B8B  }
0xa4: {  	_ =	swait.ge [sflag:s23], $0x1  }
0xa5: {  	[sflag:s23] =	ssyncset.done $0x0  }
0xa6: {  	s25 =	simm.s32 $0x1B8E;
	s24 =	sld [smem:$0x3FFE];
	[sflag:s23] =	ssyncadd.s32 $0xFFFFFFFF  }
0xa7: {  	s26 =	simm.s32 $execute0_lowered;
	[smem:$0x3FD2] =	sst s25  }
0xa8: {  	s7 =	sshll.u32 s26, $0x1;
	_ =	strace $0x80000046;
	[dreg:$0x1] =	wrdreg $0xFFFFFFFF  }
0xa9: {  	s28 =	simm.s32 $_size_execute0_lowered;
	s5 =	sadd.s32 s5, s7;
	[dreg:$0x0] =	wrdreg $0x0  }
0xaa: {  	s7 =	sshll.u32 s28, $0x1;
	[dreg:$0x2] =	wrdreg s5  }
0xab: {  	[dreg:$0x3] =	wrdreg s7  }
0xac: {  	[dreg:$0x4] =	wrdreg $0xC0  }
0xad: {  	_ =	task [dreg:s9], $0x5FFFF  }
0xae: {  	[dreg:$0x1] =	wrdreg $0xFFFFFFFF  }
0xaf: {  	[dreg:$0x0] =	wrdreg $0x60  }
0xb0: {  	[dreg:$0x2] =	wrdreg s2  }
0xb1: {  	[dreg:$0x3] =	wrdreg s18  }
0xb2: {  	[dreg:$0x4] =	wrdreg s4  }
0xb3: {  	[dreg:$0x5] =	wrdreg s24  }
0xb4: {  	[dreg:$0x6] =	wrdreg $0x9  }
0xb5: {  	_ =	task.clear_ibuf [dreg:s9], $0x7FFFF;
	_ =	strace $0x90000046  }
0xb6: {  	s29 =	simm.s32 $0x9;
	_ =	strace $0x80000048  }
0xb7: {  	_ =	swait.ge [sflag:s29], $0x1  }
0xb8: {  	[sflag:s29] =	ssyncadd.s32 $0xFFFFFFFF  }
0xb9: {  	_ =	strace $0x90000048  }
0xba: {  	_ =	sfence  }
0xbb: {  	s30 =	sld [smem:$0x0];
	_ =	sdelay $0x2  }
0xbc: {  	s31 =	sshll.u32 s1, $0xD;
	s1 =	sshrl.u32 s1, $0x2  }
0xbd: {  	s3 =	sand.u32 $0x4000, s31;
	s1 =	sadd.s32 s1, s30  }
0xbe: {  	s0 =	sor.u32 s3, s0;
	s1 =	sshll.u32 s1, $0x11  }
0xbf: {  	s0 =	sor.u32 s1, s0  }
0xc0: {  	s0 =	sadd.s32 $0x8F2B, s0  }
0xc1: {  	[sflag:s0] =	ssyncadd.remote.s32 $0x1  }
0xc2: {  	_ =	sfence.sel $0xFFFF  }
0xc3: {  	[dreg:$0x0] =	wrdreg $0xFFFFFFFF;
	(pc) =	sbr.abs _section_cstart, $3  }
0xc4: {  	[dreg:$0x1] =	wrdreg $0xFFFFFFFF  }
0xc5: {  	_ =	task.clear_ibuf [dreg:s9], $0x2FFFF;
	_ =	strace $0x9FFFFFFF  }
0xc6: {  	(tm) =	ssettm $0x7FFFFFFF  }
0xc7: {  	_ =	shalt  }
tec
execute0_lowered:
.L_overlay_start_1:
0x0: {  	(tag) =	ssettag $0x1  }
0x1: {  	s4 =	rddreg [dreg:$0x0]  }
0x2: {  	s5 =	rddreg [dreg:$0x1]  }
0x3: {  	s6 =	rddreg [dreg:$0x2]  }
0x4: {  	s0 =	srdreg.scid;
	s8 =	rddreg [dreg:$0x3];
	s2 =	simm.s32 $0x0  }
0x5: {  	s12 =	simm.s32 $0x3;
	s13 =	simm.s32 $0x18000;
	s14 =	simm.s32 $0x18880  }
0x6: {  	s15 =	simm.s32 $0x80;
	s16 =	simm.s32 $0x400;
	s3 =	sand.u32 $0x1, s0  }
0x7: {  	s17 =	simm.s32 $0x19100;
	s0 =	stileid.u32;
	s1 =	sshll.u32 s3, $0x4  }
0x8: {  	s18 =	simm.s32 $0x4;
	s19 =	simm.s32 $0x0;
	s1 =	sor.u32 s0, s1  }
0x9: {  	[smem:$0x7FF] =	sst s2;
	s28 =	smul.u32 $0x480000, s3;
	s1 =	sshrl.u32 s1, $0x3  }
0xa: {  	s26 =	sshll.u32 s0, $0x7;
	s29 =	ssub.s32 $0x2, s3;
	s7 =	smul.u32 $0xC00, s1  }
0xb: {  	s10 =	sshll.u32 s0, $0xF;
	s3 =	sshll.u32 s3, $0x13;
	s9 =	sand.u32 $0x380, s26  }
0xc: {  	s11 =	sshrl.u32 s29, $0x1;
	s3 =	sor.u32 s10, s3;
	s7 =	sor.u32 s9, s7  }
0xd: {  	s30 =	sshrl.u32 s3, $0x3;
	s1 =	rddreg [dreg:$0x4];
	s7 =	sshrl.u32 s7, $0x3  }
0xe: {  	v0 =	vlaneseq.u32;
	_ =	strace $0x80000047;
	s7 =	sadd.s32 s7, s8;
	s8 =	sor.u32 s10, s28  }
0xf: {  	v0 =	vmul.u32 $0x81, v0;
	s3 =	sadd.s32 s4, s30;
	s4 =	sadd.s32 s5, s30;
	s8 =	sadd.s32 $0x80000, s8  }
0x10: {  	s9 =	ssub.s32 s29, s11;
	s11 =	simm.s32 $0x2;
	s31 =	sshrl.u32 s8, $0x3  }
0x11: {  	v1 =	vimm.f32 $0.0e+00;
	v2 =	vadd.s32 $0x1, v0;
	s10 =	simm.s32 $0x1;
	s8 =	simm.s32 $0x8000;
	s5 =	sadd.s32 s6, s31  }
0x12: {  	v3 =	vadd.s32 $0x2, v0;
	v4 =	vadd.s32 $0xFFFFFFFF, v0;
	v5 =	vadd.s32 $0xFFFFFFFE, v0;
	s6 =	sadd.s32 $0x600, s7;
	s7 =	smax.u32 s9, $0x1;
	s9 =	simm.s32 $0x10000  }
.LBB2_1:
0x13: {  	[tilespmem:s2], [sflag:$0x1] =	stream.linear.gather [hbm4b:s3+s2], $0x8000, $0x38;
	[tilespmem:$0x19280] =	vst v63  }
0x14: {  	_ = 	snop  }
0x15: {  	[tilespmem:s8], [sflag:$0x2] =	stream.linear.gather [hbm4b:s4+s2], $0x8000, $0x38;
	[tilespmem:$0x19280] =	vst v63  }
0x16: {  	s20 =	simm.s32 $0x40;
	s21 =	simm.s32 $0x0  }
0x17: {  	[tilespmem:s9], [sflag:$0x3] =	stream.linear.gather [hbm4b:s5+s2], $0x8000, $0x38;
	[tilespmem:$0x19280] =	vst v63  }
.LBB2_2:
0x18: {  	p0 =	sne.s32 s20, $0x2000;
	[tilespmem:s21+$0x18000] =	vst v1;
	s22 =	smov.u32 s20;
	s20 =	sadd.s32 $0x40, s20  }
.Ltmp0:
0x19: {  	[tilespmem:s21+$0x18880] =	vst v1;
	(pc) =	sbr.rel @p0 .LBB2_2-.Ltmp0, $2  }
0x1a: {  	_ =	sdelay $0x2  }
0x1b: {  	s21 =	sshra.s32 s22, $0x2  }
0x1c: {  	[tilespmem:s21+$0x18000] =	vst v1  }
0x1d: {  	[tilespmem:s21+$0x18880] =	vst v1;
	v10 =	vimm.f32 $0.0e+00  }
0x1e: {  	[tilespmem:$0x19100] =	vst v10  }
0x1f: {  	[tilespmem:$0x19110] =	vst v10  }
0x20: {  	[tilespmem:$0x19120] =	vst v10  }
0x21: {  	[tilespmem:$0x19130] =	vst v10  }
0x22: {  	[tilespmem:$0x19140] =	vst v10  }
0x23: {  	[tilespmem:$0x19150] =	vst v10  }
0x24: {  	[tilespmem:$0x19160] =	vst v10  }
0x25: {  	[tilespmem:$0x19170] =	vst v10  }
0x26: {  	[tilespmem:$0x19180] =	vst v10  }
0x27: {  	[tilespmem:$0x19190] =	vst v10  }
0x28: {  	[tilespmem:$0x191A0] =	vst v10  }
0x29: {  	[tilespmem:$0x191B0] =	vst v10  }
0x2a: {  	[tilespmem:$0x191C0] =	vst v10  }
0x2b: {  	[tilespmem:$0x191D0] =	vst v10  }
0x2c: {  	[tilespmem:$0x191E0] =	vst v10  }
0x2d: {  	[tilespmem:$0x191F0] =	vst v10  }
0x2e: {  	[tilespmem:$0x19200] =	vst v10  }
0x2f: {  	[tilespmem:$0x19210] =	vst v10  }
0x30: {  	[tilespmem:$0x19220] =	vst v10  }
0x31: {  	[tilespmem:$0x19230] =	vst v10  }
0x32: {  	[tilespmem:$0x19240] =	vst v10  }
0x33: {  	[tilespmem:$0x19250] =	vst v10  }
0x34: {  	[tilespmem:$0x19260] =	vst v10  }
0x35: {  	[tilespmem:$0x19270] =	vst v10  }
0x36: {  	_ =	swait.ge [sflag:s10], $0x8000  }
0x37: {  	[sflag:s10] =	ssyncset.done $0x0  }
0x38: {  	[sflag:s10] =	ssyncadd.s32 $0xFFFF8000  }
0x39: {  	_ =	swait.ge [sflag:s11], $0x8000  }
0x3a: {  	[sflag:s11] =	ssyncset.done $0x0  }
0x3b: {  	[sflag:s11] =	ssyncadd.s32 $0xFFFF8000  }
0x3c: {  	_ =	swait.ge [sflag:s12], $0x8000  }
0x3d: {  	[sflag:s12] =	ssyncset.done $0x0  }
0x3e: {  	s21 =	simm.s32 $0x10080;
	[sflag:s12] =	ssyncadd.s32 $0xFFFF8000  }
0x3f: {  	v6 =	vld [tilespmem:s21+$0xFFFFFF80];
	_ =	sdelay $0x4  }
0x40: {  	vm0 =	vlt.f32 v6, $0.0e+00  }
0x41: {  	v12 =	vsel vm0, $0x3F800000, v1  }
0x42: {  	s23 =	simm.s32 $0x80;
	v6 =	vld [tilespmem:s21+$0x0];
	[tilespmem:s21+$0xFFFFFF80] =	vst v12  }
0x43: {  	v7 =	vld [tilespmem:s23+$0xFFFFFF80];
	_ =	sdelay $0x3  }
0x44: {  	v1 =	vimm.f32 $0.0e+00;
	vm0 =	vlt.f32 v6, $0.0e+00  }
0x45: {  	v11 =	vsel vm0, $0x3F800000, v1;
	v6 =	vmul.f32 $6.666666410e+01, v7  }
0x46: {  	[tilespmem:s21+$0x0] =	vst v11  }
0x47: {  	v7 =	vld [tilespmem:s23+$0x0];
	v8 =	vtrunc.f32 v6  }
0x48: {  	v8 =	vcvt.f32.s32 v8;
	_ =	sdelay $0x1  }
0x49: {  	vm0 =	vlt.s32 v8, $0x60  }
0x4a: {  	v9 =	vnsel vm0, $0x60, v8  }
0x4b: {  	v7 =	vmul.f32 $6.666666410e+01, v7;
	v13 =	vcvt.s32.f32 v9;
	_ =	sdelay $0x1  }
0x4c: {  	v14 =	vtrunc.f32 v7;
	v6 =	vsub.f32 v6, v13  }
0x4d: {  	v13 =	vcvt.f32.s32 v14  }
0x4e: {  	v6 =	vadd.f32 v6, v6  }
0x4f: {  	vm0 =	vlt.s32 v13, $0x60  }
0x50: {  	v14 =	vnsel vm0, $0x60, v13;
	v6 =	vadd.f32 $-1.000000000e+00, v6  }
0x51: {  	v15 =	vcvt.s32.f32 v14  }
0x52: {  	v16 =	vadd.f32 v6, v6  }
0x53: {  	v7 =	vsub.f32 v7, v15  }
0x54: {  	v15 =	vmul.f32 $1.442695020e+00, v16  }
0x55: {  	v7 =	vadd.f32 v7, v7  }
0x56: {  	v6 =	vmul.f32 v6, v6;
	(erf) = vpow2.f32 v15  }
0x57: {  	v7 =	vadd.f32 $-1.000000000e+00, v7  }
0x58: {  	v6 =	vmul.f32 $-5.000000000e-01, v6  }
0x59: {  	v15 =	vadd.f32 v7, v7;
	v7 =	vmul.f32 v7, v7  }
0x5a: {  	v6 =	vmul.f32 $1.442695020e+00, v6  }
0x5b: {  	v15 =	vmul.f32 $1.442695020e+00, v15;
	v7 =	vmul.f32 $-5.000000000e-01, v7;
	_ =	sdelay $0x1  }
0x5c: {  	(erf) = vpow2.f32 v15;
	v7 =	vmul.f32 $1.442695020e+00, v7  }
0x5d: {  	(erf) = vpow2.f32 v6  }
0x5e: {  	(erf) = vpow2.f32 v7;
	v6 =	vpop (erf)  }
0x5f: {  	(erf) = vrcp.f32 v6;
	_ =	sdelay $0x5  }
0x60: {  	v7 =	vpop (erf)  }
0x61: {  	(erf) = vrcp.f32 v7;
	v15 =	vpop (erf)  }
0x62: {  	v16 =	vpop (erf)  }
0x63: {  	v17 =	vpop (erf)  }
0x64: {  	v18 =	vmul.f32 v17, v17  }
0x65: {  	v19 =	vmul.f32 $1.353352810e-01, v6;
	v6 =	vmul.f32 v6, v6  }
0x66: {  	v17 =	vmul.f32 $1.353352810e-01, v17;
	v18 =	vmul.f32 $3.354626240e-04, v18  }
0x67: {  	v6 =	vmul.f32 $3.354626240e-04, v6;
	v19 =	vmul.f32 v19, v15  }
0x68: {  	vm1 =	vgt.s32 v8, $0x1;
	v17 =	vmul.f32 v17, v15;
	v18 =	vmul.f32 v18, v15  }
0x69: {  	vm0 =	vgt.s32 v8, $0x0;
	v6 =	vmul.f32 v6, v15;
	v8 =	vadd.f32 v19, v15  }
0x6a: {  	v21 =	vnsel vm0, $0x0, v17;
	v20 =	vpop (erf);
	v22 =	vnsel vm1, $0x0, v18  }
0x6b: {  	v8 =	vadd.f32 v6, v8;
	v23 =	vmul.f32 v20, v20;
	v21 =	vadd.f32 v22, v21  }
0x6c: {  	v22 =	vmul.f32 $1.353352810e-01, v7;
	v7 =	vmul.f32 v7, v7  }
0x6d: {  	v20 =	vmul.f32 $1.353352810e-01, v20;
	v23 =	vmul.f32 $3.354626240e-04, v23;
	v8 =	vadd.f32 v21, v8  }
0x6e: {  	vm2 =	vgt.s32 v13, $0x0;
	v7 =	vmul.f32 $3.354626240e-04, v7;
	v21 =	vmul.f32 v22, v16  }
0x6f: {  	v20 =	vmul.f32 v20, v16;
	v22 =	vmul.f32 v23, v16;
	v8 =	vadd.f32 $9.999999930e-09, v8  }
0x70: {  	vm3 =	vgt.s32 v13, $0x1;
	v7 =	vmul.f32 v7, v16;
	v13 =	vadd.f32 v21, v16  }
0x71: {  	v23 =	vnsel vm2, $0x0, v20;
	v24 =	vnsel vm3, $0x0, v22;
	(erf) = vrcp.f32 v8  }
0x72: {  	v8 =	vadd.f32 v7, v13;
	v13 =	vadd.f32 v24, v23;
	_ =	sdelay $0x1  }
0x73: {  	v8 =	vadd.f32 v13, v8;
	_ =	sdelay $0x1  }
0x74: {  	v8 =	vadd.f32 $9.999999930e-09, v8;
	_ =	sdelay $0x1  }
0x75: {  	(erf) = vrcp.f32 v8;
	_ =	sdelay $0x1  }
0x76: {  	v13 =	vadd.s32 v0, v9;
	v8 =	vpop (erf)  }
0x77: {  	v23 =	vadd.s32 v2, v9;
	v8 =	vmul.f32 v8, v12  }
0x78: {  	v24 =	vadd.s32 v3, v9  }
0x79: {  	v25 =	vadd.s32 v4, v9;
	v15 =	vmul.f32 v8, v15  }
0x7a: {  	v9 =	vadd.s32 v5, v9;
	v19 =	vmul.f32 v8, v19  }
0x7b: {  	v6 =	vmul.f32 v8, v6;
	[tilespmem:v13+s13+$0x0] =	vst.idx.add.f32.msk $0xffff, v15  }
0x7c: {  	v13 =	vmul.f32 v8, v17;
	[tilespmem:v23+s13+$0x0] =	vst.idx.add.f32.msk $0xffff, v19  }
0x7d: {  	v8 =	vmul.f32 v8, v18;
	v17 =	vadd.s32 v0, v14;
	v15 =	vpop (erf);
	[tilespmem:v24+s13+$0x0] =	vst.idx.add.f32.msk $0xffff, v6  }
0x7e: {  	v6 =	vmul.f32 v15, v11;
	[tilespmem:v25+s13+$0x0] =	vst.idx.add.f32.msk vm0, v13;
	v13 =	vadd.s32 v2, v14  }
0x7f: {  	[tilespmem:v9+s13+$0x0] =	vst.idx.add.f32.msk vm1, v8;
	v8 =	vadd.s32 v3, v14  }
0x80: {  	v9 =	vmul.f32 v6, v16;
	v15 =	vld [tilespmem:s21+$0xFFFFFF90];
	v16 =	vadd.s32 v4, v14  }
0x81: {  	v19 =	vadd.s32 v5, v14;
	v18 =	vmul.f32 v6, v21  }
0x82: {  	v7 =	vmul.f32 v6, v7;
	[tilespmem:v17+s13+$0x0] =	vst.idx.add.f32.msk $0xffff, v9  }
0x83: {  	v9 =	vmul.f32 v6, v20;
	[tilespmem:v13+s13+$0x0] =	vst.idx.add.f32.msk $0xffff, v18  }
0x84: {  	v6 =	vmul.f32 v6, v22;
	[tilespmem:v8+s13+$0x0] =	vst.idx.add.f32.msk $0xffff, v7  }
0x85: {  	v1 =	vimm.f32 $0.0e+00;
	vm0 =	vlt.f32 v15, $0.0e+00;
	[tilespmem:v16+s13+$0x0] =	vst.idx.add.f32.msk vm2, v9  }
0x86: {  	v14 =	vsel vm0, $0x3F800000, v1;
	[tilespmem:v19+s13+$0x0] =	vst.idx.add.f32.msk vm3, v6  }
0x87: {  	v6 =	vld [tilespmem:s21+$0x10];
	[tilespmem:s21+$0xFFFFFF90] =	vst v14  }
0x88: {  	v7 =	vld [tilespmem:s23+$0xFFFFFF90];
	_ =	sdelay $0x3  }
0x89: {  	vm0 =	vlt.f32 v6, $0.0e+00  }
0x8a: {  	v13 =	vsel vm0, $0x3F800000, v1;
	v6 =	vmul.f32 $6.666666410e+01, v7  }
0x8b: {  	[tilespmem:s21+$0x10] =	vst v13  }
0x8c: {  	v7 =	vld [tilespmem:s23+$0x10];
	v8 =	vtrunc.f32 v6  }
0x8d: {  	v8 =	vcvt.f32.s32 v8;
	_ =	sdelay $0x1  }
0x8e: {  	vm0 =	vlt.s32 v8, $0x60  }
0x8f: {  	v16 =	vnsel vm0, $0x60, v8  }
0x90: {  	v7 =	vmul.f32 $6.666666410e+01, v7;
	v9 =	vcvt.s32.f32 v16;
	_ =	sdelay $0x1  }
0x91: {  	v15 =	vtrunc.f32 v7;
	v6 =	vsub.f32 v6, v9  }
0x92: {  	v9 =	vcvt.f32.s32 v15  }
0x93: {  	v6 =	vadd.f32 v6, v6  }
0x94: {  	vm0 =	vlt.s32 v9, $0x60  }
0x95: {  	v15 =	vnsel vm0, $0x60, v9;
	v6 =	vadd.f32 $-1.000000000e+00, v6  }
0x96: {  	v17 =	vcvt.s32.f32 v15  }
0x97: {  	v18 =	vadd.f32 v6, v6  }
0x98: {  	v7 =	vsub.f32 v7, v17  }
0x99: {  	v17 =	vmul.f32 $1.442695020e+00, v18  }
0x9a: {  	v7 =	vadd.f32 v7, v7  }
0x9b: {  	(erf) = vpow2.f32 v17  }
0x9c: {  	v17 =	vadd.f32 $-1.000000000e+00, v7;
	_ =	sdelay $0x1  }
0x9d: {  	s20 =	simm.s32 $0x10180;
	v7 =	vadd.f32 v17, v17  }
0x9e: {  	v18 =	vld [tilespmem:s20+$0xFFFFFF80]  }
0x9f: {  	v7 =	vmul.f32 $1.442695020e+00, v7  }
0xa0: {  	v19 =	vld [tilespmem:s20+$0x0]  }
0xa1: {  	v6 =	vmul.f32 v6, v6;
	(erf) = vpow2.f32 v7;
	_ =	sdelay $0x1  }
0xa2: {  	v6 =	vmul.f32 $-5.000000000e-01, v6;
	vm0 =	vlt.f32 v18, $0.0e+00;
	v18 =	vpop (erf)  }
0xa3: {  	v1 =	vimm.f32 $0.0e+00;
	(erf) = vrcp.f32 v18  }
0xa4: {  	v40 =	vsel vm0, $0x3F800000, v1;
	vm0 =	vlt.f32 v19, $0.0e+00;
	v19 =	vmul.f32 $1.442695020e+00, v6;
	_ =	sdelay $0x1  }
0xa5: {  	s22 =	simm.s32 $0x180;
	[tilespmem:s20+$0xFFFFFF80] =	vst v40;
	(erf) = vpow2.f32 v19  }
0xa6: {  	v17 =	vmul.f32 v17, v17;
	v20 =	vld [tilespmem:s22+$0xFFFFFF80];
	_ =	sdelay $0x1  }
0xa7: {  	v17 =	vmul.f32 $-5.000000000e-01, v17;
	v21 =	vpop (erf)  }
0xa8: {  	(erf) = vrcp.f32 v21  }
0xa9: {  	v17 =	vmul.f32 $1.442695020e+00, v17  }
0xaa: {  	v20 =	vmul.f32 $6.666666410e+01, v20;
	v23 =	vpop (erf)  }
0xab: {  	(erf) = vpow2.f32 v17;
	v24 =	vmul.f32 v23, v23  }
0xac: {  	v17 =	vmul.f32 $1.353352810e-01, v18;
	v18 =	vmul.f32 v18, v18  }
0xad: {  	vm3 =	vgt.s32 v8, $0x0;
	v23 =	vmul.f32 $1.353352810e-01, v23;
	v25 =	vpop (erf);
	v24 =	vmul.f32 $3.354626240e-04, v24  }
0xae: {  	vm2 =	vgt.s32 v8, $0x1;
	v18 =	vmul.f32 $3.354626240e-04, v18;
	v17 =	vmul.f32 v17, v25  }
0xaf: {  	v1 =	vsel vm0, $0x3F800000, v1;
	v23 =	vmul.f32 v23, v25;
	v24 =	vmul.f32 v24, v25  }
0xb0: {  	v22 =	vtrunc.f32 v20;
	v18 =	vmul.f32 v18, v25;
	v8 =	vadd.f32 v17, v25  }
0xb1: {  	[tilespmem:s20+$0x0] =	vst v1;
	v22 =	vcvt.f32.s32 v22;
	v27 =	vnsel vm3, $0x0, v23;
	v28 =	vnsel vm2, $0x0, v24;
	v29 =	vpop (erf)  }
0xb2: {  	v19 =	vld [tilespmem:s22+$0x0];
	v8 =	vadd.f32 v18, v8;
	v27 =	vadd.f32 v28, v27;
	v28 =	vmul.f32 v29, v29  }
0xb3: {  	vm1 =	vgt.s32 v9, $0x1;
	v30 =	vmul.f32 $1.353352810e-01, v21;
	v21 =	vmul.f32 v21, v21  }
0xb4: {  	v8 =	vadd.f32 v27, v8;
	v27 =	vmul.f32 $1.353352810e-01, v29;
	v28 =	vmul.f32 $3.354626240e-04, v28;
	v29 =	vpop (erf)  }
0xb5: {  	vm0 =	vgt.s32 v9, $0x0;
	v21 =	vmul.f32 $3.354626240e-04, v21;
	v30 =	vmul.f32 v30, v29  }
0xb6: {  	v8 =	vadd.f32 $9.999999930e-09, v8;
	v27 =	vmul.f32 v27, v29;
	v28 =	vmul.f32 v28, v29  }
0xb7: {  	v19 =	vmul.f32 $6.666666410e+01, v19;
	v21 =	vmul.f32 v21, v29;
	v9 =	vadd.f32 v30, v29  }
0xb8: {  	v31 =	vnsel vm0, $0x0, v27;
	v32 =	vnsel vm1, $0x0, v28;
	(erf) = vrcp.f32 v8  }
0xb9: {  	v26 =	vtrunc.f32 v19;
	v8 =	vadd.f32 v21, v9;
	v9 =	vadd.f32 v32, v31  }
0xba: {  	v26 =	vcvt.f32.s32 v26  }
0xbb: {  	vm4 =	vlt.s32 v22, $0x60;
	v31 =	vadd.f32 v9, v8  }
0xbc: {  	v9 =	vnsel vm4, $0x60, v22;
	vm4 =	vlt.s32 v26, $0x60  }
0xbd: {  	v53 =	vcvt.s32.f32 v9;
	v8 =	vnsel vm4, $0x60, v26;
	v31 =	vadd.f32 $9.999999930e-09, v31  }
0xbe: {  	v33 =	vcvt.s32.f32 v8  }
0xbf: {  	v20 =	vsub.f32 v20, v53;
	(erf) = vrcp.f32 v31  }
0xc0: {  	v19 =	vsub.f32 v19, v33  }
0xc1: {  	v31 =	vadd.s32 v0, v16;
	v20 =	vadd.f32 v20, v20;
	v54 =	vpop (erf)  }
0xc2: {  	v55 =	vadd.s32 v2, v16;
	v19 =	vadd.f32 v19, v19;
	v32 =	vmul.f32 v54, v14  }
0xc3: {  	v34 =	vadd.s32 v3, v16;
	v20 =	vadd.f32 $-1.000000000e+00, v20  }
0xc4: {  	v35 =	vadd.s32 v4, v16;
	v19 =	vadd.f32 $-1.000000000e+00, v19;
	v25 =	vmul.f32 v32, v25  }
0xc5: {  	v16 =	vadd.s32 v5, v16;
	v36 =	vadd.f32 v20, v20;
	v17 =	vmul.f32 v32, v17  }
0xc6: {  	v18 =	vmul.f32 v32, v18;
	v37 =	vadd.f32 v19, v19;
	[tilespmem:v31+s13+$0x0] =	vst.idx.add.f32.msk $0xffff, v25  }
0xc7: {  	v25 =	vmul.f32 $1.442695020e+00, v36;
	[tilespmem:v55+s13+$0x0] =	vst.idx.add.f32.msk $0xffff, v17;
	v17 =	vmul.f32 v32, v23  }
0xc8: {  	v23 =	vmul.f32 $1.442695020e+00, v37;
	[tilespmem:v34+s13+$0x0] =	vst.idx.add.f32.msk $0xffff, v18;
	v18 =	vmul.f32 v32, v24;
	v24 =	vadd.s32 v0, v15;
	v31 =	vpop (erf)  }
0xc9: {  	(erf) = vpow2.f32 v25;
	v25 =	vadd.s32 v2, v15;
	[tilespmem:v35+s13+$0x0] =	vst.idx.add.f32.msk vm3, v17;
	v17 =	vmul.f32 v31, v13  }
0xca: {  	(erf) = vpow2.f32 v23;
	[tilespmem:v16+s13+$0x0] =	vst.idx.add.f32.msk vm2, v18;
	v16 =	vadd.s32 v3, v15  }
0xcb: {  	v18 =	vmul.f32 v20, v20;
	v20 =	vld [tilespmem:s21+$0xFFFFFFA0];
	v23 =	vmul.f32 v17, v29;
	v29 =	vadd.s32 v4, v15  }
0xcc: {  	v30 =	vmul.f32 v17, v30;
	v15 =	vadd.s32 v5, v15  }
0xcd: {  	v19 =	vmul.f32 v19, v19;
	v21 =	vmul.f32 v17, v21;
	[tilespmem:v24+s13+$0x0] =	vst.idx.add.f32.msk $0xffff, v23  }
0xce: {  	v18 =	vmul.f32 $-5.000000000e-01, v18;
	v23 =	vmul.f32 v17, v27;
	[tilespmem:v25+s13+$0x0] =	vst.idx.add.f32.msk $0xffff, v30  }
0xcf: {  	v19 =	vmul.f32 $-5.000000000e-01, v19;
	v17 =	vmul.f32 v17, v28;
	[tilespmem:v16+s13+$0x0] =	vst.idx.add.f32.msk $0xffff, v21  }
0xd0: {  	v6 =	vimm.f32 $0.0e+00;
	v18 =	vmul.f32 $1.442695020e+00, v18;
	vm2 =	vlt.f32 v20, $0.0e+00;
	[tilespmem:v29+s13+$0x0] =	vst.idx.add.f32.msk vm0, v23  }
0xd1: {  	v19 =	vmul.f32 $1.442695020e+00, v19;
	v16 =	vsel vm2, $0x3F800000, v6;
	[tilespmem:v15+s13+$0x0] =	vst.idx.add.f32.msk vm1, v17  }
0xd2: {  	(erf) = vpow2.f32 v18;
	[tilespmem:s21+$0xFFFFFFA0] =	vst v16;
	v17 =	vld [tilespmem:s21+$0x20]  }
0xd3: {  	v15 =	vpop (erf);
	(erf) = vpow2.f32 v19;
	v19 =	vld [tilespmem:s23+$0xFFFFFFA0]  }
0xd4: {  	(erf) = vrcp.f32 v15  }
0xd5: {  	v18 =	vpop (erf)  }
0xd6: {  	(erf) = vrcp.f32 v18  }
0xd7: {  	v20 =	vmul.f32 $1.353352810e-01, v15;
	vm0 =	vlt.f32 v17, $0.0e+00  }
0xd8: {  	v15 =	vmul.f32 v15, v15;
	v19 =	vmul.f32 $6.666666410e+01, v19;
	v17 =	vsel vm0, $0x3F800000, v6  }
0xd9: {  	vm3 =	vgt.s32 v22, $0x1;
	v21 =	vmul.f32 $1.353352810e-01, v18;
	v18 =	vmul.f32 v18, v18;
	[tilespmem:s21+$0x20] =	vst v17  }
0xda: {  	vm2 =	vgt.s32 v22, $0x0;
	v15 =	vmul.f32 $3.354626240e-04, v15;
	v23 =	vtrunc.f32 v19;
	v25 =	vld [tilespmem:s23+$0x20]  }
0xdb: {  	vm1 =	vgt.s32 v26, $0x1;
	v18 =	vmul.f32 $3.354626240e-04, v18;
	v22 =	vpop (erf);
	v23 =	vcvt.f32.s32 v23  }
0xdc: {  	vm0 =	vgt.s32 v26, $0x0;
	v24 =	vpop (erf);
	v20 =	vmul.f32 v20, v22;
	v27 =	vmul.f32 v15, v22  }
0xdd: {  	v21 =	vmul.f32 v21, v24;
	v26 =	vpop (erf);
	v28 =	vmul.f32 v18, v24;
	vm4 =	vlt.s32 v23, $0x60  }
0xde: {  	v29 =	vmul.f32 $1.353352810e-01, v26;
	v26 =	vmul.f32 v26, v26;
	v18 =	vnsel vm4, $0x60, v23  }
0xdf: {  	v15 =	vpop (erf);
	v56 =	vcvt.s32.f32 v18;
	v25 =	vmul.f32 $6.666666410e+01, v25  }
0xe0: {  	v31 =	vadd.f32 v20, v22;
	v30 =	vmul.f32 $1.353352810e-01, v15;
	v15 =	vmul.f32 v15, v15  }
0xe1: {  	v29 =	vmul.f32 v29, v22;
	v19 =	vsub.f32 v19, v56;
	v58 =	vtrunc.f32 v25  }
0xe2: {  	v57 =	vadd.f32 v21, v24;
	v26 =	vmul.f32 $3.354626240e-04, v26;
	v32 =	vcvt.f32.s32 v58  }
0xe3: {  	v31 =	vadd.f32 v27, v31;
	v15 =	vmul.f32 $3.354626240e-04, v15;
	v19 =	vadd.f32 v19, v19  }
0xe4: {  	v30 =	vmul.f32 v30, v24;
	v26 =	vmul.f32 v26, v22;
	vm4 =	vlt.s32 v32, $0x60  }
0xe5: {  	v60 =	vmul.f32 v15, v24;
	v19 =	vadd.f32 $-1.000000000e+00, v19;
	v15 =	vnsel vm4, $0x60, v32  }
0xe6: {  	v59 =	vnsel vm2, $0x0, v29;
	v62 =	vnsel vm3, $0x0, v26;
	v39 =	vcvt.s32.f32 v15  }
0xe7: {  	v34 =	vadd.f32 v62, v59;
	v63 =	vadd.f32 v19, v19  }
0xe8: {  	v33 =	vadd.f32 v28, v57;
	v61 =	vnsel vm0, $0x0, v30;
	v25 =	vsub.f32 v25, v39  }
0xe9: {  	v38 =	vnsel vm1, $0x0, v60;
	v31 =	vadd.f32 v34, v31;
	v41 =	vmul.f32 $1.442695020e+00, v63  }
0xea: {  	v36 =	vadd.f32 v38, v61;
	v25 =	vadd.f32 v25, v25  }
0xeb: {  	v31 =	vadd.f32 $9.999999930e-09, v31;
	(erf) = vpow2.f32 v41  }
0xec: {  	v33 =	vadd.f32 v36, v33;
	v25 =	vadd.f32 $-1.000000000e+00, v25  }
0xed: {  	(erf) = vrcp.f32 v31  }
0xee: {  	v33 =	vadd.f32 $9.999999930e-09, v33;
	v31 =	vadd.f32 v25, v25;
	_ =	sdelay $0x1  }
0xef: {  	(erf) = vrcp.f32 v33;
	v31 =	vmul.f32 $1.442695020e+00, v31;
	_ =	sdelay $0x1  }
0xf0: {  	v19 =	vmul.f32 v19, v19;
	_ =	sdelay $0x1  }
0xf1: {  	v19 =	vmul.f32 $-5.000000000e-01, v19;
	(erf) = vpow2.f32 v31;
	v31 =	vpop (erf)  }
0xf2: {  	(erf) = vrcp.f32 v31  }
0xf3: {  	v19 =	vmul.f32 $1.442695020e+00, v19;
	v42 =	vpop (erf)  }
0xf4: {  	v43 =	vadd.s32 v0, v9;
	v25 =	vmul.f32 v25, v25;
	v33 =	vmul.f32 v42, v40  }
0xf5: {  	v45 =	vadd.s32 v2, v9;
	(erf) = vpow2.f32 v19  }
0xf6: {  	v25 =	vmul.f32 $-5.000000000e-01, v25;
	v44 =	vpop (erf);
	v19 =	vmul.f32 v33, v22;
	v22 =	vadd.s32 v3, v9  }
0xf7: {  	v46 =	vadd.s32 v4, v9;
	[tilespmem:$0x1FFE0] =	vst v40;
	v36 =	vmul.f32 v44, v1;
	v20 =	vmul.f32 v33, v20  }
0xf8: {  	[tilespmem:$0x1FFF0] =	vst v1;
	v27 =	vmul.f32 v33, v27;
	v29 =	vmul.f32 v33, v29;
	v9 =	vadd.s32 v5, v9  }
0xf9: {  	v24 =	vmul.f32 v36, v24;
	v21 =	vmul.f32 v36, v21;
	[tilespmem:v43+s13+$0x0] =	vst.idx.add.f32.msk $0xffff, v19  }
0xfa: {  	v19 =	vmul.f32 v33, v26;
	v26 =	vpop (erf);
	[tilespmem:v45+s13+$0x0] =	vst.idx.add.f32.msk $0xffff, v20;
	v20 =	vmul.f32 $1.442695020e+00, v25  }
0xfb: {  	(erf) = vrcp.f32 v26;
	[tilespmem:v22+s13+$0x0] =	vst.idx.add.f32.msk $0xffff, v27;
	v22 =	vmul.f32 v36, v28;
	v25 =	vpop (erf)  }
0xfc: {  	(erf) = vpow2.f32 v20;
	[tilespmem:v46+s13+$0x0] =	vst.idx.add.f32.msk vm2, v29;
	v28 =	vmul.f32 v25, v25  }
0xfd: {  	v27 =	vadd.s32 v0, v8;
	[tilespmem:v9+s13+$0x0] =	vst.idx.add.f32.msk vm3, v19;
	v9 =	vmul.f32 $1.353352810e-01, v31;
	v19 =	vmul.f32 v31, v31  }
0xfe: {  	v20 =	vadd.s32 v2, v8;
	v25 =	vmul.f32 $1.353352810e-01, v25;
	v47 =	vpop (erf);
	v28 =	vmul.f32 $3.354626240e-04, v28  }
0xff: {  	v29 =	vadd.s32 v3, v8;
	v49 =	vmul.f32 v9, v47;
	v9 =	vmul.f32 $3.354626240e-04, v19  }
0x100: {  	v48 =	vadd.s32 v4, v8;
	v31 =	vld [tilespmem:s20+$0xFFFFFF90];
	v25 =	vmul.f32 v25, v47;
	v28 =	vmul.f32 v28, v47  }
0x101: {  	vm2 =	vgt.s32 v23, $0x0;
	vm3 =	vgt.s32 v23, $0x1;
	v50 =	vmul.f32 v9, v47  }
0x102: {  	[tilespmem:v27+s13+$0x0] =	vst.idx.add.f32.msk $0xffff, v24;
	v9 =	vadd.f32 v49, v47;
	v23 =	vnsel vm2, $0x0, v25;
	v24 =	vnsel vm3, $0x0, v28  }
0x103: {  	v8 =	vadd.s32 v5, v8;
	[tilespmem:v20+s13+$0x0] =	vst.idx.add.f32.msk $0xffff, v21;
	v23 =	vadd.f32 v24, v23  }
0x104: {  	v19 =	vmul.f32 v36, v30;
	[tilespmem:v29+s13+$0x0] =	vst.idx.add.f32.msk $0xffff, v22;
	v22 =	vmul.f32 $1.353352810e-01, v26;
	v20 =	vadd.f32 v50, v9;
	v21 =	vpop (erf)  }
0x105: {  	v26 =	vmul.f32 v26, v26;
	vm4 =	vlt.f32 v31, $0.0e+00;
	v27 =	vmul.f32 v21, v21  }
0x106: {  	[tilespmem:v48+s13+$0x0] =	vst.idx.add.f32.msk vm0, v19;
	vm0 =	vgt.s32 v32, $0x0;
	v24 =	vmul.f32 v36, v60;
	v19 =	vadd.f32 v23, v20  }
0x107: {  	v9 =	vsel vm4, $0x3F800000, v6;
	v20 =	vmul.f32 $1.353352810e-01, v21;
	v21 =	vmul.f32 $3.354626240e-04, v27;
	v23 =	vpop (erf)  }
0x108: {  	[tilespmem:v8+s13+$0x0] =	vst.idx.add.f32.msk vm1, v24;
	v8 =	vmul.f32 $3.354626240e-04, v26;
	v19 =	vadd.f32 $9.999999930e-09, v19;
	v22 =	vmul.f32 v22, v23  }
0x109: {  	[tilespmem:s20+$0xFFFFFF90] =	vst v9;
	vm1 =	vgt.s32 v32, $0x1;
	v26 =	vmul.f32 v20, v23;
	v27 =	vmul.f32 v21, v23  }
0x10a: {  	v29 =	vmul.f32 v8, v23;
	(erf) = vrcp.f32 v19;
	v19 =	vld [tilespmem:s22+$0xFFFFFF90];
	v8 =	vadd.f32 v22, v23  }
0x10b: {  	v24 =	vld [tilespmem:s20+$0x10];
	v20 =	vnsel vm0, $0x0, v26;
	v21 =	vnsel vm1, $0x0, v27  }
0x10c: {  	v20 =	vadd.f32 v21, v20;
	v8 =	vadd.f32 v29, v8;
	_ =	sdelay $0x1  }
0x10d: {  	v20 =	vadd.f32 v20, v8  }
0x10e: {  	v21 =	vmul.f32 $6.666666410e+01, v19  }
0x10f: {  	vm4 =	vlt.f32 v24, $0.0e+00;
	v19 =	vadd.f32 $9.999999930e-09, v20  }
0x110: {  	v8 =	vsel vm4, $0x3F800000, v6;
	v20 =	vtrunc.f32 v21  }
0x111: {  	[tilespmem:s20+$0x10] =	vst v8;
	v20 =	vcvt.f32.s32 v20  }
0x112: {  	v24 =	vld [tilespmem:s22+$0x10];
	(erf) = vrcp.f32 v19  }
0x113: {  	vm4 =	vlt.s32 v20, $0x60;
	v19 =	vpop (erf)  }
0x114: {  	v31 =	vmul.f32 v19, v16;
	v19 =	vnsel vm4, $0x60, v20  }
0x115: {  	v30 =	vadd.s32 v0, v18;
	v53 =	vcvt.s32.f32 v19  }
0x116: {  	v51 =	vadd.s32 v2, v18  }
0x117: {  	v52 =	vadd.s32 v3, v18;
	v24 =	vmul.f32 $6.666666410e+01, v24;
	v21 =	vsub.f32 v21, v53  }
0x118: {  	v54 =	vadd.s32 v4, v18;
	v55 =	vadd.s32 v5, v18;
	v33 =	vmul.f32 v31, v47  }
0x119: {  	v56 =	vadd.s32 v0, v15;
	v37 =	vmul.f32 v31, v49;
	v18 =	vtrunc.f32 v24  }
0x11a: {  	v25 =	vmul.f32 v31, v25;
	[tilespmem:v30+s13+$0x0] =	vst.idx.add.f32.msk $0xffff, v33;
	v30 =	vmul.f32 v31, v50  }
0x11b: {  	v28 =	vmul.f32 v31, v28;
	v18 =	vcvt.f32.s32 v18;
	[tilespmem:v51+s13+$0x0] =	vst.idx.add.f32.msk $0xffff, v37;
	v31 =	vadd.f32 v21, v21;
	v21 =	vpop (erf)  }
0x11c: {  	v57 =	vadd.s32 v2, v15;
	[tilespmem:v52+s13+$0x0] =	vst.idx.add.f32.msk $0xffff, v30;
	v30 =	vmul.f32 v21, v17  }
0x11d: {  	vm4 =	vlt.s32 v18, $0x60;
	[tilespmem:v54+s13+$0x0] =	vst.idx.add.f32.msk vm2, v25;
	v25 =	vadd.s32 v3, v15  }
0x11e: {  	[tilespmem:v55+s13+$0x0] =	vst.idx.add.f32.msk vm3, v28;
	v28 =	vadd.f32 $-1.000000000e+00, v31;
	v31 =	vadd.s32 v4, v15;
	v23 =	vmul.f32 v30, v23  }
0x11f: {  	v21 =	vnsel vm4, $0x60, v18;
	v15 =	vadd.s32 v5, v15;
	v59 =	vld [tilespmem:s21+$0xFFFFFFB0];
	v22 =	vmul.f32 v30, v22  }
0x120: {  	v58 =	vcvt.s32.f32 v21;
	[tilespmem:v56+s13+$0x0] =	vst.idx.add.f32.msk $0xffff, v23;
	v23 =	vmul.f32 v30, v29  }
0x121: {  	v60 =	vadd.f32 v28, v28;
	[tilespmem:v57+s13+$0x0] =	vst.idx.add.f32.msk $0xffff, v22;
	v22 =	vmul.f32 v30, v26  }
0x122: {  	v24 =	vsub.f32 v24, v58;
	[tilespmem:v25+s13+$0x0] =	vst.idx.add.f32.msk $0xffff, v23;
	v23 =	vmul.f32 v30, v27  }
0x123: {  	v26 =	vmul.f32 $1.442695020e+00, v60;
	[tilespmem:v31+s13+$0x0] =	vst.idx.add.f32.msk vm0, v22  }
0x124: {  	v10 =	vadd.f32 v12, v10;
	v24 =	vadd.f32 v24, v24;
	[tilespmem:v15+s13+$0x0] =	vst.idx.add.f32.msk vm1, v23  }
0x125: {  	v1 =	vimm.f32 $0.0e+00;
	vm0 =	vlt.f32 v59, $0.0e+00;
	(erf) = vpow2.f32 v26;
	v22 =	vld [tilespmem:s21+$0x30]  }
0x126: {  	s24 =	simm.s32 $0x10280;
	v12 =	vadd.f32 $-1.000000000e+00, v24;
	v15 =	vsel vm0, $0x3F800000, v1  }
0x127: {  	v10 =	vadd.f32 v14, v10;
	v24 =	vld [tilespmem:s24+$0xFFFFFF80];
	[tilespmem:s21+$0xFFFFFFB0] =	vst v15  }
0x128: {  	v23 =	vadd.f32 v12, v12;
	v14 =	vld [tilespmem:s23+$0xFFFFFFB0]  }
0x129: {  	v10 =	vadd.f32 v16, v10  }
0x12a: {  	v16 =	vmul.f32 $1.442695020e+00, v23;
	vm0 =	vlt.f32 v22, $0.0e+00;
	v22 =	vmul.f32 v28, v28  }
0x12b: {  	v23 =	vld [tilespmem:s24+$0x0]  }
0x12c: {  	v10 =	vadd.f32 v15, v10;
	(erf) = vpow2.f32 v16  }
0x12d: {  	v16 =	vsel vm0, $0x3F800000, v1;
	v25 =	vmul.f32 $6.666666410e+01, v14;
	vm0 =	vlt.f32 v24, $0.0e+00  }
0x12e: {  	v14 =	vadd.f32 v11, v10;
	[tilespmem:s21+$0x30] =	vst v16;
	v10 =	vmul.f32 $-5.000000000e-01, v22;
	v11 =	vsel vm0, $0x3F800000, v1;
	v22 =	vpop (erf)  }
0x12f: {  	v24 =	vld [tilespmem:s23+$0x30];
	[tilespmem:s24+$0xFFFFFF80] =	vst v11;
	s23 =	simm.s32 $0x280;
	(erf) = vrcp.f32 v22  }
0x130: {  	vm0 =	vlt.f32 v23, $0.0e+00;
	v26 =	vtrunc.f32 v25;
	v23 =	vmul.f32 $1.442695020e+00, v10;
	v27 =	vld [tilespmem:s23+$0xFFFFFF80]  }
0x131: {  	v13 =	vadd.f32 v13, v14;
	v26 =	vcvt.f32.s32 v26;
	v10 =	vsel vm0, $0x3F800000, v1  }
0x132: {  	v12 =	vmul.f32 v12, v12;
	[tilespmem:s24+$0x0] =	vst v10;
	(erf) = vpow2.f32 v23  }
0x133: {  	v13 =	vadd.f32 v17, v13;
	vm0 =	vlt.s32 v26, $0x60;
	v23 =	vld [tilespmem:s23+$0x0]  }
0x134: {  	v28 =	vmul.f32 $-5.000000000e-01, v12;
	v14 =	vnsel vm0, $0x60, v26;
	v24 =	vmul.f32 $6.666666410e+01, v24  }
0x135: {  	v12 =	vadd.f32 v16, v13;
	v17 =	vcvt.s32.f32 v14;
	v29 =	vpop (erf);
	v13 =	vmul.f32 $6.666666410e+01, v27  }
0x136: {  	(erf) = vrcp.f32 v29;
	v54 =	vmul.f32 $1.353352810e-01, v29  }
0x137: {  	v30 =	vtrunc.f32 v24;
	v17 =	vsub.f32 v25, v17;
	v25 =	vmul.f32 $1.442695020e+00, v28  }
0x138: {  	v43 =	vadd.s32 v3, v19;
	v27 =	vcvt.f32.s32 v30;
	v30 =	vmul.f32 $6.666666410e+01, v23;
	v31 =	vpop (erf)  }
0x139: {  	vm1 =	vgt.s32 v20, $0x0;
	(erf) = vpow2.f32 v25;
	v61 =	vmul.f32 v31, v31  }
0x13a: {  	v17 =	vadd.f32 v17, v17;
	v25 =	vmul.f32 $1.353352810e-01, v22;
	v22 =	vmul.f32 v22, v22  }
0x13b: {  	vm0 =	vlt.s32 v27, $0x60;
	v31 =	vmul.f32 $1.353352810e-01, v31;
	v33 =	vpop (erf);
	v32 =	vmul.f32 $3.354626240e-04, v61  }
0x13c: {  	v62 =	vadd.f32 $-1.000000000e+00, v17;
	v17 =	vmul.f32 $3.354626240e-04, v22;
	v25 =	vmul.f32 v25, v33  }
0x13d: {  	v23 =	vnsel vm0, $0x60, v27;
	v22 =	vmul.f32 v31, v33;
	v31 =	vmul.f32 v32, v33  }
0x13e: {  	vm0 =	vgt.s32 v20, $0x1;
	v63 =	vmul.f32 v17, v33;
	v17 =	vadd.f32 v25, v33  }
0x13f: {  	v29 =	vmul.f32 v29, v29;
	v52 =	vpop (erf);
	v50 =	vnsel vm1, $0x0, v22;
	v51 =	vnsel vm0, $0x0, v31  }
0x140: {  	v53 =	vmul.f32 v52, v52;
	v17 =	vadd.f32 v63, v17;
	v32 =	vadd.f32 v51, v50  }
0x141: {  	vm5 =	vgt.s32 v18, $0x1;
	v28 =	vtrunc.f32 v13;
	v29 =	vmul.f32 $3.354626240e-04, v29  }
0x142: {  	v56 =	vmul.f32 $1.353352810e-01, v52;
	v36 =	vmul.f32 $3.354626240e-04, v53;
	v57 =	vpop (erf);
	v17 =	vadd.f32 v32, v17  }
0x143: {  	vm3 =	vgt.s32 v18, $0x0;
	v28 =	vcvt.f32.s32 v28;
	v38 =	vmul.f32 v54, v57  }
0x144: {  	v40 =	vmul.f32 v56, v57;
	v36 =	vmul.f32 v36, v57;
	v17 =	vadd.f32 $9.999999930e-09, v17  }
0x145: {  	v20 =	vtrunc.f32 v30;
	v29 =	vmul.f32 v29, v57;
	v18 =	vadd.f32 v38, v57  }
0x146: {  	v32 =	vnsel vm3, $0x0, v40;
	v41 =	vnsel vm5, $0x0, v36;
	(erf) = vrcp.f32 v17  }
0x147: {  	vm6 =	vlt.s32 v28, $0x60;
	v17 =	vadd.f32 v29, v18;
	v18 =	vadd.f32 v41, v32  }
0x148: {  	v49 =	vnsel vm6, $0x60, v28;
	v55 =	vadd.f32 v62, v62;
	v41 =	vcvt.f32.s32 v20  }
0x149: {  	vm2 =	vgt.s32 v26, $0x0;
	v58 =	vcvt.s32.f32 v49;
	v17 =	vadd.f32 v18, v17  }
0x14a: {  	vm4 =	vgt.s32 v26, $0x1;
	v26 =	vmul.f32 $1.442695020e+00, v55;
	vm6 =	vlt.s32 v41, $0x60  }
0x14b: {  	v13 =	vsub.f32 v13, v58;
	v51 =	vnsel vm6, $0x60, v41;
	v17 =	vadd.f32 $9.999999930e-09, v17  }
0x14c: {  	v45 =	vadd.s32 v4, v19;
	(erf) = vpow2.f32 v26;
	v42 =	vcvt.s32.f32 v51  }
0x14d: {  	v47 =	vadd.s32 v5, v19;
	v13 =	vadd.f32 v13, v13;
	(erf) = vrcp.f32 v17  }
0x14e: {  	v59 =	vadd.s32 v0, v19;
	v1 =	vimm.f32 $0.0e+00;
	v30 =	vsub.f32 v30, v42  }
0x14f: {  	v61 =	vadd.s32 v2, v19;
	v19 =	vadd.s32 v3, v14;
	v13 =	vadd.f32 $-1.000000000e+00, v13;
	v60 =	vpop (erf)  }
0x150: {  	v55 =	vadd.s32 v2, v21;
	v30 =	vadd.f32 v30, v30;
	v39 =	vmul.f32 v60, v9  }
0x151: {  	v53 =	vadd.s32 v0, v21;
	v46 =	vadd.f32 v13, v13;
	v20 =	vcvt.s32.f32 v23  }
0x152: {  	v13 =	vmul.f32 v13, v13;
	v30 =	vadd.f32 $-1.000000000e+00, v30;
	v33 =	vmul.f32 v39, v33  }
0x153: {  	v26 =	vmul.f32 v62, v62;
	v24 =	vsub.f32 v24, v20;
	v25 =	vmul.f32 v39, v25  }
0x154: {  	v50 =	vmul.f32 $1.442695020e+00, v46;
	v48 =	vadd.f32 v30, v30;
	v62 =	vmul.f32 v39, v63;
	[tilespmem:v59+s13+$0x0] =	vst.idx.add.f32.msk $0xffff, v33  }
0x155: {  	v13 =	vmul.f32 $-5.000000000e-01, v13;
	v24 =	vadd.f32 v24, v24;
	v52 =	vpop (erf);
	v22 =	vmul.f32 v39, v22;
	[tilespmem:v61+s13+$0x0] =	vst.idx.add.f32.msk $0xffff, v25  }
0x156: {  	v56 =	vadd.s32 v4, v21;
	v31 =	vmul.f32 v39, v31;
	v25 =	vmul.f32 $1.442695020e+00, v48;
	v54 =	vpop (erf);
	[tilespmem:v43+s13+$0x0] =	vst.idx.add.f32.msk $0xffff, v62  }
0x157: {  	v24 =	vadd.f32 $-1.000000000e+00, v24;
	(erf) = vpow2.f32 v50;
	[tilespmem:v45+s13+$0x0] =	vst.idx.add.f32.msk vm1, v22;
	v22 =	vmul.f32 v54, v8  }
0x158: {  	v13 =	vmul.f32 $1.442695020e+00, v13;
	(erf) = vpow2.f32 v25;
	v25 =	vadd.s32 v3, v21;
	[tilespmem:v47+s13+$0x0] =	vst.idx.add.f32.msk vm0, v31  }
0x159: {  	v18 =	vadd.s32 v0, v14;
	v44 =	vadd.f32 v24, v24;
	v31 =	vld [tilespmem:s20+$0xFFFFFFA0];
	v37 =	vmul.f32 v22, v57  }
0x15a: {  	v30 =	vmul.f32 v30, v30;
	v38 =	vmul.f32 v22, v38;
	v57 =	vadd.s32 v5, v21  }
0x15b: {  	v63 =	vmul.f32 $1.442695020e+00, v44;
	vm1 =	vgt.s32 v27, $0x1;
	v29 =	vmul.f32 v22, v29;
	[tilespmem:v53+s13+$0x0] =	vst.idx.add.f32.msk $0xffff, v37  }
0x15c: {  	vm0 =	vgt.s32 v27, $0x0;
	v27 =	vmul.f32 $-5.000000000e-01, v30;
	v30 =	vmul.f32 v22, v40;
	[tilespmem:v55+s13+$0x0] =	vst.idx.add.f32.msk $0xffff, v38  }
0x15d: {  	v26 =	vmul.f32 $-5.000000000e-01, v26;
	v17 =	vadd.s32 v2, v14;
	v22 =	vmul.f32 v22, v36;
	[tilespmem:v25+s13+$0x0] =	vst.idx.add.f32.msk $0xffff, v29  }
0x15e: {  	v24 =	vmul.f32 v24, v24;
	(erf) = vpow2.f32 v63;
	vm6 =	vlt.f32 v31, $0.0e+00;
	[tilespmem:v56+s13+$0x0] =	vst.idx.add.f32.msk vm3, v30  }
0x15f: {  	(erf) = vpow2.f32 v13;
	v25 =	vmul.f32 $1.442695020e+00, v27;
	v13 =	vsel vm6, $0x3F800000, v1;
	[tilespmem:v57+s13+$0x0] =	vst.idx.add.f32.msk vm5, v22  }
0x160: {  	v21 =	vadd.s32 v4, v14;
	v37 =	vmul.f32 $1.353352810e-01, v52;
	v38 =	vmul.f32 v52, v52;
	[tilespmem:s20+$0xFFFFFFA0] =	vst v13;
	v30 =	vld [tilespmem:s20+$0x20]  }
0x161: {  	v29 =	vpop (erf);
	v22 =	vadd.s32 v5, v14;
	v14 =	vmul.f32 $-5.000000000e-01, v24;
	(erf) = vpow2.f32 v25;
	v59 =	vld [tilespmem:s22+$0xFFFFFFA0]  }
0x162: {  	v31 =	vmul.f32 $1.442695020e+00, v26;
	(erf) = vrcp.f32 v29;
	v58 =	vpop (erf)  }
0x163: {  	vm7 =	vgt.s32 v28, $0x1;
	v14 =	vmul.f32 $1.442695020e+00, v14;
	(erf) = vrcp.f32 v58  }
0x164: {  	vm8 =	vgt.s32 v41, $0x1;
	v33 =	vmul.f32 v58, v58;
	(erf) = vrcp.f32 v52  }
0x165: {  	v27 =	vadd.s32 v4, v23;
	(erf) = vpow2.f32 v31;
	v31 =	vmul.f32 $1.353352810e-01, v29  }
0x166: {  	v29 =	vmul.f32 v29, v29;
	vm3 =	vlt.f32 v30, $0.0e+00;
	v34 =	vmul.f32 $6.666666410e+01, v59  }
0x167: {  	v35 =	vpop (erf);
	v33 =	vmul.f32 $3.354626240e-04, v33;
	(erf) = vpow2.f32 v14;
	v14 =	vsel vm3, $0x3F800000, v1  }
0x168: {  	vm6 =	vgt.s32 v28, $0x0;
	v45 =	vpop (erf);
	v29 =	vmul.f32 $3.354626240e-04, v29;
	[tilespmem:s20+$0x20] =	vst v14;
	v28 =	vtrunc.f32 v34  }
0x169: {  	v26 =	vadd.s32 v2, v23;
	v48 =	vmul.f32 v31, v45;
	v36 =	vcvt.f32.s32 v28;
	v28 =	vld [tilespmem:s22+$0x20]  }
0x16a: {  	v25 =	vadd.s32 v0, v23;
	v30 =	vmul.f32 $1.353352810e-01, v58;
	(erf) = vrcp.f32 v35  }
0x16b: {  	v47 =	vmul.f32 v29, v45;
	v62 =	vadd.f32 v48, v45;
	v46 =	vpop (erf);
	vm3 =	vlt.s32 v36, $0x60  }
0x16c: {  	v57 =	vmul.f32 v30, v46;
	v31 =	vpop (erf);
	v56 =	vmul.f32 v33, v46;
	v30 =	vnsel vm3, $0x60, v36  }
0x16d: {  	vm5 =	vgt.s32 v41, $0x0;
	v60 =	vmul.f32 $1.353352810e-01, v31;
	v63 =	vcvt.s32.f32 v30  }
0x16e: {  	v58 =	vadd.f32 v47, v62;
	v29 =	vpop (erf);
	v31 =	vmul.f32 v31, v31;
	v28 =	vmul.f32 $6.666666410e+01, v28  }
0x16f: {  	v61 =	vmul.f32 $1.353352810e-01, v29;
	v29 =	vmul.f32 v29, v29;
	v55 =	vsub.f32 v34, v63  }
0x170: {  	v50 =	vadd.f32 v57, v46;
	v52 =	vmul.f32 v60, v45;
	v59 =	vtrunc.f32 v28  }
0x171: {  	v31 =	vmul.f32 $3.354626240e-04, v31;
	v33 =	vadd.f32 v55, v55;
	v1 =	vcvt.f32.s32 v59  }
0x172: {  	v29 =	vmul.f32 $3.354626240e-04, v29;
	v6 =	vmul.f32 v61, v46;
	v42 =	vadd.f32 v56, v50  }
0x173: {  	v53 =	vmul.f32 v31, v45;
	v41 =	vadd.f32 $-1.000000000e+00, v33;
	vm3 =	vlt.s32 v1, $0x60  }
0x174: {  	v31 =	vnsel vm6, $0x0, v52;
	v7 =	vmul.f32 v29, v46;
	v29 =	vnsel vm3, $0x60, v1  }
0x175: {  	v60 =	vnsel vm7, $0x0, v53;
	v62 =	vadd.f32 v41, v41;
	v63 =	vcvt.s32.f32 v29  }
0x176: {  	v39 =	vnsel vm5, $0x0, v6;
	v61 =	vnsel vm8, $0x0, v7;
	v31 =	vadd.f32 v60, v31  }
0x177: {  	v50 =	vpop (erf);
	v39 =	vadd.f32 v61, v39;
	v33 =	vmul.f32 $1.442695020e+00, v62;
	v28 =	vsub.f32 v28, v63  }
0x178: {  	v55 =	vmul.f32 v50, v50;
	v61 =	vmul.f32 v35, v35;
	v31 =	vadd.f32 v31, v58  }
0x179: {  	v54 =	vadd.f32 v39, v42;
	v28 =	vadd.f32 v28, v28;
	(erf) = vpow2.f32 v33  }
0x17a: {  	v58 =	vmul.f32 $1.353352810e-01, v35;
	v60 =	vmul.f32 $3.354626240e-04, v55;
	v31 =	vadd.f32 $9.999999930e-09, v31  }
0x17b: {  	v35 =	vpop (erf);
	v55 =	vmul.f32 $3.354626240e-04, v38;
	v59 =	vadd.f32 $9.999999930e-09, v54;
	v54 =	vadd.f32 $-1.000000000e+00, v28  }
0x17c: {  	v24 =	vadd.s32 v3, v23;
	v39 =	vmul.f32 v37, v35;
	(erf) = vrcp.f32 v31  }
0x17d: {  	v34 =	vpop (erf);
	v44 =	vmul.f32 $3.354626240e-04, v61;
	v28 =	vadd.s32 v5, v23;
	v23 =	vadd.f32 v54, v54  }
0x17e: {  	v37 =	vmul.f32 v58, v34;
	(erf) = vrcp.f32 v59  }
0x17f: {  	v38 =	vmul.f32 v60, v35;
	v62 =	vpop (erf);
	v23 =	vmul.f32 $1.442695020e+00, v23  }
0x180: {  	v41 =	vmul.f32 v41, v41;
	v63 =	vmul.f32 v62, v62  }
0x181: {  	(erf) = vpow2.f32 v23;
	v23 =	vmul.f32 $1.353352810e-01, v62  }
0x182: {  	v32 =	vadd.s32 v4, v49;
	v31 =	vmul.f32 $1.353352810e-01, v50;
	v50 =	vmul.f32 $-5.000000000e-01, v41;
	v59 =	vpop (erf)  }
0x183: {  	vm3 =	vmmov vm2;
	v43 =	vmul.f32 $3.354626240e-04, v63;
	(erf) = vrcp.f32 v59  }
0x184: {  	vm2 =	vmmov vm4;
	v40 =	vmul.f32 v31, v35;
	v61 =	vmul.f32 $1.442695020e+00, v50  }
0x185: {  	v42 =	vmul.f32 v43, v34;
	v62 =	vadd.s32 v0, v49;
	v41 =	vmul.f32 v23, v34;
	v23 =	vpop (erf)  }
0x186: {  	v43 =	vmul.f32 v55, v35;
	v55 =	vadd.s32 v2, v49;
	v23 =	vmul.f32 v23, v11  }
0x187: {  	v54 =	vmul.f32 v54, v54;
	v63 =	vpop (erf);
	(erf) = vpow2.f32 v61;
	v61 =	vadd.s32 v3, v49  }
0x188: {  	v58 =	vnsel vm2, $0x0, v38;
	v20 =	vmul.f32 v23, v45;
	v47 =	vmul.f32 v23, v47  }
0x189: {  	v48 =	vmul.f32 v23, v48  }
0x18a: {  	v60 =	vnsel vm3, $0x0, v40;
	v54 =	vmul.f32 $-5.000000000e-01, v54;
	v49 =	vadd.s32 v5, v49;
	[tilespmem:v62+s13+$0x0] =	vst.idx.add.f32.msk $0xffff, v20  }
0x18b: {  	v45 =	vadd.f32 v58, v60;
	v52 =	vmul.f32 v23, v52;
	v58 =	vpop (erf);
	[tilespmem:v55+s13+$0x0] =	vst.idx.add.f32.msk $0xffff, v48  }
0x18c: {  	v63 =	vmul.f32 v63, v10;
	v60 =	vmul.f32 $1.442695020e+00, v54;
	[tilespmem:v61+s13+$0x0] =	vst.idx.add.f32.msk $0xffff, v47;
	v47 =	vpop (erf)  }
0x18d: {  	v20 =	vmul.f32 v23, v53;
	[tilespmem:v32+s13+$0x0] =	vst.idx.add.f32.msk vm6, v52;
	v52 =	vmul.f32 v47, v47  }
0x18e: {  	v33 =	vadd.f32 v39, v35;
	v50 =	vmul.f32 v63, v46;
	v57 =	vmul.f32 v63, v57  }
0x18f: {  	v46 =	vmul.f32 v59, v59;
	v48 =	vadd.s32 v0, v51;
	(erf) = vrcp.f32 v58;
	[tilespmem:v49+s13+$0x0] =	vst.idx.add.f32.msk vm7, v20  }
0x190: {  	(erf) = vpow2.f32 v60;
	v60 =	vadd.s32 v4, v51;
	v20 =	vmul.f32 $1.353352810e-01, v59;
	v59 =	vld [tilespmem:s24+$0xFFFFFF90]  }
0x191: {  	v61 =	vadd.s32 v5, v51;
	v32 =	vadd.s32 v2, v51;
	v54 =	vmul.f32 $3.354626240e-04, v52;
	v52 =	vpop (erf)  }
0x192: {  	v47 =	vmul.f32 $1.353352810e-01, v47;
	v49 =	vadd.s32 v3, v51;
	v51 =	vmul.f32 v20, v52  }
0x193: {  	v31 =	vadd.f32 v37, v34;
	v20 =	vmul.f32 $3.354626240e-04, v46;
	v46 =	vmul.f32 v54, v52  }
0x194: {  	v56 =	vmul.f32 v63, v56;
	v53 =	vnsel vm1, $0x0, v42;
	vm6 =	vgt.s32 v36, $0x1  }
0x195: {  	v47 =	vmul.f32 v47, v52;
	vm4 =	vlt.f32 v59, $0.0e+00;
	v59 =	vnsel vm6, $0x0, v46  }
0x196: {  	vm7 =	vgt.s32 v36, $0x0;
	v54 =	vmul.f32 v20, v52;
	v20 =	vadd.f32 v51, v52  }
0x197: {  	v62 =	vmul.f32 v63, v6;
	[tilespmem:v48+s13+$0x0] =	vst.idx.add.f32.msk $0xffff, v50;
	v50 =	vmul.f32 v63, v7;
	v36 =	vnsel vm7, $0x0, v47  }
0x198: {  	v6 =	vimm.f32 $0.0e+00;
	[tilespmem:v32+s13+$0x0] =	vst.idx.add.f32.msk $0xffff, v57;
	v36 =	vadd.f32 v59, v36;
	v23 =	vadd.f32 v54, v20;
	v59 =	vpop (erf)  }
0x199: {  	v55 =	vnsel vm0, $0x0, v41;
	v32 =	vmul.f32 $1.353352810e-01, v58;
	[tilespmem:v49+s13+$0x0] =	vst.idx.add.f32.msk $0xffff, v56;
	v63 =	vmul.f32 v59, v59  }
0x19a: {  	[tilespmem:v60+s13+$0x0] =	vst.idx.add.f32.msk vm5, v62;
	vm5 =	vgt.s32 v1, $0x1;
	v23 =	vadd.f32 v36, v23;
	v36 =	vmul.f32 v58, v58  }
0x19b: {  	v20 =	vsel vm4, $0x3F800000, v6;
	v48 =	vpop (erf);
	v56 =	vmul.f32 $1.353352810e-01, v59;
	v57 =	vmul.f32 $3.354626240e-04, v63  }
0x19c: {  	v49 =	vmul.f32 v32, v48;
	v62 =	vadd.f32 $9.999999930e-09, v23;
	v63 =	vmul.f32 $3.354626240e-04, v36  }
0x19d: {  	[tilespmem:v61+s13+$0x0] =	vst.idx.add.f32.msk vm8, v50;
	vm4 =	vgt.s32 v1, $0x0;
	v36 =	vmul.f32 v56, v48;
	v32 =	vmul.f32 v57, v48  }
0x19e: {  	s28 =	simm.s32 $0x4;
	s26 =	simm.s32 $0x10180;
	s25 =	simm.s32 $0x10280;
	[tilespmem:s24+$0xFFFFFF90] =	vst v20;
	v23 =	vld [tilespmem:s24+$0x10];
	v56 =	vadd.f32 v49, v48;
	v50 =	vmul.f32 v63, v48;
	(erf) = vrcp.f32 v62  }
.LBB2_4:
0x19f: {  	_ = 	snop  }
0x1a0: {  	v57 =	vld [tilespmem:s23+$0xFFFFFF90];
	v58 =	vnsel vm4, $0x0, v36;
	v59 =	vnsel vm5, $0x0, v32  }
0x1a1: {  	v56 =	vadd.f32 v50, v56;
	v58 =	vadd.f32 v59, v58  }
0x1a2: {  	v44 =	vmul.f32 v44, v34;
	v7 =	vimm.f32 $0.0e+00  }
0x1a3: {  	vm8 =	vlt.f32 v23, $0.0e+00;
	v23 =	vadd.f32 v43, v33;
	v63 =	vadd.f32 v58, v56  }
0x1a4: {  	v62 =	vadd.f32 v53, v55;
	v31 =	vadd.f32 v44, v31;
	v53 =	vsel vm8, $0x3F800000, v7  }
0x1a5: {  	[tilespmem:s24+$0x10] =	vst v53;
	v23 =	vadd.f32 v45, v23;
	v45 =	vmul.f32 $6.666666410e+01, v57;
	v55 =	vadd.f32 $9.999999930e-09, v63  }
0x1a6: {  	v59 =	vadd.s32 v4, v30;
	v31 =	vadd.f32 v62, v31;
	v60 =	vld [tilespmem:s23+$0x10]  }
0x1a7: {  	v23 =	vadd.f32 $9.999999930e-09, v23;
	v61 =	vtrunc.f32 v45;
	(erf) = vrcp.f32 v55  }
0x1a8: {  	v31 =	vadd.f32 $9.999999930e-09, v31;
	v55 =	vadd.s32 v0, v30;
	v62 =	vpop (erf);
	v33 =	vcvt.f32.s32 v61  }
0x1a9: {  	v1 =	vld [tilespmem:$0x1FFE0];
	v57 =	vadd.s32 v2, v30;
	(erf) = vrcp.f32 v23;
	v23 =	vmul.f32 v62, v13  }
0x1aa: {  	v58 =	vadd.s32 v3, v30;
	(erf) = vrcp.f32 v31;
	vm8 =	vlt.s32 v33, $0x60  }
0x1ab: {  	v56 =	vmul.f32 $6.666666410e+01, v60;
	v31 =	vnsel vm8, $0x60, v33;
	v52 =	vmul.f32 v23, v52  }
0x1ac: {  	v61 =	vadd.s32 v5, v30;
	v51 =	vmul.f32 v23, v51;
	v60 =	vcvt.s32.f32 v31  }
0x1ad: {  	v63 =	vmul.f32 v23, v54;
	[tilespmem:v55+s13+$0x0] =	vst.idx.add.f32.msk $0xffff, v52  }
0x1ae: {  	v12 =	vadd.f32 v1, v12;
	v47 =	vmul.f32 v23, v47;
	v30 =	vtrunc.f32 v56;
	[tilespmem:v57+s13+$0x0] =	vst.idx.add.f32.msk $0xffff, v51  }
0x1af: {  	v46 =	vmul.f32 v23, v46;
	v45 =	vsub.f32 v45, v60;
	v30 =	vcvt.f32.s32 v30;
	[tilespmem:v58+s13+$0x0] =	vst.idx.add.f32.msk $0xffff, v63  }
0x1b0: {  	v51 =	vadd.s32 v2, v29;
	[tilespmem:v59+s13+$0x0] =	vst.idx.add.f32.msk vm7, v47;
	v47 =	vadd.s32 v0, v29;
	v60 =	vpop (erf)  }
0x1b1: {  	v45 =	vadd.f32 v45, v45;
	vm8 =	vlt.s32 v30, $0x60;
	[tilespmem:v61+s13+$0x0] =	vst.idx.add.f32.msk vm6, v46;
	v46 =	vmul.f32 v60, v14  }
0x1b2: {  	v12 =	vadd.f32 v9, v12;
	v63 =	vadd.s32 v3, v29;
	v23 =	vnsel vm8, $0x60, v30  }
0x1b3: {  	v1 =	vmovc v11;
	v60 =	vadd.s32 v4, v29;
	v45 =	vadd.f32 $-1.000000000e+00, v45;
	v55 =	vld [tilespmem:s26+$0xFFFFFFB0];
	v48 =	vmul.f32 v46, v48  }
0x1b4: {  	[tilespmem:$0x1FFE0] =	vst v1;
	v1 =	vld [tilespmem:$0x1FFF0];
	v29 =	vadd.s32 v5, v29;
	v62 =	vcvt.s32.f32 v23;
	v49 =	vmul.f32 v46, v49  }
0x1b5: {  	v61 =	vmul.f32 v46, v50;
	v11 =	vadd.f32 v45, v45;
	[tilespmem:v47+s13+$0x0] =	vst.idx.add.f32.msk $0xffff, v48  }
0x1b6: {  	v9 =	vmov v20;
	v20 =	vsub.f32 v56, v62;
	v62 =	vmul.f32 v46, v36;
	[tilespmem:v51+s13+$0x0] =	vst.idx.add.f32.msk $0xffff, v49  }
0x1b7: {  	v12 =	vadd.f32 v13, v12;
	v13 =	vmul.f32 v46, v32;
	[tilespmem:v63+s13+$0x0] =	vst.idx.add.f32.msk $0xffff, v61  }
0x1b8: {  	v52 =	vpop (erf);
	v11 =	vmul.f32 $1.442695020e+00, v11;
	vm6 =	vlt.f32 v55, $0.0e+00;
	[tilespmem:v60+s13+$0x0] =	vst.idx.add.f32.msk vm4, v62  }
0x1b9: {  	v58 =	vpop (erf);
	v20 =	vadd.f32 v20, v20;
	v63 =	vmul.f32 v52, v15;
	v15 =	vsel vm6, $0x3F800000, v7;
	[tilespmem:v29+s13+$0x0] =	vst.idx.add.f32.msk vm5, v13  }
0x1ba: {  	(erf) = vpow2.f32 v11;
	v11 =	vadd.f32 v15, v12;
	v12 =	vmul.f32 v58, v16;
	[tilespmem:s26+$0xFFFFFFB0] =	vst v15;
	v16 =	vld [tilespmem:s26+$0x30]  }
0x1bb: {  	s24 =	sadd.s32 $0x100, s24;
	v13 =	vadd.f32 $-1.000000000e+00, v20;
	v20 =	vmul.f32 v63, v35;
	v46 =	vld [tilespmem:s22+$0xFFFFFFB0]  }
0x1bc: {  	v29 =	vmul.f32 v63, v39;
	v47 =	vmul.f32 v63, v43;
	v50 =	vld [tilespmem:s24+$0xFFFFFF80];
	v11 =	vadd.f32 v1, v11  }
0x1bd: {  	v1 =	vmov v10;
	v10 =	vadd.f32 v13, v13;
	v49 =	vmul.f32 v12, v34;
	[tilespmem:v18+s13+$0x0] =	vst.idx.add.f32.msk $0xffff, v20  }
0x1be: {  	v37 =	vmul.f32 v12, v37;
	v51 =	vmul.f32 v12, v44;
	v18 =	vld [tilespmem:s24+$0x0];
	v11 =	vadd.f32 v8, v11  }
0x1bf: {  	v20 =	vmul.f32 v12, v41;
	v10 =	vmul.f32 $1.442695020e+00, v10  }
0x1c0: {  	v52 =	vmul.f32 v12, v42;
	[tilespmem:$0x1FFF0] =	vst v1;
	v1 =	vmul.f32 v45, v45;
	v11 =	vadd.f32 v14, v11  }
0x1c1: {  	[tilespmem:v17+s13+$0x0] =	vst.idx.add.f32.msk $0xffff, v29;
	vm4 =	vlt.f32 v16, $0.0e+00;
	(erf) = vpow2.f32 v10;
	v29 =	vmul.f32 $6.666666410e+01, v46  }
0x1c2: {  	[tilespmem:v19+s13+$0x0] =	vst.idx.add.f32.msk $0xffff, v47;
	v10 =	vmul.f32 $-5.000000000e-01, v1;
	v16 =	vsel vm4, $0x3F800000, v7;
	vm4 =	vlt.f32 v50, $0.0e+00  }
0x1c3: {  	[tilespmem:s26+$0x30] =	vst v16;
	v12 =	vadd.f32 v16, v11;
	v11 =	vsel vm4, $0x3F800000, v7;
	vm4 =	vlt.f32 v18, $0.0e+00  }
0x1c4: {  	v48 =	vmul.f32 v63, v40;
	v18 =	vmul.f32 $1.442695020e+00, v10;
	v17 =	vld [tilespmem:s22+$0x30];
	s22 =	smov.u32 s23;
	[tilespmem:s24+$0xFFFFFF80] =	vst v11;
	s23 =	sadd.s32 $0x100, s23;
	v10 =	vsel vm4, $0x3F800000, v7  }
0x1c5: {  	v8 =	vmov v53;
	v14 =	vpop (erf);
	v35 =	vtrunc.f32 v29;
	v53 =	vld [tilespmem:s23+$0xFFFFFF80];
	[tilespmem:s24+$0x0] =	vst v10  }
0x1c6: {  	(erf) = vrcp.f32 v14;
	v19 =	vcvt.f32.s32 v35;
	[tilespmem:v21+s13+$0x0] =	vst.idx.add.f32.msk vm3, v48  }
0x1c7: {  	v32 =	vmul.f32 v63, v38;
	v55 =	vmul.f32 v13, v13;
	v54 =	vld [tilespmem:s23+$0x0]  }
0x1c8: {  	(erf) = vpow2.f32 v18;
	vm5 =	vlt.s32 v19, $0x60;
	vm4 =	vgt.s32 v19, $0x0;
	[tilespmem:v25+s13+$0x0] =	vst.idx.add.f32.msk $0xffff, v49  }
0x1c9: {  	v13 =	vnsel vm5, $0x60, v19;
	vm5 =	vgt.s32 v19, $0x1;
	v19 =	vmul.f32 $-5.000000000e-01, v55;
	[tilespmem:v26+s13+$0x0] =	vst.idx.add.f32.msk $0xffff, v37  }
0x1ca: {  	v57 =	vcvt.s32.f32 v13;
	[tilespmem:v24+s13+$0x0] =	vst.idx.add.f32.msk $0xffff, v51;
	v56 =	vmul.f32 $6.666666410e+01, v17  }
0x1cb: {  	v25 =	vmul.f32 $1.442695020e+00, v19;
	[tilespmem:v27+s13+$0x0] =	vst.idx.add.f32.msk vm0, v20;
	v20 =	vmul.f32 $1.353352810e-01, v14  }
0x1cc: {  	vm7 =	vgt.s32 v33, $0x0;
	[tilespmem:v22+s13+$0x0] =	vst.idx.add.f32.msk vm2, v32;
	v21 =	vpop (erf);
	v22 =	vmul.f32 $6.666666410e+01, v53;
	v58 =	vtrunc.f32 v56  }
0x1cd: {  	vm6 =	vgt.s32 v33, $0x1;
	(erf) = vrcp.f32 v21;
	v60 =	vmul.f32 $6.666666410e+01, v54  }
0x1ce: {  	vm3 =	vgt.s32 v30, $0x1;
	v49 =	vmul.f32 $1.353352810e-01, v21;
	v21 =	vmul.f32 v21, v21  }
0x1cf: {  	v18 =	vadd.s32 v0, v13;
	v59 =	vcvt.f32.s32 v58;
	v26 =	vtrunc.f32 v22;
	v61 =	vpop (erf)  }
0x1d0: {  	v29 =	vsub.f32 v29, v57;
	(erf) = vpow2.f32 v25;
	v24 =	vmul.f32 v61, v61  }
0x1d1: {  	v17 =	vadd.s32 v2, v13;
	v25 =	vmul.f32 v14, v14;
	v21 =	vmul.f32 $3.354626240e-04, v21  }
0x1d2: {  	[tilespmem:v28+s13+$0x0] =	vst.idx.add.f32.msk vm1, v52;
	v29 =	vadd.f32 v29, v29;
	v27 =	vmul.f32 $1.353352810e-01, v61;
	v28 =	vpop (erf);
	v24 =	vmul.f32 $3.354626240e-04, v24  }
0x1d3: {  	vm2 =	vlt.s32 v59, $0x60;
	v63 =	vmul.f32 v20, v28;
	v20 =	vmul.f32 $3.354626240e-04, v25  }
0x1d4: {  	v62 =	vadd.f32 $-1.000000000e+00, v29;
	v25 =	vmul.f32 v27, v28;
	v24 =	vmul.f32 v24, v28  }
0x1d5: {  	v29 =	vtrunc.f32 v60;
	v27 =	vmul.f32 v20, v28;
	v20 =	vadd.f32 v63, v28  }
0x1d6: {  	v14 =	vnsel vm2, $0x60, v59;
	v45 =	vnsel vm7, $0x0, v25;
	v46 =	vnsel vm6, $0x0, v24;
	v47 =	vpop (erf)  }
0x1d7: {  	v20 =	vadd.f32 v27, v20;
	v33 =	vadd.f32 v46, v45;
	v48 =	vmul.f32 v47, v47  }
0x1d8: {  	vm2 =	vgt.s32 v30, $0x0;
	v30 =	vcvt.f32.s32 v26;
	v29 =	vcvt.f32.s32 v29  }
0x1d9: {  	v51 =	vmul.f32 $1.353352810e-01, v47;
	v38 =	vpop (erf);
	v20 =	vadd.f32 v33, v20;
	v37 =	vmul.f32 $3.354626240e-04, v48  }
0x1da: {  	v50 =	vadd.f32 v62, v62;
	vm8 =	vlt.s32 v30, $0x60;
	v39 =	vmul.f32 v49, v38  }
0x1db: {  	v33 =	vmul.f32 v51, v38;
	v20 =	vadd.f32 $9.999999930e-09, v20;
	v37 =	vmul.f32 v37, v38  }
0x1dc: {  	v40 =	vmul.f32 $1.442695020e+00, v50;
	v41 =	vmul.f32 v21, v38;
	v21 =	vadd.f32 v39, v38  }
0x1dd: {  	v52 =	vnsel vm2, $0x0, v33;
	v53 =	vnsel vm3, $0x0, v37;
	(erf) = vrcp.f32 v20  }
0x1de: {  	v32 =	vnsel vm8, $0x60, v30;
	v20 =	vadd.f32 v41, v21;
	v21 =	vadd.f32 v53, v52  }
0x1df: {  	v19 =	vadd.s32 v3, v13;
	v26 =	vcvt.s32.f32 v14;
	v54 =	vcvt.s32.f32 v32  }
0x1e0: {  	vm8 =	vlt.s32 v29, $0x60;
	(erf) = vpow2.f32 v40;
	v21 =	vadd.f32 v21, v20  }
0x1e1: {  	v58 =	vadd.s32 v2, v31;
	v22 =	vsub.f32 v22, v54;
	v20 =	vnsel vm8, $0x60, v29  }
0x1e2: {  	v26 =	vsub.f32 v56, v26;
	v55 =	vcvt.s32.f32 v20;
	v21 =	vadd.f32 $9.999999930e-09, v21  }
0x1e3: {  	vm0 =	vgt.s32 v59, $0x0;
	vm1 =	vgt.s32 v59, $0x1;
	v22 =	vadd.f32 v22, v22  }
0x1e4: {  	v26 =	vadd.f32 v26, v26;
	v34 =	vsub.f32 v60, v55;
	(erf) = vrcp.f32 v21  }
0x1e5: {  	v61 =	vadd.s32 v4, v31;
	v35 =	vmul.f32 v62, v62;
	v59 =	vadd.f32 $-1.000000000e+00, v22  }
0x1e6: {  	v56 =	vadd.s32 v0, v31;
	v26 =	vadd.f32 $-1.000000000e+00, v26;
	v34 =	vadd.f32 v34, v34;
	v57 =	vpop (erf)  }
0x1e7: {  	v35 =	vmul.f32 $-5.000000000e-01, v35;
	v62 =	vadd.f32 v59, v59;
	v42 =	vmul.f32 v57, v9  }
0x1e8: {  	v22 =	vadd.f32 v26, v26;
	v60 =	vadd.s32 v3, v31;
	v34 =	vadd.f32 $-1.000000000e+00, v34  }
0x1e9: {  	v50 =	vmul.f32 $1.442695020e+00, v62;
	v31 =	vadd.s32 v5, v31;
	v51 =	vpop (erf);
	v28 =	vmul.f32 v42, v28  }
0x1ea: {  	v40 =	vmul.f32 v51, v51;
	v1 =	vmul.f32 v42, v63;
	v63 =	vadd.f32 v34, v34  }
0x1eb: {  	v27 =	vmul.f32 v42, v27;
	v25 =	vmul.f32 v42, v25;
	[tilespmem:v56+s13+$0x0] =	vst.idx.add.f32.msk $0xffff, v28  }
0x1ec: {  	v21 =	vadd.s32 v4, v13;
	v24 =	vmul.f32 v42, v24;
	v28 =	vmul.f32 $1.442695020e+00, v22;
	[tilespmem:v58+s13+$0x0] =	vst.idx.add.f32.msk $0xffff, v1  }
0x1ed: {  	v22 =	vadd.s32 v5, v13;
	v13 =	vmul.f32 $1.442695020e+00, v63;
	[tilespmem:v60+s13+$0x0] =	vst.idx.add.f32.msk $0xffff, v27;
	v27 =	vadd.s32 v0, v23;
	v52 =	vpop (erf)  }
0x1ee: {  	v54 =	vadd.s32 v2, v23;
	(erf) = vpow2.f32 v50;
	[tilespmem:v61+s13+$0x0] =	vst.idx.add.f32.msk vm7, v25;
	v53 =	vmul.f32 v52, v8  }
0x1ef: {  	s26 =	smov.u32 s25;
	(erf) = vpow2.f32 v13;
	v13 =	vadd.s32 v3, v23;
	[tilespmem:v31+s13+$0x0] =	vst.idx.add.f32.msk vm6, v24;
	v31 =	vmul.f32 v26, v26  }
0x1f0: {  	v55 =	vadd.s32 v4, v23;
	v24 =	vmul.f32 v59, v59;
	v43 =	vld [tilespmem:s26+$0xFFFFFFA0];
	v25 =	vmul.f32 v53, v38  }
0x1f1: {  	v23 =	vadd.s32 v5, v23;
	v26 =	vmul.f32 v34, v34;
	v56 =	vmul.f32 v53, v39  }
0x1f2: {  	v24 =	vmul.f32 $-5.000000000e-01, v24;
	[tilespmem:v27+s13+$0x0] =	vst.idx.add.f32.msk $0xffff, v25;
	v27 =	vmul.f32 v53, v41  }
0x1f3: {  	v33 =	vmul.f32 v53, v33;
	v57 =	vmul.f32 $-5.000000000e-01, v26;
	[tilespmem:v54+s13+$0x0] =	vst.idx.add.f32.msk $0xffff, v56  }
0x1f4: {  	v58 =	vmul.f32 $1.442695020e+00, v24;
	[tilespmem:v13+s13+$0x0] =	vst.idx.add.f32.msk $0xffff, v27;
	v27 =	vmul.f32 v53, v37  }
0x1f5: {  	(erf) = vpow2.f32 v28;
	v59 =	vmul.f32 $1.442695020e+00, v57;
	vm6 =	vlt.f32 v43, $0.0e+00;
	[tilespmem:v55+s13+$0x0] =	vst.idx.add.f32.msk vm2, v33  }
0x1f6: {  	v60 =	vmul.f32 $1.442695020e+00, v35;
	(erf) = vpow2.f32 v58;
	v13 =	vsel vm6, $0x3F800000, v7;
	[tilespmem:v23+s13+$0x0] =	vst.idx.add.f32.msk vm3, v27  }
0x1f7: {  	v23 =	vmul.f32 $-5.000000000e-01, v31;
	v31 =	vpop (erf);
	(erf) = vpow2.f32 v59;
	[tilespmem:s26+$0xFFFFFFA0] =	vst v13  }
0x1f8: {  	vm7 =	vgt.s32 v30, $0x1;
	v28 =	vadd.s32 v5, v14;
	(erf) = vrcp.f32 v31;
	v61 =	vpop (erf);
	v62 =	vld [tilespmem:s22+$0xFFFFFFA0]  }
0x1f9: {  	v38 =	vmul.f32 $1.353352810e-01, v51;
	v26 =	vadd.s32 v2, v14;
	v33 =	vld [tilespmem:s26+$0x20];
	(erf) = vrcp.f32 v61  }
0x1fa: {  	v25 =	vadd.s32 v0, v14;
	v23 =	vmul.f32 $1.442695020e+00, v23;
	(erf) = vrcp.f32 v51  }
0x1fb: {  	v24 =	vadd.s32 v3, v14;
	vm2 =	vmmov vm5;
	(erf) = vpow2.f32 v60  }
0x1fc: {  	vm5 =	vgt.s32 v29, $0x1;
	v63 =	vmul.f32 $1.353352810e-01, v31;
	(erf) = vpow2.f32 v23  }
0x1fd: {  	v27 =	vadd.s32 v4, v14;
	v23 =	vmul.f32 v31, v31;
	v31 =	vmul.f32 $6.666666410e+01, v62  }
0x1fe: {  	vm3 =	vmmov vm4;
	v35 =	vmul.f32 v61, v61;
	vm4 =	vlt.f32 v33, $0.0e+00  }
0x1ff: {  	v37 =	vpop (erf);
	v14 =	vsel vm4, $0x3F800000, v7;
	v43 =	vmul.f32 $3.354626240e-04, v23;
	v23 =	vtrunc.f32 v31  }
0x200: {  	vm6 =	vgt.s32 v30, $0x0;
	v42 =	vmul.f32 $1.353352810e-01, v61;
	v51 =	vpop (erf);
	[tilespmem:s26+$0x20] =	vst v14;
	v23 =	vcvt.f32.s32 v23  }
0x201: {  	v30 =	vmul.f32 $3.354626240e-04, v35;
	vm4 =	vgt.s32 v29, $0x0;
	v49 =	vpop (erf);
	v50 =	vld [tilespmem:s22+$0x20];
	v52 =	vmul.f32 v63, v51  }
0x202: {  	v53 =	vmul.f32 v43, v51;
	v46 =	vmul.f32 v42, v49;
	v29 =	vpop (erf);
	vm8 =	vlt.s32 v23, $0x60  }
0x203: {  	v47 =	vmul.f32 v30, v49;
	v56 =	vmul.f32 $1.353352810e-01, v29;
	v30 =	vnsel vm8, $0x60, v23  }
0x204: {  	v55 =	vpop (erf);
	v29 =	vmul.f32 v29, v29;
	v58 =	vadd.f32 v52, v51;
	v59 =	vcvt.s32.f32 v30  }
0x205: {  	v57 =	vmul.f32 $1.353352810e-01, v55;
	v33 =	vmul.f32 v55, v55;
	v45 =	vadd.f32 v46, v49  }
0x206: {  	v54 =	vmul.f32 v56, v51;
	v39 =	vmul.f32 $6.666666410e+01, v50;
	v31 =	vsub.f32 v31, v59  }
0x207: {  	v29 =	vmul.f32 $3.354626240e-04, v29;
	v43 =	vadd.f32 v53, v58;
	v33 =	vmul.f32 $3.354626240e-04, v33  }
0x208: {  	v42 =	vpop (erf);
	v48 =	vmul.f32 v57, v49;
	v60 =	vtrunc.f32 v39;
	v31 =	vadd.f32 v31, v31  }
0x209: {  	v35 =	vpop (erf);
	v45 =	vadd.f32 v47, v45;
	v55 =	vmul.f32 v29, v51;
	v50 =	vcvt.f32.s32 v60  }
0x20a: {  	v34 =	vpop (erf);
	(erf) = vrcp.f32 v37;
	v61 =	vnsel vm6, $0x0, v54;
	v56 =	vadd.f32 $-1.000000000e+00, v31  }
0x20b: {  	v36 =	vmul.f32 v33, v49;
	vm8 =	vlt.s32 v50, $0x60;
	v31 =	vnsel vm7, $0x0, v55  }
0x20c: {  	v29 =	vnsel vm8, $0x60, v50;
	v31 =	vadd.f32 v31, v61;
	v60 =	vadd.f32 v56, v56  }
0x20d: {  	v62 =	vnsel vm4, $0x0, v48;
	v63 =	vnsel vm5, $0x0, v36;
	v61 =	vcvt.s32.f32 v29  }
0x20e: {  	v33 =	vadd.f32 v63, v62;
	v31 =	vadd.f32 v31, v43;
	v41 =	vmul.f32 $1.442695020e+00, v60  }
0x20f: {  	v58 =	vmul.f32 $3.354626240e-04, v40;
	v63 =	vmul.f32 $1.353352810e-01, v37;
	v39 =	vsub.f32 v39, v61  }
0x210: {  	v33 =	vadd.f32 v33, v45;
	v31 =	vadd.f32 $9.999999930e-09, v31;
	(erf) = vpow2.f32 v41  }
0x211: {  	v62 =	vmul.f32 v42, v42;
	v61 =	vmul.f32 v37, v37;
	v39 =	vadd.f32 v39, v39  }
0x212: {  	v33 =	vadd.f32 $9.999999930e-09, v33;
	v37 =	vmul.f32 v63, v34;
	(erf) = vrcp.f32 v31  }
0x213: {  	v63 =	vmul.f32 v56, v56;
	v60 =	vmul.f32 $3.354626240e-04, v62;
	v57 =	vadd.f32 $-1.000000000e+00, v39  }
0x214: {  	v44 =	vmul.f32 $3.354626240e-04, v61;
	(erf) = vrcp.f32 v33  }
0x215: {  	v43 =	vmul.f32 $-5.000000000e-01, v63;
	v31 =	vmul.f32 $1.353352810e-01, v42;
	v1 =	vadd.f32 v57, v57  }
0x216: {  	v39 =	vmul.f32 v38, v35;
	v38 =	vmul.f32 v60, v35;
	v42 =	vpop (erf)  }
0x217: {  	v61 =	vmul.f32 v42, v42;
	v62 =	vmul.f32 $1.442695020e+00, v1  }
0x218: {  	v42 =	vmul.f32 $1.353352810e-01, v42;
	v40 =	vmul.f32 v31, v35;
	v60 =	vnsel vm2, $0x0, v38  }
0x219: {  	v57 =	vmul.f32 v57, v57;
	(erf) = vpow2.f32 v62;
	v59 =	vpop (erf)  }
0x21a: {  	v56 =	vmul.f32 $3.354626240e-04, v61;
	v62 =	vnsel vm3, $0x0, v40;
	(erf) = vrcp.f32 v59  }
0x21b: {  	v41 =	vmul.f32 v42, v34;
	v61 =	vmul.f32 $1.442695020e+00, v43;
	v45 =	vadd.f32 v60, v62;
	v60 =	vpop (erf)  }
0x21c: {  	v42 =	vmul.f32 v56, v34;
	v56 =	vmul.f32 v60, v11;
	v60 =	vadd.s32 v0, v32  }
0x21d: {  	v43 =	vmul.f32 v58, v35;
	v58 =	vadd.s32 v2, v32;
	v62 =	vpop (erf);
	(erf) = vpow2.f32 v61  }
0x21e: {  	v57 =	vmul.f32 $-5.000000000e-01, v57;
	v61 =	vadd.s32 v3, v32;
	v62 =	vmul.f32 v62, v10  }
0x21f: {  	v1 =	vadd.s32 v4, v32;
	v51 =	vmul.f32 v56, v51;
	v52 =	vmul.f32 v56, v52  }
0x220: {  	v32 =	vadd.s32 v5, v32;
	v63 =	vmul.f32 v56, v53;
	v54 =	vmul.f32 v56, v54  }
0x221: {  	v49 =	vmul.f32 v62, v49;
	[tilespmem:v60+s13+$0x0] =	vst.idx.add.f32.msk $0xffff, v51;
	v51 =	vmul.f32 v56, v55  }
0x222: {  	v6 =	vadd.s32 v5, v20;
	v56 =	vpop (erf);
	v60 =	vmul.f32 v62, v47;
	[tilespmem:v58+s13+$0x0] =	vst.idx.add.f32.msk $0xffff, v52;
	v52 =	vmul.f32 $1.442695020e+00, v57  }
0x223: {  	v33 =	vadd.f32 v39, v35;
	(erf) = vrcp.f32 v56;
	v57 =	vmul.f32 v62, v46;
	[tilespmem:v61+s13+$0x0] =	vst.idx.add.f32.msk $0xffff, v63;
	v46 =	vpop (erf)  }
0x224: {  	v58 =	vadd.s32 v0, v20;
	[tilespmem:v1+s13+$0x0] =	vst.idx.add.f32.msk vm6, v54;
	(erf) = vpow2.f32 v52;
	v47 =	vmul.f32 v46, v46  }
0x225: {  	v61 =	vadd.s32 v4, v20;
	v54 =	vmul.f32 v59, v59;
	[tilespmem:v32+s13+$0x0] =	vst.idx.add.f32.msk vm7, v51;
	v51 =	vmul.f32 $1.353352810e-01, v59  }
0x226: {  	v1 =	vadd.s32 v2, v20;
	v46 =	vmul.f32 $1.353352810e-01, v46;
	v52 =	vpop (erf);
	v63 =	vmul.f32 $3.354626240e-04, v47  }
0x227: {  	v32 =	vadd.s32 v3, v20;
	v20 =	vmul.f32 $3.354626240e-04, v54;
	v51 =	vmul.f32 v51, v52  }
0x228: {  	v31 =	vadd.f32 v37, v34;
	v59 =	vld [tilespmem:s24+$0xFFFFFF90];
	v47 =	vmul.f32 v46, v52;
	v46 =	vmul.f32 v63, v52  }
0x229: {  	v53 =	vnsel vm1, $0x0, v42;
	vm6 =	vgt.s32 v23, $0x1;
	vm7 =	vgt.s32 v23, $0x0  }
0x22a: {  	[tilespmem:v58+s13+$0x0] =	vst.idx.add.f32.msk $0xffff, v49;
	v54 =	vmul.f32 v20, v52;
	v20 =	vadd.f32 v51, v52;
	v49 =	vnsel vm6, $0x0, v46  }
0x22b: {  	v55 =	vnsel vm0, $0x0, v41;
	v23 =	vmul.f32 v62, v48;
	v63 =	vnsel vm7, $0x0, v47;
	[tilespmem:v1+s13+$0x0] =	vst.idx.add.f32.msk $0xffff, v57  }
0x22c: {  	s28 =	sadd.s32 $0x2, s28;
	v1 =	vadd.f32 v54, v20;
	v58 =	vadd.f32 v49, v63;
	v63 =	vmul.f32 v62, v36  }
0x22d: {  	p0 =	slt.u32 s28, $0xFE;
	[tilespmem:v32+s13+$0x0] =	vst.idx.add.f32.msk $0xffff, v60;
	vm8 =	vlt.f32 v59, $0.0e+00;
	v62 =	vmul.f32 $1.353352810e-01, v56;
	v56 =	vmul.f32 v56, v56;
	v49 =	vpop (erf)  }
.Ltmp1:
0x22e: {  	[tilespmem:v61+s13+$0x0] =	vst.idx.add.f32.msk vm4, v23;
	vm4 =	vgt.s32 v50, $0x0;
	v1 =	vadd.f32 v58, v1;
	v60 =	vmul.f32 v49, v49;
	(pc) =	sbr.rel @p0 .LBB2_4-.Ltmp1, $4  }
0x22f: {  	v20 =	vsel vm8, $0x3F800000, v7;
	[tilespmem:v6+s13+$0x0] =	vst.idx.add.f32.msk vm5, v63;
	v56 =	vmul.f32 $3.354626240e-04, v56;
	v48 =	vpop (erf);
	v6 =	vmul.f32 $1.353352810e-01, v49  }
0x230: {  	v1 =	vadd.f32 $9.999999930e-09, v1;
	v49 =	vmul.f32 v62, v48;
	v63 =	vmul.f32 $3.354626240e-04, v60  }
0x231: {  	vm5 =	vgt.s32 v50, $0x1;
	v50 =	vmul.f32 v56, v48;
	v36 =	vmul.f32 v6, v48  }
0x232: {  	s25 =	smov.u32 s24;
	[tilespmem:s24+$0xFFFFFF90] =	vst v20;
	v23 =	vld [tilespmem:s24+$0x10];
	v56 =	vadd.f32 v49, v48;
	(erf) = vrcp.f32 v1;
	v32 =	vmul.f32 v63, v48  }
0x233: {  	_ = 	snop  }
0x234: {  	v1 =	vld [tilespmem:s23+$0xFFFFFF90];
	_ =	sdelay $0x2  }
0x235: {  	v6 =	vimm.f32 $0.0e+00;
	vm8 =	vlt.f32 v23, $0.0e+00  }
0x236: {  	v7 =	vsel vm8, $0x3F800000, v6  }
0x237: {  	v1 =	vmul.f32 $6.666666410e+01, v1;
	[tilespmem:s24+$0x10] =	vst v7  }
0x238: {  	[tilespmem:$0x1FFC0] =	vst v7  }
0x239: {  	v57 =	vtrunc.f32 v1;
	v6 =	vld [tilespmem:s23+$0x10]  }
0x23a: {  	v58 =	vnsel vm4, $0x0, v36;
	v33 =	vadd.f32 v43, v33;
	v57 =	vcvt.f32.s32 v57  }
0x23b: {  	v55 =	vadd.f32 v53, v55;
	v60 =	vadd.s32 v2, v30;
	v59 =	vnsel vm5, $0x0, v32  }
0x23c: {  	v56 =	vadd.f32 v50, v56;
	v58 =	vadd.f32 v59, v58;
	vm8 =	vlt.s32 v57, $0x60  }
0x23d: {  	v33 =	vadd.f32 v45, v33;
	v23 =	vmul.f32 v44, v34;
	v53 =	vnsel vm8, $0x60, v57  }
0x23e: {  	v45 =	vadd.s32 v0, v30;
	v62 =	vpop (erf);
	v59 =	vcvt.s32.f32 v53;
	v6 =	vmul.f32 $6.666666410e+01, v6  }
0x23f: {  	v56 =	vadd.f32 v58, v56;
	v31 =	vadd.f32 v23, v31;
	v58 =	vmul.f32 v62, v13  }
0x240: {  	v1 =	vsub.f32 v1, v59;
	v59 =	vadd.s32 v3, v30;
	v61 =	vtrunc.f32 v6  }
0x241: {  	v62 =	vadd.s32 v4, v30;
	v52 =	vmul.f32 v58, v52;
	v61 =	vcvt.f32.s32 v61  }
0x242: {  	v56 =	vadd.f32 $9.999999930e-09, v56;
	[tilespmem:$0x1FF90] =	vst v23;
	v51 =	vmul.f32 v58, v51;
	v30 =	vadd.s32 v5, v30  }
0x243: {  	v31 =	vadd.f32 v55, v31;
	[tilespmem:v45+s13+$0x0] =	vst.idx.add.f32.msk $0xffff, v52;
	v45 =	vmul.f32 v58, v54;
	vm8 =	vlt.s32 v61, $0x60  }
0x244: {  	v47 =	vmul.f32 v58, v47;
	[tilespmem:v60+s13+$0x0] =	vst.idx.add.f32.msk $0xffff, v51;
	v1 =	vadd.f32 v1, v1;
	v52 =	vnsel vm8, $0x60, v61  }
0x245: {  	v33 =	vadd.f32 $9.999999930e-09, v33;
	[tilespmem:v59+s13+$0x0] =	vst.idx.add.f32.msk $0xffff, v45;
	v59 =	vmul.f32 v58, v46;
	v55 =	vcvt.s32.f32 v52  }
0x246: {  	(erf) = vrcp.f32 v56;
	v31 =	vadd.f32 $9.999999930e-09, v31;
	v1 =	vadd.f32 $-1.000000000e+00, v1;
	[tilespmem:v62+s13+$0x0] =	vst.idx.add.f32.msk vm7, v47  }
0x247: {  	(erf) = vrcp.f32 v33;
	[tilespmem:v30+s13+$0x0] =	vst.idx.add.f32.msk vm6, v59;
	v6 =	vsub.f32 v6, v55  }
0x248: {  	(erf) = vrcp.f32 v31;
	v60 =	vadd.f32 v1, v1;
	v31 =	vld [tilespmem:s26+$0xFFFFFFB0]  }
0x249: {  	v6 =	vadd.f32 v6, v6  }
0x24a: {  	v30 =	vmul.f32 $1.442695020e+00, v60  }
0x24b: {  	v6 =	vadd.f32 $-1.000000000e+00, v6  }
0x24c: {  	(erf) = vpow2.f32 v30  }
0x24d: {  	v63 =	vimm.f32 $0.0e+00;
	vm6 =	vlt.f32 v31, $0.0e+00;
	v62 =	vadd.f32 v6, v6  }
0x24e: {  	v23 =	vsel vm6, $0x3F800000, v63  }
0x24f: {  	v31 =	vmul.f32 $1.442695020e+00, v62  }
0x250: {  	v63 =	vpop (erf);
	[tilespmem:$0x1FFA0] =	vst v23  }
0x251: {  	[tilespmem:s26+$0xFFFFFFB0] =	vst v23;
	v23 =	vpop (erf);
	(erf) = vpow2.f32 v31;
	_ =	sdelay $0x1  }
0x252: {  	v1 =	vmul.f32 v1, v1  }
0x253: {  	[tilespmem:$0x1FF70] =	vst v23;
	v23 =	vpop (erf)  }
0x254: {  	v1 =	vmul.f32 $-5.000000000e-01, v1;
	v45 =	vld [tilespmem:s22+$0xFFFFFFB0];
	v31 =	vpop (erf)  }
0x255: {  	(erf) = vrcp.f32 v31  }
0x256: {  	v1 =	vmul.f32 $1.442695020e+00, v1;
	_ =	sdelay $0x1  }
0x257: {  	(erf) = vpow2.f32 v1  }
0x258: {  	v6 =	vmul.f32 v6, v6;
	v51 =	vmul.f32 $6.666666410e+01, v45;
	v55 =	vpop (erf)  }
0x259: {  	v56 =	vadd.s32 v2, v29;
	(erf) = vrcp.f32 v55  }
0x25a: {  	v33 =	vadd.s32 v0, v29;
	v6 =	vmul.f32 $-5.000000000e-01, v6;
	v1 =	vtrunc.f32 v51  }
0x25b: {  	vm9 =	vgt.s32 v61, $0x1;
	v54 =	vmul.f32 v63, v14;
	v46 =	vcvt.f32.s32 v1  }
0x25c: {  	vm7 =	vgt.s32 v57, $0x0;
	v60 =	vadd.s32 v3, v29;
	v6 =	vmul.f32 $1.442695020e+00, v6  }
0x25d: {  	v48 =	vmul.f32 v54, v48;
	v45 =	vmul.f32 $1.353352810e-01, v31;
	vm6 =	vlt.s32 v46, $0x60;
	v59 =	vpop (erf)  }
0x25e: {  	(erf) = vpow2.f32 v6;
	v47 =	vnsel vm6, $0x60, v46;
	v44 =	vmul.f32 v59, v59  }
0x25f: {  	v30 =	vadd.s32 v4, v29;
	v31 =	vmul.f32 v31, v31;
	v58 =	vcvt.s32.f32 v47  }
0x260: {  	v29 =	vadd.s32 v5, v29;
	v59 =	vmul.f32 $1.353352810e-01, v59;
	v6 =	vpop (erf);
	v62 =	vmul.f32 $3.354626240e-04, v44  }
0x261: {  	v31 =	vmul.f32 $3.354626240e-04, v31;
	v51 =	vsub.f32 v51, v58;
	v58 =	vmul.f32 v45, v6  }
0x262: {  	vm6 =	vgt.s32 v57, $0x1;
	v59 =	vmul.f32 v59, v6;
	v62 =	vmul.f32 v62, v6;
	v1 =	vpop (erf)  }
0x263: {  	v63 =	vmul.f32 v31, v6;
	v31 =	vadd.f32 v58, v6;
	v57 =	vmul.f32 v1, v1  }
0x264: {  	v49 =	vmul.f32 v54, v49;
	[tilespmem:$0x1FF80] =	vst v23;
	v44 =	vnsel vm7, $0x0, v59;
	v23 =	vnsel vm6, $0x0, v62  }
0x265: {  	v50 =	vmul.f32 v54, v50;
	v31 =	vadd.f32 v63, v31;
	v23 =	vadd.f32 v23, v44  }
0x266: {  	v45 =	vmul.f32 $1.353352810e-01, v55;
	v55 =	vmul.f32 v55, v55;
	v51 =	vadd.f32 v51, v51  }
0x267: {  	v1 =	vmul.f32 $1.353352810e-01, v1;
	v23 =	vadd.f32 v23, v31;
	v31 =	vmul.f32 $3.354626240e-04, v57;
	v57 =	vpop (erf)  }
0x268: {  	v55 =	vmul.f32 $3.354626240e-04, v55;
	v44 =	vadd.f32 $-1.000000000e+00, v51;
	v51 =	vmul.f32 v45, v57  }
0x269: {  	v23 =	vadd.f32 $9.999999930e-09, v23;
	v1 =	vmul.f32 v1, v57;
	v31 =	vmul.f32 v31, v57  }
0x26a: {  	vm8 =	vgt.s32 v61, $0x0;
	[tilespmem:v33+s13+$0x0] =	vst.idx.add.f32.msk $0xffff, v48;
	v33 =	vmul.f32 v55, v57;
	v45 =	vadd.f32 v51, v57  }
0x26b: {  	[tilespmem:v56+s13+$0x0] =	vst.idx.add.f32.msk $0xffff, v49;
	(erf) = vrcp.f32 v23;
	v49 =	vnsel vm8, $0x0, v1;
	v61 =	vnsel vm9, $0x0, v31  }
0x26c: {  	v23 =	vmul.f32 v54, v36;
	v56 =	vadd.f32 v61, v49;
	v45 =	vadd.f32 v33, v45  }
0x26d: {  	[tilespmem:v60+s13+$0x0] =	vst.idx.add.f32.msk $0xffff, v50;
	v60 =	vmul.f32 v54, v32  }
0x26e: {  	v61 =	vadd.f32 v44, v44;
	[tilespmem:v30+s13+$0x0] =	vst.idx.add.f32.msk vm4, v23;
	v23 =	vadd.f32 v56, v45  }
0x26f: {  	[tilespmem:v29+s13+$0x0] =	vst.idx.add.f32.msk vm5, v60  }
0x270: {  	v29 =	vmul.f32 $1.442695020e+00, v61;
	v30 =	vld [tilespmem:s26+$0x30];
	v23 =	vadd.f32 $9.999999930e-09, v23;
	_ =	sdelay $0x1  }
0x271: {  	(erf) = vpow2.f32 v29  }
0x272: {  	(erf) = vrcp.f32 v23  }
0x273: {  	v29 =	vadd.s32 v0, v53;
	v23 =	vpop (erf)  }
0x274: {  	vm4 =	vlt.f32 v30, $0.0e+00;
	v30 =	vmul.f32 v23, v20;
	v23 =	vimm.f32 $0.0e+00  }
0x275: {  	v45 =	vadd.s32 v2, v53;
	v23 =	vsel vm4, $0x3F800000, v23  }
0x276: {  	v36 =	vadd.s32 v3, v53;
	[tilespmem:$0x1FFB0] =	vst v23  }
0x277: {  	v56 =	vadd.s32 v4, v53;
	v6 =	vmul.f32 v30, v6;
	[tilespmem:s26+$0x30] =	vst v23  }
0x278: {  	v53 =	vadd.s32 v5, v53;
	v60 =	vmul.f32 v30, v58;
	v49 =	vld [tilespmem:s22+$0x30]  }
0x279: {  	[tilespmem:v29+s13+$0x0] =	vst.idx.add.f32.msk $0xffff, v6;
	v29 =	vmul.f32 v30, v63  }
0x27a: {  	v61 =	vmul.f32 v30, v59;
	[tilespmem:v45+s13+$0x0] =	vst.idx.add.f32.msk $0xffff, v60;
	v45 =	vpop (erf)  }
0x27b: {  	[tilespmem:v36+s13+$0x0] =	vst.idx.add.f32.msk $0xffff, v29;
	v29 =	vmul.f32 v30, v62;
	v30 =	vadd.s32 v0, v52;
	v62 =	vpop (erf)  }
0x27c: {  	v58 =	vadd.s32 v2, v52;
	[tilespmem:v56+s13+$0x0] =	vst.idx.add.f32.msk vm7, v61;
	v63 =	vmul.f32 v62, v7  }
0x27d: {  	[tilespmem:v53+s13+$0x0] =	vst.idx.add.f32.msk vm6, v29;
	v29 =	vadd.s32 v3, v52  }
0x27e: {  	v60 =	vadd.s32 v4, v52;
	v48 =	vld [tilespmem:s25+$0xFFFFFFA0];
	v59 =	vmul.f32 v63, v57  }
0x27f: {  	v61 =	vadd.s32 v5, v52;
	v51 =	vmul.f32 v63, v51  }
0x280: {  	v49 =	vmul.f32 $6.666666410e+01, v49;
	[tilespmem:v30+s13+$0x0] =	vst.idx.add.f32.msk $0xffff, v59;
	v30 =	vmul.f32 v63, v33  }
0x281: {  	v1 =	vmul.f32 v63, v1;
	[tilespmem:v58+s13+$0x0] =	vst.idx.add.f32.msk $0xffff, v51  }
0x282: {  	v62 =	vtrunc.f32 v49;
	[tilespmem:v29+s13+$0x0] =	vst.idx.add.f32.msk $0xffff, v30;
	v29 =	vmul.f32 v63, v31  }
0x283: {  	v6 =	vimm.f32 $0.0e+00;
	v52 =	vcvt.f32.s32 v62;
	vm4 =	vlt.f32 v48, $0.0e+00;
	[tilespmem:v60+s13+$0x0] =	vst.idx.add.f32.msk vm8, v1  }
0x284: {  	v32 =	vsel vm4, $0x3F800000, v6;
	[tilespmem:v61+s13+$0x0] =	vst.idx.add.f32.msk vm9, v29  }
0x285: {  	vm4 =	vlt.s32 v52, $0x60;
	[tilespmem:s25+$0xFFFFFFA0] =	vst v32;
	v1 =	vld [tilespmem:s25+$0x20]  }
0x286: {  	v48 =	vnsel vm4, $0x60, v52;
	v29 =	vld [tilespmem:s23+$0xFFFFFFA0]  }
0x287: {  	v30 =	vcvt.s32.f32 v48;
	_ =	sdelay $0x1  }
0x288: {  	v30 =	vsub.f32 v49, v30  }
0x289: {  	vm4 =	vlt.f32 v1, $0.0e+00  }
0x28a: {  	v1 =	vadd.f32 v30, v30;
	v30 =	vmul.f32 $6.666666410e+01, v29;
	v29 =	vsel vm4, $0x3F800000, v6  }
0x28b: {  	[tilespmem:s25+$0x20] =	vst v29  }
0x28c: {  	v63 =	vld [tilespmem:s23+$0x20]  }
0x28d: {  	v1 =	vadd.f32 $-1.000000000e+00, v1;
	v31 =	vtrunc.f32 v30  }
0x28e: {  	v31 =	vcvt.f32.s32 v31  }
0x28f: {  	v53 =	vadd.f32 v1, v1  }
0x290: {  	vm4 =	vlt.s32 v31, $0x60  }
0x291: {  	v36 =	vmul.f32 $1.442695020e+00, v53;
	v51 =	vnsel vm4, $0x60, v31;
	v33 =	vmul.f32 $6.666666410e+01, v63  }
0x292: {  	v54 =	vcvt.s32.f32 v51  }
0x293: {  	(erf) = vpow2.f32 v36;
	v55 =	vtrunc.f32 v33  }
0x294: {  	v30 =	vsub.f32 v30, v54;
	v36 =	vcvt.f32.s32 v55  }
0x295: {  	v44 =	vmul.f32 v44, v44;
	v1 =	vmul.f32 v1, v1  }
0x296: {  	v30 =	vadd.f32 v30, v30;
	vm4 =	vlt.s32 v36, $0x60  }
0x297: {  	v44 =	vmul.f32 $-5.000000000e-01, v44;
	v1 =	vmul.f32 $-5.000000000e-01, v1;
	v53 =	vnsel vm4, $0x60, v36  }
0x298: {  	v30 =	vadd.f32 $-1.000000000e+00, v30;
	v56 =	vcvt.s32.f32 v53  }
0x299: {  	v44 =	vmul.f32 $1.442695020e+00, v44;
	v1 =	vmul.f32 $1.442695020e+00, v1  }
0x29a: {  	(erf) = vrcp.f32 v45;
	v57 =	vadd.f32 v30, v30;
	v33 =	vsub.f32 v33, v56  }
0x29b: {  	(erf) = vpow2.f32 v44  }
0x29c: {  	(erf) = vpow2.f32 v1;
	v23 =	vpop (erf);
	v58 =	vmul.f32 $1.442695020e+00, v57;
	v33 =	vadd.f32 v33, v33  }
0x29d: {  	(erf) = vrcp.f32 v23  }
0x29e: {  	(erf) = vpow2.f32 v58;
	v33 =	vadd.f32 $-1.000000000e+00, v33;
	_ =	sdelay $0x1  }
0x29f: {  	v59 =	vadd.f32 v33, v33;
	_ =	sdelay $0x1  }
0x2a0: {  	v44 =	vmul.f32 $1.442695020e+00, v59  }
0x2a1: {  	v54 =	vpop (erf)  }
0x2a2: {  	v50 =	vpop (erf)  }
0x2a3: {  	v49 =	vpop (erf)  }
0x2a4: {  	v30 =	vmul.f32 v30, v30;
	(erf) = vpow2.f32 v44;
	v44 =	vpop (erf)  }
0x2a5: {  	v60 =	vpop (erf)  }
0x2a6: {  	v30 =	vmul.f32 $-5.000000000e-01, v30;
	(erf) = vrcp.f32 v60;
	_ =	sdelay $0x1  }
0x2a7: {  	v30 =	vmul.f32 $1.442695020e+00, v30;
	_ =	sdelay $0x1  }
0x2a8: {  	(erf) = vpow2.f32 v30  }
0x2a9: {  	v30 =	vmul.f32 v33, v33;
	_ =	sdelay $0x1  }
0x2aa: {  	v30 =	vmul.f32 $-5.000000000e-01, v30  }
0x2ab: {  	v33 =	vpop (erf)  }
0x2ac: {  	v30 =	vmul.f32 $1.442695020e+00, v30;
	(erf) = vrcp.f32 v33;
	v61 =	vpop (erf)  }
0x2ad: {  	v62 =	vmul.f32 v61, v61  }
0x2ae: {  	(erf) = vpow2.f32 v30  }
0x2af: {  	v56 =	vmul.f32 $1.353352810e-01, v61;
	v57 =	vmul.f32 $3.354626240e-04, v62  }
0x2b0: {  	v55 =	vmul.f32 v60, v60;
	v30 =	vmul.f32 $1.353352810e-01, v60;
	v58 =	vpop (erf)  }
0x2b1: {  	vm6 =	vgt.s32 v31, $0x0;
	v56 =	vmul.f32 v56, v58;
	v57 =	vmul.f32 v57, v58  }
0x2b2: {  	vm4 =	vgt.s32 v31, $0x1;
	v55 =	vmul.f32 $3.354626240e-04, v55;
	v30 =	vmul.f32 v30, v58  }
0x2b3: {  	v59 =	vnsel vm6, $0x0, v56;
	v60 =	vnsel vm4, $0x0, v57  }
0x2b4: {  	v55 =	vmul.f32 v55, v58;
	v31 =	vadd.f32 v30, v58;
	v59 =	vadd.f32 v60, v59  }
0x2b5: {  	v61 =	vpop (erf)  }
0x2b6: {  	v31 =	vadd.f32 v55, v31;
	v60 =	vmul.f32 v61, v61  }
0x2b7: {  	v62 =	vmul.f32 $1.353352810e-01, v33;
	v33 =	vmul.f32 v33, v33  }
0x2b8: {  	v61 =	vmul.f32 $1.353352810e-01, v61;
	v31 =	vadd.f32 v59, v31;
	v60 =	vmul.f32 $3.354626240e-04, v60;
	v59 =	vpop (erf)  }
0x2b9: {  	vm5 =	vgt.s32 v36, $0x0;
	v33 =	vmul.f32 $3.354626240e-04, v33;
	v62 =	vmul.f32 v62, v59  }
0x2ba: {  	v31 =	vadd.f32 $9.999999930e-09, v31;
	v61 =	vmul.f32 v61, v59;
	v60 =	vmul.f32 v60, v59  }
0x2bb: {  	vm7 =	vgt.s32 v36, $0x1;
	v33 =	vmul.f32 v33, v59;
	v36 =	vadd.f32 v62, v59  }
0x2bc: {  	(erf) = vrcp.f32 v31;
	v31 =	vnsel vm5, $0x0, v61;
	v63 =	vnsel vm7, $0x0, v60  }
0x2bd: {  	v31 =	vadd.f32 v63, v31;
	v36 =	vadd.f32 v33, v36;
	_ =	sdelay $0x1  }
0x2be: {  	v31 =	vadd.f32 v31, v36;
	_ =	sdelay $0x1  }
0x2bf: {  	v31 =	vadd.f32 $9.999999930e-09, v31;
	_ =	sdelay $0x1  }
0x2c0: {  	(erf) = vrcp.f32 v31;
	_ =	sdelay $0x1  }
0x2c1: {  	v31 =	vadd.s32 v0, v51;
	v63 =	vpop (erf)  }
0x2c2: {  	v36 =	vmul.f32 v63, v32;
	v63 =	vadd.s32 v2, v51  }
0x2c3: {  	v1 =	vadd.s32 v3, v51  }
0x2c4: {  	v6 =	vadd.s32 v4, v51;
	v58 =	vmul.f32 v36, v58  }
0x2c5: {  	v51 =	vadd.s32 v5, v51;
	v30 =	vmul.f32 v36, v30  }
0x2c6: {  	[tilespmem:v31+s13+$0x0] =	vst.idx.add.f32.msk $0xffff, v58;
	v31 =	vmul.f32 v36, v55  }
0x2c7: {  	[tilespmem:v63+s13+$0x0] =	vst.idx.add.f32.msk $0xffff, v30;
	v30 =	vmul.f32 v36, v56  }
0x2c8: {  	[tilespmem:v1+s13+$0x0] =	vst.idx.add.f32.msk $0xffff, v31;
	v1 =	vmul.f32 v36, v57;
	v31 =	vadd.s32 v0, v53;
	v58 =	vpop (erf)  }
0x2c9: {  	[tilespmem:v6+s13+$0x0] =	vst.idx.add.f32.msk vm6, v30;
	v30 =	vadd.s32 v2, v53;
	v6 =	vmul.f32 v58, v29  }
0x2ca: {  	[tilespmem:v51+s13+$0x0] =	vst.idx.add.f32.msk vm4, v1;
	v1 =	vadd.s32 v3, v53  }
0x2cb: {  	v55 =	vadd.s32 v4, v53;
	v51 =	vmul.f32 v6, v59  }
0x2cc: {  	v53 =	vadd.s32 v5, v53;
	v36 =	vld [tilespmem:s25+$0xFFFFFFB0];
	v63 =	vmul.f32 v6, v62  }
0x2cd: {  	[tilespmem:v31+s13+$0x0] =	vst.idx.add.f32.msk $0xffff, v51;
	v31 =	vmul.f32 v6, v33  }
0x2ce: {  	[tilespmem:v30+s13+$0x0] =	vst.idx.add.f32.msk $0xffff, v63;
	v30 =	vmul.f32 v6, v61  }
0x2cf: {  	[tilespmem:v1+s13+$0x0] =	vst.idx.add.f32.msk $0xffff, v31;
	v1 =	vmul.f32 v6, v60  }
0x2d0: {  	[tilespmem:v55+s13+$0x0] =	vst.idx.add.f32.msk vm5, v30  }
0x2d1: {  	v7 =	vimm.f32 $0.0e+00;
	vm4 =	vlt.f32 v36, $0.0e+00;
	[tilespmem:v53+s13+$0x0] =	vst.idx.add.f32.msk vm7, v1  }
0x2d2: {  	v36 =	vsel vm4, $0x3F800000, v7;
	v1 =	vld [tilespmem:s25+$0x30]  }
0x2d3: {  	v58 =	vmul.f32 $1.353352810e-01, v23;
	v23 =	vmul.f32 v23, v23;
	[tilespmem:s25+$0xFFFFFFB0] =	vst v36  }
0x2d4: {  	v6 =	vld [tilespmem:s23+$0xFFFFFFB0]  }
0x2d5: {  	v59 =	vmul.f32 $1.353352810e-01, v54;
	v23 =	vmul.f32 $3.354626240e-04, v23  }
0x2d6: {  	vm6 =	vgt.s32 v46, $0x0;
	v31 =	vmul.f32 $1.353352810e-01, v45;
	v30 =	vmul.f32 v54, v54  }
0x2d7: {  	v45 =	vmul.f32 v45, v45;
	v60 =	vmul.f32 v44, v44;
	vm5 =	vlt.f32 v1, $0.0e+00  }
0x2d8: {  	v44 =	vmul.f32 $1.353352810e-01, v44;
	v30 =	vmul.f32 $3.354626240e-04, v30;
	v33 =	vsel vm5, $0x3F800000, v7  }
0x2d9: {  	vm6 =	vmmov vm6;
	v55 =	vmul.f32 v31, v50;
	v1 =	vmul.f32 $6.666666410e+01, v6;
	[tilespmem:s25+$0x30] =	vst v33  }
0x2da: {  	vm7 =	vgt.s32 v46, $0x1;
	v46 =	vmul.f32 $3.354626240e-04, v60;
	v54 =	vmul.f32 v30, v50;
	v30 =	vld [tilespmem:s23+$0x30]  }
0x2db: {  	vm4 =	vgt.s32 v52, $0x0;
	v57 =	vmul.f32 v44, v49;
	v31 =	vtrunc.f32 v1  }
0x2dc: {  	vm7 =	vmmov vm7;
	v56 =	vmul.f32 v46, v49;
	v31 =	vcvt.f32.s32 v31  }
0x2dd: {  	v61 =	vnsel vm7, $0x0, v54;
	v6 =	vmul.f32 $3.354626240e-04, v45;
	v45 =	vadd.f32 v55, v50  }
0x2de: {  	vm5 =	vgt.s32 v52, $0x1;
	v52 =	vmul.f32 v58, v49;
	vm8 =	vlt.s32 v31, $0x60  }
0x2df: {  	v58 =	vmul.f32 v59, v50;
	v51 =	vnsel vm8, $0x60, v31;
	v30 =	vmul.f32 $6.666666410e+01, v30  }
0x2e0: {  	v6 =	vmul.f32 v6, v50;
	v46 =	vnsel vm5, $0x0, v56;
	v59 =	vcvt.s32.f32 v51  }
0x2e1: {  	v53 =	vadd.f32 v52, v49;
	v62 =	vnsel vm6, $0x0, v58;
	v63 =	vtrunc.f32 v30  }
0x2e2: {  	v1 =	vsub.f32 v1, v59;
	v59 =	vmul.f32 v23, v49;
	v23 =	vcvt.f32.s32 v63  }
0x2e3: {  	v60 =	vadd.f32 v61, v62;
	v61 =	vnsel vm4, $0x0, v57;
	v45 =	vadd.f32 v6, v45  }
0x2e4: {  	v44 =	vadd.f32 v46, v61;
	v1 =	vadd.f32 v1, v1;
	vm8 =	vlt.s32 v23, $0x60  }
0x2e5: {  	v45 =	vadd.f32 v60, v45;
	v62 =	vadd.f32 v59, v53;
	v53 =	vnsel vm8, $0x60, v23  }
0x2e6: {  	v1 =	vadd.f32 $-1.000000000e+00, v1;
	v46 =	vcvt.s32.f32 v53  }
0x2e7: {  	v45 =	vadd.f32 $9.999999930e-09, v45;
	v44 =	vadd.f32 v44, v62  }
0x2e8: {  	v60 =	vadd.f32 v1, v1;
	v30 =	vsub.f32 v30, v46  }
0x2e9: {  	v44 =	vadd.f32 $9.999999930e-09, v44  }
0x2ea: {  	(erf) = vrcp.f32 v45;
	v63 =	vmul.f32 $1.442695020e+00, v60;
	v30 =	vadd.f32 v30, v30  }
0x2eb: {  	(erf) = vrcp.f32 v44  }
0x2ec: {  	(erf) = vpow2.f32 v63;
	v30 =	vadd.f32 $-1.000000000e+00, v30;
	_ =	sdelay $0x1  }
0x2ed: {  	v60 =	vadd.f32 v30, v30;
	_ =	sdelay $0x1  }
0x2ee: {  	v44 =	vmul.f32 $1.442695020e+00, v60  }
0x2ef: {  	v1 =	vmul.f32 v1, v1;
	_ =	sdelay $0x1  }
0x2f0: {  	v1 =	vmul.f32 $-5.000000000e-01, v1;
	v45 =	vpop (erf);
	(erf) = vpow2.f32 v44  }
0x2f1: {  	v7 =	vld [tilespmem:$0x1FF70];
	v30 =	vmul.f32 v30, v30;
	v44 =	vpop (erf)  }
0x2f2: {  	v1 =	vmul.f32 $1.442695020e+00, v1;
	v46 =	vpop (erf)  }
0x2f3: {  	v30 =	vmul.f32 $-5.000000000e-01, v30;
	(erf) = vrcp.f32 v46  }
0x2f4: {  	(erf) = vpow2.f32 v1;
	v1 =	vld [tilespmem:$0x1FF80]  }
0x2f5: {  	v30 =	vmul.f32 $1.442695020e+00, v30  }
0x2f6: {  	v15 =	vmul.f32 v7, v15;
	_ =	sdelay $0x1  }
0x2f7: {  	v7 =	vld [tilespmem:$0x1FF90];
	v40 =	vmul.f32 v15, v40;
	(erf) = vpow2.f32 v30  }
0x2f8: {  	v30 =	vpop (erf);
	v1 =	vmul.f32 v1, v16;
	v16 =	vmul.f32 v15, v35  }
0x2f9: {  	v35 =	vmul.f32 v15, v39;
	(erf) = vrcp.f32 v30  }
0x2fa: {  	v61 =	vmul.f32 $1.353352810e-01, v46;
	v39 =	vmul.f32 v15, v43;
	[tilespmem:v18+s13+$0x0] =	vst.idx.add.f32.msk $0xffff, v16  }
0x2fb: {  	v15 =	vmul.f32 v15, v38;
	v34 =	vmul.f32 v1, v34;
	[tilespmem:v17+s13+$0x0] =	vst.idx.add.f32.msk $0xffff, v35  }
0x2fc: {  	v37 =	vmul.f32 v1, v37;
	v43 =	vmul.f32 v1, v7;
	v38 =	vpop (erf);
	[tilespmem:v19+s13+$0x0] =	vst.idx.add.f32.msk $0xffff, v39  }
0x2fd: {  	vm9 =	vgt.s32 v31, $0x0;
	v16 =	vmul.f32 v46, v46;
	v60 =	vmul.f32 v38, v38;
	[tilespmem:v25+s13+$0x0] =	vst.idx.add.f32.msk $0xffff, v34  }
0x2fe: {  	vm8 =	vgt.s32 v31, $0x1;
	v41 =	vmul.f32 v1, v41;
	v31 =	vmul.f32 $1.353352810e-01, v38;
	[tilespmem:v21+s13+$0x0] =	vst.idx.add.f32.msk vm3, v40  }
0x2ff: {  	v18 =	vpop (erf);
	v16 =	vmul.f32 $3.354626240e-04, v16;
	[tilespmem:v26+s13+$0x0] =	vst.idx.add.f32.msk $0xffff, v37;
	v60 =	vmul.f32 $3.354626240e-04, v60  }
0x300: {  	vm9 =	vmmov vm9;
	v46 =	vmul.f32 v61, v18;
	v31 =	vmul.f32 v31, v18;
	[tilespmem:v22+s13+$0x0] =	vst.idx.add.f32.msk vm2, v15  }
0x301: {  	vm8 =	vmmov vm8;
	v1 =	vmul.f32 v1, v42;
	v17 =	vpop (erf);
	[tilespmem:v24+s13+$0x0] =	vst.idx.add.f32.msk $0xffff, v43;
	v60 =	vmul.f32 v60, v18  }
0x302: {  	v16 =	vmul.f32 v16, v18;
	v19 =	vadd.f32 v46, v18;
	[tilespmem:v27+s13+$0x0] =	vst.idx.add.f32.msk vm0, v41;
	v63 =	vnsel vm9, $0x0, v31;
	v61 =	vpop (erf)  }
0x303: {  	v62 =	vnsel vm8, $0x0, v60;
	v21 =	vmul.f32 v61, v61;
	v25 =	vmul.f32 $1.353352810e-01, v61;
	v61 =	vld [tilespmem:$0x1FFA0]  }
0x304: {  	v22 =	vmul.f32 $1.353352810e-01, v30;
	v19 =	vadd.f32 v16, v19;
	v15 =	vadd.f32 v62, v63  }
0x305: {  	v42 =	vadd.s32 v0, v47;
	vm3 =	vgt.s32 v23, $0x1;
	v30 =	vmul.f32 v30, v30  }
0x306: {  	v22 =	vmul.f32 v22, v17;
	v21 =	vmul.f32 $3.354626240e-04, v21;
	v15 =	vadd.f32 v15, v19  }
0x307: {  	vm2 =	vgt.s32 v23, $0x0;
	v26 =	vmul.f32 $3.354626240e-04, v30;
	v25 =	vmul.f32 v25, v17  }
0x308: {  	v21 =	vmul.f32 v21, v17;
	v15 =	vadd.f32 $9.999999930e-09, v15;
	v27 =	vmul.f32 v45, v61  }
0x309: {  	v23 =	vmul.f32 v26, v17;
	v19 =	vadd.f32 v22, v17;
	v26 =	vnsel vm2, $0x0, v25  }
0x30a: {  	v24 =	vnsel vm3, $0x0, v21;
	(erf) = vrcp.f32 v15;
	v15 =	vmul.f32 v27, v50  }
0x30b: {  	[tilespmem:v28+s13+$0x0] =	vst.idx.add.f32.msk vm1, v1;
	v19 =	vadd.f32 v23, v19;
	v24 =	vadd.f32 v24, v26  }
0x30c: {  	v38 =	vadd.s32 v2, v47;
	v1 =	vadd.s32 v4, v47;
	[tilespmem:v42+s13+$0x0] =	vst.idx.add.f32.msk $0xffff, v15  }
0x30d: {  	v26 =	vadd.s32 v3, v47;
	v19 =	vadd.f32 v24, v19;
	v24 =	vadd.s32 v5, v47;
	v47 =	vld [tilespmem:$0x1FFB0];
	_ =	sdelay $0x3  }
0x30e: {  	v37 =	vadd.s32 v2, v48;
	v28 =	vadd.s32 v0, v48;
	v30 =	vmul.f32 v27, v55  }
0x30f: {  	v6 =	vmul.f32 v27, v6;
	v15 =	vadd.f32 $9.999999930e-09, v19;
	v19 =	vmul.f32 v44, v47  }
0x310: {  	v39 =	vmul.f32 v27, v58;
	v27 =	vmul.f32 v27, v54;
	[tilespmem:v38+s13+$0x0] =	vst.idx.add.f32.msk $0xffff, v30  }
0x311: {  	v30 =	vadd.s32 v3, v48;
	[tilespmem:v26+s13+$0x0] =	vst.idx.add.f32.msk $0xffff, v6;
	(erf) = vrcp.f32 v15;
	v26 =	vmul.f32 v19, v52  }
0x312: {  	v6 =	vadd.s32 v4, v48;
	[tilespmem:v1+s13+$0x0] =	vst.idx.add.f32.msk vm6, v39;
	v15 =	vmul.f32 v19, v49  }
0x313: {  	v1 =	vadd.s32 v5, v48;
	[tilespmem:v24+s13+$0x0] =	vst.idx.add.f32.msk vm7, v27  }
0x314: {  	v24 =	vmul.f32 v19, v59;
	v27 =	vmul.f32 v19, v57;
	[tilespmem:v28+s13+$0x0] =	vst.idx.add.f32.msk $0xffff, v15  }
0x315: {  	v15 =	vmul.f32 v19, v56;
	v19 =	vadd.s32 v0, v51;
	[tilespmem:v37+s13+$0x0] =	vst.idx.add.f32.msk $0xffff, v26;
	v26 =	vpop (erf)  }
0x316: {  	v28 =	vadd.s32 v2, v51;
	[tilespmem:v30+s13+$0x0] =	vst.idx.add.f32.msk $0xffff, v24;
	v24 =	vmul.f32 v26, v36  }
0x317: {  	v26 =	vadd.s32 v3, v51;
	[tilespmem:v6+s13+$0x0] =	vst.idx.add.f32.msk vm4, v27  }
0x318: {  	[tilespmem:v1+s13+$0x0] =	vst.idx.add.f32.msk vm5, v15;
	v1 =	vadd.s32 v4, v51;
	v6 =	vmul.f32 v24, v18  }
0x319: {  	v30 =	vadd.s32 v2, v53;
	v15 =	vadd.s32 v5, v51;
	v27 =	vmul.f32 v24, v46  }
0x31a: {  	v40 =	vpop (erf);
	v18 =	vadd.s32 v0, v53;
	v16 =	vmul.f32 v24, v16;
	[tilespmem:v19+s13+$0x0] =	vst.idx.add.f32.msk $0xffff, v6  }
0x31b: {  	v6 =	vmul.f32 v40, v33;
	v19 =	vmul.f32 v24, v31;
	[tilespmem:v28+s13+$0x0] =	vst.idx.add.f32.msk $0xffff, v27  }
0x31c: {  	v24 =	vmul.f32 v24, v60;
	v27 =	vadd.s32 v3, v53;
	[tilespmem:v26+s13+$0x0] =	vst.idx.add.f32.msk $0xffff, v16  }
0x31d: {  	v16 =	vadd.s32 v4, v53;
	v17 =	vmul.f32 v6, v17;
	[tilespmem:v1+s13+$0x0] =	vst.idx.add.f32.msk vm9, v19  }
0x31e: {  	v1 =	vadd.s32 v5, v53;
	v19 =	vmul.f32 v6, v22;
	[tilespmem:v15+s13+$0x0] =	vst.idx.add.f32.msk vm8, v24  }
0x31f: {  	v15 =	vmul.f32 v6, v23;
	[tilespmem:v18+s13+$0x0] =	vst.idx.add.f32.msk $0xffff, v17  }
0x320: {  	v17 =	vmul.f32 v6, v25;
	[tilespmem:v30+s13+$0x0] =	vst.idx.add.f32.msk $0xffff, v19  }
0x321: {  	v6 =	vmul.f32 v6, v21;
	[tilespmem:v27+s13+$0x0] =	vst.idx.add.f32.msk $0xffff, v15  }
0x322: {  	[tilespmem:v16+s13+$0x0] =	vst.idx.add.f32.msk vm2, v17  }
0x323: {  	s31 =	simm.s32 $0x8080;
	[tilespmem:v1+s13+$0x0] =	vst.idx.add.f32.msk vm3, v6  }
0x324: {  	v1 =	vld [tilespmem:s31+$0x0];
	_ =	sdelay $0x4  }
0x325: {  	v1 =	vmul.f32 $6.666666410e+01, v1;
	_ =	sdelay $0x1  }
0x326: {  	v6 =	vld [tilespmem:s31+$0xFFFFFF80];
	v15 =	vtrunc.f32 v1  }
0x327: {  	v15 =	vcvt.f32.s32 v15;
	_ =	sdelay $0x1  }
0x328: {  	vm0 =	vlt.s32 v15, $0x60  }
0x329: {  	v16 =	vnsel vm0, $0x60, v15  }
0x32a: {  	v6 =	vmul.f32 $6.666666410e+01, v6;
	v17 =	vcvt.s32.f32 v16;
	_ =	sdelay $0x1  }
0x32b: {  	v18 =	vtrunc.f32 v6;
	v1 =	vsub.f32 v1, v17  }
0x32c: {  	v17 =	vcvt.f32.s32 v18  }
0x32d: {  	v1 =	vadd.f32 v1, v1  }
0x32e: {  	vm0 =	vlt.s32 v17, $0x60  }
0x32f: {  	v18 =	vnsel vm0, $0x60, v17;
	v1 =	vadd.f32 $-1.000000000e+00, v1  }
0x330: {  	v19 =	vcvt.s32.f32 v18  }
0x331: {  	v21 =	vadd.f32 v1, v1  }
0x332: {  	v6 =	vsub.f32 v6, v19  }
0x333: {  	v19 =	vmul.f32 $1.442695020e+00, v21  }
0x334: {  	v6 =	vadd.f32 v6, v6  }
0x335: {  	(erf) = vpow2.f32 v19  }
0x336: {  	v6 =	vadd.f32 $-1.000000000e+00, v6;
	_ =	sdelay $0x1  }
0x337: {  	v19 =	vmul.f32 v6, v6;
	v6 =	vadd.f32 v6, v6;
	_ =	sdelay $0x1  }
0x338: {  	v19 =	vmul.f32 $-5.000000000e-01, v19;
	v6 =	vmul.f32 $1.442695020e+00, v6;
	_ =	sdelay $0x1  }
0x339: {  	v19 =	vmul.f32 $1.442695020e+00, v19  }
0x33a: {  	v1 =	vmul.f32 v1, v1;
	(erf) = vpow2.f32 v6  }
0x33b: {  	(erf) = vpow2.f32 v19;
	v6 =	vpop (erf)  }
0x33c: {  	v1 =	vmul.f32 $-5.000000000e-01, v1;
	(erf) = vrcp.f32 v6;
	_ =	sdelay $0x1  }
0x33d: {  	v1 =	vmul.f32 $1.442695020e+00, v1;
	_ =	sdelay $0x1  }
0x33e: {  	(erf) = vpow2.f32 v1;
	_ =	sdelay $0x2  }
0x33f: {  	v1 =	vpop (erf)  }
0x340: {  	v19 =	vpop (erf)  }
0x341: {  	v21 =	vpop (erf)  }
0x342: {  	(erf) = vrcp.f32 v1;
	v22 =	vmul.f32 v21, v21;
	_ =	sdelay $0x1  }
0x343: {  	v22 =	vmul.f32 $3.354626240e-04, v22  }
0x344: {  	v23 =	vmul.f32 $1.353352810e-01, v6;
	v6 =	vmul.f32 v6, v6;
	v24 =	vpop (erf)  }
0x345: {  	v21 =	vmul.f32 $1.353352810e-01, v21;
	v22 =	vmul.f32 v22, v24  }
0x346: {  	vm0 =	vgt.s32 v15, $0x1;
	v6 =	vmul.f32 $3.354626240e-04, v6;
	v23 =	vmul.f32 v23, v24  }
0x347: {  	v21 =	vmul.f32 v21, v24;
	v26 =	vnsel vm0, $0x0, v22  }
0x348: {  	vm1 =	vgt.s32 v15, $0x0;
	v6 =	vmul.f32 v6, v24;
	v15 =	vadd.f32 v23, v24  }
0x349: {  	v25 =	vnsel vm1, $0x0, v21  }
0x34a: {  	v15 =	vadd.f32 v6, v15;
	v25 =	vadd.f32 v26, v25;
	v26 =	vpop (erf)  }
0x34b: {  	v27 =	vmul.f32 $1.353352810e-01, v1;
	v28 =	vmul.f32 v26, v26  }
0x34c: {  	v1 =	vmul.f32 v1, v1;
	v15 =	vadd.f32 v25, v15;
	v25 =	vmul.f32 $1.353352810e-01, v26  }
0x34d: {  	v26 =	vmul.f32 v27, v19;
	v27 =	vmul.f32 $3.354626240e-04, v28  }
0x34e: {  	vm2 =	vgt.s32 v17, $0x0;
	v1 =	vmul.f32 $3.354626240e-04, v1;
	v15 =	vadd.f32 $9.999999930e-09, v15  }
0x34f: {  	vm3 =	vgt.s32 v17, $0x1;
	v25 =	vmul.f32 v25, v19;
	v27 =	vmul.f32 v27, v19  }
0x350: {  	v1 =	vmul.f32 v1, v19;
	(erf) = vrcp.f32 v15;
	v15 =	vadd.f32 v26, v19  }
0x351: {  	v17 =	vnsel vm2, $0x0, v25;
	v28 =	vnsel vm3, $0x0, v27  }
0x352: {  	v15 =	vadd.f32 v1, v15;
	v17 =	vadd.f32 v28, v17;
	_ =	sdelay $0x1  }
0x353: {  	v15 =	vadd.f32 v17, v15  }
0x354: {  	v17 =	vld [tilespmem:s21+$0x0]  }
0x355: {  	v15 =	vadd.f32 $9.999999930e-09, v15;
	_ =	sdelay $0x1  }
0x356: {  	(erf) = vrcp.f32 v15  }
0x357: {  	v28 =	vpop (erf);
	v15 =	vadd.s32 v0, v16  }
0x358: {  	v17 =	vmul.f32 v28, v17;
	v28 =	vadd.s32 v2, v16  }
0x359: {  	v30 =	vadd.s32 v3, v16  }
0x35a: {  	v31 =	vadd.s32 v4, v16;
	v24 =	vmul.f32 v17, v24  }
0x35b: {  	v41 =	vld [tilespmem:s21+$0xFFFFFF80];
	v16 =	vadd.s32 v5, v16;
	v23 =	vmul.f32 v17, v23  }
0x35c: {  	v6 =	vmul.f32 v17, v6;
	[tilespmem:v15+s14+$0x0] =	vst.idx.add.f32.msk $0xffff, v24  }
0x35d: {  	v15 =	vmul.f32 v17, v21;
	[tilespmem:v28+s14+$0x0] =	vst.idx.add.f32.msk $0xffff, v23  }
0x35e: {  	[tilespmem:v30+s14+$0x0] =	vst.idx.add.f32.msk $0xffff, v6;
	v6 =	vmul.f32 v17, v22  }
0x35f: {  	[tilespmem:v31+s14+$0x0] =	vst.idx.add.f32.msk vm1, v15;
	v15 =	vadd.s32 v0, v18;
	v17 =	vpop (erf)  }
0x360: {  	[tilespmem:v16+s14+$0x0] =	vst.idx.add.f32.msk vm0, v6;
	v6 =	vadd.s32 v2, v18;
	v16 =	vmul.f32 v17, v41  }
0x361: {  	v21 =	vadd.s32 v3, v18;
	v17 =	vld [tilespmem:s31+$0x10]  }
0x362: {  	v22 =	vadd.s32 v4, v18;
	v19 =	vmul.f32 v16, v19  }
0x363: {  	v18 =	vadd.s32 v5, v18;
	v23 =	vmul.f32 v16, v26  }
0x364: {  	v1 =	vmul.f32 v16, v1;
	[tilespmem:v15+s14+$0x0] =	vst.idx.add.f32.msk $0xffff, v19  }
0x365: {  	v15 =	vmul.f32 v16, v25;
	[tilespmem:v6+s14+$0x0] =	vst.idx.add.f32.msk $0xffff, v23  }
0x366: {  	v16 =	vmul.f32 v16, v27;
	v6 =	vmul.f32 $6.666666410e+01, v17;
	[tilespmem:v21+s14+$0x0] =	vst.idx.add.f32.msk $0xffff, v1  }
0x367: {  	[tilespmem:v22+s14+$0x0] =	vst.idx.add.f32.msk vm2, v15  }
0x368: {  	v1 =	vtrunc.f32 v6;
	[tilespmem:v18+s14+$0x0] =	vst.idx.add.f32.msk vm3, v16  }
0x369: {  	v1 =	vcvt.f32.s32 v1;
	v15 =	vld [tilespmem:s31+$0xFFFFFF90];
	_ =	sdelay $0x1  }
0x36a: {  	vm0 =	vlt.s32 v1, $0x60  }
0x36b: {  	v16 =	vnsel vm0, $0x60, v1  }
0x36c: {  	v17 =	vcvt.s32.f32 v16  }
0x36d: {  	v18 =	vmul.f32 $6.666666410e+01, v15  }
0x36e: {  	v6 =	vsub.f32 v6, v17  }
0x36f: {  	v15 =	vtrunc.f32 v18  }
0x370: {  	v6 =	vadd.f32 v6, v6;
	v19 =	vcvt.f32.s32 v15;
	_ =	sdelay $0x1  }
0x371: {  	v6 =	vadd.f32 $-1.000000000e+00, v6;
	vm0 =	vlt.s32 v19, $0x60  }
0x372: {  	v15 =	vnsel vm0, $0x60, v19  }
0x373: {  	v17 =	vadd.f32 v6, v6;
	v21 =	vcvt.s32.f32 v15;
	_ =	sdelay $0x1  }
0x374: {  	v17 =	vmul.f32 $1.442695020e+00, v17;
	v18 =	vsub.f32 v18, v21;
	_ =	sdelay $0x1  }
0x375: {  	(erf) = vpow2.f32 v17;
	v17 =	vadd.f32 v18, v18;
	_ =	sdelay $0x1  }
0x376: {  	v17 =	vadd.f32 $-1.000000000e+00, v17;
	_ =	sdelay $0x1  }
0x377: {  	v18 =	vadd.f32 v17, v17;
	_ =	sdelay $0x1  }
0x378: {  	v18 =	vmul.f32 $1.442695020e+00, v18;
	_ =	sdelay $0x1  }
0x379: {  	v6 =	vmul.f32 v6, v6;
	_ =	sdelay $0x1  }
0x37a: {  	v6 =	vmul.f32 $-5.000000000e-01, v6;
	(erf) = vpow2.f32 v18;
	v18 =	vpop (erf)  }
0x37b: {  	(erf) = vrcp.f32 v18  }
0x37c: {  	v6 =	vmul.f32 $1.442695020e+00, v6;
	_ =	sdelay $0x1  }
0x37d: {  	(erf) = vpow2.f32 v6;
	_ =	sdelay $0x4  }
0x37e: {  	v6 =	vpop (erf)  }
0x37f: {  	v21 =	vpop (erf)  }
0x380: {  	v22 =	vmul.f32 v21, v21  }
0x381: {  	v23 =	vmul.f32 $1.353352810e-01, v18;
	v18 =	vmul.f32 v18, v18  }
0x382: {  	v24 =	vpop (erf);
	v21 =	vmul.f32 $1.353352810e-01, v21;
	v22 =	vmul.f32 $3.354626240e-04, v22  }
0x383: {  	vm3 =	vgt.s32 v1, $0x0;
	v18 =	vmul.f32 $3.354626240e-04, v18;
	v23 =	vmul.f32 v23, v24  }
0x384: {  	vm2 =	vgt.s32 v1, $0x1;
	v21 =	vmul.f32 v21, v24;
	v22 =	vmul.f32 v22, v24  }
0x385: {  	v17 =	vmul.f32 v17, v17;
	v1 =	vmul.f32 v18, v24;
	v18 =	vadd.f32 v23, v24  }
0x386: {  	v25 =	vnsel vm3, $0x0, v21;
	v26 =	vnsel vm2, $0x0, v22  }
0x387: {  	v17 =	vmul.f32 $-5.000000000e-01, v17;
	v18 =	vadd.f32 v1, v18;
	v25 =	vadd.f32 v26, v25;
	_ =	sdelay $0x1  }
0x388: {  	v17 =	vmul.f32 $1.442695020e+00, v17;
	v18 =	vadd.f32 v25, v18;
	_ =	sdelay $0x1  }
0x389: {  	(erf) = vpow2.f32 v17;
	v17 =	vadd.f32 $9.999999930e-09, v18  }
0x38a: {  	(erf) = vrcp.f32 v6  }
0x38b: {  	(erf) = vrcp.f32 v17;
	_ =	sdelay $0x2  }
0x38c: {  	s22 =	simm.s32 $0x8180  }
0x38d: {  	v26 =	vmul.f32 $1.353352810e-01, v6;
	v6 =	vmul.f32 v6, v6;
	v17 =	vld [tilespmem:s22+$0x0]  }
0x38e: {  	v18 =	vld [tilespmem:s21+$0x10]  }
0x38f: {  	v6 =	vmul.f32 $3.354626240e-04, v6  }
0x390: {  	v25 =	vpop (erf)  }
0x391: {  	v44 =	vadd.s32 v3, v16;
	v27 =	vpop (erf);
	v26 =	vmul.f32 v26, v25;
	v6 =	vmul.f32 v6, v25  }
0x392: {  	v31 =	vld [tilespmem:s22+$0xFFFFFF80];
	v42 =	vmul.f32 v27, v27;
	v28 =	vmul.f32 $6.666666410e+01, v17;
	v17 =	vadd.s32 v0, v16;
	v30 =	vpop (erf)  }
0x393: {  	v27 =	vmul.f32 $1.353352810e-01, v27;
	v18 =	vmul.f32 v30, v18;
	v30 =	vadd.s32 v2, v16  }
0x394: {  	v45 =	vadd.s32 v4, v16;
	v34 =	vmul.f32 $3.354626240e-04, v42;
	v43 =	vtrunc.f32 v28  }
0x395: {  	vm1 =	vgt.s32 v19, $0x1;
	v35 =	vcvt.f32.s32 v43;
	v24 =	vmul.f32 v18, v24  }
0x396: {  	v16 =	vadd.s32 v5, v16;
	v23 =	vmul.f32 v18, v23;
	v1 =	vmul.f32 v18, v1  }
0x397: {  	vm0 =	vlt.s32 v35, $0x60;
	v21 =	vmul.f32 v18, v21;
	[tilespmem:v17+s14+$0x0] =	vst.idx.add.f32.msk $0xffff, v24;
	v24 =	vmul.f32 $6.666666410e+01, v31  }
0x398: {  	v17 =	vnsel vm0, $0x60, v35;
	vm0 =	vgt.s32 v19, $0x0;
	v19 =	vmul.f32 v27, v25;
	[tilespmem:v30+s14+$0x0] =	vst.idx.add.f32.msk $0xffff, v23  }
0x399: {  	v23 =	vcvt.s32.f32 v17;
	[tilespmem:v44+s14+$0x0] =	vst.idx.add.f32.msk $0xffff, v1;
	v1 =	vmul.f32 v18, v22  }
0x39a: {  	v18 =	vtrunc.f32 v24;
	[tilespmem:v45+s14+$0x0] =	vst.idx.add.f32.msk vm3, v21;
	v21 =	vmul.f32 v34, v25  }
0x39b: {  	v22 =	vsub.f32 v28, v23;
	v23 =	vcvt.f32.s32 v18;
	[tilespmem:v16+s14+$0x0] =	vst.idx.add.f32.msk vm2, v1;
	v1 =	vadd.f32 v26, v25  }
0x39c: {  	v18 =	vnsel vm0, $0x0, v19;
	v16 =	vld [tilespmem:s31+$0x20];
	v27 =	vnsel vm1, $0x0, v21  }
0x39d: {  	vm2 =	vlt.s32 v23, $0x60;
	v1 =	vadd.f32 v6, v1;
	v27 =	vadd.f32 v27, v18  }
0x39e: {  	v22 =	vadd.f32 v22, v22;
	v18 =	vnsel vm2, $0x60, v23  }
0x39f: {  	v1 =	vadd.f32 v27, v1;
	v27 =	vcvt.s32.f32 v18  }
0x3a0: {  	v22 =	vadd.f32 $-1.000000000e+00, v22  }
0x3a1: {  	v30 =	vmul.f32 $6.666666410e+01, v16;
	v1 =	vadd.f32 $9.999999930e-09, v1;
	v16 =	vsub.f32 v24, v27  }
0x3a2: {  	v28 =	vadd.f32 v22, v22  }
0x3a3: {  	(erf) = vrcp.f32 v1;
	v1 =	vadd.f32 v16, v16  }
0x3a4: {  	v24 =	vmul.f32 $1.442695020e+00, v28  }
0x3a5: {  	v27 =	vtrunc.f32 v30;
	v1 =	vadd.f32 $-1.000000000e+00, v1  }
0x3a6: {  	v27 =	vcvt.f32.s32 v27;
	(erf) = vpow2.f32 v24  }
0x3a7: {  	v24 =	vmul.f32 v1, v1  }
0x3a8: {  	vm2 =	vlt.s32 v27, $0x60  }
0x3a9: {  	v16 =	vnsel vm2, $0x60, v27;
	v24 =	vmul.f32 $-5.000000000e-01, v24  }
0x3aa: {  	v1 =	vadd.f32 v1, v1;
	v28 =	vcvt.s32.f32 v16  }
0x3ab: {  	v22 =	vmul.f32 v22, v22;
	v24 =	vmul.f32 $1.442695020e+00, v24  }
0x3ac: {  	v1 =	vmul.f32 $1.442695020e+00, v1;
	v28 =	vsub.f32 v30, v28  }
0x3ad: {  	v22 =	vmul.f32 $-5.000000000e-01, v22  }
0x3ae: {  	(erf) = vpow2.f32 v1;
	v1 =	vld [tilespmem:s21+$0xFFFFFF90];
	v28 =	vadd.f32 v28, v28;
	v30 =	vpop (erf)  }
0x3af: {  	v22 =	vmul.f32 $1.442695020e+00, v22;
	(erf) = vpow2.f32 v24;
	v24 =	vpop (erf)  }
0x3b0: {  	v28 =	vadd.f32 $-1.000000000e+00, v28;
	(erf) = vrcp.f32 v24  }
0x3b1: {  	(erf) = vpow2.f32 v22  }
0x3b2: {  	v22 =	vadd.f32 v28, v28  }
0x3b3: {  	v1 =	vmul.f32 v30, v1  }
0x3b4: {  	v31 =	vadd.s32 v0, v15;
	v22 =	vmul.f32 $1.442695020e+00, v22  }
0x3b5: {  	v30 =	vadd.s32 v2, v15;
	v25 =	vmul.f32 v1, v25  }
0x3b6: {  	v26 =	vmul.f32 v1, v26;
	(erf) = vpow2.f32 v22;
	v22 =	vadd.s32 v3, v15  }
0x3b7: {  	v46 =	vadd.s32 v4, v15;
	v6 =	vmul.f32 v1, v6;
	v19 =	vmul.f32 v1, v19;
	v48 =	vpop (erf)  }
0x3b8: {  	v1 =	vmul.f32 v1, v21;
	v15 =	vadd.s32 v5, v15;
	(erf) = vrcp.f32 v48;
	v21 =	vpop (erf)  }
0x3b9: {  	[tilespmem:v31+s14+$0x0] =	vst.idx.add.f32.msk $0xffff, v25;
	v31 =	vmul.f32 $1.353352810e-01, v24;
	v24 =	vmul.f32 v24, v24;
	v49 =	vpop (erf)  }
0x3ba: {  	v25 =	vmul.f32 $1.353352810e-01, v48;
	[tilespmem:v30+s14+$0x0] =	vst.idx.add.f32.msk $0xffff, v26;
	v26 =	vmul.f32 v49, v49;
	v30 =	vpop (erf)  }
0x3bb: {  	[tilespmem:v22+s14+$0x0] =	vst.idx.add.f32.msk $0xffff, v6;
	v22 =	vmul.f32 $1.353352810e-01, v49;
	v6 =	vmul.f32 v31, v30  }
0x3bc: {  	[tilespmem:v46+s14+$0x0] =	vst.idx.add.f32.msk vm0, v19;
	v19 =	vmul.f32 $3.354626240e-04, v26;
	v26 =	vmul.f32 v28, v28  }
0x3bd: {  	vm3 =	vgt.s32 v35, $0x1;
	[tilespmem:v15+s14+$0x0] =	vst.idx.add.f32.msk vm1, v1;
	v1 =	vmul.f32 $3.354626240e-04, v24;
	v22 =	vmul.f32 v22, v30  }
0x3be: {  	vm2 =	vgt.s32 v35, $0x0;
	v15 =	vld [tilespmem:s31+$0xFFFFFFA0];
	v24 =	vmul.f32 v19, v30;
	v19 =	vmul.f32 $-5.000000000e-01, v26  }
0x3bf: {  	v51 =	vmul.f32 v48, v48;
	v28 =	vadd.f32 v6, v30;
	v1 =	vmul.f32 v1, v30  }
0x3c0: {  	v31 =	vnsel vm2, $0x0, v22;
	v26 =	vpop (erf);
	v50 =	vnsel vm3, $0x0, v24;
	v19 =	vmul.f32 $1.442695020e+00, v19  }
0x3c1: {  	v28 =	vadd.f32 v1, v28;
	(erf) = vrcp.f32 v26;
	v52 =	vpop (erf);
	v31 =	vadd.f32 v50, v31  }
0x3c2: {  	v53 =	vmul.f32 v52, v52;
	(erf) = vpow2.f32 v19  }
0x3c3: {  	v54 =	vmul.f32 $6.666666410e+01, v15;
	v15 =	vmul.f32 $1.353352810e-01, v52;
	v19 =	vadd.f32 v31, v28  }
0x3c4: {  	v25 =	vmul.f32 v25, v21;
	v28 =	vmul.f32 $3.354626240e-04, v53  }
0x3c5: {  	v31 =	vmul.f32 $3.354626240e-04, v51;
	v34 =	vmul.f32 v15, v21;
	v15 =	vadd.f32 $9.999999930e-09, v19  }
0x3c6: {  	vm0 =	vgt.s32 v23, $0x0;
	vm1 =	vgt.s32 v23, $0x1;
	v23 =	vmul.f32 v28, v21  }
0x3c7: {  	v31 =	vmul.f32 v31, v21;
	v28 =	vadd.f32 v25, v21;
	(erf) = vrcp.f32 v15  }
0x3c8: {  	v58 =	vmul.f32 $1.353352810e-01, v26;
	v15 =	vnsel vm0, $0x0, v34;
	v55 =	vnsel vm1, $0x0, v23  }
0x3c9: {  	v26 =	vmul.f32 v26, v26;
	v28 =	vadd.f32 v31, v28;
	v15 =	vadd.f32 v55, v15  }
0x3ca: {  	v63 =	vadd.s32 v0, v17;
	vm4 =	vgt.s32 v27, $0x0;
	v56 =	vpop (erf)  }
0x3cb: {  	v26 =	vmul.f32 $3.354626240e-04, v26;
	v57 =	vmul.f32 v56, v56;
	v15 =	vadd.f32 v15, v28  }
0x3cc: {  	v60 =	vld [tilespmem:s20+$0x0];
	vm5 =	vgt.s32 v27, $0x1;
	v19 =	vtrunc.f32 v54;
	v28 =	vmul.f32 $1.353352810e-01, v56  }
0x3cd: {  	v19 =	vcvt.f32.s32 v19;
	v59 =	vpop (erf);
	v35 =	vmul.f32 $3.354626240e-04, v57;
	v15 =	vadd.f32 $9.999999930e-09, v15  }
0x3ce: {  	v49 =	vadd.s32 v2, v17;
	v39 =	vmul.f32 v58, v59;
	v28 =	vmul.f32 v28, v59  }
0x3cf: {  	v50 =	vadd.s32 v3, v17;
	v35 =	vmul.f32 v35, v59;
	(erf) = vrcp.f32 v15  }
0x3d0: {  	vm6 =	vlt.s32 v19, $0x60;
	v26 =	vmul.f32 v26, v59;
	v62 =	vadd.f32 v39, v59;
	v48 =	vpop (erf)  }
0x3d1: {  	v15 =	vnsel vm4, $0x0, v28;
	v27 =	vnsel vm5, $0x0, v35;
	v40 =	vmul.f32 v48, v60  }
0x3d2: {  	v41 =	vadd.f32 v26, v62;
	v27 =	vadd.f32 v27, v15;
	v15 =	vnsel vm6, $0x60, v19  }
0x3d3: {  	v51 =	vadd.s32 v4, v17;
	v30 =	vmul.f32 v40, v30;
	v53 =	vcvt.s32.f32 v15  }
0x3d4: {  	v52 =	vld [tilespmem:s20+$0xFFFFFF80];
	v17 =	vadd.s32 v5, v17;
	v6 =	vmul.f32 v40, v6;
	v27 =	vadd.f32 v27, v41  }
0x3d5: {  	v1 =	vmul.f32 v40, v1;
	[tilespmem:v63+s14+$0x0] =	vst.idx.add.f32.msk $0xffff, v30;
	v30 =	vsub.f32 v54, v53  }
0x3d6: {  	v27 =	vadd.f32 $9.999999930e-09, v27;
	[tilespmem:v49+s14+$0x0] =	vst.idx.add.f32.msk $0xffff, v6;
	v6 =	vmul.f32 v40, v22  }
0x3d7: {  	[tilespmem:v50+s14+$0x0] =	vst.idx.add.f32.msk $0xffff, v1;
	v1 =	vmul.f32 v40, v24;
	v22 =	vadd.f32 v30, v30  }
0x3d8: {  	(erf) = vrcp.f32 v27;
	[tilespmem:v51+s14+$0x0] =	vst.idx.add.f32.msk vm2, v6;
	v6 =	vadd.s32 v0, v18;
	v24 =	vpop (erf)  }
0x3d9: {  	[tilespmem:v17+s14+$0x0] =	vst.idx.add.f32.msk vm3, v1;
	v17 =	vadd.f32 $-1.000000000e+00, v22;
	v22 =	vmul.f32 v24, v52  }
0x3da: {  	v1 =	vadd.s32 v2, v18  }
0x3db: {  	v27 =	vadd.s32 v3, v18;
	v24 =	vld [tilespmem:s22+$0x10];
	v54 =	vadd.f32 v17, v17;
	v21 =	vmul.f32 v22, v21  }
0x3dc: {  	v55 =	vld [tilespmem:s21+$0x20];
	v30 =	vadd.s32 v4, v18  }
0x3dd: {  	v18 =	vadd.s32 v5, v18;
	v25 =	vmul.f32 v22, v25;
	[tilespmem:v6+s14+$0x0] =	vst.idx.add.f32.msk $0xffff, v21;
	v6 =	vmul.f32 $1.442695020e+00, v54  }
0x3de: {  	v31 =	vmul.f32 v22, v31  }
0x3df: {  	v21 =	vmul.f32 v22, v34;
	[tilespmem:v1+s14+$0x0] =	vst.idx.add.f32.msk $0xffff, v25  }
0x3e0: {  	v22 =	vmul.f32 v22, v23;
	v1 =	vmul.f32 $6.666666410e+01, v24;
	[tilespmem:v27+s14+$0x0] =	vst.idx.add.f32.msk $0xffff, v31  }
0x3e1: {  	v23 =	vadd.s32 v0, v16;
	(erf) = vpow2.f32 v6;
	[tilespmem:v30+s14+$0x0] =	vst.idx.add.f32.msk vm0, v21;
	v6 =	vpop (erf)  }
0x3e2: {  	v21 =	vadd.s32 v2, v16;
	v24 =	vtrunc.f32 v1;
	[tilespmem:v18+s14+$0x0] =	vst.idx.add.f32.msk vm1, v22;
	v6 =	vmul.f32 v6, v55  }
0x3e3: {  	v18 =	vadd.s32 v3, v16;
	v25 =	vcvt.f32.s32 v24;
	v24 =	vld [tilespmem:s22+$0xFFFFFF90]  }
0x3e4: {  	v17 =	vmul.f32 v17, v17;
	v27 =	vadd.s32 v4, v16;
	v22 =	vmul.f32 v6, v59  }
0x3e5: {  	v16 =	vadd.s32 v5, v16;
	v30 =	vmul.f32 v6, v39;
	vm0 =	vlt.s32 v25, $0x60  }
0x3e6: {  	v17 =	vmul.f32 $-5.000000000e-01, v17;
	[tilespmem:v23+s14+$0x0] =	vst.idx.add.f32.msk $0xffff, v22;
	v23 =	vmul.f32 v6, v26;
	v22 =	vnsel vm0, $0x60, v25  }
0x3e7: {  	[tilespmem:v21+s14+$0x0] =	vst.idx.add.f32.msk $0xffff, v30;
	v21 =	vmul.f32 v6, v28;
	v26 =	vcvt.s32.f32 v22  }
0x3e8: {  	v6 =	vmul.f32 v6, v35;
	[tilespmem:v18+s14+$0x0] =	vst.idx.add.f32.msk $0xffff, v23;
	v18 =	vmul.f32 $6.666666410e+01, v24  }
0x3e9: {  	v17 =	vmul.f32 $1.442695020e+00, v17;
	[tilespmem:v27+s14+$0x0] =	vst.idx.add.f32.msk vm4, v21;
	v1 =	vsub.f32 v1, v26  }
0x3ea: {  	[tilespmem:v16+s14+$0x0] =	vst.idx.add.f32.msk vm5, v6;
	v16 =	vtrunc.f32 v18  }
0x3eb: {  	(erf) = vpow2.f32 v17;
	v17 =	vld [tilespmem:s31+$0x30];
	v1 =	vadd.f32 v1, v1;
	v23 =	vcvt.f32.s32 v16  }
0x3ec: {  	v6 =	vpop (erf)  }
0x3ed: {  	v7 =	vld [tilespmem:$0x1FFE0];
	(erf) = vrcp.f32 v6;
	v1 =	vadd.f32 $-1.000000000e+00, v1;
	vm0 =	vlt.s32 v23, $0x60  }
0x3ee: {  	v16 =	vnsel vm0, $0x60, v23  }
0x3ef: {  	v21 =	vadd.f32 v1, v1;
	v24 =	vcvt.s32.f32 v16  }
0x3f0: {  	v26 =	vmul.f32 $6.666666410e+01, v17  }
0x3f1: {  	v17 =	vmul.f32 $1.442695020e+00, v21;
	v21 =	vsub.f32 v18, v24  }
0x3f2: {  	v28 =	vadd.f32 v7, v12;
	v12 =	vmul.f32 $1.353352810e-01, v6;
	v18 =	vtrunc.f32 v26  }
0x3f3: {  	v6 =	vmul.f32 v6, v6;
	v27 =	vcvt.f32.s32 v18;
	v21 =	vadd.f32 v21, v21  }
0x3f4: {  	v9 =	vadd.f32 v9, v28;
	(erf) = vpow2.f32 v17  }
0x3f5: {  	v6 =	vmul.f32 $3.354626240e-04, v6;
	v18 =	vpop (erf);
	vm1 =	vlt.s32 v27, $0x60;
	v28 =	vadd.f32 $-1.000000000e+00, v21  }
0x3f6: {  	v1 =	vmul.f32 v1, v1;
	v17 =	vmul.f32 v12, v18;
	v12 =	vpop (erf);
	v52 =	vnsel vm1, $0x60, v27  }
0x3f7: {  	v21 =	vmul.f32 v6, v18;
	v24 =	vmul.f32 $1.353352810e-01, v12;
	v6 =	vadd.f32 v28, v28  }
0x3f8: {  	v12 =	vmul.f32 v12, v12;
	v30 =	vcvt.s32.f32 v52  }
0x3f9: {  	v1 =	vmul.f32 $-5.000000000e-01, v1;
	v6 =	vmul.f32 $1.442695020e+00, v6  }
0x3fa: {  	vm2 =	vgt.s32 v19, $0x1;
	v12 =	vmul.f32 $3.354626240e-04, v12;
	v26 =	vsub.f32 v26, v30  }
0x3fb: {  	vm0 =	vgt.s32 v19, $0x0;
	v1 =	vmul.f32 $1.442695020e+00, v1;
	v19 =	vmul.f32 v24, v18  }
0x3fc: {  	v28 =	vmul.f32 v28, v28;
	v24 =	vmul.f32 v12, v18;
	v12 =	vadd.f32 v26, v26  }
0x3fd: {  	v30 =	vadd.f32 v17, v18;
	v26 =	vnsel vm0, $0x0, v19;
	(erf) = vpow2.f32 v6;
	v6 =	vpop (erf)  }
0x3fe: {  	v31 =	vnsel vm2, $0x0, v24;
	v12 =	vadd.f32 $-1.000000000e+00, v12;
	(erf) = vrcp.f32 v6  }
0x3ff: {  	v26 =	vadd.f32 v31, v26;
	(erf) = vpow2.f32 v1;
	v1 =	vadd.f32 v21, v30  }
0x400: {  	v28 =	vmul.f32 $-5.000000000e-01, v28  }
0x401: {  	v7 =	vld [tilespmem:$0x1FFF0];
	v30 =	vadd.f32 v12, v12;
	v1 =	vadd.f32 v26, v1  }
0x402: {  	v9 =	vadd.f32 v13, v9;
	v13 =	vmul.f32 $1.442695020e+00, v28  }
0x403: {  	v26 =	vmul.f32 $1.442695020e+00, v30;
	v1 =	vadd.f32 $9.999999930e-09, v1  }
0x404: {  	v9 =	vadd.f32 v61, v9;
	(erf) = vpow2.f32 v13  }
0x405: {  	(erf) = vpow2.f32 v26  }
0x406: {  	v9 =	vadd.f32 v7, v9  }
0x407: {  	(erf) = vrcp.f32 v1;
	v1 =	vpop (erf)  }
0x408: {  	v8 =	vadd.f32 v8, v9;
	v9 =	vmul.f32 $1.353352810e-01, v6;
	v6 =	vmul.f32 v6, v6;
	v13 =	vpop (erf)  }
0x409: {  	v12 =	vmul.f32 v12, v12;
	v26 =	vmul.f32 v13, v13;
	v28 =	vpop (erf)  }
0x40a: {  	(erf) = vrcp.f32 v1;
	v30 =	vmul.f32 v9, v28  }
0x40b: {  	v8 =	vadd.f32 v14, v8;
	v9 =	vmul.f32 $1.353352810e-01, v13;
	v14 =	vmul.f32 $3.354626240e-04, v26  }
0x40c: {  	vm7 =	vgt.s32 v25, $0x0;
	vm5 =	vgt.s32 v25, $0x1;
	v6 =	vmul.f32 $3.354626240e-04, v6  }
0x40d: {  	v8 =	vadd.f32 v47, v8;
	v13 =	vpop (erf);
	v31 =	vmul.f32 v9, v28;
	v34 =	vmul.f32 v14, v28  }
0x40e: {  	v35 =	vmul.f32 v6, v28;
	v9 =	vmul.f32 $-5.000000000e-01, v12;
	v12 =	vpop (erf);
	v6 =	vadd.f32 v30, v28  }
0x40f: {  	(erf) = vrcp.f32 v12;
	v14 =	vnsel vm7, $0x0, v31;
	v25 =	vnsel vm5, $0x0, v34  }
0x410: {  	v9 =	vmul.f32 $1.442695020e+00, v9;
	v6 =	vadd.f32 v35, v6;
	v14 =	vadd.f32 v25, v14  }
0x411: {  	v8 =	vadd.f32 v11, v8  }
0x412: {  	v11 =	vmul.f32 $1.353352810e-01, v1;
	v1 =	vmul.f32 v1, v1;
	v6 =	vadd.f32 v14, v6  }
0x413: {  	v8 =	vadd.f32 v20, v8;
	v37 =	vpop (erf);
	(erf) = vpow2.f32 v9  }
0x414: {  	v1 =	vmul.f32 $3.354626240e-04, v1;
	v9 =	vpop (erf);
	v6 =	vadd.f32 $9.999999930e-09, v6  }
0x415: {  	v32 =	vadd.f32 v32, v8;
	v26 =	vmul.f32 v11, v13;
	v8 =	vmul.f32 $1.353352810e-01, v9  }
0x416: {  	v11 =	vmul.f32 v9, v9;
	(erf) = vrcp.f32 v6  }
0x417: {  	v59 =	vadd.s32 v0, v22;
	v62 =	vadd.s32 v2, v22;
	vm4 =	vgt.s32 v23, $0x0  }
0x418: {  	s23 =	simm.s32 $0x8280;
	v1 =	vmul.f32 v1, v13;
	v9 =	vadd.f32 v26, v13;
	v6 =	vmul.f32 $3.354626240e-04, v11  }
0x419: {  	v56 =	vld [tilespmem:s23+$0x0];
	vm3 =	vgt.s32 v23, $0x1;
	vm6 =	vgt.s32 v27, $0x1;
	v23 =	vmul.f32 v8, v13;
	v8 =	vpop (erf)  }
0x41a: {  	v38 =	vadd.f32 v1, v9;
	v14 =	vmul.f32 v6, v13;
	v6 =	vmul.f32 v8, v8  }
0x41b: {  	v57 =	vld [tilespmem:s20+$0x10];
	v11 =	vmul.f32 $1.353352810e-01, v12;
	v12 =	vmul.f32 v12, v12;
	v9 =	vnsel vm4, $0x0, v23  }
0x41c: {  	v8 =	vmul.f32 $1.353352810e-01, v8;
	v20 =	vpop (erf);
	v25 =	vnsel vm3, $0x0, v14;
	v6 =	vmul.f32 $3.354626240e-04, v6  }
0x41d: {  	v41 =	vadd.f32 v25, v9;
	v25 =	vmul.f32 v11, v20;
	v11 =	vmul.f32 $3.354626240e-04, v12  }
0x41e: {  	vm1 =	vgt.s32 v27, $0x0;
	v27 =	vmul.f32 $6.666666410e+01, v56;
	v9 =	vmul.f32 v8, v20  }
0x41f: {  	v12 =	vld [tilespmem:s23+$0xFFFFFF80];
	v8 =	vmul.f32 v6, v20;
	v11 =	vmul.f32 v11, v20;
	v6 =	vadd.f32 v25, v20;
	v60 =	vpop (erf)  }
0x420: {  	v53 =	vadd.s32 v3, v22;
	v54 =	vadd.s32 v4, v22;
	v40 =	vmul.f32 v60, v57  }
0x421: {  	v58 =	vnsel vm1, $0x0, v9;
	v63 =	vadd.f32 v11, v6;
	v6 =	vtrunc.f32 v27  }
0x422: {  	v61 =	vnsel vm6, $0x0, v8;
	v6 =	vcvt.f32.s32 v6;
	v28 =	vmul.f32 v40, v28  }
0x423: {  	v55 =	vld [tilespmem:s21+$0xFFFFFFA0];
	v22 =	vadd.s32 v5, v22;
	v39 =	vadd.f32 v61, v58;
	v30 =	vmul.f32 v40, v30  }
0x424: {  	v56 =	vmul.f32 $6.666666410e+01, v12;
	vm8 =	vlt.s32 v6, $0x60;
	[tilespmem:v59+s14+$0x0] =	vst.idx.add.f32.msk $0xffff, v28;
	v28 =	vmul.f32 v40, v35  }
0x425: {  	v57 =	vadd.f32 v39, v63;
	v12 =	vnsel vm8, $0x60, v6;
	[tilespmem:v62+s14+$0x0] =	vst.idx.add.f32.msk $0xffff, v30;
	v30 =	vmul.f32 v40, v31  }
0x426: {  	v58 =	vcvt.s32.f32 v12;
	v31 =	vadd.f32 v41, v38;
	[tilespmem:v53+s14+$0x0] =	vst.idx.add.f32.msk $0xffff, v28;
	v28 =	vmul.f32 v40, v34  }
0x427: {  	v60 =	vtrunc.f32 v56;
	v59 =	vadd.f32 $9.999999930e-09, v57;
	[tilespmem:v54+s14+$0x0] =	vst.idx.add.f32.msk vm7, v30  }
0x428: {  	v27 =	vsub.f32 v27, v58;
	v30 =	vadd.f32 $9.999999930e-09, v31;
	v31 =	vcvt.f32.s32 v60;
	[tilespmem:v22+s14+$0x0] =	vst.idx.add.f32.msk vm5, v28  }
0x429: {  	v22 =	vld [tilespmem:s22+$0x20]  }
0x42a: {  	(erf) = vrcp.f32 v59;
	v27 =	vadd.f32 v27, v27;
	vm5 =	vlt.s32 v31, $0x60;
	v7 =	vld [tilespmem:$0x1FFC0]  }
0x42b: {  	v32 =	vadd.f32 v36, v32;
	(erf) = vrcp.f32 v30;
	v30 =	vnsel vm5, $0x60, v31  }
0x42c: {  	v37 =	vmul.f32 v37, v55;
	v27 =	vadd.f32 $-1.000000000e+00, v27;
	v62 =	vcvt.s32.f32 v30  }
0x42d: {  	v10 =	vadd.f32 v10, v32  }
0x42e: {  	v18 =	vmul.f32 v37, v18;
	v46 =	vadd.f32 v27, v27;
	v34 =	vsub.f32 v56, v62  }
0x42f: {  	v28 =	vadd.f32 v7, v10;
	v10 =	vadd.s32 v0, v15;
	v22 =	vmul.f32 $6.666666410e+01, v22  }
0x430: {  	v47 =	vld [tilespmem:s20+$0xFFFFFF90];
	v51 =	vmul.f32 v37, v17;
	v61 =	vadd.s32 v2, v15;
	v63 =	vadd.s32 v3, v15  }
0x431: {  	v38 =	vmul.f32 $1.442695020e+00, v46;
	v34 =	vadd.f32 v34, v34;
	v49 =	vtrunc.f32 v22  }
0x432: {  	v45 =	vadd.s32 v4, v15;
	v21 =	vmul.f32 v37, v21;
	v17 =	vcvt.f32.s32 v49  }
0x433: {  	v15 =	vadd.s32 v5, v15;
	v53 =	vpop (erf);
	(erf) = vpow2.f32 v38;
	v34 =	vadd.f32 $-1.000000000e+00, v34  }
0x434: {  	[tilespmem:v10+s14+$0x0] =	vst.idx.add.f32.msk $0xffff, v18;
	v18 =	vmul.f32 v37, v19;
	v19 =	vmul.f32 v37, v24;
	v10 =	vpop (erf);
	vm5 =	vlt.s32 v17, $0x60  }
0x435: {  	v54 =	vadd.f32 v34, v34;
	[tilespmem:v61+s14+$0x0] =	vst.idx.add.f32.msk $0xffff, v51;
	v24 =	vmul.f32 v10, v47;
	v10 =	vnsel vm5, $0x60, v17  }
0x436: {  	v48 =	vadd.s32 v0, v16;
	[tilespmem:v63+s14+$0x0] =	vst.idx.add.f32.msk $0xffff, v21;
	v21 =	vmul.f32 v34, v34;
	v56 =	vcvt.s32.f32 v10  }
0x437: {  	v50 =	vadd.s32 v2, v16;
	v55 =	vadd.s32 v3, v16;
	[tilespmem:v45+s14+$0x0] =	vst.idx.add.f32.msk vm0, v18;
	v18 =	vmul.f32 $1.442695020e+00, v54  }
0x438: {  	v27 =	vmul.f32 v27, v27;
	v21 =	vmul.f32 $-5.000000000e-01, v21;
	v22 =	vsub.f32 v22, v56;
	[tilespmem:v15+s14+$0x0] =	vst.idx.add.f32.msk vm2, v19  }
0x439: {  	v57 =	vadd.s32 v4, v16;
	v13 =	vmul.f32 v24, v13;
	(erf) = vpow2.f32 v18;
	v18 =	vld [tilespmem:s31+$0xFFFFFFB0]  }
0x43a: {  	v58 =	vld [tilespmem:s21+$0x30];
	v15 =	vmul.f32 v24, v26;
	v19 =	vmul.f32 $1.442695020e+00, v21;
	v22 =	vadd.f32 v22, v22  }
0x43b: {  	v1 =	vmul.f32 v24, v1;
	[tilespmem:v48+s14+$0x0] =	vst.idx.add.f32.msk $0xffff, v13;
	v21 =	vmul.f32 $-5.000000000e-01, v27  }
0x43c: {  	v13 =	vmul.f32 v24, v23;
	[tilespmem:v50+s14+$0x0] =	vst.idx.add.f32.msk $0xffff, v15;
	v23 =	vpop (erf);
	(erf) = vpow2.f32 v19;
	v22 =	vadd.f32 $-1.000000000e+00, v22  }
0x43d: {  	[tilespmem:v55+s14+$0x0] =	vst.idx.add.f32.msk $0xffff, v1;
	v15 =	vmul.f32 $1.442695020e+00, v21;
	(erf) = vrcp.f32 v23  }
0x43e: {  	v1 =	vmul.f32 v24, v14;
	[tilespmem:v57+s14+$0x0] =	vst.idx.add.f32.msk vm4, v13;
	v13 =	vadd.f32 v22, v22;
	v24 =	vmul.f32 $6.666666410e+01, v18  }
0x43f: {  	v36 =	vadd.s32 v3, v52;
	v16 =	vadd.s32 v5, v16;
	(erf) = vpow2.f32 v15  }
0x440: {  	vm9 =	vgt.s32 v17, $0x0;
	v13 =	vmul.f32 $1.442695020e+00, v13;
	v15 =	vtrunc.f32 v24  }
0x441: {  	vm8 =	vgt.s32 v17, $0x1;
	vm5 =	vgt.s32 v31, $0x0;
	v59 =	vmul.f32 $1.353352810e-01, v23  }
0x442: {  	vm2 =	vgt.s32 v6, $0x0;
	v21 =	vmul.f32 v53, v58;
	(erf) = vpow2.f32 v13  }
0x443: {  	v19 =	vadd.f32 v29, v28;
	v23 =	vmul.f32 v23, v23;
	v26 =	vcvt.f32.s32 v15;
	v15 =	vpop (erf)  }
0x444: {  	vm4 =	vgt.s32 v31, $0x1;
	v29 =	vmul.f32 v21, v25;
	(erf) = vrcp.f32 v15  }
0x445: {  	v22 =	vmul.f32 v22, v22;
	v23 =	vmul.f32 $3.354626240e-04, v23;
	vm0 =	vlt.s32 v26, $0x60;
	v28 =	vpop (erf)  }
0x446: {  	v25 =	vmul.f32 $1.353352810e-01, v15;
	v27 =	vmul.f32 v15, v15;
	v15 =	vnsel vm0, $0x60, v26;
	v60 =	vpop (erf)  }
0x447: {  	v7 =	vadd.f32 v33, v19;
	v31 =	vcvt.s32.f32 v15;
	v61 =	vmul.f32 v60, v60  }
0x448: {  	v13 =	vmul.f32 v21, v20;
	vm0 =	vgt.s32 v6, $0x1;
	v6 =	vmul.f32 $-5.000000000e-01, v22  }
0x449: {  	v35 =	vpop (erf);
	v33 =	vmul.f32 $1.353352810e-01, v60;
	v24 =	vsub.f32 v24, v31;
	v31 =	vmul.f32 $3.354626240e-04, v61  }
0x44a: {  	v14 =	vadd.s32 v2, v30;
	v6 =	vmul.f32 $1.442695020e+00, v6;
	v32 =	vmul.f32 v59, v35  }
0x44b: {  	v18 =	vadd.s32 v0, v30;
	v33 =	vmul.f32 v33, v35;
	v31 =	vmul.f32 v31, v35;
	v22 =	vpop (erf)  }
0x44c: {  	[tilespmem:$0x1FFD0] =	vst v7;
	v23 =	vmul.f32 v23, v35;
	v62 =	vadd.f32 v32, v35;
	(erf) = vrcp.f32 v22  }
0x44d: {  	[tilespmem:v16+s14+$0x0] =	vst.idx.add.f32.msk vm3, v1;
	v25 =	vmul.f32 v25, v28;
	v42 =	vnsel vm2, $0x0, v33;
	v63 =	vpop (erf);
	v43 =	vnsel vm0, $0x0, v31  }
0x44e: {  	v1 =	vld [tilespmem:s22+$0xFFFFFFA0];
	v34 =	vadd.f32 v23, v62;
	v44 =	vmul.f32 v63, v63;
	v37 =	vadd.f32 v43, v42  }
0x44f: {  	v19 =	vadd.s32 v4, v30;
	v27 =	vmul.f32 $3.354626240e-04, v27;
	(erf) = vpow2.f32 v6  }
0x450: {  	v6 =	vmul.f32 $1.353352810e-01, v63;
	v45 =	vmul.f32 $3.354626240e-04, v44;
	v34 =	vadd.f32 v37, v34  }
0x451: {  	v46 =	vadd.f32 v25, v28;
	v27 =	vmul.f32 v27, v28;
	v24 =	vadd.f32 v24, v24  }
0x452: {  	v6 =	vmul.f32 v6, v28;
	v39 =	vmul.f32 v45, v28;
	v34 =	vadd.f32 $9.999999930e-09, v34  }
0x453: {  	v1 =	vmul.f32 $6.666666410e+01, v1;
	v51 =	vadd.f32 v27, v46;
	v24 =	vadd.f32 $-1.000000000e+00, v24  }
0x454: {  	v49 =	vnsel vm5, $0x0, v6;
	v50 =	vnsel vm4, $0x0, v39;
	(erf) = vrcp.f32 v34  }
0x455: {  	v56 =	vmul.f32 $1.353352810e-01, v22;
	v22 =	vmul.f32 v22, v22;
	v53 =	vadd.f32 v50, v49;
	v54 =	vpop (erf)  }
0x456: {  	v47 =	vtrunc.f32 v1;
	v48 =	vadd.f32 v24, v24;
	v55 =	vmul.f32 v54, v54  }
0x457: {  	v43 =	vcvt.f32.s32 v47;
	v22 =	vmul.f32 $3.354626240e-04, v22;
	v37 =	vadd.f32 v53, v51  }
0x458: {  	s24 =	simm.s32 $0x10280;
	v16 =	vadd.s32 v3, v30;
	v40 =	vmul.f32 $1.353352810e-01, v54;
	v44 =	vpop (erf);
	v41 =	vmul.f32 $3.354626240e-04, v55  }
0x459: {  	v57 =	vld [tilespmem:s24+$0x0];
	v38 =	vmul.f32 $1.442695020e+00, v48;
	v46 =	vmul.f32 v56, v44;
	v37 =	vadd.f32 $9.999999930e-09, v37  }
0x45a: {  	v60 =	vadd.s32 v0, v12;
	v47 =	vmul.f32 v40, v44;
	v48 =	vmul.f32 v41, v44  }
0x45b: {  	v22 =	vmul.f32 v22, v44;
	v17 =	vadd.f32 v46, v44;
	(erf) = vrcp.f32 v37  }
0x45c: {  	vm3 =	vlt.s32 v43, $0x60;
	v58 =	vnsel vm9, $0x0, v47;
	v59 =	vnsel vm8, $0x0, v48  }
0x45d: {  	v54 =	vnsel vm3, $0x60, v43;
	v17 =	vadd.f32 v22, v17;
	v61 =	vpop (erf);
	v37 =	vadd.f32 v59, v58  }
0x45e: {  	v63 =	vadd.s32 v2, v12;
	v56 =	vcvt.s32.f32 v54;
	v62 =	vmul.f32 v61, v57  }
0x45f: {  	v20 =	vadd.s32 v5, v30;
	v55 =	vadd.s32 v3, v12;
	v17 =	vadd.f32 v37, v17  }
0x460: {  	v1 =	vsub.f32 v1, v56;
	v58 =	vld [tilespmem:s24+$0xFFFFFF80];
	v57 =	vadd.s32 v4, v12;
	v35 =	vmul.f32 v62, v35  }
0x461: {  	v12 =	vadd.s32 v5, v12;
	v32 =	vmul.f32 v62, v32;
	v17 =	vadd.f32 $9.999999930e-09, v17  }
0x462: {  	v1 =	vadd.f32 v1, v1;
	(erf) = vpow2.f32 v38;
	v23 =	vmul.f32 v62, v23;
	[tilespmem:v60+s14+$0x0] =	vst.idx.add.f32.msk $0xffff, v35  }
0x463: {  	v30 =	vadd.s32 v0, v52;
	v59 =	vmul.f32 v62, v33;
	[tilespmem:v63+s14+$0x0] =	vst.idx.add.f32.msk $0xffff, v32;
	(erf) = vrcp.f32 v17  }
0x464: {  	v41 =	vmul.f32 v21, v9;
	v1 =	vadd.f32 $-1.000000000e+00, v1;
	v17 =	vmul.f32 v62, v31;
	[tilespmem:v55+s14+$0x0] =	vst.idx.add.f32.msk $0xffff, v23;
	v7 =	vpop (erf)  }
0x465: {  	v38 =	vmul.f32 v21, v11;
	[tilespmem:v57+s14+$0x0] =	vst.idx.add.f32.msk vm2, v59;
	v9 =	vmul.f32 v7, v58  }
0x466: {  	vm7 =	vgt.s32 v26, $0x1;
	v11 =	vmul.f32 v24, v24;
	[tilespmem:v12+s14+$0x0] =	vst.idx.add.f32.msk vm0, v17;
	v12 =	vadd.f32 v1, v1  }
0x467: {  	v42 =	vmul.f32 v21, v8;
	v34 =	vadd.s32 v2, v52;
	v8 =	vld [tilespmem:s23+$0x10];
	v17 =	vmul.f32 v9, v28  }
0x468: {  	v49 =	vadd.s32 v0, v54;
	v21 =	vld [tilespmem:s20+$0x20];
	v11 =	vmul.f32 $-5.000000000e-01, v11;
	v12 =	vmul.f32 $1.442695020e+00, v12  }
0x469: {  	v40 =	vadd.s32 v5, v52;
	v1 =	vmul.f32 v1, v1;
	v23 =	vmul.f32 v9, v25  }
0x46a: {  	vm3 =	vgt.s32 v43, $0x0;
	v24 =	vmul.f32 v9, v27;
	v6 =	vmul.f32 v9, v6;
	[tilespmem:v18+s14+$0x0] =	vst.idx.add.f32.msk $0xffff, v17  }
0x46b: {  	v37 =	vadd.s32 v4, v52;
	v9 =	vmul.f32 v9, v39;
	v1 =	vmul.f32 $-5.000000000e-01, v1;
	[tilespmem:v14+s14+$0x0] =	vst.idx.add.f32.msk $0xffff, v23;
	v17 =	vpop (erf)  }
0x46c: {  	v14 =	vadd.s32 v0, v10;
	(erf) = vpow2.f32 v12;
	[tilespmem:v16+s14+$0x0] =	vst.idx.add.f32.msk $0xffff, v24;
	v8 =	vmul.f32 $6.666666410e+01, v8;
	v12 =	vpop (erf)  }
0x46d: {  	v11 =	vmul.f32 $1.442695020e+00, v11;
	[tilespmem:v19+s14+$0x0] =	vst.idx.add.f32.msk vm5, v6;
	v6 =	vmul.f32 v12, v21;
	v12 =	vadd.s32 v2, v10  }
0x46e: {  	v1 =	vmul.f32 $1.442695020e+00, v1;
	v16 =	vadd.s32 v3, v10;
	[tilespmem:v20+s14+$0x0] =	vst.idx.add.f32.msk vm4, v9;
	v9 =	vtrunc.f32 v8  }
0x46f: {  	v19 =	vadd.s32 v4, v10;
	v18 =	vld [tilespmem:s23+$0xFFFFFF90];
	v35 =	vcvt.f32.s32 v9;
	v9 =	vmul.f32 v6, v44  }
0x470: {  	(erf) = vrcp.f32 v17;
	v10 =	vadd.s32 v5, v10;
	v20 =	vmul.f32 v6, v46  }
0x471: {  	(erf) = vpow2.f32 v1;
	vm4 =	vlt.s32 v35, $0x60;
	[tilespmem:v14+s14+$0x0] =	vst.idx.add.f32.msk $0xffff, v9;
	v9 =	vmul.f32 v6, v22  }
0x472: {  	v28 =	vnsel vm4, $0x60, v35;
	[tilespmem:v12+s14+$0x0] =	vst.idx.add.f32.msk $0xffff, v20;
	v12 =	vmul.f32 v6, v47;
	v6 =	vmul.f32 v6, v48  }
0x473: {  	v7 =	vadd.s32 v0, v15;
	vm2 =	vgt.s32 v43, $0x1;
	v14 =	vcvt.s32.f32 v28;
	[tilespmem:v16+s14+$0x0] =	vst.idx.add.f32.msk $0xffff, v9  }
0x474: {  	vm0 =	vgt.s32 v26, $0x0;
	v25 =	vmul.f32 v17, v17;
	v1 =	vmul.f32 $6.666666410e+01, v18;
	[tilespmem:v19+s14+$0x0] =	vst.idx.add.f32.msk vm9, v12  }
0x475: {  	v24 =	vmul.f32 $1.353352810e-01, v17;
	(erf) = vpow2.f32 v11;
	v8 =	vsub.f32 v8, v14;
	[tilespmem:v10+s14+$0x0] =	vst.idx.add.f32.msk vm8, v6  }
0x476: {  	v21 =	vadd.s32 v3, v54;
	v55 =	vmul.f32 $3.354626240e-04, v25;
	v9 =	vtrunc.f32 v1;
	v6 =	vpop (erf);
	v10 =	vld [tilespmem:s22+$0x30]  }
0x477: {  	v11 =	vcvt.f32.s32 v9;
	(erf) = vrcp.f32 v6;
	v12 =	vadd.f32 v8, v8  }
0x478: {  	v22 =	vadd.s32 v4, v54;
	v14 =	vadd.s32 v2, v15;
	v9 =	vadd.s32 v3, v15  }
0x479: {  	v8 =	vadd.s32 v4, v15;
	vm4 =	vlt.s32 v11, $0x60;
	v12 =	vadd.f32 $-1.000000000e+00, v12  }
0x47a: {  	v17 =	vmul.f32 $1.353352810e-01, v6;
	v26 =	vpop (erf);
	v6 =	vmul.f32 v6, v6;
	v27 =	vnsel vm4, $0x60, v11  }
0x47b: {  	v51 =	vpop (erf);
	v16 =	vcvt.s32.f32 v27;
	v18 =	vadd.f32 v12, v12;
	v31 =	vmul.f32 $6.666666410e+01, v10  }
0x47c: {  	vm5 =	vgt.s32 v11, $0x1;
	vm4 =	vgt.s32 v11, $0x0;
	v52 =	vmul.f32 v17, v51  }
0x47d: {  	v1 =	vsub.f32 v1, v16;
	v18 =	vmul.f32 $1.442695020e+00, v18;
	v23 =	vtrunc.f32 v31  }
0x47e: {  	v6 =	vmul.f32 $3.354626240e-04, v6;
	v10 =	vadd.s32 v5, v15;
	v33 =	vcvt.f32.s32 v23  }
0x47f: {  	v15 =	vmul.f32 v26, v26;
	v16 =	vpop (erf);
	v1 =	vadd.f32 v1, v1;
	(erf) = vpow2.f32 v18  }
0x480: {  	v53 =	vmul.f32 v6, v51;
	v12 =	vmul.f32 v12, v12;
	v11 =	vpop (erf);
	vm8 =	vlt.s32 v33, $0x60  }
0x481: {  	v1 =	vadd.f32 $-1.000000000e+00, v1;
	v17 =	vmul.f32 $1.353352810e-01, v11;
	v18 =	vnsel vm8, $0x60, v33  }
0x482: {  	v20 =	vadd.s32 v2, v54;
	v11 =	vmul.f32 v11, v11;
	v6 =	vcvt.s32.f32 v18  }
0x483: {  	v12 =	vmul.f32 $-5.000000000e-01, v12;
	v60 =	vmul.f32 v1, v1;
	v1 =	vadd.f32 v1, v1  }
0x484: {  	v15 =	vmul.f32 $3.354626240e-04, v15;
	v11 =	vmul.f32 $3.354626240e-04, v11;
	v6 =	vsub.f32 v31, v6  }
0x485: {  	v19 =	vadd.s32 v5, v54;
	v54 =	vmul.f32 v17, v51;
	v1 =	vmul.f32 $1.442695020e+00, v1  }
0x486: {  	v31 =	vmul.f32 v11, v51;
	v11 =	vmul.f32 $-5.000000000e-01, v60;
	v6 =	vadd.f32 v6, v6  }
0x487: {  	v17 =	vadd.f32 v52, v51;
	v61 =	vnsel vm3, $0x0, v54;
	(erf) = vpow2.f32 v1  }
0x488: {  	[tilespmem:v30+s14+$0x0] =	vst.idx.add.f32.msk $0xffff, v13;
	v1 =	vmul.f32 $1.442695020e+00, v11;
	v11 =	vmul.f32 $1.442695020e+00, v12;
	v63 =	vpop (erf);
	v6 =	vadd.f32 $-1.000000000e+00, v6  }
0x489: {  	[tilespmem:v34+s14+$0x0] =	vst.idx.add.f32.msk $0xffff, v29;
	v17 =	vadd.f32 v53, v17;
	v62 =	vnsel vm2, $0x0, v31;
	(erf) = vrcp.f32 v63  }
0x48a: {  	[tilespmem:v36+s14+$0x0] =	vst.idx.add.f32.msk $0xffff, v38;
	v12 =	vadd.f32 v62, v61;
	(erf) = vpow2.f32 v11;
	v11 =	vadd.f32 v6, v6  }
0x48b: {  	[tilespmem:v37+s14+$0x0] =	vst.idx.add.f32.msk vm1, v41;
	vm1 =	vmmov vm7;
	v59 =	vmul.f32 $1.353352810e-01, v63;
	v43 =	vmul.f32 v63, v63  }
0x48c: {  	v12 =	vadd.f32 v12, v17;
	v17 =	vmul.f32 v24, v16;
	v48 =	vmul.f32 $1.442695020e+00, v11  }
0x48d: {  	vm9 =	vgt.s32 v35, $0x1;
	(erf) = vpow2.f32 v1;
	v1 =	vmul.f32 $1.353352810e-01, v26  }
0x48e: {  	v62 =	vmul.f32 v6, v6;
	v50 =	vadd.f32 $9.999999930e-09, v12;
	(erf) = vpow2.f32 v48  }
0x48f: {  	v25 =	vadd.s32 v4, v27;
	v11 =	vmul.f32 v15, v16;
	v12 =	vmul.f32 v1, v16  }
0x490: {  	v23 =	vadd.s32 v0, v27;
	v15 =	vmul.f32 v55, v16;
	(erf) = vrcp.f32 v50;
	v57 =	vpop (erf)  }
0x491: {  	v56 =	vnsel vm7, $0x0, v11;
	v58 =	vnsel vm0, $0x0, v12;
	(erf) = vrcp.f32 v57  }
0x492: {  	v63 =	vmul.f32 $-5.000000000e-01, v62;
	v1 =	vadd.f32 v17, v16;
	v32 =	vadd.f32 v56, v58;
	v60 =	vpop (erf)  }
0x493: {  	vm8 =	vgt.s32 v35, $0x0;
	v61 =	vmul.f32 v60, v60;
	v46 =	vmul.f32 $1.353352810e-01, v60  }
0x494: {  	v43 =	vmul.f32 $3.354626240e-04, v43;
	v63 =	vmul.f32 $1.442695020e+00, v63;
	v1 =	vadd.f32 v15, v1;
	v44 =	vpop (erf)  }
0x495: {  	v24 =	vadd.s32 v3, v27;
	v48 =	vmul.f32 $3.354626240e-04, v61;
	v6 =	vmul.f32 v46, v44  }
0x496: {  	v47 =	vmul.f32 $1.353352810e-01, v57;
	v1 =	vadd.f32 v32, v1;
	v45 =	vmul.f32 v59, v44;
	v32 =	vpop (erf)  }
0x497: {  	v55 =	vld [tilespmem:s20+$0xFFFFFFA0];
	v39 =	vmul.f32 v57, v57;
	v46 =	vmul.f32 v48, v44;
	v50 =	vpop (erf);
	v61 =	vnsel vm8, $0x0, v6  }
0x498: {  	v60 =	vadd.f32 v45, v44;
	v48 =	vmul.f32 v43, v44;
	(erf) = vrcp.f32 v50  }
0x499: {  	v35 =	vmul.f32 v47, v32;
	v43 =	vadd.f32 $9.999999930e-09, v1;
	v56 =	vpop (erf);
	v62 =	vnsel vm9, $0x0, v46  }
0x49a: {  	v1 =	vmul.f32 $3.354626240e-04, v39;
	v60 =	vadd.f32 v48, v60;
	v57 =	vadd.f32 v62, v61;
	v61 =	vpop (erf)  }
0x49b: {  	v26 =	vadd.s32 v2, v27;
	(erf) = vpow2.f32 v63;
	v30 =	vmul.f32 v61, v61  }
0x49c: {  	v47 =	vmul.f32 v56, v55;
	v58 =	vmul.f32 $1.353352810e-01, v61;
	v57 =	vadd.f32 v57, v60  }
0x49d: {  	v27 =	vadd.s32 v5, v27;
	v39 =	vmul.f32 v1, v32;
	v29 =	vmul.f32 $3.354626240e-04, v30  }
0x49e: {  	v41 =	vmul.f32 v47, v53;
	v38 =	vmul.f32 v58, v32;
	v1 =	vadd.f32 $9.999999930e-09, v57  }
0x49f: {  	v13 =	vld [tilespmem:s21+$0xFFFFFFB0];
	v62 =	vadd.f32 v35, v32;
	v30 =	vmul.f32 v29, v32;
	v29 =	vmul.f32 v47, v51  }
0x4a0: {  	[tilespmem:v40+s14+$0x0] =	vst.idx.add.f32.msk vm6, v42;
	vm0 =	vmmov vm0;
	v42 =	vmul.f32 v47, v54;
	(erf) = vrcp.f32 v1  }
0x4a1: {  	v51 =	vadd.f32 v39, v62;
	v63 =	vnsel vm4, $0x0, v38;
	v1 =	vnsel vm5, $0x0, v30;
	[tilespmem:v49+s14+$0x0] =	vst.idx.add.f32.msk $0xffff, v29;
	v36 =	vpop (erf)  }
0x4a2: {  	s25 =	simm.s32 $0x8380;
	s21 =	simm.s32 $0x4;
	v49 =	vmul.f32 v47, v52;
	v29 =	vld [tilespmem:s24+$0xFFFFFF90];
	v52 =	vadd.f32 v1, v63;
	v37 =	vmul.f32 v36, v36  }
.LBB2_6:
0x4a3: {  	v1 =	vld [tilespmem:s25+$0x0];
	v34 =	vmul.f32 $1.353352810e-01, v50;
	v40 =	vmul.f32 v50, v50  }
0x4a4: {  	v36 =	vmul.f32 $1.353352810e-01, v36;
	v50 =	vld [tilespmem:s25+$0xFFFFFF80];
	v51 =	vadd.f32 v52, v51;
	v37 =	vmul.f32 $3.354626240e-04, v37;
	v52 =	vpop (erf)  }
0x4a5: {  	v53 =	vld [tilespmem:s24+$0x10];
	v34 =	vmul.f32 v34, v52;
	v40 =	vmul.f32 $3.354626240e-04, v40  }
0x4a6: {  	vm6 =	vgt.s32 v33, $0x0;
	[tilespmem:v20+s14+$0x0] =	vst.idx.add.f32.msk $0xffff, v49;
	v49 =	vmul.f32 v36, v52;
	v54 =	vmul.f32 v37, v52  }
0x4a7: {  	vm7 =	vgt.s32 v33, $0x1;
	[tilespmem:v21+s14+$0x0] =	vst.idx.add.f32.msk $0xffff, v41;
	v40 =	vmul.f32 v40, v52;
	v20 =	vadd.f32 v34, v52  }
0x4a8: {  	v1 =	vmul.f32 $6.666666410e+01, v1;
	[tilespmem:v22+s14+$0x0] =	vst.idx.add.f32.msk vm3, v42;
	v21 =	vnsel vm6, $0x0, v49;
	v22 =	vnsel vm7, $0x0, v54  }
0x4a9: {  	v33 =	vadd.s32 v0, v28;
	v36 =	vpop (erf);
	v20 =	vadd.f32 v40, v20;
	v21 =	vadd.f32 v22, v21  }
0x4aa: {  	v37 =	vadd.s32 v2, v28;
	v22 =	vmul.f32 $6.666666410e+01, v50;
	v36 =	vmul.f32 v36, v53  }
0x4ab: {  	v42 =	vadd.s32 v3, v28;
	v41 =	vtrunc.f32 v1;
	v21 =	vadd.f32 v21, v20  }
0x4ac: {  	v20 =	vcvt.f32.s32 v41;
	v41 =	vmul.f32 v36, v44;
	v44 =	vadd.s32 v4, v28  }
0x4ad: {  	v45 =	vmul.f32 v36, v45;
	v28 =	vadd.s32 v5, v28;
	v50 =	vadd.f32 $9.999999930e-09, v21  }
0x4ae: {  	v53 =	vtrunc.f32 v22;
	vm3 =	vlt.s32 v20, $0x60;
	[tilespmem:v33+s14+$0x0] =	vst.idx.add.f32.msk $0xffff, v41;
	v33 =	vmul.f32 v36, v48  }
0x4af: {  	v6 =	vmul.f32 v36, v6;
	v21 =	vnsel vm3, $0x60, v20;
	[tilespmem:v37+s14+$0x0] =	vst.idx.add.f32.msk $0xffff, v45;
	(erf) = vrcp.f32 v50  }
0x4b0: {  	v41 =	vadd.f32 $9.999999930e-09, v51;
	v37 =	vcvt.s32.f32 v21;
	[tilespmem:v42+s14+$0x0] =	vst.idx.add.f32.msk $0xffff, v33;
	v33 =	vmul.f32 v36, v46  }
0x4b1: {  	v36 =	vcvt.f32.s32 v53;
	[tilespmem:v44+s14+$0x0] =	vst.idx.add.f32.msk vm8, v6;
	v6 =	vmul.f32 v47, v31  }
0x4b2: {  	v1 =	vsub.f32 v1, v37;
	[tilespmem:v28+s14+$0x0] =	vst.idx.add.f32.msk vm9, v33;
	(erf) = vrcp.f32 v41  }
0x4b3: {  	vm3 =	vlt.s32 v36, $0x60;
	vm9 =	vgt.s32 v36, $0x0;
	vm8 =	vgt.s32 v36, $0x1;
	v41 =	vld [tilespmem:s23+$0x20]  }
0x4b4: {  	v31 =	vnsel vm3, $0x60, v36;
	v1 =	vadd.f32 v1, v1;
	v42 =	vld [tilespmem:s20+$0x30];
	(erf) = vrcp.f32 v43  }
0x4b5: {  	v43 =	vcvt.s32.f32 v31;
	v37 =	vadd.s32 v0, v31;
	v36 =	vadd.s32 v2, v31;
	[tilespmem:v19+s14+$0x0] =	vst.idx.add.f32.msk vm2, v6  }
0x4b6: {  	s21 =	sadd.s32 $0x2, s21;
	v33 =	vadd.s32 v3, v31;
	v28 =	vadd.s32 v4, v31;
	v1 =	vadd.f32 $-1.000000000e+00, v1;
	v19 =	vld [tilespmem:s22+$0xFFFFFFB0];
	s22 =	smov.u32 s23;
	s23 =	smov.u32 s25  }
0x4b7: {  	p0 =	slt.u32 s21, $0xFE;
	v31 =	vadd.s32 v5, v31;
	v6 =	vsub.f32 v22, v43;
	v22 =	vld [tilespmem:s20+$0xFFFFFFB0];
	s20 =	smov.u32 s24  }
0x4b8: {  	v44 =	vadd.s32 v0, v18;
	v43 =	vadd.f32 v1, v1;
	v45 =	vpop (erf)  }
0x4b9: {  	v41 =	vmul.f32 $6.666666410e+01, v41;
	v42 =	vmul.f32 v45, v42;
	v45 =	vadd.s32 v2, v18  }
0x4ba: {  	v47 =	vadd.s32 v3, v18;
	v46 =	vadd.f32 v6, v6;
	v53 =	vmul.f32 $1.442695020e+00, v43  }
0x4bb: {  	v51 =	vadd.s32 v4, v18;
	v6 =	vtrunc.f32 v41;
	v48 =	vpop (erf);
	v50 =	vmul.f32 v42, v52  }
0x4bc: {  	v6 =	vcvt.f32.s32 v6;
	v34 =	vmul.f32 v42, v34;
	v52 =	vadd.s32 v5, v18  }
0x4bd: {  	v46 =	vadd.f32 $-1.000000000e+00, v46;
	v40 =	vmul.f32 v42, v40;
	(erf) = vpow2.f32 v53;
	[tilespmem:v44+s14+$0x0] =	vst.idx.add.f32.msk $0xffff, v50;
	v43 =	vpop (erf)  }
0x4be: {  	v29 =	vmul.f32 v48, v29;
	vm2 =	vlt.s32 v6, $0x60;
	[tilespmem:v45+s14+$0x0] =	vst.idx.add.f32.msk $0xffff, v34;
	v34 =	vmul.f32 v42, v49  }
0x4bf: {  	v44 =	vadd.f32 v46, v46;
	v18 =	vnsel vm2, $0x60, v6;
	[tilespmem:v47+s14+$0x0] =	vst.idx.add.f32.msk $0xffff, v40;
	v40 =	vmul.f32 v42, v54  }
0x4c0: {  	v42 =	vmul.f32 v46, v46;
	v45 =	vcvt.s32.f32 v18;
	[tilespmem:v51+s14+$0x0] =	vst.idx.add.f32.msk vm6, v34  }
0x4c1: {  	v32 =	vmul.f32 v29, v32;
	v34 =	vmul.f32 $1.442695020e+00, v44;
	[tilespmem:v52+s14+$0x0] =	vst.idx.add.f32.msk vm7, v40  }
0x4c2: {  	v1 =	vmul.f32 v1, v1;
	v40 =	vmul.f32 $-5.000000000e-01, v42;
	v41 =	vsub.f32 v41, v45  }
0x4c3: {  	(erf) = vpow2.f32 v34;
	[tilespmem:v23+s14+$0x0] =	vst.idx.add.f32.msk $0xffff, v32;
	v23 =	vmul.f32 v29, v35  }
0x4c4: {  	v1 =	vmul.f32 $-5.000000000e-01, v1;
	v32 =	vmul.f32 $1.442695020e+00, v40;
	v34 =	vadd.f32 v41, v41  }
0x4c5: {  	[tilespmem:v26+s14+$0x0] =	vst.idx.add.f32.msk $0xffff, v23;
	v23 =	vmul.f32 v29, v39;
	v26 =	vmul.f32 v29, v38  }
0x4c6: {  	v1 =	vmul.f32 $1.442695020e+00, v1;
	v34 =	vadd.f32 $-1.000000000e+00, v34;
	(erf) = vpow2.f32 v32;
	v35 =	vpop (erf)  }
0x4c7: {  	(erf) = vrcp.f32 v35;
	[tilespmem:v24+s14+$0x0] =	vst.idx.add.f32.msk $0xffff, v23;
	v23 =	vmul.f32 v29, v30  }
0x4c8: {  	v19 =	vmul.f32 $6.666666410e+01, v19;
	(erf) = vpow2.f32 v1;
	[tilespmem:v25+s14+$0x0] =	vst.idx.add.f32.msk vm4, v26;
	v1 =	vadd.f32 v34, v34  }
0x4c9: {  	v32 =	vmul.f32 v43, v13;
	v13 =	vmov v22;
	[tilespmem:v27+s14+$0x0] =	vst.idx.add.f32.msk vm5, v23  }
0x4ca: {  	v23 =	vtrunc.f32 v19;
	v22 =	vld [tilespmem:s22+$0xFFFFFFA0];
	v1 =	vmul.f32 $1.442695020e+00, v1  }
0x4cb: {  	v16 =	vmul.f32 v32, v16;
	v23 =	vcvt.f32.s32 v23;
	v30 =	vld [tilespmem:s24+$0xFFFFFFA0]  }
0x4cc: {  	v24 =	vpop (erf);
	(erf) = vpow2.f32 v1;
	v1 =	vmul.f32 v32, v17  }
0x4cd: {  	vm2 =	vlt.s32 v23, $0x60;
	v26 =	vmul.f32 $1.353352810e-01, v24;
	(erf) = vrcp.f32 v24;
	[tilespmem:v7+s14+$0x0] =	vst.idx.add.f32.msk $0xffff, v16  }
0x4ce: {  	vm7 =	vgt.s32 v23, $0x0;
	v24 =	vmul.f32 v24, v24;
	v16 =	vnsel vm2, $0x60, v23;
	[tilespmem:v14+s14+$0x0] =	vst.idx.add.f32.msk $0xffff, v1  }
0x4cf: {  	vm6 =	vgt.s32 v23, $0x1;
	v14 =	vcvt.s32.f32 v16;
	v17 =	vpop (erf);
	v1 =	vmul.f32 $6.666666410e+01, v22  }
0x4d0: {  	v7 =	vadd.s32 v0, v16;
	v22 =	vmul.f32 $1.353352810e-01, v35;
	v23 =	vmul.f32 v26, v17;
	v25 =	vpop (erf)  }
0x4d1: {  	v26 =	vmul.f32 v35, v35;
	v14 =	vsub.f32 v19, v14;
	v27 =	vmul.f32 v25, v25;
	v29 =	vpop (erf)  }
0x4d2: {  	v25 =	vmul.f32 $1.353352810e-01, v25;
	v19 =	vadd.f32 v23, v17;
	v22 =	vmul.f32 v22, v29  }
0x4d3: {  	v35 =	vmul.f32 v34, v34;
	v14 =	vadd.f32 v14, v14;
	v27 =	vmul.f32 $3.354626240e-04, v27  }
0x4d4: {  	vm11 =	vgt.s32 v20, $0x0;
	v26 =	vmul.f32 $3.354626240e-04, v26;
	v25 =	vmul.f32 v25, v29  }
0x4d5: {  	vm5 =	vgt.s32 v20, $0x1;
	v20 =	vmul.f32 $-5.000000000e-01, v35;
	v27 =	vmul.f32 v27, v29;
	v34 =	vpop (erf)  }
0x4d6: {  	v26 =	vmul.f32 v26, v29;
	v35 =	vadd.f32 v22, v29;
	v38 =	vpop (erf);
	(erf) = vrcp.f32 v34  }
0x4d7: {  	v20 =	vmul.f32 $1.442695020e+00, v20;
	v39 =	vnsel vm11, $0x0, v25;
	v40 =	vnsel vm5, $0x0, v27  }
0x4d8: {  	v35 =	vadd.f32 v26, v35;
	v41 =	vmul.f32 v38, v38;
	v39 =	vadd.f32 v40, v39  }
0x4d9: {  	v14 =	vadd.f32 $-1.000000000e+00, v14;
	v38 =	vmul.f32 $1.353352810e-01, v38;
	(erf) = vpow2.f32 v20  }
0x4da: {  	v20 =	vmul.f32 $3.354626240e-04, v24;
	v24 =	vmul.f32 $3.354626240e-04, v41;
	v35 =	vadd.f32 v39, v35  }
0x4db: {  	v40 =	vadd.f32 v14, v14;
	v38 =	vmul.f32 v38, v17;
	v39 =	vtrunc.f32 v1  }
0x4dc: {  	v41 =	vmul.f32 v20, v17;
	v24 =	vmul.f32 v24, v17;
	v20 =	vadd.f32 $9.999999930e-09, v35  }
0x4dd: {  	v40 =	vmul.f32 $1.442695020e+00, v40;
	v43 =	vnsel vm9, $0x0, v38;
	v39 =	vcvt.f32.s32 v39  }
0x4de: {  	v19 =	vadd.f32 v41, v19;
	v42 =	vnsel vm8, $0x0, v24;
	(erf) = vrcp.f32 v20  }
0x4df: {  	vm2 =	vlt.s32 v39, $0x60;
	vm3 =	vgt.s32 v39, $0x0;
	v20 =	vadd.f32 v42, v43;
	v35 =	vpop (erf)  }
0x4e0: {  	v42 =	vnsel vm2, $0x60, v39;
	vm2 =	vgt.s32 v39, $0x1;
	v39 =	vmul.f32 v35, v35  }
0x4e1: {  	v43 =	vmul.f32 v34, v34;
	v19 =	vadd.f32 v20, v19;
	v20 =	vmul.f32 $1.353352810e-01, v34  }
0x4e2: {  	s24 =	sadd.s32 $0x100, s24;
	v34 =	vadd.s32 v0, v42;
	v35 =	vmul.f32 $1.353352810e-01, v35;
	v39 =	vmul.f32 $3.354626240e-04, v39;
	v44 =	vpop (erf)  }
0x4e3: {  	v19 =	vadd.f32 $9.999999930e-09, v19;
	v45 =	vld [tilespmem:s24+$0x0];
	v46 =	vmul.f32 v20, v44;
	v20 =	vmul.f32 $3.354626240e-04, v43  }
0x4e4: {  	vm10 =	vgt.s32 v6, $0x0;
	v47 =	vmul.f32 v35, v44;
	v43 =	vld [tilespmem:s24+$0xFFFFFF80];
	v39 =	vmul.f32 v39, v44  }
0x4e5: {  	vm4 =	vgt.s32 v6, $0x1;
	v48 =	vmul.f32 v20, v44;
	v6 =	vadd.f32 v46, v44  }
0x4e6: {  	(erf) = vrcp.f32 v19;
	v19 =	vnsel vm10, $0x0, v47;
	v20 =	vnsel vm4, $0x0, v39  }
0x4e7: {  	v35 =	vadd.s32 v0, v21;
	v49 =	vpop (erf);
	v6 =	vadd.f32 v48, v6;
	v19 =	vadd.f32 v20, v19  }
0x4e8: {  	v50 =	vcvt.s32.f32 v42;
	v45 =	vmul.f32 v49, v45;
	v49 =	vadd.s32 v2, v21  }
0x4e9: {  	v51 =	vadd.s32 v3, v21;
	v20 =	vadd.s32 v2, v42;
	v6 =	vadd.f32 v19, v6  }
0x4ea: {  	v1 =	vsub.f32 v1, v50;
	v19 =	vmul.f32 v45, v29;
	v29 =	vadd.s32 v4, v21  }
0x4eb: {  	v50 =	vadd.s32 v5, v21;
	v22 =	vmul.f32 v45, v22;
	v6 =	vadd.f32 $9.999999930e-09, v6  }
0x4ec: {  	v1 =	vadd.f32 v1, v1;
	[tilespmem:v35+s14+$0x0] =	vst.idx.add.f32.msk $0xffff, v19;
	v19 =	vmul.f32 v45, v26;
	(erf) = vpow2.f32 v40  }
0x4ed: {  	v21 =	vadd.s32 v3, v42;
	v26 =	vmul.f32 v45, v25;
	[tilespmem:v49+s14+$0x0] =	vst.idx.add.f32.msk $0xffff, v22;
	(erf) = vrcp.f32 v6  }
0x4ee: {  	v1 =	vadd.f32 $-1.000000000e+00, v1;
	v6 =	vmul.f32 v45, v27;
	v22 =	vadd.s32 v4, v42;
	[tilespmem:v51+s14+$0x0] =	vst.idx.add.f32.msk $0xffff, v19  }
0x4ef: {  	v14 =	vmul.f32 v14, v14;
	v19 =	vadd.s32 v5, v42;
	[tilespmem:v29+s14+$0x0] =	vst.idx.add.f32.msk vm11, v26;
	v25 =	vpop (erf)  }
0x4f0: {  	v25 =	vmul.f32 v25, v43;
	[tilespmem:v50+s14+$0x0] =	vst.idx.add.f32.msk vm5, v6;
	v6 =	vadd.f32 v1, v1  }
0x4f1: {  	v27 =	vmul.f32 $-5.000000000e-01, v14;
	v14 =	vadd.s32 v2, v16;
	v1 =	vmul.f32 v1, v1;
	v26 =	vld [tilespmem:s25+$0x10]  }
0x4f2: {  	v40 =	vadd.s32 v3, v16;
	v17 =	vmul.f32 v25, v17;
	v43 =	vmul.f32 v25, v23;
	v29 =	vld [tilespmem:s20+$0x20]  }
0x4f3: {  	v41 =	vmul.f32 v25, v41;
	v42 =	vmul.f32 v25, v38;
	v38 =	vadd.s32 v4, v16  }
0x4f4: {  	v35 =	vadd.s32 v5, v16;
	[tilespmem:v37+s14+$0x0] =	vst.idx.add.f32.msk $0xffff, v17;
	v17 =	vmul.f32 v25, v24;
	v37 =	vmul.f32 $1.442695020e+00, v6  }
0x4f5: {  	v1 =	vmul.f32 $-5.000000000e-01, v1;
	v16 =	vmul.f32 $1.442695020e+00, v27;
	[tilespmem:v36+s14+$0x0] =	vst.idx.add.f32.msk $0xffff, v43;
	v23 =	vpop (erf)  }
0x4f6: {  	v25 =	vadd.s32 v0, v18;
	[tilespmem:v33+s14+$0x0] =	vst.idx.add.f32.msk $0xffff, v41;
	v24 =	vmul.f32 $6.666666410e+01, v26;
	(erf) = vpow2.f32 v37;
	v6 =	vpop (erf)  }
0x4f7: {  	v1 =	vmul.f32 $1.442695020e+00, v1;
	v26 =	vadd.s32 v2, v18;
	[tilespmem:v28+s14+$0x0] =	vst.idx.add.f32.msk vm9, v42;
	v6 =	vmul.f32 v6, v29  }
0x4f8: {  	v27 =	vadd.s32 v3, v18;
	[tilespmem:v31+s14+$0x0] =	vst.idx.add.f32.msk vm8, v17;
	v17 =	vtrunc.f32 v24;
	(erf) = vrcp.f32 v23  }
0x4f9: {  	v33 =	vadd.s32 v4, v18;
	v31 =	vld [tilespmem:s25+$0xFFFFFF90];
	v36 =	vcvt.f32.s32 v17;
	v17 =	vmul.f32 v6, v44  }
0x4fa: {  	v18 =	vadd.s32 v5, v18;
	v37 =	vmul.f32 v6, v46;
	v29 =	vld [tilespmem:s24+$0xFFFFFF90];
	(erf) = vpow2.f32 v1  }
0x4fb: {  	v1 =	vmul.f32 v6, v48;
	vm5 =	vlt.s32 v36, $0x60;
	[tilespmem:v25+s14+$0x0] =	vst.idx.add.f32.msk $0xffff, v17;
	(erf) = vpow2.f32 v16  }
0x4fc: {  	v16 =	vmul.f32 v6, v47;
	v17 =	vmul.f32 $1.353352810e-01, v23;
	v28 =	vnsel vm5, $0x60, v36;
	[tilespmem:v26+s14+$0x0] =	vst.idx.add.f32.msk $0xffff, v37  }
0x4fd: {  	v26 =	vmul.f32 v6, v39;
	v25 =	vcvt.s32.f32 v28;
	[tilespmem:v27+s14+$0x0] =	vst.idx.add.f32.msk $0xffff, v1  }
0x4fe: {  	v39 =	vmul.f32 v23, v23;
	v6 =	vmul.f32 $6.666666410e+01, v31;
	[tilespmem:v33+s14+$0x0] =	vst.idx.add.f32.msk vm10, v16  }
0x4ff: {  	v15 =	vmul.f32 v32, v15;
	v16 =	vsub.f32 v24, v25;
	[tilespmem:v18+s14+$0x0] =	vst.idx.add.f32.msk vm4, v26;
	v1 =	vpop (erf)  }
0x500: {  	v18 =	vtrunc.f32 v6;
	v23 =	vld [tilespmem:s22+$0x30];
	(erf) = vrcp.f32 v1  }
0x501: {  	v24 =	vmul.f32 $1.353352810e-01, v1;
	v18 =	vcvt.f32.s32 v18;
	v25 =	vadd.f32 v16, v16;
	v43 =	vpop (erf);
	[tilespmem:v9+s14+$0x0] =	vst.idx.add.f32.msk $0xffff, v15  }
0x502: {  	v1 =	vmul.f32 v1, v1;
	v9 =	vmov v40;
	v15 =	vmul.f32 v43, v43  }
0x503: {  	vm5 =	vlt.s32 v18, $0x60;
	vm4 =	vgt.s32 v18, $0x0;
	v31 =	vadd.f32 $-1.000000000e+00, v25;
	v40 =	vpop (erf)  }
0x504: {  	v27 =	vnsel vm5, $0x60, v18;
	vm5 =	vgt.s32 v18, $0x1;
	v37 =	vmul.f32 v24, v40;
	v16 =	vpop (erf)  }
0x505: {  	v18 =	vcvt.s32.f32 v27;
	v25 =	vadd.f32 v31, v31;
	v44 =	vmul.f32 $6.666666410e+01, v23  }
0x506: {  	v23 =	vadd.s32 v0, v27;
	v26 =	vadd.s32 v2, v27;
	v24 =	vadd.s32 v3, v27  }
0x507: {  	v6 =	vsub.f32 v6, v18;
	v41 =	vmul.f32 $1.442695020e+00, v25;
	v33 =	vtrunc.f32 v44  }
0x508: {  	v25 =	vadd.s32 v4, v27;
	v27 =	vadd.s32 v5, v27;
	v33 =	vcvt.f32.s32 v33  }
0x509: {  	v1 =	vmul.f32 $3.354626240e-04, v1;
	v6 =	vadd.f32 v6, v6;
	(erf) = vpow2.f32 v41;
	v18 =	vpop (erf)  }
0x50a: {  	v42 =	vmul.f32 $1.353352810e-01, v18;
	v45 =	vmul.f32 v18, v18;
	vm8 =	vlt.s32 v33, $0x60  }
0x50b: {  	v41 =	vmul.f32 v1, v40;
	v6 =	vadd.f32 $-1.000000000e+00, v6;
	v18 =	vnsel vm8, $0x60, v33  }
0x50c: {  	v1 =	vmul.f32 $3.354626240e-04, v45;
	v45 =	vadd.f32 v37, v40;
	v46 =	vcvt.s32.f32 v18  }
0x50d: {  	v42 =	vmul.f32 v42, v40;
	v47 =	vmul.f32 v6, v6;
	v6 =	vadd.f32 v6, v6  }
0x50e: {  	v48 =	vmul.f32 v31, v31;
	v31 =	vmul.f32 v1, v40;
	v1 =	vsub.f32 v44, v46  }
0x50f: {  	v46 =	vnsel vm3, $0x0, v42;
	v44 =	vmul.f32 $-5.000000000e-01, v47;
	v6 =	vmul.f32 $1.442695020e+00, v6  }
0x510: {  	v49 =	vmul.f32 $-5.000000000e-01, v48;
	v48 =	vnsel vm2, $0x0, v31;
	v1 =	vadd.f32 v1, v1  }
0x511: {  	v44 =	vmul.f32 $1.442695020e+00, v44;
	(erf) = vpow2.f32 v6;
	v6 =	vadd.f32 v48, v46  }
0x512: {  	v45 =	vadd.f32 v41, v45;
	v46 =	vmul.f32 $1.442695020e+00, v49;
	v47 =	vpop (erf);
	v1 =	vadd.f32 $-1.000000000e+00, v1  }
0x513: {  	v15 =	vmul.f32 $3.354626240e-04, v15;
	(erf) = vrcp.f32 v47  }
0x514: {  	v6 =	vadd.f32 v6, v45;
	(erf) = vpow2.f32 v46;
	v45 =	vadd.f32 v1, v1  }
0x515: {  	v43 =	vmul.f32 $1.353352810e-01, v43;
	(erf) = vpow2.f32 v44  }
0x516: {  	v17 =	vmul.f32 v17, v16;
	v6 =	vadd.f32 $9.999999930e-09, v6;
	v44 =	vmul.f32 $1.442695020e+00, v45  }
0x517: {  	v46 =	vmul.f32 $3.354626240e-04, v39;
	v45 =	vmul.f32 v15, v16  }
0x518: {  	v43 =	vmul.f32 v43, v16;
	(erf) = vpow2.f32 v44;
	v44 =	vadd.f32 v17, v16  }
0x519: {  	v15 =	vmul.f32 v46, v16;
	(erf) = vrcp.f32 v6;
	v6 =	vnsel vm6, $0x0, v45  }
0x51a: {  	v50 =	vnsel vm7, $0x0, v43;
	v48 =	vmul.f32 v32, v12;
	v32 =	vmul.f32 v32, v11;
	v39 =	vpop (erf)  }
0x51b: {  	v12 =	vmovc v43;
	v11 =	vmovc v45;
	v6 =	vadd.f32 v6, v50;
	v49 =	vmul.f32 $1.353352810e-01, v39;
	(erf) = vrcp.f32 v39  }
0x51c: {  	v43 =	vmul.f32 $1.353352810e-01, v47;
	v50 =	vadd.f32 v15, v44;
	v39 =	vmul.f32 v39, v39;
	v46 =	vpop (erf);
	[tilespmem:v8+s14+$0x0] =	vst.idx.add.f32.msk vm0, v48  }
0x51d: {  	v47 =	vmul.f32 v47, v47;
	v8 =	vmov v38;
	v48 =	vmul.f32 v46, v46;
	v44 =	vpop (erf);
	[tilespmem:v10+s14+$0x0] =	vst.idx.add.f32.msk vm1, v32  }
0x51e: {  	v38 =	vmul.f32 $1.353352810e-01, v46;
	v45 =	vmul.f32 v43, v44;
	v32 =	vpop (erf);
	v43 =	vadd.f32 v6, v50  }
0x51f: {  	v1 =	vmul.f32 v1, v1;
	vm0 =	vmmov vm7;
	v10 =	vmovc v35;
	v46 =	vmul.f32 $3.354626240e-04, v48  }
0x520: {  	vm8 =	vgt.s32 v36, $0x0;
	v35 =	vmul.f32 $3.354626240e-04, v47;
	v6 =	vmul.f32 v38, v44  }
0x521: {  	vm9 =	vgt.s32 v36, $0x1;
	v1 =	vmul.f32 $-5.000000000e-01, v1;
	v46 =	vmul.f32 v46, v44;
	v50 =	vpop (erf)  }
0x522: {  	v48 =	vmul.f32 v35, v44;
	v36 =	vadd.f32 v45, v44;
	v38 =	vpop (erf);
	(erf) = vrcp.f32 v50  }
0x523: {  	v1 =	vmul.f32 $1.442695020e+00, v1;
	v47 =	vnsel vm8, $0x0, v6;
	v51 =	vnsel vm9, $0x0, v46  }
0x524: {  	v35 =	vmul.f32 v49, v32;
	v36 =	vadd.f32 v48, v36;
	v47 =	vadd.f32 v51, v47;
	v49 =	vpop (erf)  }
0x525: {  	v43 =	vadd.f32 $9.999999930e-09, v43;
	v51 =	vmul.f32 v49, v49;
	(erf) = vpow2.f32 v1  }
0x526: {  	v1 =	vmul.f32 $3.354626240e-04, v39;
	v49 =	vmul.f32 $1.353352810e-01, v49;
	v36 =	vadd.f32 v47, v36  }
0x527: {  	v52 =	vadd.f32 v35, v32;
	v47 =	vmul.f32 v38, v30;
	v51 =	vmul.f32 $3.354626240e-04, v51  }
.Ltmp2:
0x528: {  	v39 =	vmul.f32 v1, v32;
	v38 =	vmul.f32 v49, v32;
	v1 =	vadd.f32 $9.999999930e-09, v36;
	(pc) =	sbr.rel @p0 .LBB2_6-.Ltmp2, $4  }
0x529: {  	vm1 =	vmmov vm6;
	v53 =	vmul.f32 v47, v40;
	v30 =	vmul.f32 v51, v32  }
0x52a: {  	v51 =	vadd.f32 v39, v52;
	v40 =	vnsel vm4, $0x0, v38;
	(erf) = vrcp.f32 v1  }
0x52b: {  	v49 =	vmul.f32 v47, v37;
	v41 =	vmul.f32 v47, v41;
	v1 =	vnsel vm5, $0x0, v30;
	[tilespmem:v34+s14+$0x0] =	vst.idx.add.f32.msk $0xffff, v53;
	v36 =	vpop (erf)  }
0x52c: {  	s25 =	sadd.s32 $0x100, s25;
	v42 =	vmul.f32 v47, v42;
	v52 =	vadd.f32 v1, v40;
	v37 =	vmul.f32 v36, v36  }
0x52d: {  	_ =	sdelay $0x1  }
0x52e: {  	v1 =	vld [tilespmem:s24+$0x10];
	_ =	sdelay $0x2  }
0x52f: {  	v34 =	vpop (erf)  }
0x530: {  	v40 =	vadd.s32 v0, v28;
	v53 =	vpop (erf)  }
0x531: {  	v62 =	vadd.s32 v2, v28;
	v1 =	vmul.f32 v53, v1  }
0x532: {  	v54 =	vadd.s32 v3, v28  }
0x533: {  	v55 =	vadd.s32 v4, v28;
	v44 =	vmul.f32 v1, v44  }
0x534: {  	v63 =	vadd.s32 v5, v28;
	v45 =	vmul.f32 v1, v45  }
0x535: {  	v48 =	vmul.f32 v1, v48;
	[tilespmem:v40+s14+$0x0] =	vst.idx.add.f32.msk $0xffff, v44  }
0x536: {  	v6 =	vmul.f32 v1, v6;
	[tilespmem:v62+s14+$0x0] =	vst.idx.add.f32.msk $0xffff, v45  }
0x537: {  	v1 =	vmul.f32 v1, v46;
	[tilespmem:v54+s14+$0x0] =	vst.idx.add.f32.msk $0xffff, v48  }
0x538: {  	[tilespmem:v55+s14+$0x0] =	vst.idx.add.f32.msk vm8, v6  }
0x539: {  	[tilespmem:v63+s14+$0x0] =	vst.idx.add.f32.msk vm9, v1  }
0x53a: {  	v1 =	vld [tilespmem:s23+$0x20];
	_ =	sdelay $0x4  }
0x53b: {  	v6 =	vmul.f32 $1.353352810e-01, v50;
	v1 =	vmul.f32 $6.666666410e+01, v1  }
0x53c: {  	v57 =	vmul.f32 $1.353352810e-01, v36  }
0x53d: {  	v36 =	vmul.f32 v6, v34;
	v6 =	vtrunc.f32 v1  }
0x53e: {  	v6 =	vcvt.f32.s32 v6  }
0x53f: {  	v56 =	vmul.f32 v50, v50  }
0x540: {  	v58 =	vmul.f32 $3.354626240e-04, v37;
	vm12 =	vlt.s32 v6, $0x60  }
0x541: {  	v59 =	vmul.f32 $3.354626240e-04, v56;
	v37 =	vmul.f32 v57, v34;
	v44 =	vnsel vm12, $0x60, v6  }
0x542: {  	vm7 =	vgt.s32 v33, $0x0;
	v28 =	vmul.f32 v58, v34;
	v63 =	vcvt.s32.f32 v44  }
0x543: {  	vm6 =	vgt.s32 v33, $0x1;
	v40 =	vmul.f32 v59, v34;
	v60 =	vadd.f32 v36, v34  }
0x544: {  	v61 =	vnsel vm7, $0x0, v37;
	v62 =	vnsel vm6, $0x0, v28;
	v1 =	vsub.f32 v1, v63  }
0x545: {  	v45 =	vadd.f32 v62, v61;
	v33 =	vadd.f32 v40, v60  }
0x546: {  	v1 =	vadd.f32 v1, v1  }
0x547: {  	v33 =	vadd.f32 v45, v33  }
0x548: {  	v48 =	vadd.f32 v52, v51;
	v1 =	vadd.f32 $-1.000000000e+00, v1  }
0x549: {  	v33 =	vadd.f32 $9.999999930e-09, v33  }
0x54a: {  	v45 =	vadd.f32 $9.999999930e-09, v48;
	v50 =	vadd.f32 v1, v1  }
0x54b: {  	(erf) = vrcp.f32 v33  }
0x54c: {  	(erf) = vrcp.f32 v45;
	v33 =	vmul.f32 $1.442695020e+00, v50  }
0x54d: {  	(erf) = vrcp.f32 v43  }
0x54e: {  	(erf) = vpow2.f32 v33;
	_ =	sdelay $0x2  }
0x54f: {  	[tilespmem:v20+s14+$0x0] =	vst.idx.add.f32.msk $0xffff, v49  }
0x550: {  	[tilespmem:v21+s14+$0x0] =	vst.idx.add.f32.msk $0xffff, v41;
	v51 =	vmul.f32 v47, v31  }
0x551: {  	[tilespmem:v22+s14+$0x0] =	vst.idx.add.f32.msk vm3, v42  }
0x552: {  	[tilespmem:v19+s14+$0x0] =	vst.idx.add.f32.msk vm2, v51;
	v21 =	vpop (erf)  }
0x553: {  	v54 =	vld [tilespmem:s22+$0xFFFFFFB0];
	v52 =	vpop (erf);
	v1 =	vmul.f32 v1, v1  }
0x554: {  	v20 =	vpop (erf)  }
0x555: {  	v1 =	vmul.f32 $-5.000000000e-01, v1;
	v56 =	vpop (erf)  }
0x556: {  	(erf) = vrcp.f32 v56  }
0x557: {  	v53 =	vmul.f32 v52, v29;
	v1 =	vmul.f32 $1.442695020e+00, v1  }
0x558: {  	v22 =	vmul.f32 $6.666666410e+01, v54  }
0x559: {  	v29 =	vmul.f32 v53, v32;
	(erf) = vpow2.f32 v1  }
0x55a: {  	v55 =	vmul.f32 v53, v35  }
0x55b: {  	v57 =	vmul.f32 v53, v39;
	[tilespmem:v23+s14+$0x0] =	vst.idx.add.f32.msk $0xffff, v29;
	v1 =	vtrunc.f32 v22  }
0x55c: {  	v58 =	vmul.f32 v53, v38;
	[tilespmem:v26+s14+$0x0] =	vst.idx.add.f32.msk $0xffff, v55;
	v23 =	vcvt.f32.s32 v1  }
0x55d: {  	v19 =	vmul.f32 v53, v30;
	[tilespmem:v24+s14+$0x0] =	vst.idx.add.f32.msk $0xffff, v57  }
0x55e: {  	[tilespmem:v25+s14+$0x0] =	vst.idx.add.f32.msk vm4, v58;
	vm13 =	vlt.s32 v23, $0x60  }
0x55f: {  	[tilespmem:v27+s14+$0x0] =	vst.idx.add.f32.msk vm5, v19;
	v19 =	vnsel vm13, $0x60, v23;
	v59 =	vpop (erf)  }
0x560: {  	v24 =	vld [tilespmem:s23+$0xFFFFFFA0];
	v1 =	vcvt.s32.f32 v19;
	v60 =	vmul.f32 v59, v59  }
0x561: {  	vm14 =	vgt.s32 v6, $0x0;
	v61 =	vmul.f32 $1.353352810e-01, v56;
	v62 =	vmul.f32 v56, v56  }
0x562: {  	v1 =	vsub.f32 v22, v1;
	v25 =	vmul.f32 $1.353352810e-01, v59;
	v63 =	vpop (erf);
	v26 =	vmul.f32 $3.354626240e-04, v60  }
0x563: {  	vm15 =	vgt.s32 v6, $0x1;
	v27 =	vmul.f32 $3.354626240e-04, v62;
	v22 =	vmul.f32 v61, v63  }
0x564: {  	v1 =	vadd.f32 v1, v1;
	v25 =	vmul.f32 v25, v63;
	v26 =	vmul.f32 v26, v63  }
0x565: {  	v24 =	vmul.f32 $6.666666410e+01, v24;
	v27 =	vmul.f32 v27, v63;
	v6 =	vadd.f32 v22, v63  }
0x566: {  	v1 =	vadd.f32 $-1.000000000e+00, v1;
	v38 =	vnsel vm14, $0x0, v25;
	v39 =	vnsel vm15, $0x0, v26  }
0x567: {  	v41 =	vtrunc.f32 v24;
	v6 =	vadd.f32 v27, v6;
	v30 =	vadd.f32 v39, v38  }
0x568: {  	v32 =	vcvt.f32.s32 v41;
	v42 =	vadd.f32 v1, v1  }
0x569: {  	v6 =	vadd.f32 v30, v6  }
0x56a: {  	vm8 =	vlt.s32 v32, $0x60;
	v43 =	vmul.f32 $1.442695020e+00, v42  }
0x56b: {  	v31 =	vnsel vm8, $0x60, v32;
	v6 =	vadd.f32 $9.999999930e-09, v6  }
0x56c: {  	v45 =	vcvt.s32.f32 v31;
	(erf) = vpow2.f32 v43  }
0x56d: {  	(erf) = vrcp.f32 v6  }
0x56e: {  	v6 =	vsub.f32 v24, v45;
	_ =	sdelay $0x1  }
0x56f: {  	v6 =	vadd.f32 v6, v6;
	_ =	sdelay $0x1  }
0x570: {  	v46 =	vld [tilespmem:s24+$0x20];
	v6 =	vadd.f32 $-1.000000000e+00, v6;
	_ =	sdelay $0x1  }
0x571: {  	v47 =	vadd.f32 v6, v6  }
0x572: {  	v33 =	vpop (erf)  }
0x573: {  	v48 =	vadd.s32 v0, v44;
	v30 =	vmul.f32 $1.442695020e+00, v47;
	v49 =	vpop (erf)  }
0x574: {  	v50 =	vadd.s32 v2, v44;
	v24 =	vmul.f32 v49, v46  }
0x575: {  	v51 =	vadd.s32 v3, v44;
	(erf) = vpow2.f32 v30  }
0x576: {  	v52 =	vadd.s32 v4, v44;
	v1 =	vmul.f32 v1, v1;
	v29 =	vmul.f32 v24, v63  }
0x577: {  	v53 =	vadd.s32 v5, v44;
	v6 =	vmul.f32 v6, v6;
	v22 =	vmul.f32 v24, v22  }
0x578: {  	v1 =	vmul.f32 $-5.000000000e-01, v1;
	v27 =	vmul.f32 v24, v27;
	[tilespmem:v48+s14+$0x0] =	vst.idx.add.f32.msk $0xffff, v29  }
0x579: {  	v6 =	vmul.f32 $-5.000000000e-01, v6;
	v54 =	vmul.f32 v24, v25;
	[tilespmem:v50+s14+$0x0] =	vst.idx.add.f32.msk $0xffff, v22  }
0x57a: {  	v1 =	vmul.f32 $1.442695020e+00, v1;
	v24 =	vmul.f32 v24, v26;
	[tilespmem:v51+s14+$0x0] =	vst.idx.add.f32.msk $0xffff, v27  }
0x57b: {  	v6 =	vmul.f32 $1.442695020e+00, v6;
	[tilespmem:v52+s14+$0x0] =	vst.idx.add.f32.msk vm14, v54  }
0x57c: {  	(erf) = vrcp.f32 v33;
	[tilespmem:v53+s14+$0x0] =	vst.idx.add.f32.msk vm15, v24  }
0x57d: {  	(erf) = vpow2.f32 v6;
	v6 =	vld [tilespmem:s23+$0x30]  }
0x57e: {  	(erf) = vpow2.f32 v1;
	v1 =	vpop (erf)  }
0x57f: {  	(erf) = vrcp.f32 v1;
	_ =	sdelay $0x2  }
0x580: {  	v55 =	vmul.f32 $6.666666410e+01, v6;
	_ =	sdelay $0x1  }
0x581: {  	v6 =	vtrunc.f32 v55  }
0x582: {  	v25 =	vpop (erf);
	v29 =	vcvt.f32.s32 v6  }
0x583: {  	v56 =	vpop (erf)  }
0x584: {  	v22 =	vpop (erf);
	vm9 =	vlt.s32 v29, $0x60  }
0x585: {  	v57 =	vpop (erf);
	v6 =	vnsel vm9, $0x60, v29  }
0x586: {  	v58 =	vmul.f32 v57, v57;
	v59 =	vcvt.s32.f32 v6  }
0x587: {  	v60 =	vmul.f32 $1.353352810e-01, v1;
	v1 =	vmul.f32 v1, v1  }
0x588: {  	v27 =	vmul.f32 $1.353352810e-01, v57;
	v30 =	vmul.f32 $3.354626240e-04, v58;
	v24 =	vsub.f32 v55, v59  }
0x589: {  	vm10 =	vgt.s32 v32, $0x0;
	v61 =	vmul.f32 v60, v56;
	v1 =	vmul.f32 $3.354626240e-04, v1  }
0x58a: {  	v27 =	vmul.f32 v27, v56;
	v30 =	vmul.f32 v30, v56;
	v24 =	vadd.f32 v24, v24  }
0x58b: {  	vm11 =	vgt.s32 v32, $0x1;
	v1 =	vmul.f32 v1, v56;
	v62 =	vadd.f32 v61, v56  }
0x58c: {  	v63 =	vnsel vm10, $0x0, v27;
	v42 =	vnsel vm11, $0x0, v30;
	v24 =	vadd.f32 $-1.000000000e+00, v24  }
0x58d: {  	v32 =	vadd.f32 v1, v62;
	v38 =	vadd.f32 v42, v63  }
0x58e: {  	v43 =	vadd.f32 v24, v24  }
0x58f: {  	v32 =	vadd.f32 v38, v32  }
0x590: {  	v44 =	vmul.f32 $1.442695020e+00, v43  }
0x591: {  	v32 =	vadd.f32 $9.999999930e-09, v32  }
0x592: {  	(erf) = vpow2.f32 v44  }
0x593: {  	(erf) = vrcp.f32 v32;
	_ =	sdelay $0x4  }
0x594: {  	v45 =	vld [tilespmem:s24+$0xFFFFFFA0];
	_ =	sdelay $0x2  }
0x595: {  	v38 =	vpop (erf)  }
0x596: {  	v46 =	vadd.s32 v0, v31;
	v47 =	vpop (erf)  }
0x597: {  	v48 =	vadd.s32 v2, v31;
	v32 =	vmul.f32 v47, v45  }
0x598: {  	v49 =	vadd.s32 v3, v31  }
0x599: {  	v50 =	vadd.s32 v4, v31;
	v26 =	vmul.f32 v32, v56  }
0x59a: {  	v31 =	vadd.s32 v5, v31;
	v35 =	vmul.f32 v32, v61  }
0x59b: {  	v24 =	vmul.f32 v24, v24;
	v1 =	vmul.f32 v32, v1;
	[tilespmem:v46+s14+$0x0] =	vst.idx.add.f32.msk $0xffff, v26  }
0x59c: {  	v51 =	vmul.f32 v32, v27;
	[tilespmem:v48+s14+$0x0] =	vst.idx.add.f32.msk $0xffff, v35  }
0x59d: {  	v24 =	vmul.f32 $-5.000000000e-01, v24;
	[tilespmem:v49+s14+$0x0] =	vst.idx.add.f32.msk $0xffff, v1;
	v1 =	vmul.f32 v32, v30  }
0x59e: {  	[tilespmem:v50+s14+$0x0] =	vst.idx.add.f32.msk vm10, v51  }
0x59f: {  	v24 =	vmul.f32 $1.442695020e+00, v24;
	(erf) = vrcp.f32 v38;
	[tilespmem:v31+s14+$0x0] =	vst.idx.add.f32.msk vm11, v1  }
0x5a0: {  	v1 =	vld [tilespmem:s23+$0xFFFFFFB0]  }
0x5a1: {  	(erf) = vpow2.f32 v24  }
0x5a2: {  	v52 =	vmul.f32 v25, v25  }
0x5a3: {  	v54 =	vmul.f32 v33, v33;
	v25 =	vmul.f32 $1.353352810e-01, v25  }
0x5a4: {  	v53 =	vmul.f32 $1.353352810e-01, v33;
	v55 =	vmul.f32 $3.354626240e-04, v52  }
0x5a5: {  	v25 =	vmul.f32 v25, v22;
	v1 =	vmul.f32 $6.666666410e+01, v1  }
0x5a6: {  	vm12 =	vgt.s32 v23, $0x0;
	v60 =	vmul.f32 $1.353352810e-01, v38;
	v24 =	vmul.f32 v55, v22  }
0x5a7: {  	vm3 =	vgt.s32 v23, $0x1;
	v27 =	vmul.f32 $3.354626240e-04, v54;
	v57 =	vtrunc.f32 v1  }
0x5a8: {  	vm14 =	vgt.s32 v29, $0x0;
	v61 =	vmul.f32 v38, v38;
	v56 =	vpop (erf);
	v31 =	vcvt.f32.s32 v57  }
0x5a9: {  	vm15 =	vgt.s32 v29, $0x1;
	v26 =	vmul.f32 v53, v22;
	v58 =	vmul.f32 v56, v56  }
0x5aa: {  	v35 =	vmul.f32 $3.354626240e-04, v61;
	v30 =	vmul.f32 $1.353352810e-01, v56;
	v39 =	vpop (erf);
	vm13 =	vlt.s32 v31, $0x60  }
0x5ab: {  	v33 =	vmul.f32 v60, v39;
	v62 =	vmul.f32 $3.354626240e-04, v58;
	v23 =	vnsel vm13, $0x60, v31  }
0x5ac: {  	v52 =	vnsel vm12, $0x0, v25;
	v35 =	vmul.f32 v35, v39;
	v48 =	vcvt.s32.f32 v23  }
0x5ad: {  	v30 =	vmul.f32 v30, v39;
	v49 =	vadd.f32 v33, v39;
	v38 =	vmul.f32 v62, v39  }
0x5ae: {  	v27 =	vmul.f32 v27, v22;
	v59 =	vadd.f32 v26, v22;
	v1 =	vsub.f32 v1, v48  }
0x5af: {  	v50 =	vnsel vm14, $0x0, v30;
	v43 =	vadd.f32 v35, v49;
	v51 =	vnsel vm15, $0x0, v38  }
0x5b0: {  	v63 =	vnsel vm3, $0x0, v24;
	v29 =	vadd.f32 v51, v50;
	v1 =	vadd.f32 v1, v1  }
0x5b1: {  	v41 =	vadd.f32 v63, v52;
	v32 =	vadd.f32 v27, v59  }
0x5b2: {  	v29 =	vadd.f32 v29, v43;
	v1 =	vadd.f32 $-1.000000000e+00, v1  }
0x5b3: {  	v32 =	vadd.f32 v41, v32  }
0x5b4: {  	v29 =	vadd.f32 $9.999999930e-09, v29;
	v53 =	vadd.f32 v1, v1  }
0x5b5: {  	v32 =	vadd.f32 $9.999999930e-09, v32  }
0x5b6: {  	(erf) = vrcp.f32 v29;
	v54 =	vmul.f32 $1.442695020e+00, v53  }
0x5b7: {  	(erf) = vrcp.f32 v32  }
0x5b8: {  	(erf) = vpow2.f32 v54;
	_ =	sdelay $0x5  }
0x5b9: {  	v1 =	vmul.f32 v1, v1  }
0x5ba: {  	v29 =	vpop (erf)  }
0x5bb: {  	v1 =	vmul.f32 $-5.000000000e-01, v1;
	v32 =	vpop (erf)  }
0x5bc: {  	v55 =	vpop (erf)  }
0x5bd: {  	v1 =	vmul.f32 $1.442695020e+00, v1;
	(erf) = vrcp.f32 v55;
	_ =	sdelay $0x1  }
0x5be: {  	(erf) = vpow2.f32 v1  }
0x5bf: {  	v56 =	vld [tilespmem:s20+$0x30];
	_ =	sdelay $0x2  }
0x5c0: {  	v13 =	vmul.f32 v20, v13  }
0x5c1: {  	v57 =	vadd.s32 v0, v18;
	v41 =	vmul.f32 v55, v55  }
0x5c2: {  	v16 =	vmul.f32 v13, v16;
	v1 =	vmul.f32 v21, v56  }
0x5c3: {  	v63 =	vmul.f32 $1.353352810e-01, v55;
	v51 =	vmul.f32 $3.354626240e-04, v41;
	v59 =	vpop (erf)  }
0x5c4: {  	v58 =	vadd.s32 v2, v18;
	v34 =	vmul.f32 v1, v34;
	v61 =	vmul.f32 v59, v59  }
0x5c5: {  	v60 =	vadd.s32 v3, v18;
	v36 =	vmul.f32 v1, v36;
	v40 =	vmul.f32 v1, v40;
	v48 =	vpop (erf)  }
0x5c6: {  	v62 =	vadd.s32 v4, v18;
	v43 =	vmul.f32 $1.353352810e-01, v59;
	[tilespmem:v57+s14+$0x0] =	vst.idx.add.f32.msk $0xffff, v34;
	v20 =	vmul.f32 $3.354626240e-04, v61  }
0x5c7: {  	v49 =	vadd.s32 v5, v18;
	v37 =	vmul.f32 v1, v37;
	v50 =	vmul.f32 v63, v48;
	v56 =	vld [tilespmem:s24+$0x30]  }
0x5c8: {  	vm8 =	vgt.s32 v31, $0x0;
	[tilespmem:v7+s14+$0x0] =	vst.idx.add.f32.msk $0xffff, v16;
	v52 =	vmul.f32 v43, v48;
	v20 =	vmul.f32 v20, v48  }
0x5c9: {  	vm9 =	vgt.s32 v31, $0x1;
	v34 =	vmul.f32 v51, v48;
	[tilespmem:v58+s14+$0x0] =	vst.idx.add.f32.msk $0xffff, v36;
	v53 =	vadd.f32 v50, v48  }
0x5ca: {  	v1 =	vmul.f32 v1, v28;
	[tilespmem:v60+s14+$0x0] =	vst.idx.add.f32.msk $0xffff, v40;
	v55 =	vnsel vm8, $0x0, v52;
	v54 =	vnsel vm9, $0x0, v20  }
0x5cb: {  	[tilespmem:v62+s14+$0x0] =	vst.idx.add.f32.msk vm7, v37;
	v31 =	vadd.f32 v34, v53;
	v28 =	vadd.f32 v54, v55  }
0x5cc: {  	[tilespmem:v49+s14+$0x0] =	vst.idx.add.f32.msk vm6, v1;
	v1 =	vmul.f32 v13, v17  }
0x5cd: {  	v7 =	vmul.f32 v13, v15;
	v59 =	vld [tilespmem:s20+$0xFFFFFFB0];
	v57 =	vadd.f32 v28, v31  }
0x5ce: {  	[tilespmem:v14+s14+$0x0] =	vst.idx.add.f32.msk $0xffff, v1  }
0x5cf: {  	v1 =	vmul.f32 v13, v12;
	[tilespmem:v9+s14+$0x0] =	vst.idx.add.f32.msk $0xffff, v7;
	v7 =	vadd.s32 v0, v6;
	v58 =	vadd.f32 $9.999999930e-09, v57  }
0x5d0: {  	v61 =	vadd.s32 v2, v6;
	v60 =	vmul.f32 v29, v56  }
0x5d1: {  	[tilespmem:v8+s14+$0x0] =	vst.idx.add.f32.msk vm0, v1;
	v1 =	vadd.s32 v3, v6;
	(erf) = vrcp.f32 v58  }
0x5d2: {  	v63 =	vadd.s32 v4, v6;
	v62 =	vmul.f32 v60, v39  }
0x5d3: {  	v29 =	vld [tilespmem:s24+$0xFFFFFFB0];
	v12 =	vmul.f32 v32, v59;
	v31 =	vmul.f32 v60, v33;
	v6 =	vadd.s32 v5, v6  }
0x5d4: {  	v28 =	vadd.s32 v0, v19;
	[tilespmem:v7+s14+$0x0] =	vst.idx.add.f32.msk $0xffff, v62;
	v7 =	vmul.f32 v60, v35  }
0x5d5: {  	v33 =	vadd.s32 v2, v19;
	v35 =	vmul.f32 v60, v30;
	[tilespmem:v61+s14+$0x0] =	vst.idx.add.f32.msk $0xffff, v31  }
0x5d6: {  	v11 =	vmul.f32 v13, v11;
	[tilespmem:v1+s14+$0x0] =	vst.idx.add.f32.msk $0xffff, v7;
	v1 =	vmul.f32 v60, v38  }
0x5d7: {  	vm12 =	vmmov vm12;
	v37 =	vmul.f32 v12, v22;
	v7 =	vadd.s32 v3, v19;
	[tilespmem:v63+s14+$0x0] =	vst.idx.add.f32.msk vm14, v35  }
0x5d8: {  	v38 =	vadd.s32 v4, v19;
	[tilespmem:v6+s14+$0x0] =	vst.idx.add.f32.msk vm15, v1;
	v1 =	vmul.f32 v12, v26  }
0x5d9: {  	v41 =	vadd.s32 v2, v23;
	[tilespmem:v28+s14+$0x0] =	vst.idx.add.f32.msk $0xffff, v37;
	v6 =	vadd.s32 v5, v19  }
0x5da: {  	v39 =	vmul.f32 v12, v27;
	[tilespmem:v33+s14+$0x0] =	vst.idx.add.f32.msk $0xffff, v1;
	v1 =	vadd.s32 v0, v23;
	v40 =	vpop (erf)  }
0x5db: {  	v42 =	vmul.f32 v12, v25;
	[tilespmem:v10+s14+$0x0] =	vst.idx.add.f32.msk vm1, v11;
	v10 =	vmul.f32 v40, v29  }
0x5dc: {  	v43 =	vadd.s32 v3, v23;
	[tilespmem:v7+s14+$0x0] =	vst.idx.add.f32.msk $0xffff, v39;
	v7 =	vmul.f32 v12, v24  }
0x5dd: {  	v44 =	vadd.s32 v4, v23;
	[tilespmem:v38+s14+$0x0] =	vst.idx.add.f32.msk vm12, v42;
	v45 =	vmul.f32 v10, v48  }
0x5de: {  	v46 =	vadd.s32 v5, v23;
	[tilespmem:v6+s14+$0x0] =	vst.idx.add.f32.msk vm3, v7;
	v6 =	vmul.f32 v10, v50  }
0x5df: {  	[tilespmem:v1+s14+$0x0] =	vst.idx.add.f32.msk $0xffff, v45;
	v1 =	vmul.f32 v10, v34  }
0x5e0: {  	[tilespmem:v41+s14+$0x0] =	vst.idx.add.f32.msk $0xffff, v6;
	v6 =	vmul.f32 v10, v52  }
0x5e1: {  	[tilespmem:v43+s14+$0x0] =	vst.idx.add.f32.msk $0xffff, v1;
	v1 =	vmul.f32 v10, v20  }
0x5e2: {  	[tilespmem:v44+s14+$0x0] =	vst.idx.add.f32.msk vm8, v6  }
0x5e3: {  	[tilespmem:v46+s14+$0x0] =	vst.idx.add.f32.msk vm9, v1  }
0x5e4: {  	v28 =	vld [tilespmem:$0x18000]  }
0x5e5: {  	v30 =	vld [tilespmem:$0x18880]  }
0x5e6: {  	v22 =	vld [tilespmem:$0x18081]  }
0x5e7: {  	v26 =	vld [tilespmem:$0x18901]  }
0x5e8: {  	v27 =	vld [tilespmem:$0x18102]  }
0x5e9: {  	v33 =	vld [tilespmem:$0x18982]  }
0x5ea: {  	v36 =	vld [tilespmem:$0x18183]  }
0x5eb: {  	v39 =	vld [tilespmem:$0x18A03]  }
0x5ec: {  	v42 =	vld [tilespmem:$0x18204]  }
0x5ed: {  	v45 =	vld [tilespmem:$0x18A84]  }
0x5ee: {  	v48 =	vld [tilespmem:$0x18285]  }
0x5ef: {  	v51 =	vld [tilespmem:$0x18B05]  }
0x5f0: {  	v54 =	vld [tilespmem:$0x18306]  }
0x5f1: {  	v57 =	vld [tilespmem:$0x18B86]  }
0x5f2: {  	v60 =	vld [tilespmem:$0x18387]  }
0x5f3: {  	v1 =	vld [tilespmem:$0x18C07]  }
0x5f4: {  	v6 =	vld [tilespmem:$0x18010]  }
0x5f5: {  	v8 =	vld [tilespmem:$0x18890]  }
0x5f6: {  	v7 =	vld [tilespmem:$0x18911]  }
0x5f7: {  	v9 =	vld [tilespmem:$0x18112]  }
0x5f8: {  	v10 =	vld [tilespmem:$0x18992]  }
0x5f9: {  	v11 =	vld [tilespmem:$0x18193]  }
0x5fa: {  	v12 =	vld [tilespmem:$0x18A13]  }
0x5fb: {  	v13 =	vld [tilespmem:$0x18214]  }
0x5fc: {  	v14 =	vld [tilespmem:$0x18A94]  }
0x5fd: {  	v15 =	vld [tilespmem:$0x18295]  }
0x5fe: {  	v16 =	vld [tilespmem:$0x18B15]  }
0x5ff: {  	v17 =	vld [tilespmem:$0x18316]  }
0x600: {  	v18 =	vld [tilespmem:$0x18B96]  }
0x601: {  	v19 =	vld [tilespmem:$0x18397]  }
0x602: {  	v20 =	vld [tilespmem:$0x18C17]  }
0x603: {  	v23 =	vld [tilespmem:$0x18418]  }
0x604: {  	v31 =	vld [tilespmem:$0x18C98]  }
0x605: {  	v34 =	vld [tilespmem:$0x18499]  }
0x606: {  	v37 =	vld [tilespmem:$0x18D19]  }
0x607: {  	v40 =	vld [tilespmem:$0x1851A]  }
0x608: {  	v43 =	vld [tilespmem:$0x18D9A]  }
0x609: {  	v46 =	vld [tilespmem:$0x1859B]  }
0x60a: {  	v49 =	vld [tilespmem:$0x18E1B]  }
0x60b: {  	v52 =	vld [tilespmem:$0x1861C]  }
0x60c: {  	v56 =	vld [tilespmem:$0x18E9C]  }
0x60d: {  	v58 =	vld [tilespmem:$0x1869D]  }
0x60e: {  	v62 =	vld [tilespmem:$0x18F1D]  }
0x60f: {  	v47 =	vld [tilespmem:$0x1871E]  }
0x610: {  	v50 =	vld [tilespmem:$0x18F9E]  }
0x611: {  	[tilespmem:$0x1F970] =	vst v1;
	v1 =	vld [tilespmem:$0x18408]  }
0x612: {  	v63 =	vld [tilespmem:$0x180A1]  }
0x613: {  	v53 =	vld [tilespmem:$0x1879F]  }
0x614: {  	v55 =	vld [tilespmem:$0x1901F]  }
0x615: {  	v59 =	vld [tilespmem:$0x18020]  }
0x616: {  	[tilespmem:$0x1F980] =	vst v1;
	v1 =	vld [tilespmem:$0x18C88]  }
0x617: {  	[tilespmem:$0x1FAC0] =	vst v63;
	v63 =	vld [tilespmem:$0x18CA8]  }
0x618: {  	v61 =	vld [tilespmem:$0x188A0]  }
0x619: {  	v24 =	vld [tilespmem:$0x18921]  }
0x61a: {  	v25 =	vld [tilespmem:$0x18122]  }
0x61b: {  	[tilespmem:$0x1F990] =	vst v1;
	v1 =	vld [tilespmem:$0x18489]  }
0x61c: {  	[tilespmem:$0x1FBD0] =	vst v63;
	v63 =	vld [tilespmem:$0x18C37]  }
0x61d: {  	v29 =	vld [tilespmem:$0x189A2]  }
0x61e: {  	v32 =	vld [tilespmem:$0x181A3]  }
0x61f: {  	v35 =	vld [tilespmem:$0x18A23]  }
0x620: {  	[tilespmem:$0x1F9A0] =	vst v1;
	v1 =	vld [tilespmem:$0x18D09]  }
0x621: {  	[tilespmem:$0x1FBE0] =	vst v63;
	v63 =	vld [tilespmem:$0x18438]  }
0x622: {  	v38 =	vld [tilespmem:$0x18224]  }
0x623: {  	v41 =	vld [tilespmem:$0x18AA4]  }
0x624: {  	v44 =	vld [tilespmem:$0x182A5]  }
0x625: {  	[tilespmem:$0x1F9B0] =	vst v1;
	v1 =	vld [tilespmem:$0x1850A]  }
0x626: {  	[tilespmem:$0x1FC00] =	vst v63;
	v63 =	vld [tilespmem:$0x18CB8]  }
0x627: {  	v21 =	vld [tilespmem:$0x180B1]  }
0x628: {  	[tilespmem:$0x1FA70] =	vst v47;
	v47 =	vld [tilespmem:$0x18B25]  }
0x629: {  	[tilespmem:$0x1FA90] =	vst v50;
	v50 =	vld [tilespmem:$0x18326]  }
0x62a: {  	[tilespmem:$0x1F9C0] =	vst v1;
	v1 =	vld [tilespmem:$0x18D8A]  }
0x62b: {  	[tilespmem:$0x1FC20] =	vst v63;
	v63 =	vld [tilespmem:$0x184B9]  }
0x62c: {  	[tilespmem:$0x1FAA0] =	vst v53;
	v53 =	vld [tilespmem:$0x18BA6]  }
0x62d: {  	[tilespmem:$0x1FAD0] =	vst v55;
	v55 =	vld [tilespmem:$0x183A7]  }
0x62e: {  	[tilespmem:$0x1FAB0] =	vst v59;
	v59 =	vld [tilespmem:$0x18C27]  }
0x62f: {  	[tilespmem:$0x1F9D0] =	vst v1;
	v1 =	vld [tilespmem:$0x1858B]  }
0x630: {  	[tilespmem:$0x1FC40] =	vst v63;
	v63 =	vld [tilespmem:$0x18D39]  }
0x631: {  	[tilespmem:$0x1FAE0] =	vst v61;
	v61 =	vld [tilespmem:$0x18428]  }
0x632: {  	[tilespmem:$0x1FAF0] =	vst v24;
	v24 =	vld [tilespmem:$0x184A9]  }
0x633: {  	[tilespmem:$0x1FB00] =	vst v25;
	v25 =	vld [tilespmem:$0x18D29]  }
0x634: {  	[tilespmem:$0x1F9E0] =	vst v1;
	v1 =	vld [tilespmem:$0x18E0B]  }
0x635: {  	[tilespmem:$0x1FC60] =	vst v63;
	v63 =	vld [tilespmem:$0x1853A]  }
0x636: {  	[tilespmem:$0x1FB10] =	vst v29;
	v29 =	vld [tilespmem:$0x1852A]  }
0x637: {  	[tilespmem:$0x1FB20] =	vst v32;
	v32 =	vld [tilespmem:$0x18DAA]  }
0x638: {  	[tilespmem:$0x1FB30] =	vst v35;
	v35 =	vld [tilespmem:$0x185AB]  }
0x639: {  	[tilespmem:$0x1F9F0] =	vst v1;
	v1 =	vld [tilespmem:$0x1860C]  }
0x63a: {  	[tilespmem:$0x1FC80] =	vst v63;
	v63 =	vld [tilespmem:$0x18DBA]  }
0x63b: {  	[tilespmem:$0x1FB40] =	vst v38;
	v38 =	vld [tilespmem:$0x18E2B]  }
0x63c: {  	[tilespmem:$0x1FB50] =	vst v41;
	v41 =	vld [tilespmem:$0x1862C]  }
0x63d: {  	[tilespmem:$0x1FB60] =	vst v44;
	v44 =	vld [tilespmem:$0x18EAC];
	v7 =	vadd.f32 v7, v8  }
0x63e: {  	[tilespmem:$0x1FA00] =	vst v1;
	v1 =	vld [tilespmem:$0x18E8C]  }
0x63f: {  	v7 =	vadd.f32 v10, v7;
	[tilespmem:$0x1FCA0] =	vst v63;
	v63 =	vld [tilespmem:$0x185BB]  }
0x640: {  	v26 =	vadd.f32 v26, v30;
	v30 =	vld [tilespmem:$0x183C7]  }
0x641: {  	v7 =	vadd.f32 v12, v7;
	v12 =	vld [tilespmem:$0x184C9]  }
0x642: {  	[tilespmem:$0x1FB70] =	vst v47;
	v47 =	vld [tilespmem:$0x186AD]  }
0x643: {  	[tilespmem:$0x1FA10] =	vst v1;
	v1 =	vld [tilespmem:$0x1868D]  }
0x644: {  	[tilespmem:$0x1FCC0] =	vst v63;
	v63 =	vld [tilespmem:$0x18E3B]  }
0x645: {  	[tilespmem:$0x1FB80] =	vst v50;
	v50 =	vld [tilespmem:$0x18F2D]  }
0x646: {  	[tilespmem:$0x1FB90] =	vst v53;
	v53 =	vld [tilespmem:$0x1872E]  }
0x647: {  	[tilespmem:$0x1FBA0] =	vst v55;
	v55 =	vld [tilespmem:$0x18FAE]  }
0x648: {  	[tilespmem:$0x1FA20] =	vst v1;
	v1 =	vld [tilespmem:$0x18F0D]  }
0x649: {  	[tilespmem:$0x1FCE0] =	vst v63;
	v63 =	vld [tilespmem:$0x1863C]  }
0x64a: {  	[tilespmem:$0x1FBB0] =	vst v59;
	v59 =	vld [tilespmem:$0x187AF]  }
0x64b: {  	[tilespmem:$0x1FBC0] =	vst v61;
	v61 =	vld [tilespmem:$0x1902F]  }
0x64c: {  	[tilespmem:$0x1FBF0] =	vst v24;
	v24 =	vld [tilespmem:$0x18030]  }
0x64d: {  	[tilespmem:$0x1FA30] =	vst v1;
	v1 =	vld [tilespmem:$0x1870E]  }
0x64e: {  	[tilespmem:$0x1FD00] =	vst v63;
	v63 =	vld [tilespmem:$0x18EBC]  }
0x64f: {  	[tilespmem:$0x1FC50] =	vst v32;
	v32 =	vld [tilespmem:$0x188B0]  }
0x650: {  	[tilespmem:$0x1FC10] =	vst v25;
	v25 =	vld [tilespmem:$0x18931]  }
0x651: {  	[tilespmem:$0x1FC30] =	vst v29;
	v29 =	vld [tilespmem:$0x18132]  }
0x652: {  	[tilespmem:$0x1FA40] =	vst v1;
	v1 =	vld [tilespmem:$0x18F8E]  }
0x653: {  	[tilespmem:$0x1FD20] =	vst v63;
	v63 =	vld [tilespmem:$0x186BD]  }
0x654: {  	[tilespmem:$0x1FC70] =	vst v35;
	v35 =	vld [tilespmem:$0x189B2]  }
0x655: {  	[tilespmem:$0x1FC90] =	vst v38;
	v38 =	vld [tilespmem:$0x181B3]  }
0x656: {  	[tilespmem:$0x1FCB0] =	vst v41;
	v41 =	vld [tilespmem:$0x18A33]  }
0x657: {  	[tilespmem:$0x1FA50] =	vst v1;
	v1 =	vld [tilespmem:$0x1878F]  }
0x658: {  	[tilespmem:$0x1FD40] =	vst v63;
	v63 =	vld [tilespmem:$0x18F3D]  }
0x659: {  	[tilespmem:$0x1FCD0] =	vst v44;
	v44 =	vld [tilespmem:$0x18234]  }
0x65a: {  	[tilespmem:$0x1FEB0] =	vst v30;
	v30 =	vld [tilespmem:$0x186CD]  }
0x65b: {  	v7 =	vadd.f32 v14, v7;
	v14 =	vld [tilespmem:$0x1854A]  }
0x65c: {  	[tilespmem:$0x1FA60] =	vst v1;
	v1 =	vld [tilespmem:$0x1900F]  }
0x65d: {  	[tilespmem:$0x1FD60] =	vst v63;
	v63 =	vld [tilespmem:$0x1873E]  }
0x65e: {  	[tilespmem:$0x1FCF0] =	vst v47;
	v47 =	vld [tilespmem:$0x18AB4]  }
0x65f: {  	v7 =	vadd.f32 v16, v7;
	[tilespmem:$0x1FD10] =	vst v50;
	v50 =	vld [tilespmem:$0x182B5]  }
0x660: {  	[tilespmem:$0x1FD30] =	vst v53;
	v53 =	vld [tilespmem:$0x18B35]  }
0x661: {  	v7 =	vadd.f32 v18, v7;
	[tilespmem:$0x1FA80] =	vst v1;
	v1 =	vld [tilespmem:$0x18091]  }
0x662: {  	[tilespmem:$0x1FD80] =	vst v63;
	v63 =	vld [tilespmem:$0x18FBE]  }
0x663: {  	[tilespmem:$0x1FD50] =	vst v55;
	v55 =	vld [tilespmem:$0x18336];
	v7 =	vadd.f32 v20, v7  }
0x664: {  	[tilespmem:$0x1FD70] =	vst v59;
	v59 =	vld [tilespmem:$0x18BB6]  }
0x665: {  	[tilespmem:$0x1FD90] =	vst v61;
	v61 =	vld [tilespmem:$0x183B7];
	v7 =	vadd.f32 v31, v7  }
0x666: {  	v1 =	vadd.f32 v1, v6;
	v6 =	vld [tilespmem:$0x18BC6]  }
0x667: {  	v7 =	vadd.f32 v37, v7;
	[tilespmem:$0x1FDA0] =	vst v63;
	v63 =	vld [tilespmem:$0x187BF]  }
0x668: {  	v22 =	vadd.f32 v22, v28;
	v28 =	vld [tilespmem:$0x1F990];
	v1 =	vadd.f32 v9, v1  }
0x669: {  	v31 =	vld [tilespmem:$0x1FAC0];
	v7 =	vadd.f32 v43, v7  }
0x66a: {  	v43 =	vld [tilespmem:$0x1FB30];
	v1 =	vadd.f32 v11, v1  }
0x66b: {  	v7 =	vadd.f32 v49, v7;
	v49 =	vld [tilespmem:$0x1FB70];
	[tilespmem:$0x1FEA0] =	vst v6;
	v6 =	vadd.f32 v33, v26  }
0x66c: {  	v22 =	vadd.f32 v27, v22;
	[tilespmem:$0x1FDB0] =	vst v63;
	v63 =	vld [tilespmem:$0x1903F];
	v1 =	vadd.f32 v13, v1  }
0x66d: {  	v7 =	vadd.f32 v56, v7;
	v56 =	vld [tilespmem:$0x1FBD0];
	v6 =	vadd.f32 v39, v6  }
0x66e: {  	[tilespmem:$0x1FF10] =	vst v14;
	v14 =	vld [tilespmem:$0x1FA50];
	v1 =	vadd.f32 v15, v1  }
0x66f: {  	v33 =	vadd.f32 v36, v22;
	v36 =	vld [tilespmem:$0x18C47];
	v6 =	vadd.f32 v45, v6  }
0x670: {  	v22 =	vld [tilespmem:$0x1F970];
	v1 =	vadd.f32 v17, v1  }
0x671: {  	[tilespmem:$0x1FDE0] =	vst v63;
	v63 =	vld [tilespmem:$0x18040];
	v8 =	vadd.f32 v42, v33;
	v6 =	vadd.f32 v51, v6  }
0x672: {  	v26 =	vld [tilespmem:$0x1F980];
	v1 =	vadd.f32 v19, v1  }
0x673: {  	v39 =	vld [tilespmem:$0x18448];
	v8 =	vadd.f32 v48, v8;
	v6 =	vadd.f32 v57, v6  }
0x674: {  	[tilespmem:$0x1FEC0] =	vst v36;
	v36 =	vld [tilespmem:$0x1F9B0];
	v1 =	vadd.f32 v23, v1  }
0x675: {  	v33 =	vld [tilespmem:$0x1F9A0];
	v8 =	vadd.f32 v54, v8;
	v6 =	vadd.f32 v22, v6  }
0x676: {  	v42 =	vadd.f32 v34, v1;
	v1 =	vld [tilespmem:$0x1F9D0]  }
0x677: {  	v48 =	vld [tilespmem:$0x1F9F0];
	v8 =	vadd.f32 v60, v8;
	v6 =	vadd.f32 v28, v6  }
0x678: {  	[tilespmem:$0x1FED0] =	vst v39;
	v39 =	vld [tilespmem:$0x1F9C0]  }
0x679: {  	v45 =	vld [tilespmem:$0x1F9E0];
	v8 =	vadd.f32 v26, v8;
	v6 =	vadd.f32 v36, v6  }
0x67a: {  	v54 =	vld [tilespmem:$0x1FA10]  }
0x67b: {  	v51 =	vld [tilespmem:$0x1FA00];
	v8 =	vadd.f32 v33, v8;
	v6 =	vadd.f32 v1, v6  }
0x67c: {  	v60 =	vld [tilespmem:$0x1FA30]  }
0x67d: {  	[tilespmem:$0x1FDC0] =	vst v63;
	v63 =	vld [tilespmem:$0x188C0];
	v8 =	vadd.f32 v39, v8;
	v6 =	vadd.f32 v48, v6  }
0x67e: {  	v57 =	vld [tilespmem:$0x1FA20]  }
0x67f: {  	[tilespmem:$0x1FEF0] =	vst v12;
	v12 =	vld [tilespmem:$0x1FA40];
	v8 =	vadd.f32 v45, v8;
	v6 =	vadd.f32 v54, v6  }
0x680: {  	[tilespmem:$0x1FF60] =	vst v30;
	v7 =	vadd.f32 v62, v7;
	v30 =	vld [tilespmem:$0x1FA80]  }
0x681: {  	v62 =	vld [tilespmem:$0x1FC30];
	v8 =	vadd.f32 v51, v8;
	v6 =	vadd.f32 v60, v6  }
0x682: {  	[tilespmem:$0x1FDF0] =	vst v63;
	v63 =	vld [tilespmem:$0x180C1]  }
0x683: {  	v22 =	vld [tilespmem:$0x1FA60];
	v8 =	vadd.f32 v57, v8;
	v6 =	vadd.f32 v14, v6  }
0x684: {  	v34 =	vld [tilespmem:$0x1FAF0];
	v9 =	vadd.f32 v40, v42  }
0x685: {  	v8 =	vadd.f32 v12, v8;
	v12 =	vadd.f32 v30, v6;
	v6 =	vld [tilespmem:$0x1FA90]  }
0x686: {  	v28 =	vld [tilespmem:$0x1FA70]  }
0x687: {  	v33 =	vld [tilespmem:$0x1FAD0];
	v9 =	vadd.f32 v46, v9  }
0x688: {  	v42 =	vld [tilespmem:$0x1FB20]  }
0x689: {  	v36 =	vld [tilespmem:$0x1FB00];
	v9 =	vadd.f32 v52, v9  }
0x68a: {  	v6 =	vadd.f32 v6, v7;
	v7 =	vld [tilespmem:$0x1FAA0]  }
0x68b: {  	v39 =	vld [tilespmem:$0x1FB10];
	v9 =	vadd.f32 v58, v9  }
0x68c: {  	v40 =	vadd.f32 v25, v32;
	v46 =	vld [tilespmem:$0x1FB50]  }
0x68d: {  	v45 =	vld [tilespmem:$0x1FB40];
	v14 =	vadd.f32 v22, v8;
	v8 =	vadd.f32 v28, v9  }
0x68e: {  	v10 =	vadd.f32 v33, v6;
	v6 =	vld [tilespmem:$0x1FAE0]  }
0x68f: {  	v9 =	vadd.f32 v35, v40;
	v22 =	vadd.f32 v7, v8;
	v7 =	vld [tilespmem:$0x1FAB0]  }
0x690: {  	v37 =	vadd.f32 v21, v24;
	v52 =	vld [tilespmem:$0x1FB90]  }
0x691: {  	v48 =	vld [tilespmem:$0x1FB60];
	v9 =	vadd.f32 v41, v9  }
0x692: {  	v51 =	vld [tilespmem:$0x1FB80];
	v8 =	vadd.f32 v29, v37  }
0x693: {  	v58 =	vld [tilespmem:$0x1FBF0];
	v9 =	vadd.f32 v47, v9;
	v6 =	vadd.f32 v34, v6  }
0x694: {  	v57 =	vld [tilespmem:$0x1FBE0];
	v8 =	vadd.f32 v38, v8;
	v7 =	vadd.f32 v31, v7  }
0x695: {  	v54 =	vld [tilespmem:$0x1FBB0];
	v9 =	vadd.f32 v53, v9;
	v6 =	vadd.f32 v39, v6  }
0x696: {  	v60 =	vld [tilespmem:$0x1FC10];
	v8 =	vadd.f32 v44, v8;
	v7 =	vadd.f32 v36, v7  }
0x697: {  	v53 =	vld [tilespmem:$0x1FBA0];
	v9 =	vadd.f32 v59, v9;
	v6 =	vadd.f32 v43, v6  }
0x698: {  	v59 =	vld [tilespmem:$0x1FC00];
	v8 =	vadd.f32 v50, v8;
	v7 =	vadd.f32 v42, v7  }
0x699: {  	v9 =	vadd.f32 v57, v9;
	v57 =	vld [tilespmem:$0x1FCD0];
	v6 =	vadd.f32 v46, v6  }
0x69a: {  	v50 =	vld [tilespmem:$0x1FC60];
	v8 =	vadd.f32 v55, v8;
	v7 =	vadd.f32 v45, v7  }
0x69b: {  	v55 =	vld [tilespmem:$0x1FBC0];
	v6 =	vadd.f32 v49, v6  }
0x69c: {  	v8 =	vadd.f32 v61, v8;
	v61 =	vld [tilespmem:$0x1FC20];
	v7 =	vadd.f32 v48, v7  }
0x69d: {  	v49 =	vld [tilespmem:$0x1FC50]  }
0x69e: {  	v6 =	vadd.f32 v52, v6;
	v52 =	vld [tilespmem:$0x1FC80];
	v7 =	vadd.f32 v51, v7  }
0x69f: {  	v8 =	vadd.f32 v59, v8;
	v59 =	vld [tilespmem:$0x1FCF0]  }
0x6a0: {  	v48 =	vld [tilespmem:$0x1FC40];
	v7 =	vadd.f32 v53, v7  }
0x6a1: {  	v6 =	vadd.f32 v54, v6;
	v54 =	vld [tilespmem:$0x1FCA0]  }
0x6a2: {  	v51 =	vld [tilespmem:$0x1FC70];
	v7 =	vadd.f32 v55, v7  }
0x6a3: {  	v9 =	vadd.f32 v61, v9;
	v61 =	vld [tilespmem:$0x1FD10]  }
0x6a4: {  	v6 =	vadd.f32 v56, v6;
	v56 =	vld [tilespmem:$0x1FCC0];
	v7 =	vadd.f32 v58, v7  }
0x6a5: {  	v8 =	vadd.f32 v48, v8;
	v55 =	vld [tilespmem:$0x1FCB0]  }
0x6a6: {  	v6 =	vadd.f32 v60, v6;
	v60 =	vld [tilespmem:$0x1FD00];
	v7 =	vadd.f32 v62, v7  }
0x6a7: {  	v53 =	vld [tilespmem:$0x1FC90];
	v8 =	vadd.f32 v52, v8  }
0x6a8: {  	v58 =	vld [tilespmem:$0x1FCE0];
	v7 =	vadd.f32 v51, v7  }
0x6a9: {  	v9 =	vadd.f32 v50, v9;
	v8 =	vadd.f32 v56, v8;
	v56 =	vld [tilespmem:$0x1FD30]  }
0x6aa: {  	v6 =	vadd.f32 v49, v6;
	v62 =	vld [tilespmem:$0x1FD20];
	v7 =	vadd.f32 v55, v7  }
0x6ab: {  	v9 =	vadd.f32 v54, v9;
	v8 =	vadd.f32 v60, v8;
	v60 =	vld [tilespmem:$0x1FD70]  }
0x6ac: {  	v6 =	vadd.f32 v53, v6;
	v7 =	vadd.f32 v59, v7;
	v59 =	vld [tilespmem:$0x1FD60]  }
0x6ad: {  	[tilespmem:$0x1FDD0] =	vst v63;
	v63 =	vld [tilespmem:$0x18941];
	v9 =	vadd.f32 v58, v9  }
0x6ae: {  	v6 =	vadd.f32 v57, v6;
	v57 =	vld [tilespmem:$0x1FD40]  }
0x6af: {  	v58 =	vld [tilespmem:$0x1FD50];
	v9 =	vadd.f32 v62, v9;
	v7 =	vadd.f32 v56, v7  }
0x6b0: {  	v6 =	vadd.f32 v61, v6;
	v61 =	vld [tilespmem:$0x1FD90]  }
0x6b1: {  	v54 =	vadd.f32 v59, v9;
	v9 =	vadd.f32 v60, v7;
	v7 =	vld [tilespmem:$0x1FD80];
	_ =	sdelay $0x2  }
0x6b2: {  	[tilespmem:$0x1FE00] =	vst v63;
	v63 =	vld [tilespmem:$0x18142];
	v8 =	vadd.f32 v57, v8;
	v6 =	vadd.f32 v58, v6  }
0x6b3: {  	v60 =	vld [tilespmem:$0x1FDC0]  }
0x6b4: {  	v7 =	vadd.f32 v7, v8;
	v8 =	vadd.f32 v61, v6;
	v61 =	vld [tilespmem:$0x1FDD0];
	_ =	sdelay $0x3  }
0x6b5: {  	[tilespmem:$0x1FE10] =	vst v63;
	v63 =	vld [tilespmem:$0x189C2]  }
0x6b6: {  	v57 =	vadd.f32 v61, v60;
	v61 =	vld [tilespmem:$0x1FE10]  }
0x6b7: {  	v27 =	vld [tilespmem:$0x18ECC]  }
0x6b8: {  	v59 =	vld [tilespmem:$0x1FDF0]  }
0x6b9: {  	v60 =	vld [tilespmem:$0x1FE00]  }
0x6ba: {  	[tilespmem:$0x1FE20] =	vst v63;
	v63 =	vld [tilespmem:$0x181C3]  }
0x6bb: {  	v57 =	vadd.f32 v61, v57;
	v61 =	vld [tilespmem:$0x1FE20]  }
0x6bc: {  	[tilespmem:$0x1FF50] =	vst v27;
	v27 =	vld [tilespmem:$0x181D3]  }
0x6bd: {  	v16 =	vld [tilespmem:$0x185CB]  }
0x6be: {  	v18 =	vld [tilespmem:$0x1904F];
	v59 =	vadd.f32 v60, v59  }
0x6bf: {  	[tilespmem:$0x1FE30] =	vst v63;
	v63 =	vld [tilespmem:$0x18A43]  }
0x6c0: {  	v59 =	vadd.f32 v61, v59;
	v61 =	vld [tilespmem:$0x1FE30]  }
0x6c1: {  	v20 =	vld [tilespmem:$0x18951]  }
0x6c2: {  	[tilespmem:$0x1FF30] =	vst v16;
	v16 =	vld [tilespmem:$0x18050]  }
0x6c3: {  	v21 =	vld [tilespmem:$0x18B55]  }
0x6c4: {  	[tilespmem:$0x1FE40] =	vst v63;
	v63 =	vld [tilespmem:$0x18244]  }
0x6c5: {  	v57 =	vadd.f32 v61, v57;
	v61 =	vld [tilespmem:$0x1FE40]  }
0x6c6: {  	v24 =	vld [tilespmem:$0x18356]  }
0x6c7: {  	v11 =	vld [tilespmem:$0x18F4D]  }
0x6c8: {  	v13 =	vld [tilespmem:$0x18D49]  }
0x6c9: {  	[tilespmem:$0x1FE50] =	vst v63;
	v63 =	vld [tilespmem:$0x18AC4]  }
0x6ca: {  	v59 =	vadd.f32 v61, v59;
	v61 =	vld [tilespmem:$0x1FE50]  }
0x6cb: {  	v15 =	vld [tilespmem:$0x18DCA]  }
0x6cc: {  	v17 =	vld [tilespmem:$0x18E4B]  }
0x6cd: {  	[tilespmem:$0x1FF00] =	vst v13;
	v13 =	vld [tilespmem:$0x18FCE]  }
0x6ce: {  	[tilespmem:$0x1FE60] =	vst v63;
	v63 =	vld [tilespmem:$0x182C5]  }
0x6cf: {  	v57 =	vadd.f32 v61, v57;
	v61 =	vld [tilespmem:$0x1FE60]  }
0x6d0: {  	v19 =	vld [tilespmem:$0x180D1]  }
0x6d1: {  	[tilespmem:$0x1FF20] =	vst v15;
	v15 =	vld [tilespmem:$0x1874E]  }
0x6d2: {  	v23 =	vld [tilespmem:$0x18152]  }
0x6d3: {  	[tilespmem:$0x1FE70] =	vst v63;
	v63 =	vld [tilespmem:$0x18B45]  }
0x6d4: {  	v59 =	vadd.f32 v61, v59;
	v61 =	vld [tilespmem:$0x1FE70]  }
0x6d5: {  	[tilespmem:$0x1FF40] =	vst v17;
	v17 =	vld [tilespmem:$0x188D0]  }
0x6d6: {  	v26 =	vld [tilespmem:$0x189D2]  }
0x6d7: {  	v16 =	vadd.f32 v19, v16;
	v19 =	vld [tilespmem:$0x18AE4]  }
0x6d8: {  	[tilespmem:$0x1FE80] =	vst v63;
	v63 =	vld [tilespmem:$0x18346]  }
0x6d9: {  	v57 =	vadd.f32 v61, v57;
	v61 =	vld [tilespmem:$0x1FE80]  }
0x6da: {  	v25 =	vld [tilespmem:$0x18BD6]  }
0x6db: {  	v32 =	vld [tilespmem:$0x18C57]  }
0x6dc: {  	v16 =	vadd.f32 v23, v16;
	v23 =	vld [tilespmem:$0x18B65]  }
0x6dd: {  	v17 =	vadd.f32 v20, v17;
	v20 =	vld [tilespmem:$0x182E5];
	[tilespmem:$0x1FE90] =	vst v63  }
0x6de: {  	v59 =	vadd.f32 v61, v59;
	v61 =	vld [tilespmem:$0x1FE90]  }
0x6df: {  	v1 =	vld [tilespmem:$0x187CF]  }
0x6e0: {  	v16 =	vadd.f32 v27, v16;
	v27 =	vld [tilespmem:$0x18BE6]  }
0x6e1: {  	v17 =	vadd.f32 v26, v17;
	v26 =	vld [tilespmem:$0x18366]  }
0x6e2: {  	v28 =	vld [tilespmem:$0x18A53]  }
0x6e3: {  	v57 =	vadd.f32 v61, v57;
	v61 =	vld [tilespmem:$0x1FEA0]  }
0x6e4: {  	v35 =	vld [tilespmem:$0x18CD8]  }
0x6e5: {  	v40 =	vld [tilespmem:$0x185DB]  }
0x6e6: {  	v30 =	vld [tilespmem:$0x18254]  }
0x6e7: {  	v41 =	vld [tilespmem:$0x18E5B]  }
0x6e8: {  	v59 =	vadd.f32 v61, v59;
	v61 =	vld [tilespmem:$0x1FEB0]  }
0x6e9: {  	v47 =	vld [tilespmem:$0x18FDE]  }
0x6ea: {  	v17 =	vadd.f32 v28, v17;
	v28 =	vld [tilespmem:$0x183E7]  }
0x6eb: {  	v16 =	vadd.f32 v30, v16;
	v30 =	vld [tilespmem:$0x18C67]  }
0x6ec: {  	v33 =	vld [tilespmem:$0x182D5]  }
0x6ed: {  	v57 =	vadd.f32 v61, v57;
	v61 =	vld [tilespmem:$0x1FEC0]  }
0x6ee: {  	v29 =	vld [tilespmem:$0x183D7]  }
0x6ef: {  	v37 =	vld [tilespmem:$0x18D59]  }
0x6f0: {  	v34 =	vld [tilespmem:$0x18458]  }
0x6f1: {  	v63 =	vld [tilespmem:$0x18CC8]  }
0x6f2: {  	v59 =	vadd.f32 v61, v59;
	v61 =	vld [tilespmem:$0x1FED0]  }
0x6f3: {  	v38 =	vld [tilespmem:$0x1855A]  }
0x6f4: {  	v16 =	vadd.f32 v33, v16;
	v33 =	vld [tilespmem:$0x18CE8]  }
0x6f5: {  	v39 =	vld [tilespmem:$0x18DDA]  }
0x6f6: {  	v44 =	vld [tilespmem:$0x186DD];
	[tilespmem:$0x1FEE0] =	vst v63  }
0x6f7: {  	v57 =	vadd.f32 v61, v57;
	v61 =	vld [tilespmem:$0x1FEE0]  }
0x6f8: {  	v16 =	vadd.f32 v24, v16;
	v24 =	vld [tilespmem:$0x18D69]  }
0x6f9: {  	v31 =	vld [tilespmem:$0x18AD4]  }
0x6fa: {  	v43 =	vld [tilespmem:$0x18EDC]  }
0x6fb: {  	v16 =	vadd.f32 v29, v16;
	v29 =	vld [tilespmem:$0x18DEA]  }
0x6fc: {  	v59 =	vadd.f32 v61, v59;
	v61 =	vld [tilespmem:$0x1FEF0]  }
0x6fd: {  	v36 =	vld [tilespmem:$0x184D9]  }
0x6fe: {  	v46 =	vld [tilespmem:$0x1875E]  }
0x6ff: {  	v16 =	vadd.f32 v34, v16;
	v34 =	vld [tilespmem:$0x18E6B]  }
0x700: {  	v42 =	vld [tilespmem:$0x1865C]  }
0x701: {  	v57 =	vadd.f32 v61, v57;
	v61 =	vld [tilespmem:$0x1FF00]  }
0x702: {  	v17 =	vadd.f32 v31, v17;
	v31 =	vld [tilespmem:$0x18468]  }
0x703: {  	v45 =	vld [tilespmem:$0x18F5D]  }
0x704: {  	v17 =	vadd.f32 v21, v17;
	v21 =	vld [tilespmem:$0x184E9]  }
0x705: {  	v16 =	vadd.f32 v36, v16;
	v36 =	vld [tilespmem:$0x18EEC]  }
0x706: {  	v59 =	vadd.f32 v61, v59;
	v61 =	vld [tilespmem:$0x1FF10]  }
0x707: {  	v17 =	vadd.f32 v25, v17;
	v25 =	vld [tilespmem:$0x1856A]  }
0x708: {  	v16 =	vadd.f32 v38, v16;
	v38 =	vld [tilespmem:$0x18F6D]  }
0x709: {  	v17 =	vadd.f32 v32, v17;
	v32 =	vld [tilespmem:$0x185EB]  }
0x70a: {  	v16 =	vadd.f32 v40, v16;
	v40 =	vld [tilespmem:$0x18FEE]  }
0x70b: {  	v57 =	vadd.f32 v61, v57;
	v61 =	vld [tilespmem:$0x1FF20]  }
0x70c: {  	v50 =	vld [tilespmem:$0x18060]  }
0x70d: {  	v48 =	vld [tilespmem:$0x187DF]  }
0x70e: {  	v17 =	vadd.f32 v35, v17;
	v35 =	vld [tilespmem:$0x1866C]  }
0x70f: {  	v49 =	vld [tilespmem:$0x1905F]  }
0x710: {  	v59 =	vadd.f32 v61, v59;
	v61 =	vld [tilespmem:$0x1FF30]  }
0x711: {  	v16 =	vadd.f32 v42, v16;
	v52 =	vld [tilespmem:$0x180E1]  }
0x712: {  	v17 =	vadd.f32 v37, v17;
	v37 =	vld [tilespmem:$0x186ED]  }
0x713: {  	v16 =	vadd.f32 v44, v16;
	v44 =	vld [tilespmem:$0x188F0]  }
0x714: {  	v53 =	vld [tilespmem:$0x18961]  }
0x715: {  	v57 =	vadd.f32 v61, v57;
	v61 =	vld [tilespmem:$0x1FF40]  }
0x716: {  	v17 =	vadd.f32 v39, v17;
	v39 =	vld [tilespmem:$0x1876E]  }
0x717: {  	v46 =	vadd.f32 v46, v16;
	v16 =	vld [tilespmem:$0x18971]  }
0x718: {  	v17 =	vadd.f32 v41, v17;
	v41 =	vld [tilespmem:$0x187EF]  }
0x719: {  	v51 =	vld [tilespmem:$0x188E0]  }
0x71a: {  	v59 =	vadd.f32 v61, v59;
	v61 =	vld [tilespmem:$0x1FF50]  }
0x71b: {  	v62 =	vld [tilespmem:$0x1FDB0]  }
0x71c: {  	v17 =	vadd.f32 v43, v17;
	v43 =	vld [tilespmem:$0x18070]  }
0x71d: {  	v63 =	vld [tilespmem:$0x1864C]  }
0x71e: {  	v6 =	vld [tilespmem:$0x1FDA0]  }
0x71f: {  	v59 =	vadd.f32 v61, v59;
	v61 =	vld [tilespmem:$0x1FF60]  }
0x720: {  	v7 =	vadd.f32 v62, v7;
	v62 =	vld [tilespmem:$0x1FDE0]  }
0x721: {  	v55 =	vld [tilespmem:$0x18162]  }
0x722: {  	v45 =	vadd.f32 v45, v17;
	v17 =	vld [tilespmem:$0x180F1];
	v57 =	vadd.f32 v63, v57  }
0x723: {  	v56 =	vld [tilespmem:$0x189E2];
	v6 =	vadd.f32 v6, v54  }
0x724: {  	v58 =	vld [tilespmem:$0x18A63];
	v57 =	vadd.f32 v61, v57  }
0x725: {  	v54 =	vld [tilespmem:$0x181E3];
	v6 =	vadd.f32 v62, v6;
	v11 =	vadd.f32 v11, v59  }
0x726: {  	v59 =	vadd.f32 v52, v50;
	v15 =	vadd.f32 v15, v57;
	v57 =	vld [tilespmem:$0x18172]  }
0x727: {  	v62 =	vadd.f32 v53, v51;
	v60 =	vld [tilespmem:$0x18264];
	v11 =	vadd.f32 v13, v11  }
0x728: {  	v63 =	vld [tilespmem:$0x181F3];
	v13 =	vadd.f32 v47, v45;
	v45 =	vadd.f32 v55, v59  }
0x729: {  	v17 =	vadd.f32 v17, v43;
	v47 =	vadd.f32 v56, v62;
	v61 =	vld [tilespmem:$0x189F2]  }
0x72a: {  	v16 =	vadd.f32 v16, v44;
	v53 =	vld [tilespmem:$0x18274];
	v45 =	vadd.f32 v54, v45  }
0x72b: {  	v52 =	vld [tilespmem:$0x18A73];
	v47 =	vadd.f32 v58, v47;
	v17 =	vadd.f32 v57, v17  }
0x72c: {  	v55 =	vld [tilespmem:$0x182F5];
	v13 =	vadd.f32 v49, v13;
	v45 =	vadd.f32 v60, v45  }
0x72d: {  	v54 =	vld [tilespmem:$0x18AF4];
	v19 =	vadd.f32 v19, v47;
	v17 =	vadd.f32 v63, v17  }
0x72e: {  	v1 =	vadd.f32 v1, v15;
	v16 =	vadd.f32 v61, v16;
	v57 =	vld [tilespmem:$0x18376]  }
0x72f: {  	v56 =	vld [tilespmem:$0x18B75];
	v20 =	vadd.f32 v20, v45;
	v17 =	vadd.f32 v53, v17  }
0x730: {  	v59 =	vld [tilespmem:$0x183F7];
	v19 =	vadd.f32 v23, v19;
	v16 =	vadd.f32 v52, v16  }
0x731: {  	v58 =	vld [tilespmem:$0x18BF6];
	v20 =	vadd.f32 v26, v20;
	v17 =	vadd.f32 v55, v17  }
0x732: {  	v61 =	vld [tilespmem:$0x18478];
	v19 =	vadd.f32 v27, v19;
	v16 =	vadd.f32 v54, v16  }
0x733: {  	v60 =	vld [tilespmem:$0x18C77];
	v20 =	vadd.f32 v28, v20;
	v17 =	vadd.f32 v57, v17  }
0x734: {  	v19 =	vadd.f32 v30, v19;
	v63 =	vld [tilespmem:$0x184F9];
	v16 =	vadd.f32 v56, v16  }
0x735: {  	v62 =	vld [tilespmem:$0x18CF8];
	v20 =	vadd.f32 v31, v20;
	v17 =	vadd.f32 v59, v17  }
0x736: {  	v19 =	vadd.f32 v33, v19;
	v33 =	vld [tilespmem:$0x1857A];
	v16 =	vadd.f32 v58, v16  }
0x737: {  	v31 =	vld [tilespmem:$0x18D79];
	v20 =	vadd.f32 v21, v20;
	v17 =	vadd.f32 v61, v17  }
0x738: {  	v44 =	vld [tilespmem:$0x185FB];
	v15 =	vadd.f32 v48, v46;
	v16 =	vadd.f32 v60, v16  }
0x739: {  	v43 =	vld [tilespmem:$0x18DFA];
	v45 =	vadd.f32 v25, v20;
	v17 =	vadd.f32 v63, v17  }
0x73a: {  	v48 =	vld [tilespmem:$0x1867C];
	v19 =	vadd.f32 v24, v19;
	v16 =	vadd.f32 v62, v16  }
0x73b: {  	[tilespmem:$0x19100] =	vst v14;
	v46 =	vld [tilespmem:$0x18E7B];
	v14 =	vadd.f32 v32, v45;
	v17 =	vadd.f32 v33, v17  }
0x73c: {  	v52 =	vld [tilespmem:$0x186FD];
	v47 =	vadd.f32 v29, v19;
	v16 =	vadd.f32 v31, v16  }
0x73d: {  	[tilespmem:$0x19180] =	vst v12;
	v49 =	vld [tilespmem:$0x18EFC];
	v53 =	vadd.f32 v35, v14;
	v54 =	vadd.f32 v44, v17  }
0x73e: {  	[tilespmem:$0x19190] =	vst v10;
	v58 =	vld [tilespmem:$0x1877E];
	v50 =	vadd.f32 v34, v47;
	v51 =	vadd.f32 v43, v16  }
0x73f: {  	[tilespmem:$0x19130] =	vst v7;
	v55 =	vld [tilespmem:$0x18F7D];
	v7 =	vadd.f32 v37, v53;
	v59 =	vadd.f32 v48, v54  }
0x740: {  	[tilespmem:$0x19110] =	vst v22;
	v62 =	vld [tilespmem:$0x187FF];
	v56 =	vadd.f32 v36, v50;
	v57 =	vadd.f32 v46, v51  }
0x741: {  	v42 =	vld [tilespmem:$0x1906F];
	[tilespmem:$0x19140] =	vst v1;
	v1 =	vadd.f32 v39, v7;
	v7 =	vadd.f32 v52, v59  }
0x742: {  	[tilespmem:$0x191B0] =	vst v6;
	v60 =	vld [tilespmem:$0x18FFE];
	v6 =	vadd.f32 v38, v56;
	v61 =	vadd.f32 v49, v57  }
0x743: {  	[tilespmem:$0x19120] =	vst v9;
	v1 =	vadd.f32 v41, v1;
	v7 =	vadd.f32 v58, v7  }
0x744: {  	[tilespmem:$0x191A0] =	vst v8;
	v11 =	vadd.f32 v18, v11;
	v63 =	vld [tilespmem:$0x1907F];
	v6 =	vadd.f32 v40, v6  }
0x745: {  	v8 =	vadd.f32 v55, v61;
	[tilespmem:$0x19160] =	vst v1;
	v1 =	vadd.f32 v62, v7  }
0x746: {  	[tilespmem:$0x191C0] =	vst v11  }
0x747: {  	v6 =	vadd.f32 v42, v6;
	v8 =	vadd.f32 v60, v8;
	[tilespmem:$0x19170] =	vst v1;
	v1 =	vld [tilespmem:$0x1FFD0]  }
0x748: {  	[tilespmem:$0x191D0] =	vst v13  }
0x749: {  	[tilespmem:$0x191E0] =	vst v6;
	v6 =	vadd.f32 v63, v8  }
0x74a: {  	s19 =	sadd.s32 $0x1, s19;
	[tilespmem:$0x19150] =	vst v15  }
0x74b: {  	p0 =	sne.s32 s19, s7;
	[tilespmem:$0x191F0] =	vst v6  }
.Ltmp3:
0x74c: {  	[tilespmem:$0x19200] =	vst v1;
	(pc) =	sbr.rel @p0 .LBB2_1-.Ltmp3, $4  }
0x74d: {  	[hbm4b:s6+s15] =	stream.strided.scatter [tilespmem:s17], [sflag:$0x4], $0x180, s16, s15, $0x38;
	[tilespmem:$0x19280] =	vst v63  }
0x74e: {  	_ =	swait.ge [sflag:s18], $0x180  }
0x74f: {  	vm13 =	vmmov vm3;
	[sflag:s18] =	ssyncset.done $0x0  }
0x750: {  	vm14 =	vmmov vm8;
	vm15 =	vmmov vm9;
	v1 =	vimm.f32 $0.0e+00;
	[sflag:s18] =	ssyncadd.s32 $0xFFFFFE80  }
0x751: {  	_ =	sfence.sel $0x180000  }
0x752: {  	[bflag:$0x0] =	sbarrier.arrive $0xFFFF  }
0x753: {  	p0 =	sne.s32 s0, $0x0;
	_ =	strace $0x90000047  }
0x754: {  	s0 =	sadd.s32 @!p0 $0x100000, s1;
	[bflag:$0x2] =	sbarrier.arrive $0xFFFF  }
0x755: {  	[sflag:s0] =	ssyncadd.tile.s32 @!p0 $0x1;
	_ =	shalt  }
.Lfunc_end2:
_tile_overlayer_lowered:
.L_overlay_start_2:
0x756: {  	(tag) =	ssettag $0x2  }
0x757: {  	s0 =	rddreg [dreg:$0x0];
	s2 =	stileid.u32  }
0x758: {  	s1 =	rddreg [dreg:$0x1];
	p0 =	sne.s32 s2, $0x0  }
0x759: {  	s3 =	rddreg [dreg:$0x2];
	[bflag:$0x3] =	sbarrier.arrive $0xFFFF;
	s2 =	simm.s32 @!p0 $0x1C04  }
0x75a: {  	[timem:s3], [sflag:s2] =	dma.local @!p0 [hbm:s0], s1  }
0x75b: {  	s0 =	simm.s32 @!p0 $0x4  }
0x75c: {  	_ =	swait.ge @!p0 [sflag:s0], s1  }
0x75d: {  	s1 =	ssub.s32 @!p0 $0x0, s1;
	[sflag:s0] =	ssyncset.done @!p0 $0x0  }
0x75e: {  	[sflag:s0] =	ssyncadd.s32 @!p0 s1  }
0x75f: {  	[bflag:$0x3] =	sbarrier.arrive $0xFFFF  }
0x760: {  	_ =	shalt  }

</sc_bundles>
